<compile_context>
chip_gen: v7x
topology: tpu7x:2x2x1
jax: 0.10.2.dev20260603
libtpu: 0.0.44.dev20260713+nightly
codegen_flags: <defaults>
</compile_context>

<pallas_src>
import functools

import jax
import jax.numpy as jnp
from jax import lax
from jax.experimental import pallas as pl
from jax.experimental.pallas import tpu as pltpu
from jax.experimental.pallas import tpu_sc as plsc

N = 10000
E = 320000
D = 128
NC, NS = 2, 16
NW = NC * NS
EB = 1024
JB = EB // 128
BPT = 10
EP = NW * BPT * EB
OROWS = 632
ACC_ROWS = 10240
RB = 1000
GRID = N // RB
EPS = 1e-5

_mesh = plsc.VectorSubcoreMesh(core_axis_name="c", subcore_axis_name="s")



W16 = 16
WPS = EB // W16
NBUF = 2
GW = 8
HALF_N = N // NC
ACC2 = 5120
TRASH = 120
TPB = NC * BPT
SROWS = 312
DW = 128


@functools.partial(
    pl.kernel,
    out_type=jax.ShapeDtypeStruct((N, D), jnp.float32),
    mesh=_mesh,
    scratch_types=[
        pltpu.VMEM((2, JB, 128), jnp.int32),
        pltpu.VMEM((2, JB, 128), jnp.int32),
        pltpu.VMEM((W16, D), jnp.float32),
        pltpu.VMEM((W16, D), jnp.float32),
        pltpu.VMEM_SHARED((N, D), jnp.float32),
        pltpu.VMEM_SHARED((ACC2, D), jnp.float32),
        pltpu.SemaphoreType.DMA,
        pltpu.SemaphoreType.DMA,
        pltpu.SemaphoreType.DMA,
    ],
)
def _sc_agg(y_hbm, src_hbm, dstl_hbm, zeros_hbm, out_hbm,
            src_v, dst_v, b0, b1, ysp, acc, sem_g, sem_s, sem_i):
    cid = lax.axis_index("c")
    sid = lax.axis_index("s")
    bufs = (b0, b1)
    pltpu.sync_copy(zeros_hbm, acc.at[pl.ds(sid * (ACC2 // NS), ACC2 // NS)])

    g0 = sid * TPB
    pltpu.async_copy(src_hbm.at[pl.ds(g0 * JB, JB)], src_v.at[0], sem_i)
    pltpu.async_copy(dstl_hbm.at[cid, pl.ds(g0 * JB, JB)], dst_v.at[0], sem_i)

    @pl.when(sid < NS - 1)
    def _():
        pltpu.sync_copy(y_hbm.at[pl.ds(sid * OROWS, OROWS)],
                        ysp.at[pl.ds(sid * OROWS, OROWS)])

    @pl.when(sid == NS - 1)
    def _():
        pltpu.sync_copy(y_hbm.at[pl.ds((NS - 1) * OROWS, N - (NS - 1) * OROWS)],
                        ysp.at[pl.ds((NS - 1) * OROWS, N - (NS - 1) * OROWS)])

    plsc.subcore_barrier()

    def superblock(b, par):
        pltpu.make_async_copy(src_hbm.at[pl.ds(0, JB)],
                              src_v.at[par], sem_i).wait()
        pltpu.make_async_copy(src_hbm.at[pl.ds(0, JB)],
                              dst_v.at[par], sem_i).wait()

        @pl.when(b < TPB - 1)
        def _():
            gn = sid * TPB + b + 1
            pltpu.async_copy(src_hbm.at[pl.ds(gn * JB, JB)],
                             src_v.at[1 - par], sem_i)
            pltpu.async_copy(dstl_hbm.at[cid, pl.ds(gn * JB, JB)],
                             dst_v.at[1 - par], sem_i)

        sv = src_v.at[par]
        dv = dst_v.at[par]

        def _gi(ref, gi, j):
            return ref[gi, pl.ds(j * W16, W16)]

        def group_body(gi, c2):
            gat = [None] * GW
            sca = [None] * GW
            for j in range(GW):
                if j >= NBUF:
                    sca[j - NBUF].wait()
                gat[j] = pltpu.async_copy(ysp.at[_gi(sv, gi, j)],
                                          bufs[j % NBUF], sem_g)
                if j >= 1:
                    gat[j - 1].wait()
                    sca[j - 1] = pltpu.async_copy(bufs[(j - 1) % NBUF],
                                                  acc.at[_gi(dv, gi, j - 1)],
                                                  sem_s, add=True)
            gat[GW - 1].wait()
            sca[GW - 1] = pltpu.async_copy(bufs[(GW - 1) % NBUF],
                                           acc.at[_gi(dv, gi, GW - 1)],
                                           sem_s, add=True)
            for j in range(GW - NBUF, GW):
                sca[j].wait()
            return c2

        lax.fori_loop(0, JB, group_body, 0)

    def body(bb, carry):
        superblock(2 * bb, 0)
        superblock(2 * bb + 1, 1)
        return carry

    lax.fori_loop(0, TPB // 2, body, 0)
    plsc.subcore_barrier()

    @pl.when(sid < NS - 1)
    def _():
        pltpu.sync_copy(acc.at[pl.ds(sid * SROWS, SROWS)],
                        out_hbm.at[pl.ds(cid * HALF_N + sid * SROWS, SROWS)])

    @pl.when(sid == NS - 1)
    def _():
        pltpu.sync_copy(
            acc.at[pl.ds((NS - 1) * SROWS, HALF_N - (NS - 1) * SROWS)],
            out_hbm.at[pl.ds(cid * HALF_N + (NS - 1) * SROWS,
                             HALF_N - (NS - 1) * SROWS)])


@functools.partial(
    pl.kernel,
    out_type=jax.ShapeDtypeStruct((NC, N, DW), jnp.float32),
    mesh=_mesh,
    scratch_types=[
        pltpu.VMEM((2, JB, 128), jnp.int32),
        pltpu.VMEM((128, DW), jnp.float32),
        pltpu.VMEM_SHARED((ACC_ROWS, DW), jnp.float32),
        pltpu.SemaphoreType.DMA,
        pltpu.SemaphoreType.DMA,
    ],
)
def _sc_deg(dst_hbm, ones_hbm, zeros_hbm, out_hbm, dst_v, ones_v, acc,
            sem_s, sem_i):
    cid = lax.axis_index("c")
    sid = lax.axis_index("s")
    wid = sid * NC + cid
    pltpu.async_copy(dst_hbm.at[pl.ds(wid * BPT * JB, JB)], dst_v.at[0], sem_i)
    pltpu.sync_copy(ones_hbm, ones_v)
    pltpu.sync_copy(zeros_hbm, acc.at[pl.ds(sid * (ACC_ROWS // NS), ACC_ROWS // NS)])
    plsc.subcore_barrier()

    def superblock(b, par):
        pltpu.make_async_copy(dst_hbm.at[pl.ds(0, JB)],
                              dst_v.at[par], sem_i).wait()

        @pl.when(b < BPT - 1)
        def _():
            gn = wid * BPT + b + 1
            pltpu.async_copy(dst_hbm.at[pl.ds(gn * JB, JB)],
                             dst_v.at[1 - par], sem_i)

        sca = [
            pltpu.async_copy(ones_v, acc.at[dst_v.at[par, j]], sem_s, add=True)
            for j in range(JB)
        ]
        for s in sca:
            s.wait()

    def body(bb, carry):
        superblock(2 * bb, 0)
        superblock(2 * bb + 1, 1)
        return carry

    lax.fori_loop(0, BPT // 2, body, 0)
    plsc.subcore_barrier()

    @pl.when(sid < NS - 1)
    def _():
        pltpu.sync_copy(acc.at[pl.ds(sid * OROWS, OROWS)],
                        out_hbm.at[cid, pl.ds(sid * OROWS, OROWS)])

    @pl.when(sid == NS - 1)
    def _():
        pltpu.sync_copy(acc.at[pl.ds((NS - 1) * OROWS, N - (NS - 1) * OROWS)],
                        out_hbm.at[cid, pl.ds((NS - 1) * OROWS, N - (NS - 1) * OROWS)])



def _dinv_body(dp_ref, o_ref):
    deg = 1.0 + dp_ref[0, :, 0:1] + dp_ref[1, :, 0:1]
    o_ref[...] = lax.rsqrt(deg)


def _dinv(degp):
    return pl.pallas_call(
        _dinv_body,
        grid=(GRID,),
        in_specs=[pl.BlockSpec((NC, RB, DW), lambda i: (0, i, 0))],
        out_specs=pl.BlockSpec((RB, 1), lambda i: (i, 0)),
        out_shape=jax.ShapeDtypeStruct((N, 1), jnp.float32),
    )(degp)


def _mm_body(z_ref, w_ref, dinv_ref, o_ref):
    h = jnp.dot(z_ref[...], w_ref[...], preferred_element_type=jnp.float32)
    o_ref[...] = h * dinv_ref[...]


def _mm_scale(z, W, dinv):
    return pl.pallas_call(
        _mm_body,
        grid=(GRID,),
        in_specs=[
            pl.BlockSpec((RB, D), lambda i: (i, 0)),
            pl.BlockSpec((D, D), lambda i: (0, 0)),
            pl.BlockSpec((RB, 1), lambda i: (i, 0)),
        ],
        out_specs=pl.BlockSpec((RB, D), lambda i: (i, 0)),
        out_shape=jax.ShapeDtypeStruct((N, D), jnp.float32),
    )(z, W, dinv)


def _comb_body(p_ref, y_ref, dinv_ref, b_ref, o_ref, ps_ref, pq_ref,
               acc_s, acc_q):
    i = pl.program_id(0)
    o = dinv_ref[...] * (p_ref[...] + y_ref[...]) + b_ref[...]
    o_ref[...] = o
    s = jnp.sum(o, axis=0, keepdims=True)
    q = jnp.sum(o * o, axis=0, keepdims=True)

    @pl.when(i == 0)
    def _():
        acc_s[...] = s
        acc_q[...] = q

    @pl.when(i > 0)
    def _():
        acc_s[...] += s
        acc_q[...] += q

    @pl.when(i == GRID - 1)
    def _():
        ps_ref[...] = acc_s[...]
        pq_ref[...] = acc_q[...]


def _combine_stats(P, y, dinv, b):
    return pl.pallas_call(
        _comb_body,
        grid=(GRID,),
        in_specs=[
            pl.BlockSpec((RB, D), lambda i: (i, 0)),
            pl.BlockSpec((RB, D), lambda i: (i, 0)),
            pl.BlockSpec((RB, 1), lambda i: (i, 0)),
            pl.BlockSpec((1, D), lambda i: (0, 0)),
        ],
        out_specs=[
            pl.BlockSpec((RB, D), lambda i: (i, 0)),
            pl.BlockSpec((1, D), lambda i: (0, 0)),
            pl.BlockSpec((1, D), lambda i: (0, 0)),
        ],
        out_shape=[
            jax.ShapeDtypeStruct((N, D), jnp.float32),
            jax.ShapeDtypeStruct((1, D), jnp.float32),
            jax.ShapeDtypeStruct((1, D), jnp.float32),
        ],
        scratch_shapes=[
            pltpu.VMEM((1, D), jnp.float32),
            pltpu.VMEM((1, D), jnp.float32),
        ],
    )(P, y, dinv, b)


def _bn_mm_body(o_ref, ps_ref, pq_ref, g_ref, be_ref, w_ref, dinv_ref, y_ref):
    mu = ps_ref[...] * (1.0 / N)
    var = pq_ref[...] * (1.0 / N) - mu * mu
    scale = lax.rsqrt(var + EPS) * g_ref[...]
    z = jnp.maximum((o_ref[...] - mu) * scale + be_ref[...], 0.0)
    h = jnp.dot(z, w_ref[...], preferred_element_type=jnp.float32)
    y_ref[...] = h * dinv_ref[...]


def _bn_relu_mm(o, ps, pq, g, be, W, dinv):
    return pl.pallas_call(
        _bn_mm_body,
        grid=(GRID,),
        in_specs=[
            pl.BlockSpec((RB, D), lambda i: (i, 0)),
            pl.BlockSpec((1, D), lambda i: (0, 0)),
            pl.BlockSpec((1, D), lambda i: (0, 0)),
            pl.BlockSpec((1, D), lambda i: (0, 0)),
            pl.BlockSpec((1, D), lambda i: (0, 0)),
            pl.BlockSpec((D, D), lambda i: (0, 0)),
            pl.BlockSpec((RB, 1), lambda i: (i, 0)),
        ],
        out_specs=pl.BlockSpec((RB, D), lambda i: (i, 0)),
        out_shape=jax.ShapeDtypeStruct((N, D), jnp.float32),
    )(o, ps, pq, g, be, W, dinv)


def _final_body(p_ref, y_ref, dinv_ref, b_ref, o_ref):
    o = dinv_ref[...] * (p_ref[...] + y_ref[...]) + b_ref[...]
    o_ref[...] = jnp.maximum(o, 0.0)


def _final(P, y, dinv, b):
    return pl.pallas_call(
        _final_body,
        grid=(GRID,),
        in_specs=[
            pl.BlockSpec((RB, D), lambda i: (i, 0)),
            pl.BlockSpec((RB, D), lambda i: (i, 0)),
            pl.BlockSpec((RB, 1), lambda i: (i, 0)),
            pl.BlockSpec((1, D), lambda i: (0, 0)),
        ],
        out_specs=pl.BlockSpec((RB, D), lambda i: (i, 0)),
        out_shape=jax.ShapeDtypeStruct((N, D), jnp.float32),
    )(P, y, dinv, b)



def kernel(x, edge_index, W1, b1, W2, b2, W3, b3, g1, be1, g2, be2):
    src = edge_index[0].astype(jnp.int32)
    dst = edge_index[1].astype(jnp.int32)
    dstr = jnp.concatenate([dst, jnp.full((EP - E,), N, jnp.int32)]
                           ).reshape(EP // 128, 128)
    srcr = jnp.concatenate([src, jnp.zeros((EP - E,), jnp.int32)]
                           ).reshape(EP // 128, 128)
    trash = HALF_N + (jnp.arange(EP, dtype=jnp.int32) % TRASH)
    dstp = jnp.concatenate([dst, jnp.full((EP - E,), -1, jnp.int32)])
    dstl0 = jnp.where((dstp >= 0) & (dstp < HALF_N), dstp, trash)
    dstl1 = jnp.where(dstp >= HALF_N, dstp - HALF_N, trash)
    dstl = jnp.stack([dstl0, dstl1]).reshape(NC, EP // 128, 128)

    z640 = jnp.zeros((ACC_ROWS // NS, DW), jnp.float32)
    z320 = jnp.zeros((ACC2 // NS, D), jnp.float32)
    ones128 = jnp.ones((128, DW), jnp.float32)
    b1r, b2r, b3r = b1.reshape(1, D), b2.reshape(1, D), b3.reshape(1, D)
    g1r, be1r = g1.reshape(1, D), be1.reshape(1, D)
    g2r, be2r = g2.reshape(1, D), be2.reshape(1, D)

    degp = _sc_deg(dstr, ones128, z640)
    dinv = _dinv(degp)

    y1 = _mm_scale(x, W1, dinv)
    P1 = _sc_agg(y1, srcr, dstl, z320)
    o1, ps1, pq1 = _combine_stats(P1, y1, dinv, b1r)
    y2 = _bn_relu_mm(o1, ps1, pq1, g1r, be1r, W2, dinv)
    P2 = _sc_agg(y2, srcr, dstl, z320)
    o2, ps2, pq2 = _combine_stats(P2, y2, dinv, b2r)
    y3 = _bn_relu_mm(o2, ps2, pq2, g2r, be2r, W3, dinv)
    P3 = _sc_agg(y3, srcr, dstl, z320)
    return _final(P3, y3, dinv, b3r)

# --- scband reference (transcript-rebuilt; emitter-appended) ---
"""Pipeline reference for scband-gcnarxiv-65377992180268 (READ-ONLY COPY).

The authoritative reference and input builder live on the scoring server;
editing this copy changes nothing except your own understanding.
"""

import jax, jax.numpy as jnp
import numpy as np

N_NODES = 10000
N_EDGES = 320000
D_IN = 128
EMB_DIM = 128


def gcn_conv(x, edge_index, W, b):
    # PyG GCNConv: linear first, then symmetric-normalized aggregation with self loops
    n = x.shape[0]
    loop = jnp.arange(n, dtype=edge_index.dtype)
    src = jnp.concatenate([edge_index[0], loop])
    dst = jnp.concatenate([edge_index[1], loop])
    h = x @ W
    deg = jnp.zeros((n,), dtype=x.dtype).at[dst].add(1.0)
    dinv = jnp.where(deg > 0, jax.lax.rsqrt(deg), 0.0)
    norm = dinv[src] * dinv[dst]
    msg = h[src] * norm[:, None]
    out = jnp.zeros((n, h.shape[1]), dtype=x.dtype).at[dst].add(msg)
    return out + b


def batch_norm(x, gamma, beta, eps=1e-5):
    mu = jnp.mean(x, axis=0)
    var = jnp.var(x, axis=0)
    return (x - mu) * jax.lax.rsqrt(var + eps) * gamma + beta


def setup_inputs(seed: int = 0) -> dict:
    key = jax.random.key(seed)
    ks = jax.random.split(key, 10)
    x = jax.random.normal(ks[0], (N_NODES, D_IN), dtype=jnp.float32)
    edge_index = jax.random.randint(ks[1], (2, N_EDGES), 0, N_NODES, dtype=jnp.int64)
    s1 = 1.0 / np.sqrt(D_IN)
    s2 = 1.0 / np.sqrt(EMB_DIM)
    W1 = jax.random.uniform(ks[2], (D_IN, EMB_DIM), jnp.float32, -s1, s1)
    b1 = jax.random.uniform(ks[3], (EMB_DIM,), jnp.float32, -s1, s1)
    W2 = jax.random.uniform(ks[4], (EMB_DIM, EMB_DIM), jnp.float32, -s2, s2)
    b2 = jax.random.uniform(ks[5], (EMB_DIM,), jnp.float32, -s2, s2)
    W3 = jax.random.uniform(ks[6], (EMB_DIM, EMB_DIM), jnp.float32, -s2, s2)
    b3 = jax.random.uniform(ks[7], (EMB_DIM,), jnp.float32, -s2, s2)
    g1 = jnp.ones((EMB_DIM,), jnp.float32)
    be1 = jnp.zeros((EMB_DIM,), jnp.float32)
    g2 = jnp.ones((EMB_DIM,), jnp.float32)
    be2 = jnp.zeros((EMB_DIM,), jnp.float32)
    return {"x": x, "edge_index": edge_index, "W1": W1, "b1": b1, "W2": W2, "b2": b2, "W3": W3, "b3": b3, "g1": g1, "be1": be1, "g2": g2, "be2": be2}


def reference(x, edge_index, W1, b1, W2, b2, W3, b3, g1, be1, g2, be2):
    h = gcn_conv(x, edge_index, W1, b1)
    h = batch_norm(h, g1, be1)
    h = jax.nn.relu(h)
    # dropout is identity in deterministic/eval reference
    h = gcn_conv(h, edge_index, W2, b2)
    h = batch_norm(h, g2, be2)
    h = jax.nn.relu(h)
    h = gcn_conv(h, edge_index, W3, b3)
    return jax.nn.relu(h)

if __name__ == "__main__":
    import jax
    _d = setup_inputs()
    print(jax.jit(kernel)(*tuple(_d.values())))

</pallas_src>

<mosaic_0001>
#map = affine_map<(d0, d1) -> (0, 0)>
#map1 = affine_map<(d0, d1) -> (0, 0, 0)>
module attributes {stable_mosaic.version = 14 : i64} {
  func.func @_sc_agg(%arg0: i32, %arg1: i32, %arg2: memref<10000x128xf32, #tpu.memory_space<hbm>>, %arg3: memref<2560x128xi32, #tpu.memory_space<hbm>>, %arg4: memref<2x2560x128xi32, #tpu.memory_space<hbm>>, %arg5: memref<320x128xf32, #tpu.memory_space<hbm>>, %arg6: memref<10000x128xf32, #tpu.memory_space<hbm>>, %arg7: memref<2x8x128xi32, #tpu.memory_space<vmem>>, %arg8: memref<2x8x128xi32, #tpu.memory_space<vmem>>, %arg9: memref<16x128xf32, #tpu.memory_space<vmem>>, %arg10: memref<16x128xf32, #tpu.memory_space<vmem>>, %arg11: memref<10000x128xf32, #tpu.memory_space<vmem_shared>>, %arg12: memref<5120x128xf32, #tpu.memory_space<vmem_shared>>, %arg13: memref<!tpu.dma_semaphore, #tpu.memory_space<semaphore_mem>>, %arg14: memref<!tpu.dma_semaphore, #tpu.memory_space<semaphore_mem>>, %arg15: memref<!tpu.dma_semaphore, #tpu.memory_space<semaphore_mem>>) attributes {dimension_semantics = [#tpu.dimension_semantics<core_parallel>, #tpu.dimension_semantics<subcore_parallel>], iteration_bounds = array<i64: 2, 16>, scalar_prefetch = 0 : i64, scratch_operands = 9 : i64, tpu.core_type = #tpu.core_type<sc_vector_subcore>, window_params = [{transform_indices = #map}, {transform_indices = #map}, {transform_indices = #map1}, {transform_indices = #map}, {transform_indices = #map}]} {
    %mul3A = arith.constant 320 : i32
    %mul3A_0 = arith.muli %arg1, %mul3A : i32
    "tpu.region"() ({
      %run_scoped3A = tpu.sem_alloc : memref<!tpu.dma_semaphore, #tpu.memory_space<semaphore_mem>>
      %dma_start3A_56 = arith.constant 0 : i32
      %dma_start3A_57 = tpu.memref_slice %arg12[%mul3A_0, %dma_start3A_56] : memref<5120x128xf32, #tpu.memory_space<vmem_shared>> -> memref<320x128xf32, #tpu.memory_space<vmem_shared>>
      tpu.enqueue_dma source(%arg5 : memref<320x128xf32, #tpu.memory_space<hbm>>) target(%dma_start3A_57 : memref<320x128xf32, #tpu.memory_space<vmem_shared>>) target_semaphore(%run_scoped3A : memref<!tpu.dma_semaphore, #tpu.memory_space<semaphore_mem>>)
      %dma_wait3A = arith.constant 0 : i32
      %dma_wait3A_58 = tpu.memref_slice %arg12[%mul3A_0, %dma_wait3A] : memref<5120x128xf32, #tpu.memory_space<vmem_shared>> -> memref<320x128xf32, #tpu.memory_space<vmem_shared>>
      tpu.wait_dma2 semaphore(%run_scoped3A : memref<!tpu.dma_semaphore, #tpu.memory_space<semaphore_mem>>) src(%arg5 : memref<320x128xf32, #tpu.memory_space<hbm>>) dst(%dma_wait3A_58 : memref<320x128xf32, #tpu.memory_space<vmem_shared>>)
      tpu.yield
    }) : () -> ()
    %mul3A_1 = arith.constant 20 : i32
    %mul3A_2 = arith.muli %arg1, %mul3A_1 : i32
    %mul3A_3 = arith.constant 8 : i32
    %mul3A_4 = arith.muli %mul3A_2, %mul3A_3 : i32
    %dma_start3A = arith.constant 0 : i32
    %dma_start3A_5 = arith.constant 0 : i32
    %dma_start3A_6 = arith.constant 0 : i32
    %dma_start3A_7 = tpu.memref_slice %arg7[%dma_start3A, %dma_start3A_5, %dma_start3A_6] : memref<2x8x128xi32, #tpu.memory_space<vmem>> -> memref<1x8x128xi32, #tpu.memory_space<vmem>>
    %dma_start3A_8 = tpu.memref_squeeze %dma_start3A_7 : memref<1x8x128xi32, #tpu.memory_space<vmem>> -> memref<8x128xi32, #tpu.memory_space<vmem>>
    %dma_start3A_9 = arith.constant 0 : i32
    %dma_start3A_10 = tpu.memref_slice %arg3[%mul3A_4, %dma_start3A_9] : memref<2560x128xi32, #tpu.memory_space<hbm>> -> memref<8x128xi32, #tpu.memory_space<hbm>>
    %dma_start3A_11 = arith.constant 0 : i32
    %dma_start3A_12 = arith.constant 0 : i32
    %dma_start3A_13 = tpu.memref_slice %arg7[%dma_start3A, %dma_start3A_11, %dma_start3A_12] : memref<2x8x128xi32, #tpu.memory_space<vmem>> -> memref<1x8x128xi32, #tpu.memory_space<vmem>>
    %dma_start3A_14 = tpu.memref_squeeze %dma_start3A_13 : memref<1x8x128xi32, #tpu.memory_space<vmem>> -> memref<8x128xi32, #tpu.memory_space<vmem>>
    %dma_start3A_15 = arith.constant 0 : i32
    %dma_start3A_16 = tpu.memref_slice %arg3[%mul3A_4, %dma_start3A_15] : memref<2560x128xi32, #tpu.memory_space<hbm>> -> memref<8x128xi32, #tpu.memory_space<hbm>>
    tpu.enqueue_dma source(%dma_start3A_16 : memref<8x128xi32, #tpu.memory_space<hbm>>) target(%dma_start3A_14 : memref<8x128xi32, #tpu.memory_space<vmem>>) target_semaphore(%arg15 : memref<!tpu.dma_semaphore, #tpu.memory_space<semaphore_mem>>)
    %mul3A_17 = arith.constant 8 : i32
    %mul3A_18 = arith.muli %mul3A_2, %mul3A_17 : i32
    %dma_start3A_19 = arith.constant 0 : i32
    %dma_start3A_20 = arith.constant 0 : i32
    %dma_start3A_21 = arith.constant 0 : i32
    %dma_start3A_22 = tpu.memref_slice %arg8[%dma_start3A_19, %dma_start3A_20, %dma_start3A_21] : memref<2x8x128xi32, #tpu.memory_space<vmem>> -> memref<1x8x128xi32, #tpu.memory_space<vmem>>
    %dma_start3A_23 = tpu.memref_squeeze %dma_start3A_22 : memref<1x8x128xi32, #tpu.memory_space<vmem>> -> memref<8x128xi32, #tpu.memory_space<vmem>>
    %dma_start3A_24 = arith.constant 0 : i32
    %dma_start3A_25 = tpu.memref_slice %arg4[%arg0, %mul3A_18, %dma_start3A_24] : memref<2x2560x128xi32, #tpu.memory_space<hbm>> -> memref<1x8x128xi32, #tpu.memory_space<hbm>>
    %dma_start3A_26 = tpu.memref_squeeze %dma_start3A_25 : memref<1x8x128xi32, #tpu.memory_space<hbm>> -> memref<8x128xi32, #tpu.memory_space<hbm>>
    %dma_start3A_27 = arith.constant 0 : i32
    %dma_start3A_28 = arith.constant 0 : i32
    %dma_start3A_29 = tpu.memref_slice %arg8[%dma_start3A_19, %dma_start3A_27, %dma_start3A_28] : memref<2x8x128xi32, #tpu.memory_space<vmem>> -> memref<1x8x128xi32, #tpu.memory_space<vmem>>
    %dma_start3A_30 = tpu.memref_squeeze %dma_start3A_29 : memref<1x8x128xi32, #tpu.memory_space<vmem>> -> memref<8x128xi32, #tpu.memory_space<vmem>>
    %dma_start3A_31 = arith.constant 0 : i32
    %dma_start3A_32 = tpu.memref_slice %arg4[%arg0, %mul3A_18, %dma_start3A_31] : memref<2x2560x128xi32, #tpu.memory_space<hbm>> -> memref<1x8x128xi32, #tpu.memory_space<hbm>>
    %dma_start3A_33 = tpu.memref_squeeze %dma_start3A_32 : memref<1x8x128xi32, #tpu.memory_space<hbm>> -> memref<8x128xi32, #tpu.memory_space<hbm>>
    tpu.enqueue_dma source(%dma_start3A_33 : memref<8x128xi32, #tpu.memory_space<hbm>>) target(%dma_start3A_30 : memref<8x128xi32, #tpu.memory_space<vmem>>) target_semaphore(%arg15 : memref<!tpu.dma_semaphore, #tpu.memory_space<semaphore_mem>>)
    %lt3A = arith.constant 15 : i32
    %lt3A_34 = arith.cmpi slt, %arg1, %lt3A : i32
    %convert_element_type3A = arith.extui %lt3A_34 : i1 to i32
    %cond3A = arith.constant 0 : i32
    %cond3A_35 = arith.cmpi ne, %convert_element_type3A, %cond3A : i32
    scf.if %cond3A_35 {
      %mul3A_56 = arith.constant 632 : i32
      %mul3A_57 = arith.muli %arg1, %mul3A_56 : i32
      %mul3A_58 = arith.constant 632 : i32
      %mul3A_59 = arith.muli %arg1, %mul3A_58 : i32
      "tpu.region"() ({
        %run_scoped3A = tpu.sem_alloc : memref<!tpu.dma_semaphore, #tpu.memory_space<semaphore_mem>>
        %dma_start3A_60 = arith.constant 0 : i32
        %dma_start3A_61 = tpu.memref_slice %arg11[%mul3A_59, %dma_start3A_60] : memref<10000x128xf32, #tpu.memory_space<vmem_shared>> -> memref<632x128xf32, #tpu.memory_space<vmem_shared>>
        %dma_start3A_62 = arith.constant 0 : i32
        %dma_start3A_63 = tpu.memref_slice %arg2[%mul3A_57, %dma_start3A_62] : memref<10000x128xf32, #tpu.memory_space<hbm>> -> memref<632x128xf32, #tpu.memory_space<hbm>>
        tpu.enqueue_dma source(%dma_start3A_63 : memref<632x128xf32, #tpu.memory_space<hbm>>) target(%dma_start3A_61 : memref<632x128xf32, #tpu.memory_space<vmem_shared>>) target_semaphore(%run_scoped3A : memref<!tpu.dma_semaphore, #tpu.memory_space<semaphore_mem>>)
        %dma_wait3A = arith.constant 0 : i32
        %dma_wait3A_64 = tpu.memref_slice %arg11[%mul3A_59, %dma_wait3A] : memref<10000x128xf32, #tpu.memory_space<vmem_shared>> -> memref<632x128xf32, #tpu.memory_space<vmem_shared>>
        %dma_wait3A_65 = arith.constant 0 : i32
        %dma_wait3A_66 = tpu.memref_slice %arg2[%mul3A_57, %dma_wait3A_65] : memref<10000x128xf32, #tpu.memory_space<hbm>> -> memref<632x128xf32, #tpu.memory_space<hbm>>
        tpu.wait_dma2 semaphore(%run_scoped3A : memref<!tpu.dma_semaphore, #tpu.memory_space<semaphore_mem>>) src(%dma_wait3A_66 : memref<632x128xf32, #tpu.memory_space<hbm>>) dst(%dma_wait3A_64 : memref<632x128xf32, #tpu.memory_space<vmem_shared>>)
        tpu.yield
      }) : () -> ()
    } else {
    }
    %eq3A = arith.constant 15 : i32
    %eq3A_36 = arith.cmpi eq, %arg1, %eq3A : i32
    %convert_element_type3A_37 = arith.extui %eq3A_36 : i1 to i32
    %cond3A_38 = arith.constant 0 : i32
    %cond3A_39 = arith.cmpi ne, %convert_element_type3A_37, %cond3A_38 : i32
    scf.if %cond3A_39 {
      "tpu.region"() ({
        %run_scoped3A = tpu.sem_alloc : memref<!tpu.dma_semaphore, #tpu.memory_space<semaphore_mem>>
        %dma_start3A_56 = arith.constant 9480 : i32
        %dma_start3A_57 = arith.constant 0 : i32
        %dma_start3A_58 = tpu.memref_slice %arg11[%dma_start3A_56, %dma_start3A_57] : memref<10000x128xf32, #tpu.memory_space<vmem_shared>> -> memref<520x128xf32, #tpu.memory_space<vmem_shared>>
        %dma_start3A_59 = arith.constant 9480 : i32
        %dma_start3A_60 = arith.constant 0 : i32
        %dma_start3A_61 = tpu.memref_slice %arg2[%dma_start3A_59, %dma_start3A_60] : memref<10000x128xf32, #tpu.memory_space<hbm>> -> memref<520x128xf32, #tpu.memory_space<hbm>>
        tpu.enqueue_dma source(%dma_start3A_61 : memref<520x128xf32, #tpu.memory_space<hbm>>) target(%dma_start3A_58 : memref<520x128xf32, #tpu.memory_space<vmem_shared>>) target_semaphore(%run_scoped3A : memref<!tpu.dma_semaphore, #tpu.memory_space<semaphore_mem>>)
        %dma_wait3A = arith.constant 9480 : i32
        %dma_wait3A_62 = arith.constant 0 : i32
        %dma_wait3A_63 = tpu.memref_slice %arg11[%dma_wait3A, %dma_wait3A_62] : memref<10000x128xf32, #tpu.memory_space<vmem_shared>> -> memref<520x128xf32, #tpu.memory_space<vmem_shared>>
        %dma_wait3A_64 = arith.constant 9480 : i32
        %dma_wait3A_65 = arith.constant 0 : i32
        %dma_wait3A_66 = tpu.memref_slice %arg2[%dma_wait3A_64, %dma_wait3A_65] : memref<10000x128xf32, #tpu.memory_space<hbm>> -> memref<520x128xf32, #tpu.memory_space<hbm>>
        tpu.wait_dma2 semaphore(%run_scoped3A : memref<!tpu.dma_semaphore, #tpu.memory_space<semaphore_mem>>) src(%dma_wait3A_66 : memref<520x128xf32, #tpu.memory_space<hbm>>) dst(%dma_wait3A_63 : memref<520x128xf32, #tpu.memory_space<vmem_shared>>)
        tpu.yield
      }) : () -> ()
    } else {
    }
    %barrier3A = arith.constant 0 : index
    tpu.barrier barrier_id(%barrier3A)
    %scan3A = arith.constant 0 : i32
    %scan3A_40 = arith.constant 0 : i32
    %scan3A_41 = arith.constant 10 : i32
    %scan3A_42 = arith.addi %scan3A_40, %scan3A_41 : i32
    %scan3A_43 = arith.constant 1 : i32
    scf.for %scan3A_56 = %scan3A_40 to %scan3A_42 step %scan3A_43  : i32 {
      %mul3A_57 = arith.constant 2 : i32
      %mul3A_58 = arith.muli %mul3A_57, %scan3A_56 : i32
      %dma_wait3A = arith.constant 0 : i32
      %dma_wait3A_59 = arith.constant 0 : i32
      %dma_wait3A_60 = arith.constant 0 : i32
      %dma_wait3A_61 = tpu.memref_slice %arg7[%dma_wait3A, %dma_wait3A_59, %dma_wait3A_60] : memref<2x8x128xi32, #tpu.memory_space<vmem>> -> memref<1x8x128xi32, #tpu.memory_space<vmem>>
      %dma_wait3A_62 = tpu.memref_squeeze %dma_wait3A_61 : memref<1x8x128xi32, #tpu.memory_space<vmem>> -> memref<8x128xi32, #tpu.memory_space<vmem>>
      %dma_wait3A_63 = arith.constant 0 : i32
      %dma_wait3A_64 = arith.constant 0 : i32
      %dma_wait3A_65 = tpu.memref_slice %arg3[%dma_wait3A_63, %dma_wait3A_64] : memref<2560x128xi32, #tpu.memory_space<hbm>> -> memref<8x128xi32, #tpu.memory_space<hbm>>
      %dma_wait3A_66 = arith.constant 0 : i32
      %dma_wait3A_67 = arith.constant 0 : i32
      %dma_wait3A_68 = tpu.memref_slice %arg7[%dma_wait3A, %dma_wait3A_66, %dma_wait3A_67] : memref<2x8x128xi32, #tpu.memory_space<vmem>> -> memref<1x8x128xi32, #tpu.memory_space<vmem>>
      %dma_wait3A_69 = tpu.memref_squeeze %dma_wait3A_68 : memref<1x8x128xi32, #tpu.memory_space<vmem>> -> memref<8x128xi32, #tpu.memory_space<vmem>>
      %dma_wait3A_70 = arith.constant 0 : i32
      %dma_wait3A_71 = arith.constant 0 : i32
      %dma_wait3A_72 = tpu.memref_slice %arg3[%dma_wait3A_70, %dma_wait3A_71] : memref<2560x128xi32, #tpu.memory_space<hbm>> -> memref<8x128xi32, #tpu.memory_space<hbm>>
      tpu.wait_dma2 semaphore(%arg15 : memref<!tpu.dma_semaphore, #tpu.memory_space<semaphore_mem>>) src(%dma_wait3A_72 : memref<8x128xi32, #tpu.memory_space<hbm>>) dst(%dma_wait3A_69 : memref<8x128xi32, #tpu.memory_space<vmem>>)
      %dma_wait3A_73 = arith.constant 0 : i32
      %dma_wait3A_74 = arith.constant 0 : i32
      %dma_wait3A_75 = arith.constant 0 : i32
      %dma_wait3A_76 = tpu.memref_slice %arg8[%dma_wait3A_73, %dma_wait3A_74, %dma_wait3A_75] : memref<2x8x128xi32, #tpu.memory_space<vmem>> -> memref<1x8x128xi32, #tpu.memory_space<vmem>>
      %dma_wait3A_77 = tpu.memref_squeeze %dma_wait3A_76 : memref<1x8x128xi32, #tpu.memory_space<vmem>> -> memref<8x128xi32, #tpu.memory_space<vmem>>
      %dma_wait3A_78 = arith.constant 0 : i32
      %dma_wait3A_79 = arith.constant 0 : i32
      %dma_wait3A_80 = tpu.memref_slice %arg3[%dma_wait3A_78, %dma_wait3A_79] : memref<2560x128xi32, #tpu.memory_space<hbm>> -> memref<8x128xi32, #tpu.memory_space<hbm>>
      %dma_wait3A_81 = arith.constant 0 : i32
      %dma_wait3A_82 = arith.constant 0 : i32
      %dma_wait3A_83 = tpu.memref_slice %arg8[%dma_wait3A_73, %dma_wait3A_81, %dma_wait3A_82] : memref<2x8x128xi32, #tpu.memory_space<vmem>> -> memref<1x8x128xi32, #tpu.memory_space<vmem>>
      %dma_wait3A_84 = tpu.memref_squeeze %dma_wait3A_83 : memref<1x8x128xi32, #tpu.memory_space<vmem>> -> memref<8x128xi32, #tpu.memory_space<vmem>>
      %dma_wait3A_85 = arith.constant 0 : i32
      %dma_wait3A_86 = arith.constant 0 : i32
      %dma_wait3A_87 = tpu.memref_slice %arg3[%dma_wait3A_85, %dma_wait3A_86] : memref<2560x128xi32, #tpu.memory_space<hbm>> -> memref<8x128xi32, #tpu.memory_space<hbm>>
      tpu.wait_dma2 semaphore(%arg15 : memref<!tpu.dma_semaphore, #tpu.memory_space<semaphore_mem>>) src(%dma_wait3A_87 : memref<8x128xi32, #tpu.memory_space<hbm>>) dst(%dma_wait3A_84 : memref<8x128xi32, #tpu.memory_space<vmem>>)
      %lt3A_88 = arith.constant 19 : i32
      %lt3A_89 = arith.cmpi slt, %mul3A_58, %lt3A_88 : i32
      %convert_element_type3A_90 = arith.extui %lt3A_89 : i1 to i32
      %cond3A_91 = arith.constant 0 : i32
      %cond3A_92 = arith.cmpi ne, %convert_element_type3A_90, %cond3A_91 : i32
      scf.if %cond3A_92 {
        %mul3A_147 = arith.constant 20 : i32
        %mul3A_148 = arith.muli %arg1, %mul3A_147 : i32
        %add3A_149 = arith.addi %mul3A_148, %mul3A_58 : i32
        %add3A_150 = arith.constant 1 : i32
        %add3A_151 = arith.addi %add3A_149, %add3A_150 : i32
        %mul3A_152 = arith.constant 8 : i32
        %mul3A_153 = arith.muli %add3A_151, %mul3A_152 : i32
        %dma_start3A_154 = arith.constant 1 : i32
        %dma_start3A_155 = arith.constant 0 : i32
        %dma_start3A_156 = arith.constant 0 : i32
        %dma_start3A_157 = tpu.memref_slice %arg7[%dma_start3A_154, %dma_start3A_155, %dma_start3A_156] : memref<2x8x128xi32, #tpu.memory_space<vmem>> -> memref<1x8x128xi32, #tpu.memory_space<vmem>>
        %dma_start3A_158 = tpu.memref_squeeze %dma_start3A_157 : memref<1x8x128xi32, #tpu.memory_space<vmem>> -> memref<8x128xi32, #tpu.memory_space<vmem>>
        %dma_start3A_159 = arith.constant 0 : i32
        %dma_start3A_160 = tpu.memref_slice %arg3[%mul3A_153, %dma_start3A_159] : memref<2560x128xi32, #tpu.memory_space<hbm>> -> memref<8x128xi32, #tpu.memory_space<hbm>>
        %dma_start3A_161 = arith.constant 0 : i32
        %dma_start3A_162 = arith.constant 0 : i32
        %dma_start3A_163 = tpu.memref_slice %arg7[%dma_start3A_154, %dma_start3A_161, %dma_start3A_162] : memref<2x8x128xi32, #tpu.memory_space<vmem>> -> memref<1x8x128xi32, #tpu.memory_space<vmem>>
        %dma_start3A_164 = tpu.memref_squeeze %dma_start3A_163 : memref<1x8x128xi32, #tpu.memory_space<vmem>> -> memref<8x128xi32, #tpu.memory_space<vmem>>
        %dma_start3A_165 = arith.constant 0 : i32
        %dma_start3A_166 = tpu.memref_slice %arg3[%mul3A_153, %dma_start3A_165] : memref<2560x128xi32, #tpu.memory_space<hbm>> -> memref<8x128xi32, #tpu.memory_space<hbm>>
        tpu.enqueue_dma source(%dma_start3A_166 : memref<8x128xi32, #tpu.memory_space<hbm>>) target(%dma_start3A_164 : memref<8x128xi32, #tpu.memory_space<vmem>>) target_semaphore(%arg15 : memref<!tpu.dma_semaphore, #tpu.memory_space<semaphore_mem>>)
        %mul3A_167 = arith.constant 8 : i32
        %mul3A_168 = arith.muli %add3A_151, %mul3A_167 : i32
        %dma_start3A_169 = arith.constant 1 : i32
        %dma_start3A_170 = arith.constant 0 : i32
        %dma_start3A_171 = arith.constant 0 : i32
        %dma_start3A_172 = tpu.memref_slice %arg8[%dma_start3A_169, %dma_start3A_170, %dma_start3A_171] : memref<2x8x128xi32, #tpu.memory_space<vmem>> -> memref<1x8x128xi32, #tpu.memory_space<vmem>>
        %dma_start3A_173 = tpu.memref_squeeze %dma_start3A_172 : memref<1x8x128xi32, #tpu.memory_space<vmem>> -> memref<8x128xi32, #tpu.memory_space<vmem>>
        %dma_start3A_174 = arith.constant 0 : i32
        %dma_start3A_175 = tpu.memref_slice %arg4[%arg0, %mul3A_168, %dma_start3A_174] : memref<2x2560x128xi32, #tpu.memory_space<hbm>> -> memref<1x8x128xi32, #tpu.memory_space<hbm>>
        %dma_start3A_176 = tpu.memref_squeeze %dma_start3A_175 : memref<1x8x128xi32, #tpu.memory_space<hbm>> -> memref<8x128xi32, #tpu.memory_space<hbm>>
        %dma_start3A_177 = arith.constant 0 : i32
        %dma_start3A_178 = arith.constant 0 : i32
        %dma_start3A_179 = tpu.memref_slice %arg8[%dma_start3A_169, %dma_start3A_177, %dma_start3A_178] : memref<2x8x128xi32, #tpu.memory_space<vmem>> -> memref<1x8x128xi32, #tpu.memory_space<vmem>>
        %dma_start3A_180 = tpu.memref_squeeze %dma_start3A_179 : memref<1x8x128xi32, #tpu.memory_space<vmem>> -> memref<8x128xi32, #tpu.memory_space<vmem>>
        %dma_start3A_181 = arith.constant 0 : i32
        %dma_start3A_182 = tpu.memref_slice %arg4[%arg0, %mul3A_168, %dma_start3A_181] : memref<2x2560x128xi32, #tpu.memory_space<hbm>> -> memref<1x8x128xi32, #tpu.memory_space<hbm>>
        %dma_start3A_183 = tpu.memref_squeeze %dma_start3A_182 : memref<1x8x128xi32, #tpu.memory_space<hbm>> -> memref<8x128xi32, #tpu.memory_space<hbm>>
        tpu.enqueue_dma source(%dma_start3A_183 : memref<8x128xi32, #tpu.memory_space<hbm>>) target(%dma_start3A_180 : memref<8x128xi32, #tpu.memory_space<vmem>>) target_semaphore(%arg15 : memref<!tpu.dma_semaphore, #tpu.memory_space<semaphore_mem>>)
      } else {
      }
      %scan3A_93 = arith.constant 0 : i32
      %scan3A_94 = arith.constant 0 : i32
      %scan3A_95 = arith.constant 0 : i32
      %scan3A_96 = arith.constant 0 : i32
      %scan3A_97 = arith.constant 8 : i32
      %scan3A_98 = arith.addi %scan3A_96, %scan3A_97 : i32
      %scan3A_99 = arith.constant 1 : i32
      scf.for %scan3A_147 = %scan3A_96 to %scan3A_98 step %scan3A_99  : i32 {
        %get3A = arith.constant 0 : i32
        %get3A_148 = arith.constant 0 : i32
        %get3A_149 = tpu.memref_slice %arg7[%scan3A_94, %get3A, %get3A_148] : memref<2x8x128xi32, #tpu.memory_space<vmem>> -> memref<1x8x128xi32, #tpu.memory_space<vmem>>
        %get3A_150 = tpu.memref_squeeze %get3A_149 : memref<1x8x128xi32, #tpu.memory_space<vmem>> -> memref<8x128xi32, #tpu.memory_space<vmem>>
        %get3A_151 = arith.index_cast %scan3A_147 : i32 to index
        %get3A_152 = arith.constant 0 : index
        %get3A_153 = tpu.vector_load %get3A_150[%get3A_151, %get3A_152] {strides = array<i32>} : memref<8x128xi32, #tpu.memory_space<vmem>>, vector<1x16xi32>,
        %get3A_154 = vector.shape_cast %get3A_153 : vector<1x16xi32> to vector<16xi32>
        %dma_start3A_155 = arith.constant 0 : i32
        %dma_start3A_156 = arith.constant 0 : i32
        %dma_start3A_157 = tpu.memref_slice %arg11[%dma_start3A_155, %dma_start3A_156] : memref<10000x128xf32, #tpu.memory_space<vmem_shared>> -> memref<10000x128xf32, #tpu.memory_space<vmem_shared>>
        tpu.enqueue_indirect_dma source(%dma_start3A_157 : memref<10000x128xf32, #tpu.memory_space<vmem_shared>>) target(%arg9 : memref<16x128xf32, #tpu.memory_space<vmem>>) offsets(%get3A_154 : vector<16xi32>) semaphore(%arg13 : memref<!tpu.dma_semaphore, #tpu.memory_space<semaphore_mem>>)
        %get3A_158 = arith.constant 0 : i32
        %get3A_159 = arith.constant 0 : i32
        %get3A_160 = tpu.memref_slice %arg7[%scan3A_94, %get3A_158, %get3A_159] : memref<2x8x128xi32, #tpu.memory_space<vmem>> -> memref<1x8x128xi32, #tpu.memory_space<vmem>>
        %get3A_161 = tpu.memref_squeeze %get3A_160 : memref<1x8x128xi32, #tpu.memory_space<vmem>> -> memref<8x128xi32, #tpu.memory_space<vmem>>
        %get3A_162 = arith.index_cast %scan3A_147 : i32 to index
        %get3A_163 = arith.constant 16 : index
        %get3A_164 = tpu.vector_load %get3A_161[%get3A_162, %get3A_163] {strides = array<i32>} : memref<8x128xi32, #tpu.memory_space<vmem>>, vector<1x16xi32>,
        %get3A_165 = vector.shape_cast %get3A_164 : vector<1x16xi32> to vector<16xi32>
        %dma_start3A_166 = arith.constant 0 : i32
        %dma_start3A_167 = arith.constant 0 : i32
        %dma_start3A_168 = tpu.memref_slice %arg11[%dma_start3A_166, %dma_start3A_167] : memref<10000x128xf32, #tpu.memory_space<vmem_shared>> -> memref<10000x128xf32, #tpu.memory_space<vmem_shared>>
        tpu.enqueue_indirect_dma source(%dma_start3A_168 : memref<10000x128xf32, #tpu.memory_space<vmem_shared>>) target(%arg10 : memref<16x128xf32, #tpu.memory_space<vmem>>) offsets(%get3A_165 : vector<16xi32>) semaphore(%arg13 : memref<!tpu.dma_semaphore, #tpu.memory_space<semaphore_mem>>)
        %dma_wait3A_169 = arith.constant 0 : i32
        %dma_wait3A_170 = arith.constant 0 : i32
        %dma_wait3A_171 = tpu.memref_slice %arg11[%dma_wait3A_169, %dma_wait3A_170] : memref<10000x128xf32, #tpu.memory_space<vmem_shared>> -> memref<10000x128xf32, #tpu.memory_space<vmem_shared>>
        tpu.wait_indirect_dma semaphore(%arg13 : memref<!tpu.dma_semaphore, #tpu.memory_space<semaphore_mem>>) src(%dma_wait3A_171 : memref<10000x128xf32, #tpu.memory_space<vmem_shared>>) dst(%arg9 : memref<16x128xf32, #tpu.memory_space<vmem>>)
        %get3A_172 = arith.constant 0 : i32
        %get3A_173 = arith.constant 0 : i32
        %get3A_174 = tpu.memref_slice %arg8[%scan3A_95, %get3A_172, %get3A_173] : memref<2x8x128xi32, #tpu.memory_space<vmem>> -> memref<1x8x128xi32, #tpu.memory_space<vmem>>
        %get3A_175 = tpu.memref_squeeze %get3A_174 : memref<1x8x128xi32, #tpu.memory_space<vmem>> -> memref<8x128xi32, #tpu.memory_space<vmem>>
        %get3A_176 = arith.index_cast %scan3A_147 : i32 to index
        %get3A_177 = arith.constant 0 : index
        %get3A_178 = tpu.vector_load %get3A_175[%get3A_176, %get3A_177] {strides = array<i32>} : memref<8x128xi32, #tpu.memory_space<vmem>>, vector<1x16xi32>,
        %get3A_179 = vector.shape_cast %get3A_178 : vector<1x16xi32> to vector<16xi32>
        %dma_start3A_180 = arith.constant 0 : i32
        %dma_start3A_181 = arith.constant 0 : i32
        %dma_start3A_182 = tpu.memref_slice %arg12[%dma_start3A_180, %dma_start3A_181] : memref<5120x128xf32, #tpu.memory_space<vmem_shared>> -> memref<5120x128xf32, #tpu.memory_space<vmem_shared>>
        tpu.enqueue_indirect_dma source(%arg9 : memref<16x128xf32, #tpu.memory_space<vmem>>) target(%dma_start3A_182 : memref<5120x128xf32, #tpu.memory_space<vmem_shared>>) offsets(%get3A_179 : vector<16xi32>) semaphore(%arg14 : memref<!tpu.dma_semaphore, #tpu.memory_space<semaphore_mem>>) {add = true}
        %dma_wait3A_183 = arith.constant 0 : i32
        %dma_wait3A_184 = arith.constant 0 : i32
        %dma_wait3A_185 = tpu.memref_slice %arg12[%dma_wait3A_183, %dma_wait3A_184] : memref<5120x128xf32, #tpu.memory_space<vmem_shared>> -> memref<5120x128xf32, #tpu.memory_space<vmem_shared>>
        tpu.wait_indirect_dma semaphore(%arg14 : memref<!tpu.dma_semaphore, #tpu.memory_space<semaphore_mem>>) src(%arg9 : memref<16x128xf32, #tpu.memory_space<vmem>>) dst(%dma_wait3A_185 : memref<5120x128xf32, #tpu.memory_space<vmem_shared>>)
        %get3A_186 = arith.constant 0 : i32
        %get3A_187 = arith.constant 0 : i32
        %get3A_188 = tpu.memref_slice %arg7[%scan3A_94, %get3A_186, %get3A_187] : memref<2x8x128xi32, #tpu.memory_space<vmem>> -> memref<1x8x128xi32, #tpu.memory_space<vmem>>
        %get3A_189 = tpu.memref_squeeze %get3A_188 : memref<1x8x128xi32, #tpu.memory_space<vmem>> -> memref<8x128xi32, #tpu.memory_space<vmem>>
        %get3A_190 = arith.index_cast %scan3A_147 : i32 to index
        %get3A_191 = arith.constant 32 : index
        %get3A_192 = tpu.vector_load %get3A_189[%get3A_190, %get3A_191] {strides = array<i32>} : memref<8x128xi32, #tpu.memory_space<vmem>>, vector<1x16xi32>,
        %get3A_193 = vector.shape_cast %get3A_192 : vector<1x16xi32> to vector<16xi32>
        %dma_start3A_194 = arith.constant 0 : i32
        %dma_start3A_195 = arith.constant 0 : i32
        %dma_start3A_196 = tpu.memref_slice %arg11[%dma_start3A_194, %dma_start3A_195] : memref<10000x128xf32, #tpu.memory_space<vmem_shared>> -> memref<10000x128xf32, #tpu.memory_space<vmem_shared>>
        tpu.enqueue_indirect_dma source(%dma_start3A_196 : memref<10000x128xf32, #tpu.memory_space<vmem_shared>>) target(%arg9 : memref<16x128xf32, #tpu.memory_space<vmem>>) offsets(%get3A_193 : vector<16xi32>) semaphore(%arg13 : memref<!tpu.dma_semaphore, #tpu.memory_space<semaphore_mem>>)
        %dma_wait3A_197 = arith.constant 0 : i32
        %dma_wait3A_198 = arith.constant 0 : i32
        %dma_wait3A_199 = tpu.memref_slice %arg11[%dma_wait3A_197, %dma_wait3A_198] : memref<10000x128xf32, #tpu.memory_space<vmem_shared>> -> memref<10000x128xf32, #tpu.memory_space<vmem_shared>>
        tpu.wait_indirect_dma semaphore(%arg13 : memref<!tpu.dma_semaphore, #tpu.memory_space<semaphore_mem>>) src(%dma_wait3A_199 : memref<10000x128xf32, #tpu.memory_space<vmem_shared>>) dst(%arg10 : memref<16x128xf32, #tpu.memory_space<vmem>>)
        %get3A_200 = arith.constant 0 : i32
        %get3A_201 = arith.constant 0 : i32
        %get3A_202 = tpu.memref_slice %arg8[%scan3A_95, %get3A_200, %get3A_201] : memref<2x8x128xi32, #tpu.memory_space<vmem>> -> memref<1x8x128xi32, #tpu.memory_space<vmem>>
        %get3A_203 = tpu.memref_squeeze %get3A_202 : memref<1x8x128xi32, #tpu.memory_space<vmem>> -> memref<8x128xi32, #tpu.memory_space<vmem>>
        %get3A_204 = arith.index_cast %scan3A_147 : i32 to index
        %get3A_205 = arith.constant 16 : index
        %get3A_206 = tpu.vector_load %get3A_203[%get3A_204, %get3A_205] {strides = array<i32>} : memref<8x128xi32, #tpu.memory_space<vmem>>, vector<1x16xi32>,
        %get3A_207 = vector.shape_cast %get3A_206 : vector<1x16xi32> to vector<16xi32>
        %dma_start3A_208 = arith.constant 0 : i32
        %dma_start3A_209 = arith.constant 0 : i32
        %dma_start3A_210 = tpu.memref_slice %arg12[%dma_start3A_208, %dma_start3A_209] : memref<5120x128xf32, #tpu.memory_space<vmem_shared>> -> memref<5120x128xf32, #tpu.memory_space<vmem_shared>>
        tpu.enqueue_indirect_dma source(%arg10 : memref<16x128xf32, #tpu.memory_space<vmem>>) target(%dma_start3A_210 : memref<5120x128xf32, #tpu.memory_space<vmem_shared>>) offsets(%get3A_207 : vector<16xi32>) semaphore(%arg14 : memref<!tpu.dma_semaphore, #tpu.memory_space<semaphore_mem>>) {add = true}
        %dma_wait3A_211 = arith.constant 0 : i32
        %dma_wait3A_212 = arith.constant 0 : i32
        %dma_wait3A_213 = tpu.memref_slice %arg12[%dma_wait3A_211, %dma_wait3A_212] : memref<5120x128xf32, #tpu.memory_space<vmem_shared>> -> memref<5120x128xf32, #tpu.memory_space<vmem_shared>>
        tpu.wait_indirect_dma semaphore(%arg14 : memref<!tpu.dma_semaphore, #tpu.memory_space<semaphore_mem>>) src(%arg10 : memref<16x128xf32, #tpu.memory_space<vmem>>) dst(%dma_wait3A_213 : memref<5120x128xf32, #tpu.memory_space<vmem_shared>>)
        %get3A_214 = arith.constant 0 : i32
        %get3A_215 = arith.constant 0 : i32
        %get3A_216 = tpu.memref_slice %arg7[%scan3A_94, %get3A_214, %get3A_215] : memref<2x8x128xi32, #tpu.memory_space<vmem>> -> memref<1x8x128xi32, #tpu.memory_space<vmem>>
        %get3A_217 = tpu.memref_squeeze %get3A_216 : memref<1x8x128xi32, #tpu.memory_space<vmem>> -> memref<8x128xi32, #tpu.memory_space<vmem>>
        %get3A_218 = arith.index_cast %scan3A_147 : i32 to index
        %get3A_219 = arith.constant 48 : index
        %get3A_220 = tpu.vector_load %get3A_217[%get3A_218, %get3A_219] {strides = array<i32>} : memref<8x128xi32, #tpu.memory_space<vmem>>, vector<1x16xi32>,
        %get3A_221 = vector.shape_cast %get3A_220 : vector<1x16xi32> to vector<16xi32>
        %dma_start3A_222 = arith.constant 0 : i32
        %dma_start3A_223 = arith.constant 0 : i32
        %dma_start3A_224 = tpu.memref_slice %arg11[%dma_start3A_222, %dma_start3A_223] : memref<10000x128xf32, #tpu.memory_space<vmem_shared>> -> memref<10000x128xf32, #tpu.memory_space<vmem_shared>>
        tpu.enqueue_indirect_dma source(%dma_start3A_224 : memref<10000x128xf32, #tpu.memory_space<vmem_shared>>) target(%arg10 : memref<16x128xf32, #tpu.memory_space<vmem>>) offsets(%get3A_221 : vector<16xi32>) semaphore(%arg13 : memref<!tpu.dma_semaphore, #tpu.memory_space<semaphore_mem>>)
        %dma_wait3A_225 = arith.constant 0 : i32
        %dma_wait3A_226 = arith.constant 0 : i32
        %dma_wait3A_227 = tpu.memref_slice %arg11[%dma_wait3A_225, %dma_wait3A_226] : memref<10000x128xf32, #tpu.memory_space<vmem_shared>> -> memref<10000x128xf32, #tpu.memory_space<vmem_shared>>
        tpu.wait_indirect_dma semaphore(%arg13 : memref<!tpu.dma_semaphore, #tpu.memory_space<semaphore_mem>>) src(%dma_wait3A_227 : memref<10000x128xf32, #tpu.memory_space<vmem_shared>>) dst(%arg9 : memref<16x128xf32, #tpu.memory_space<vmem>>)
        %get3A_228 = arith.constant 0 : i32
        %get3A_229 = arith.constant 0 : i32
        %get3A_230 = tpu.memref_slice %arg8[%scan3A_95, %get3A_228, %get3A_229] : memref<2x8x128xi32, #tpu.memory_space<vmem>> -> memref<1x8x128xi32, #tpu.memory_space<vmem>>
        %get3A_231 = tpu.memref_squeeze %get3A_230 : memref<1x8x128xi32, #tpu.memory_space<vmem>> -> memref<8x128xi32, #tpu.memory_space<vmem>>
        %get3A_232 = arith.index_cast %scan3A_147 : i32 to index
        %get3A_233 = arith.constant 32 : index
        %get3A_234 = tpu.vector_load %get3A_231[%get3A_232, %get3A_233] {strides = array<i32>} : memref<8x128xi32, #tpu.memory_space<vmem>>, vector<1x16xi32>,
        %get3A_235 = vector.shape_cast %get3A_234 : vector<1x16xi32> to vector<16xi32>
        %dma_start3A_236 = arith.constant 0 : i32
        %dma_start3A_237 = arith.constant 0 : i32
        %dma_start3A_238 = tpu.memref_slice %arg12[%dma_start3A_236, %dma_start3A_237] : memref<5120x128xf32, #tpu.memory_space<vmem_shared>> -> memref<5120x128xf32, #tpu.memory_space<vmem_shared>>
        tpu.enqueue_indirect_dma source(%arg9 : memref<16x128xf32, #tpu.memory_space<vmem>>) target(%dma_start3A_238 : memref<5120x128xf32, #tpu.memory_space<vmem_shared>>) offsets(%get3A_235 : vector<16xi32>) semaphore(%arg14 : memref<!tpu.dma_semaphore, #tpu.memory_space<semaphore_mem>>) {add = true}
        %dma_wait3A_239 = arith.constant 0 : i32
        %dma_wait3A_240 = arith.constant 0 : i32
        %dma_wait3A_241 = tpu.memref_slice %arg12[%dma_wait3A_239, %dma_wait3A_240] : memref<5120x128xf32, #tpu.memory_space<vmem_shared>> -> memref<5120x128xf32, #tpu.memory_space<vmem_shared>>
        tpu.wait_indirect_dma semaphore(%arg14 : memref<!tpu.dma_semaphore, #tpu.memory_space<semaphore_mem>>) src(%arg9 : memref<16x128xf32, #tpu.memory_space<vmem>>) dst(%dma_wait3A_241 : memref<5120x128xf32, #tpu.memory_space<vmem_shared>>)
        %get3A_242 = arith.constant 0 : i32
        %get3A_243 = arith.constant 0 : i32
        %get3A_244 = tpu.memref_slice %arg7[%scan3A_94, %get3A_242, %get3A_243] : memref<2x8x128xi32, #tpu.memory_space<vmem>> -> memref<1x8x128xi32, #tpu.memory_space<vmem>>
        %get3A_245 = tpu.memref_squeeze %get3A_244 : memref<1x8x128xi32, #tpu.memory_space<vmem>> -> memref<8x128xi32, #tpu.memory_space<vmem>>
        %get3A_246 = arith.index_cast %scan3A_147 : i32 to index
        %get3A_247 = arith.constant 64 : index
        %get3A_248 = tpu.vector_load %get3A_245[%get3A_246, %get3A_247] {strides = array<i32>} : memref<8x128xi32, #tpu.memory_space<vmem>>, vector<1x16xi32>,
        %get3A_249 = vector.shape_cast %get3A_248 : vector<1x16xi32> to vector<16xi32>
        %dma_start3A_250 = arith.constant 0 : i32
        %dma_start3A_251 = arith.constant 0 : i32
        %dma_start3A_252 = tpu.memref_slice %arg11[%dma_start3A_250, %dma_start3A_251] : memref<10000x128xf32, #tpu.memory_space<vmem_shared>> -> memref<10000x128xf32, #tpu.memory_space<vmem_shared>>
        tpu.enqueue_indirect_dma source(%dma_start3A_252 : memref<10000x128xf32, #tpu.memory_space<vmem_shared>>) target(%arg9 : memref<16x128xf32, #tpu.memory_space<vmem>>) offsets(%get3A_249 : vector<16xi32>) semaphore(%arg13 : memref<!tpu.dma_semaphore, #tpu.memory_space<semaphore_mem>>)
        %dma_wait3A_253 = arith.constant 0 : i32
        %dma_wait3A_254 = arith.constant 0 : i32
        %dma_wait3A_255 = tpu.memref_slice %arg11[%dma_wait3A_253, %dma_wait3A_254] : memref<10000x128xf32, #tpu.memory_space<vmem_shared>> -> memref<10000x128xf32, #tpu.memory_space<vmem_shared>>
        tpu.wait_indirect_dma semaphore(%arg13 : memref<!tpu.dma_semaphore, #tpu.memory_space<semaphore_mem>>) src(%dma_wait3A_255 : memref<10000x128xf32, #tpu.memory_space<vmem_shared>>) dst(%arg10 : memref<16x128xf32, #tpu.memory_space<vmem>>)
        %get3A_256 = arith.constant 0 : i32
        %get3A_257 = arith.constant 0 : i32
        %get3A_258 = tpu.memref_slice %arg8[%scan3A_95, %get3A_256, %get3A_257] : memref<2x8x128xi32, #tpu.memory_space<vmem>> -> memref<1x8x128xi32, #tpu.memory_space<vmem>>
        %get3A_259 = tpu.memref_squeeze %get3A_258 : memref<1x8x128xi32, #tpu.memory_space<vmem>> -> memref<8x128xi32, #tpu.memory_space<vmem>>
        %get3A_260 = arith.index_cast %scan3A_147 : i32 to index
        %get3A_261 = arith.constant 48 : index
        %get3A_262 = tpu.vector_load %get3A_259[%get3A_260, %get3A_261] {strides = array<i32>} : memref<8x128xi32, #tpu.memory_space<vmem>>, vector<1x16xi32>,
        %get3A_263 = vector.shape_cast %get3A_262 : vector<1x16xi32> to vector<16xi32>
        %dma_start3A_264 = arith.constant 0 : i32
        %dma_start3A_265 = arith.constant 0 : i32
        %dma_start3A_266 = tpu.memref_slice %arg12[%dma_start3A_264, %dma_start3A_265] : memref<5120x128xf32, #tpu.memory_space<vmem_shared>> -> memref<5120x128xf32, #tpu.memory_space<vmem_shared>>
        tpu.enqueue_indirect_dma source(%arg10 : memref<16x128xf32, #tpu.memory_space<vmem>>) target(%dma_start3A_266 : memref<5120x128xf32, #tpu.memory_space<vmem_shared>>) offsets(%get3A_263 : vector<16xi32>) semaphore(%arg14 : memref<!tpu.dma_semaphore, #tpu.memory_space<semaphore_mem>>) {add = true}
        %dma_wait3A_267 = arith.constant 0 : i32
        %dma_wait3A_268 = arith.constant 0 : i32
        %dma_wait3A_269 = tpu.memref_slice %arg12[%dma_wait3A_267, %dma_wait3A_268] : memref<5120x128xf32, #tpu.memory_space<vmem_shared>> -> memref<5120x128xf32, #tpu.memory_space<vmem_shared>>
        tpu.wait_indirect_dma semaphore(%arg14 : memref<!tpu.dma_semaphore, #tpu.memory_space<semaphore_mem>>) src(%arg10 : memref<16x128xf32, #tpu.memory_space<vmem>>) dst(%dma_wait3A_269 : memref<5120x128xf32, #tpu.memory_space<vmem_shared>>)
        %get3A_270 = arith.constant 0 : i32
        %get3A_271 = arith.constant 0 : i32
        %get3A_272 = tpu.memref_slice %arg7[%scan3A_94, %get3A_270, %get3A_271] : memref<2x8x128xi32, #tpu.memory_space<vmem>> -> memref<1x8x128xi32, #tpu.memory_space<vmem>>
        %get3A_273 = tpu.memref_squeeze %get3A_272 : memref<1x8x128xi32, #tpu.memory_space<vmem>> -> memref<8x128xi32, #tpu.memory_space<vmem>>
        %get3A_274 = arith.index_cast %scan3A_147 : i32 to index
        %get3A_275 = arith.constant 80 : index
        %get3A_276 = tpu.vector_load %get3A_273[%get3A_274, %get3A_275] {strides = array<i32>} : memref<8x128xi32, #tpu.memory_space<vmem>>, vector<1x16xi32>,
        %get3A_277 = vector.shape_cast %get3A_276 : vector<1x16xi32> to vector<16xi32>
        %dma_start3A_278 = arith.constant 0 : i32
        %dma_start3A_279 = arith.constant 0 : i32
        %dma_start3A_280 = tpu.memref_slice %arg11[%dma_start3A_278, %dma_start3A_279] : memref<10000x128xf32, #tpu.memory_space<vmem_shared>> -> memref<10000x128xf32, #tpu.memory_space<vmem_shared>>
        tpu.enqueue_indirect_dma source(%dma_start3A_280 : memref<10000x128xf32, #tpu.memory_space<vmem_shared>>) target(%arg10 : memref<16x128xf32, #tpu.memory_space<vmem>>) offsets(%get3A_277 : vector<16xi32>) semaphore(%arg13 : memref<!tpu.dma_semaphore, #tpu.memory_space<semaphore_mem>>)
        %dma_wait3A_281 = arith.constant 0 : i32
        %dma_wait3A_282 = arith.constant 0 : i32
        %dma_wait3A_283 = tpu.memref_slice %arg11[%dma_wait3A_281, %dma_wait3A_282] : memref<10000x128xf32, #tpu.memory_space<vmem_shared>> -> memref<10000x128xf32, #tpu.memory_space<vmem_shared>>
        tpu.wait_indirect_dma semaphore(%arg13 : memref<!tpu.dma_semaphore, #tpu.memory_space<semaphore_mem>>) src(%dma_wait3A_283 : memref<10000x128xf32, #tpu.memory_space<vmem_shared>>) dst(%arg9 : memref<16x128xf32, #tpu.memory_space<vmem>>)
        %get3A_284 = arith.constant 0 : i32
        %get3A_285 = arith.constant 0 : i32
        %get3A_286 = tpu.memref_slice %arg8[%scan3A_95, %get3A_284, %get3A_285] : memref<2x8x128xi32, #tpu.memory_space<vmem>> -> memref<1x8x128xi32, #tpu.memory_space<vmem>>
        %get3A_287 = tpu.memref_squeeze %get3A_286 : memref<1x8x128xi32, #tpu.memory_space<vmem>> -> memref<8x128xi32, #tpu.memory_space<vmem>>
        %get3A_288 = arith.index_cast %scan3A_147 : i32 to index
        %get3A_289 = arith.constant 64 : index
        %get3A_290 = tpu.vector_load %get3A_287[%get3A_288, %get3A_289] {strides = array<i32>} : memref<8x128xi32, #tpu.memory_space<vmem>>, vector<1x16xi32>,
        %get3A_291 = vector.shape_cast %get3A_290 : vector<1x16xi32> to vector<16xi32>
        %dma_start3A_292 = arith.constant 0 : i32
        %dma_start3A_293 = arith.constant 0 : i32
        %dma_start3A_294 = tpu.memref_slice %arg12[%dma_start3A_292, %dma_start3A_293] : memref<5120x128xf32, #tpu.memory_space<vmem_shared>> -> memref<5120x128xf32, #tpu.memory_space<vmem_shared>>
        tpu.enqueue_indirect_dma source(%arg9 : memref<16x128xf32, #tpu.memory_space<vmem>>) target(%dma_start3A_294 : memref<5120x128xf32, #tpu.memory_space<vmem_shared>>) offsets(%get3A_291 : vector<16xi32>) semaphore(%arg14 : memref<!tpu.dma_semaphore, #tpu.memory_space<semaphore_mem>>) {add = true}
        %dma_wait3A_295 = arith.constant 0 : i32
        %dma_wait3A_296 = arith.constant 0 : i32
        %dma_wait3A_297 = tpu.memref_slice %arg12[%dma_wait3A_295, %dma_wait3A_296] : memref<5120x128xf32, #tpu.memory_space<vmem_shared>> -> memref<5120x128xf32, #tpu.memory_space<vmem_shared>>
        tpu.wait_indirect_dma semaphore(%arg14 : memref<!tpu.dma_semaphore, #tpu.memory_space<semaphore_mem>>) src(%arg9 : memref<16x128xf32, #tpu.memory_space<vmem>>) dst(%dma_wait3A_297 : memref<5120x128xf32, #tpu.memory_space<vmem_shared>>)
        %get3A_298 = arith.constant 0 : i32
        %get3A_299 = arith.constant 0 : i32
        %get3A_300 = tpu.memref_slice %arg7[%scan3A_94, %get3A_298, %get3A_299] : memref<2x8x128xi32, #tpu.memory_space<vmem>> -> memref<1x8x128xi32, #tpu.memory_space<vmem>>
        %get3A_301 = tpu.memref_squeeze %get3A_300 : memref<1x8x128xi32, #tpu.memory_space<vmem>> -> memref<8x128xi32, #tpu.memory_space<vmem>>
        %get3A_302 = arith.index_cast %scan3A_147 : i32 to index
        %get3A_303 = arith.constant 96 : index
        %get3A_304 = tpu.vector_load %get3A_301[%get3A_302, %get3A_303] {strides = array<i32>} : memref<8x128xi32, #tpu.memory_space<vmem>>, vector<1x16xi32>,
        %get3A_305 = vector.shape_cast %get3A_304 : vector<1x16xi32> to vector<16xi32>
        %dma_start3A_306 = arith.constant 0 : i32
        %dma_start3A_307 = arith.constant 0 : i32
        %dma_start3A_308 = tpu.memref_slice %arg11[%dma_start3A_306, %dma_start3A_307] : memref<10000x128xf32, #tpu.memory_space<vmem_shared>> -> memref<10000x128xf32, #tpu.memory_space<vmem_shared>>
        tpu.enqueue_indirect_dma source(%dma_start3A_308 : memref<10000x128xf32, #tpu.memory_space<vmem_shared>>) target(%arg9 : memref<16x128xf32, #tpu.memory_space<vmem>>) offsets(%get3A_305 : vector<16xi32>) semaphore(%arg13 : memref<!tpu.dma_semaphore, #tpu.memory_space<semaphore_mem>>)
        %dma_wait3A_309 = arith.constant 0 : i32
        %dma_wait3A_310 = arith.constant 0 : i32
        %dma_wait3A_311 = tpu.memref_slice %arg11[%dma_wait3A_309, %dma_wait3A_310] : memref<10000x128xf32, #tpu.memory_space<vmem_shared>> -> memref<10000x128xf32, #tpu.memory_space<vmem_shared>>
        tpu.wait_indirect_dma semaphore(%arg13 : memref<!tpu.dma_semaphore, #tpu.memory_space<semaphore_mem>>) src(%dma_wait3A_311 : memref<10000x128xf32, #tpu.memory_space<vmem_shared>>) dst(%arg10 : memref<16x128xf32, #tpu.memory_space<vmem>>)
        %get3A_312 = arith.constant 0 : i32
        %get3A_313 = arith.constant 0 : i32
        %get3A_314 = tpu.memref_slice %arg8[%scan3A_95, %get3A_312, %get3A_313] : memref<2x8x128xi32, #tpu.memory_space<vmem>> -> memref<1x8x128xi32, #tpu.memory_space<vmem>>
        %get3A_315 = tpu.memref_squeeze %get3A_314 : memref<1x8x128xi32, #tpu.memory_space<vmem>> -> memref<8x128xi32, #tpu.memory_space<vmem>>
        %get3A_316 = arith.index_cast %scan3A_147 : i32 to index
        %get3A_317 = arith.constant 80 : index
        %get3A_318 = tpu.vector_load %get3A_315[%get3A_316, %get3A_317] {strides = array<i32>} : memref<8x128xi32, #tpu.memory_space<vmem>>, vector<1x16xi32>,
        %get3A_319 = vector.shape_cast %get3A_318 : vector<1x16xi32> to vector<16xi32>
        %dma_start3A_320 = arith.constant 0 : i32
        %dma_start3A_321 = arith.constant 0 : i32
        %dma_start3A_322 = tpu.memref_slice %arg12[%dma_start3A_320, %dma_start3A_321] : memref<5120x128xf32, #tpu.memory_space<vmem_shared>> -> memref<5120x128xf32, #tpu.memory_space<vmem_shared>>
        tpu.enqueue_indirect_dma source(%arg10 : memref<16x128xf32, #tpu.memory_space<vmem>>) target(%dma_start3A_322 : memref<5120x128xf32, #tpu.memory_space<vmem_shared>>) offsets(%get3A_319 : vector<16xi32>) semaphore(%arg14 : memref<!tpu.dma_semaphore, #tpu.memory_space<semaphore_mem>>) {add = true}
        %dma_wait3A_323 = arith.constant 0 : i32
        %dma_wait3A_324 = arith.constant 0 : i32
        %dma_wait3A_325 = tpu.memref_slice %arg12[%dma_wait3A_323, %dma_wait3A_324] : memref<5120x128xf32, #tpu.memory_space<vmem_shared>> -> memref<5120x128xf32, #tpu.memory_space<vmem_shared>>
        tpu.wait_indirect_dma semaphore(%arg14 : memref<!tpu.dma_semaphore, #tpu.memory_space<semaphore_mem>>) src(%arg10 : memref<16x128xf32, #tpu.memory_space<vmem>>) dst(%dma_wait3A_325 : memref<5120x128xf32, #tpu.memory_space<vmem_shared>>)
        %get3A_326 = arith.constant 0 : i32
        %get3A_327 = arith.constant 0 : i32
        %get3A_328 = tpu.memref_slice %arg7[%scan3A_94, %get3A_326, %get3A_327] : memref<2x8x128xi32, #tpu.memory_space<vmem>> -> memref<1x8x128xi32, #tpu.memory_space<vmem>>
        %get3A_329 = tpu.memref_squeeze %get3A_328 : memref<1x8x128xi32, #tpu.memory_space<vmem>> -> memref<8x128xi32, #tpu.memory_space<vmem>>
        %get3A_330 = arith.index_cast %scan3A_147 : i32 to index
        %get3A_331 = arith.constant 112 : index
        %get3A_332 = tpu.vector_load %get3A_329[%get3A_330, %get3A_331] {strides = array<i32>} : memref<8x128xi32, #tpu.memory_space<vmem>>, vector<1x16xi32>,
        %get3A_333 = vector.shape_cast %get3A_332 : vector<1x16xi32> to vector<16xi32>
        %dma_start3A_334 = arith.constant 0 : i32
        %dma_start3A_335 = arith.constant 0 : i32
        %dma_start3A_336 = tpu.memref_slice %arg11[%dma_start3A_334, %dma_start3A_335] : memref<10000x128xf32, #tpu.memory_space<vmem_shared>> -> memref<10000x128xf32, #tpu.memory_space<vmem_shared>>
        tpu.enqueue_indirect_dma source(%dma_start3A_336 : memref<10000x128xf32, #tpu.memory_space<vmem_shared>>) target(%arg10 : memref<16x128xf32, #tpu.memory_space<vmem>>) offsets(%get3A_333 : vector<16xi32>) semaphore(%arg13 : memref<!tpu.dma_semaphore, #tpu.memory_space<semaphore_mem>>)
        %dma_wait3A_337 = arith.constant 0 : i32
        %dma_wait3A_338 = arith.constant 0 : i32
        %dma_wait3A_339 = tpu.memref_slice %arg11[%dma_wait3A_337, %dma_wait3A_338] : memref<10000x128xf32, #tpu.memory_space<vmem_shared>> -> memref<10000x128xf32, #tpu.memory_space<vmem_shared>>
        tpu.wait_indirect_dma semaphore(%arg13 : memref<!tpu.dma_semaphore, #tpu.memory_space<semaphore_mem>>) src(%dma_wait3A_339 : memref<10000x128xf32, #tpu.memory_space<vmem_shared>>) dst(%arg9 : memref<16x128xf32, #tpu.memory_space<vmem>>)
        %get3A_340 = arith.constant 0 : i32
        %get3A_341 = arith.constant 0 : i32
        %get3A_342 = tpu.memref_slice %arg8[%scan3A_95, %get3A_340, %get3A_341] : memref<2x8x128xi32, #tpu.memory_space<vmem>> -> memref<1x8x128xi32, #tpu.memory_space<vmem>>
        %get3A_343 = tpu.memref_squeeze %get3A_342 : memref<1x8x128xi32, #tpu.memory_space<vmem>> -> memref<8x128xi32, #tpu.memory_space<vmem>>
        %get3A_344 = arith.index_cast %scan3A_147 : i32 to index
        %get3A_345 = arith.constant 96 : index
        %get3A_346 = tpu.vector_load %get3A_343[%get3A_344, %get3A_345] {strides = array<i32>} : memref<8x128xi32, #tpu.memory_space<vmem>>, vector<1x16xi32>,
        %get3A_347 = vector.shape_cast %get3A_346 : vector<1x16xi32> to vector<16xi32>
        %dma_start3A_348 = arith.constant 0 : i32
        %dma_start3A_349 = arith.constant 0 : i32
        %dma_start3A_350 = tpu.memref_slice %arg12[%dma_start3A_348, %dma_start3A_349] : memref<5120x128xf32, #tpu.memory_space<vmem_shared>> -> memref<5120x128xf32, #tpu.memory_space<vmem_shared>>
        tpu.enqueue_indirect_dma source(%arg9 : memref<16x128xf32, #tpu.memory_space<vmem>>) target(%dma_start3A_350 : memref<5120x128xf32, #tpu.memory_space<vmem_shared>>) offsets(%get3A_347 : vector<16xi32>) semaphore(%arg14 : memref<!tpu.dma_semaphore, #tpu.memory_space<semaphore_mem>>) {add = true}
        %dma_wait3A_351 = arith.constant 0 : i32
        %dma_wait3A_352 = arith.constant 0 : i32
        %dma_wait3A_353 = tpu.memref_slice %arg11[%dma_wait3A_351, %dma_wait3A_352] : memref<10000x128xf32, #tpu.memory_space<vmem_shared>> -> memref<10000x128xf32, #tpu.memory_space<vmem_shared>>
        tpu.wait_indirect_dma semaphore(%arg13 : memref<!tpu.dma_semaphore, #tpu.memory_space<semaphore_mem>>) src(%dma_wait3A_353 : memref<10000x128xf32, #tpu.memory_space<vmem_shared>>) dst(%arg10 : memref<16x128xf32, #tpu.memory_space<vmem>>)
        %get3A_354 = arith.constant 0 : i32
        %get3A_355 = arith.constant 0 : i32
        %get3A_356 = tpu.memref_slice %arg8[%scan3A_95, %get3A_354, %get3A_355] : memref<2x8x128xi32, #tpu.memory_space<vmem>> -> memref<1x8x128xi32, #tpu.memory_space<vmem>>
        %get3A_357 = tpu.memref_squeeze %get3A_356 : memref<1x8x128xi32, #tpu.memory_space<vmem>> -> memref<8x128xi32, #tpu.memory_space<vmem>>
        %get3A_358 = arith.index_cast %scan3A_147 : i32 to index
        %get3A_359 = arith.constant 112 : index
        %get3A_360 = tpu.vector_load %get3A_357[%get3A_358, %get3A_359] {strides = array<i32>} : memref<8x128xi32, #tpu.memory_space<vmem>>, vector<1x16xi32>,
        %get3A_361 = vector.shape_cast %get3A_360 : vector<1x16xi32> to vector<16xi32>
        %dma_start3A_362 = arith.constant 0 : i32
        %dma_start3A_363 = arith.constant 0 : i32
        %dma_start3A_364 = tpu.memref_slice %arg12[%dma_start3A_362, %dma_start3A_363] : memref<5120x128xf32, #tpu.memory_space<vmem_shared>> -> memref<5120x128xf32, #tpu.memory_space<vmem_shared>>
        tpu.enqueue_indirect_dma source(%arg10 : memref<16x128xf32, #tpu.memory_space<vmem>>) target(%dma_start3A_364 : memref<5120x128xf32, #tpu.memory_space<vmem_shared>>) offsets(%get3A_361 : vector<16xi32>) semaphore(%arg14 : memref<!tpu.dma_semaphore, #tpu.memory_space<semaphore_mem>>) {add = true}
        %dma_wait3A_365 = arith.constant 0 : i32
        %dma_wait3A_366 = arith.constant 0 : i32
        %dma_wait3A_367 = tpu.memref_slice %arg12[%dma_wait3A_365, %dma_wait3A_366] : memref<5120x128xf32, #tpu.memory_space<vmem_shared>> -> memref<5120x128xf32, #tpu.memory_space<vmem_shared>>
        tpu.wait_indirect_dma semaphore(%arg14 : memref<!tpu.dma_semaphore, #tpu.memory_space<semaphore_mem>>) src(%arg9 : memref<16x128xf32, #tpu.memory_space<vmem>>) dst(%dma_wait3A_367 : memref<5120x128xf32, #tpu.memory_space<vmem_shared>>)
        %dma_wait3A_368 = arith.constant 0 : i32
        %dma_wait3A_369 = arith.constant 0 : i32
        %dma_wait3A_370 = tpu.memref_slice %arg12[%dma_wait3A_368, %dma_wait3A_369] : memref<5120x128xf32, #tpu.memory_space<vmem_shared>> -> memref<5120x128xf32, #tpu.memory_space<vmem_shared>>
        tpu.wait_indirect_dma semaphore(%arg14 : memref<!tpu.dma_semaphore, #tpu.memory_space<semaphore_mem>>) src(%arg10 : memref<16x128xf32, #tpu.memory_space<vmem>>) dst(%dma_wait3A_370 : memref<5120x128xf32, #tpu.memory_space<vmem_shared>>)
      }
      %scan3A_100 = arith.constant 8 : i32
      %mul3A_101 = arith.constant 2 : i32
      %mul3A_102 = arith.muli %mul3A_101, %scan3A_56 : i32
      %add3A = arith.constant 1 : i32
      %add3A_103 = arith.addi %mul3A_102, %add3A : i32
      %dma_wait3A_104 = arith.constant 1 : i32
      %dma_wait3A_105 = arith.constant 0 : i32
      %dma_wait3A_106 = arith.constant 0 : i32
      %dma_wait3A_107 = tpu.memref_slice %arg7[%dma_wait3A_104, %dma_wait3A_105, %dma_wait3A_106] : memref<2x8x128xi32, #tpu.memory_space<vmem>> -> memref<1x8x128xi32, #tpu.memory_space<vmem>>
      %dma_wait3A_108 = tpu.memref_squeeze %dma_wait3A_107 : memref<1x8x128xi32, #tpu.memory_space<vmem>> -> memref<8x128xi32, #tpu.memory_space<vmem>>
      %dma_wait3A_109 = arith.constant 0 : i32
      %dma_wait3A_110 = arith.constant 0 : i32
      %dma_wait3A_111 = tpu.memref_slice %arg3[%dma_wait3A_109, %dma_wait3A_110] : memref<2560x128xi32, #tpu.memory_space<hbm>> -> memref<8x128xi32, #tpu.memory_space<hbm>>
      %dma_wait3A_112 = arith.constant 0 : i32
      %dma_wait3A_113 = arith.constant 0 : i32
      %dma_wait3A_114 = tpu.memref_slice %arg7[%dma_wait3A_104, %dma_wait3A_112, %dma_wait3A_113] : memref<2x8x128xi32, #tpu.memory_space<vmem>> -> memref<1x8x128xi32, #tpu.memory_space<vmem>>
      %dma_wait3A_115 = tpu.memref_squeeze %dma_wait3A_114 : memref<1x8x128xi32, #tpu.memory_space<vmem>> -> memref<8x128xi32, #tpu.memory_space<vmem>>
      %dma_wait3A_116 = arith.constant 0 : i32
      %dma_wait3A_117 = arith.constant 0 : i32
      %dma_wait3A_118 = tpu.memref_slice %arg3[%dma_wait3A_116, %dma_wait3A_117] : memref<2560x128xi32, #tpu.memory_space<hbm>> -> memref<8x128xi32, #tpu.memory_space<hbm>>
      tpu.wait_dma2 semaphore(%arg15 : memref<!tpu.dma_semaphore, #tpu.memory_space<semaphore_mem>>) src(%dma_wait3A_118 : memref<8x128xi32, #tpu.memory_space<hbm>>) dst(%dma_wait3A_115 : memref<8x128xi32, #tpu.memory_space<vmem>>)
      %dma_wait3A_119 = arith.constant 1 : i32
      %dma_wait3A_120 = arith.constant 0 : i32
      %dma_wait3A_121 = arith.constant 0 : i32
      %dma_wait3A_122 = tpu.memref_slice %arg8[%dma_wait3A_119, %dma_wait3A_120, %dma_wait3A_121] : memref<2x8x128xi32, #tpu.memory_space<vmem>> -> memref<1x8x128xi32, #tpu.memory_space<vmem>>
      %dma_wait3A_123 = tpu.memref_squeeze %dma_wait3A_122 : memref<1x8x128xi32, #tpu.memory_space<vmem>> -> memref<8x128xi32, #tpu.memory_space<vmem>>
      %dma_wait3A_124 = arith.constant 0 : i32
      %dma_wait3A_125 = arith.constant 0 : i32
      %dma_wait3A_126 = tpu.memref_slice %arg3[%dma_wait3A_124, %dma_wait3A_125] : memref<2560x128xi32, #tpu.memory_space<hbm>> -> memref<8x128xi32, #tpu.memory_space<hbm>>
      %dma_wait3A_127 = arith.constant 0 : i32
      %dma_wait3A_128 = arith.constant 0 : i32
      %dma_wait3A_129 = tpu.memref_slice %arg8[%dma_wait3A_119, %dma_wait3A_127, %dma_wait3A_128] : memref<2x8x128xi32, #tpu.memory_space<vmem>> -> memref<1x8x128xi32, #tpu.memory_space<vmem>>
      %dma_wait3A_130 = tpu.memref_squeeze %dma_wait3A_129 : memref<1x8x128xi32, #tpu.memory_space<vmem>> -> memref<8x128xi32, #tpu.memory_space<vmem>>
      %dma_wait3A_131 = arith.constant 0 : i32
      %dma_wait3A_132 = arith.constant 0 : i32
      %dma_wait3A_133 = tpu.memref_slice %arg3[%dma_wait3A_131, %dma_wait3A_132] : memref<2560x128xi32, #tpu.memory_space<hbm>> -> memref<8x128xi32, #tpu.memory_space<hbm>>
      tpu.wait_dma2 semaphore(%arg15 : memref<!tpu.dma_semaphore, #tpu.memory_space<semaphore_mem>>) src(%dma_wait3A_133 : memref<8x128xi32, #tpu.memory_space<hbm>>) dst(%dma_wait3A_130 : memref<8x128xi32, #tpu.memory_space<vmem>>)
      %lt3A_134 = arith.constant 19 : i32
      %lt3A_135 = arith.cmpi slt, %add3A_103, %lt3A_134 : i32
      %convert_element_type3A_136 = arith.extui %lt3A_135 : i1 to i32
      %cond3A_137 = arith.constant 0 : i32
      %cond3A_138 = arith.cmpi ne, %convert_element_type3A_136, %cond3A_137 : i32
      scf.if %cond3A_138 {
        %mul3A_147 = arith.constant 20 : i32
        %mul3A_148 = arith.muli %arg1, %mul3A_147 : i32
        %add3A_149 = arith.addi %mul3A_148, %add3A_103 : i32
        %add3A_150 = arith.constant 1 : i32
        %add3A_151 = arith.addi %add3A_149, %add3A_150 : i32
        %mul3A_152 = arith.constant 8 : i32
        %mul3A_153 = arith.muli %add3A_151, %mul3A_152 : i32
        %dma_start3A_154 = arith.constant 0 : i32
        %dma_start3A_155 = arith.constant 0 : i32
        %dma_start3A_156 = arith.constant 0 : i32
        %dma_start3A_157 = tpu.memref_slice %arg7[%dma_start3A_154, %dma_start3A_155, %dma_start3A_156] : memref<2x8x128xi32, #tpu.memory_space<vmem>> -> memref<1x8x128xi32, #tpu.memory_space<vmem>>
        %dma_start3A_158 = tpu.memref_squeeze %dma_start3A_157 : memref<1x8x128xi32, #tpu.memory_space<vmem>> -> memref<8x128xi32, #tpu.memory_space<vmem>>
        %dma_start3A_159 = arith.constant 0 : i32
        %dma_start3A_160 = tpu.memref_slice %arg3[%mul3A_153, %dma_start3A_159] : memref<2560x128xi32, #tpu.memory_space<hbm>> -> memref<8x128xi32, #tpu.memory_space<hbm>>
        %dma_start3A_161 = arith.constant 0 : i32
        %dma_start3A_162 = arith.constant 0 : i32
        %dma_start3A_163 = tpu.memref_slice %arg7[%dma_start3A_154, %dma_start3A_161, %dma_start3A_162] : memref<2x8x128xi32, #tpu.memory_space<vmem>> -> memref<1x8x128xi32, #tpu.memory_space<vmem>>
        %dma_start3A_164 = tpu.memref_squeeze %dma_start3A_163 : memref<1x8x128xi32, #tpu.memory_space<vmem>> -> memref<8x128xi32, #tpu.memory_space<vmem>>
        %dma_start3A_165 = arith.constant 0 : i32
        %dma_start3A_166 = tpu.memref_slice %arg3[%mul3A_153, %dma_start3A_165] : memref<2560x128xi32, #tpu.memory_space<hbm>> -> memref<8x128xi32, #tpu.memory_space<hbm>>
        tpu.enqueue_dma source(%dma_start3A_166 : memref<8x128xi32, #tpu.memory_space<hbm>>) target(%dma_start3A_164 : memref<8x128xi32, #tpu.memory_space<vmem>>) target_semaphore(%arg15 : memref<!tpu.dma_semaphore, #tpu.memory_space<semaphore_mem>>)
        %mul3A_167 = arith.constant 8 : i32
        %mul3A_168 = arith.muli %add3A_151, %mul3A_167 : i32
        %dma_start3A_169 = arith.constant 0 : i32
        %dma_start3A_170 = arith.constant 0 : i32
        %dma_start3A_171 = arith.constant 0 : i32
        %dma_start3A_172 = tpu.memref_slice %arg8[%dma_start3A_169, %dma_start3A_170, %dma_start3A_171] : memref<2x8x128xi32, #tpu.memory_space<vmem>> -> memref<1x8x128xi32, #tpu.memory_space<vmem>>
        %dma_start3A_173 = tpu.memref_squeeze %dma_start3A_172 : memref<1x8x128xi32, #tpu.memory_space<vmem>> -> memref<8x128xi32, #tpu.memory_space<vmem>>
        %dma_start3A_174 = arith.constant 0 : i32
        %dma_start3A_175 = tpu.memref_slice %arg4[%arg0, %mul3A_168, %dma_start3A_174] : memref<2x2560x128xi32, #tpu.memory_space<hbm>> -> memref<1x8x128xi32, #tpu.memory_space<hbm>>
        %dma_start3A_176 = tpu.memref_squeeze %dma_start3A_175 : memref<1x8x128xi32, #tpu.memory_space<hbm>> -> memref<8x128xi32, #tpu.memory_space<hbm>>
        %dma_start3A_177 = arith.constant 0 : i32
        %dma_start3A_178 = arith.constant 0 : i32
        %dma_start3A_179 = tpu.memref_slice %arg8[%dma_start3A_169, %dma_start3A_177, %dma_start3A_178] : memref<2x8x128xi32, #tpu.memory_space<vmem>> -> memref<1x8x128xi32, #tpu.memory_space<vmem>>
        %dma_start3A_180 = tpu.memref_squeeze %dma_start3A_179 : memref<1x8x128xi32, #tpu.memory_space<vmem>> -> memref<8x128xi32, #tpu.memory_space<vmem>>
        %dma_start3A_181 = arith.constant 0 : i32
        %dma_start3A_182 = tpu.memref_slice %arg4[%arg0, %mul3A_168, %dma_start3A_181] : memref<2x2560x128xi32, #tpu.memory_space<hbm>> -> memref<1x8x128xi32, #tpu.memory_space<hbm>>
        %dma_start3A_183 = tpu.memref_squeeze %dma_start3A_182 : memref<1x8x128xi32, #tpu.memory_space<hbm>> -> memref<8x128xi32, #tpu.memory_space<hbm>>
        tpu.enqueue_dma source(%dma_start3A_183 : memref<8x128xi32, #tpu.memory_space<hbm>>) target(%dma_start3A_180 : memref<8x128xi32, #tpu.memory_space<vmem>>) target_semaphore(%arg15 : memref<!tpu.dma_semaphore, #tpu.memory_space<semaphore_mem>>)
      } else {
      }
      %scan3A_139 = arith.constant 0 : i32
      %scan3A_140 = arith.constant 1 : i32
      %scan3A_141 = arith.constant 1 : i32
      %scan3A_142 = arith.constant 0 : i32
      %scan3A_143 = arith.constant 8 : i32
      %scan3A_144 = arith.addi %scan3A_142, %scan3A_143 : i32
      %scan3A_145 = arith.constant 1 : i32
      scf.for %scan3A_147 = %scan3A_142 to %scan3A_144 step %scan3A_145  : i32 {
        %get3A = arith.constant 0 : i32
        %get3A_148 = arith.constant 0 : i32
        %get3A_149 = tpu.memref_slice %arg7[%scan3A_140, %get3A, %get3A_148] : memref<2x8x128xi32, #tpu.memory_space<vmem>> -> memref<1x8x128xi32, #tpu.memory_space<vmem>>
        %get3A_150 = tpu.memref_squeeze %get3A_149 : memref<1x8x128xi32, #tpu.memory_space<vmem>> -> memref<8x128xi32, #tpu.memory_space<vmem>>
        %get3A_151 = arith.index_cast %scan3A_147 : i32 to index
        %get3A_152 = arith.constant 0 : index
        %get3A_153 = tpu.vector_load %get3A_150[%get3A_151, %get3A_152] {strides = array<i32>} : memref<8x128xi32, #tpu.memory_space<vmem>>, vector<1x16xi32>,
        %get3A_154 = vector.shape_cast %get3A_153 : vector<1x16xi32> to vector<16xi32>
        %dma_start3A_155 = arith.constant 0 : i32
        %dma_start3A_156 = arith.constant 0 : i32
        %dma_start3A_157 = tpu.memref_slice %arg11[%dma_start3A_155, %dma_start3A_156] : memref<10000x128xf32, #tpu.memory_space<vmem_shared>> -> memref<10000x128xf32, #tpu.memory_space<vmem_shared>>
        tpu.enqueue_indirect_dma source(%dma_start3A_157 : memref<10000x128xf32, #tpu.memory_space<vmem_shared>>) target(%arg9 : memref<16x128xf32, #tpu.memory_space<vmem>>) offsets(%get3A_154 : vector<16xi32>) semaphore(%arg13 : memref<!tpu.dma_semaphore, #tpu.memory_space<semaphore_mem>>)
        %get3A_158 = arith.constant 0 : i32
        %get3A_159 = arith.constant 0 : i32
        %get3A_160 = tpu.memref_slice %arg7[%scan3A_140, %get3A_158, %get3A_159] : memref<2x8x128xi32, #tpu.memory_space<vmem>> -> memref<1x8x128xi32, #tpu.memory_space<vmem>>
        %get3A_161 = tpu.memref_squeeze %get3A_160 : memref<1x8x128xi32, #tpu.memory_space<vmem>> -> memref<8x128xi32, #tpu.memory_space<vmem>>
        %get3A_162 = arith.index_cast %scan3A_147 : i32 to index
        %get3A_163 = arith.constant 16 : index
        %get3A_164 = tpu.vector_load %get3A_161[%get3A_162, %get3A_163] {strides = array<i32>} : memref<8x128xi32, #tpu.memory_space<vmem>>, vector<1x16xi32>,
        %get3A_165 = vector.shape_cast %get3A_164 : vector<1x16xi32> to vector<16xi32>
        %dma_start3A_166 = arith.constant 0 : i32
        %dma_start3A_167 = arith.constant 0 : i32
        %dma_start3A_168 = tpu.memref_slice %arg11[%dma_start3A_166, %dma_start3A_167] : memref<10000x128xf32, #tpu.memory_space<vmem_shared>> -> memref<10000x128xf32, #tpu.memory_space<vmem_shared>>
        tpu.enqueue_indirect_dma source(%dma_start3A_168 : memref<10000x128xf32, #tpu.memory_space<vmem_shared>>) target(%arg10 : memref<16x128xf32, #tpu.memory_space<vmem>>) offsets(%get3A_165 : vector<16xi32>) semaphore(%arg13 : memref<!tpu.dma_semaphore, #tpu.memory_space<semaphore_mem>>)
        %dma_wait3A_169 = arith.constant 0 : i32
        %dma_wait3A_170 = arith.constant 0 : i32
        %dma_wait3A_171 = tpu.memref_slice %arg11[%dma_wait3A_169, %dma_wait3A_170] : memref<10000x128xf32, #tpu.memory_space<vmem_shared>> -> memref<10000x128xf32, #tpu.memory_space<vmem_shared>>
        tpu.wait_indirect_dma semaphore(%arg13 : memref<!tpu.dma_semaphore, #tpu.memory_space<semaphore_mem>>) src(%dma_wait3A_171 : memref<10000x128xf32, #tpu.memory_space<vmem_shared>>) dst(%arg9 : memref<16x128xf32, #tpu.memory_space<vmem>>)
        %get3A_172 = arith.constant 0 : i32
        %get3A_173 = arith.constant 0 : i32
        %get3A_174 = tpu.memref_slice %arg8[%scan3A_141, %get3A_172, %get3A_173] : memref<2x8x128xi32, #tpu.memory_space<vmem>> -> memref<1x8x128xi32, #tpu.memory_space<vmem>>
        %get3A_175 = tpu.memref_squeeze %get3A_174 : memref<1x8x128xi32, #tpu.memory_space<vmem>> -> memref<8x128xi32, #tpu.memory_space<vmem>>
        %get3A_176 = arith.index_cast %scan3A_147 : i32 to index
        %get3A_177 = arith.constant 0 : index
        %get3A_178 = tpu.vector_load %get3A_175[%get3A_176, %get3A_177] {strides = array<i32>} : memref<8x128xi32, #tpu.memory_space<vmem>>, vector<1x16xi32>,
        %get3A_179 = vector.shape_cast %get3A_178 : vector<1x16xi32> to vector<16xi32>
        %dma_start3A_180 = arith.constant 0 : i32
        %dma_start3A_181 = arith.constant 0 : i32
        %dma_start3A_182 = tpu.memref_slice %arg12[%dma_start3A_180, %dma_start3A_181] : memref<5120x128xf32, #tpu.memory_space<vmem_shared>> -> memref<5120x128xf32, #tpu.memory_space<vmem_shared>>
        tpu.enqueue_indirect_dma source(%arg9 : memref<16x128xf32, #tpu.memory_space<vmem>>) target(%dma_start3A_182 : memref<5120x128xf32, #tpu.memory_space<vmem_shared>>) offsets(%get3A_179 : vector<16xi32>) semaphore(%arg14 : memref<!tpu.dma_semaphore, #tpu.memory_space<semaphore_mem>>) {add = true}
        %dma_wait3A_183 = arith.constant 0 : i32
        %dma_wait3A_184 = arith.constant 0 : i32
        %dma_wait3A_185 = tpu.memref_slice %arg12[%dma_wait3A_183, %dma_wait3A_184] : memref<5120x128xf32, #tpu.memory_space<vmem_shared>> -> memref<5120x128xf32, #tpu.memory_space<vmem_shared>>
        tpu.wait_indirect_dma semaphore(%arg14 : memref<!tpu.dma_semaphore, #tpu.memory_space<semaphore_mem>>) src(%arg9 : memref<16x128xf32, #tpu.memory_space<vmem>>) dst(%dma_wait3A_185 : memref<5120x128xf32, #tpu.memory_space<vmem_shared>>)
        %get3A_186 = arith.constant 0 : i32
        %get3A_187 = arith.constant 0 : i32
        %get3A_188 = tpu.memref_slice %arg7[%scan3A_140, %get3A_186, %get3A_187] : memref<2x8x128xi32, #tpu.memory_space<vmem>> -> memref<1x8x128xi32, #tpu.memory_space<vmem>>
        %get3A_189 = tpu.memref_squeeze %get3A_188 : memref<1x8x128xi32, #tpu.memory_space<vmem>> -> memref<8x128xi32, #tpu.memory_space<vmem>>
        %get3A_190 = arith.index_cast %scan3A_147 : i32 to index
        %get3A_191 = arith.constant 32 : index
        %get3A_192 = tpu.vector_load %get3A_189[%get3A_190, %get3A_191] {strides = array<i32>} : memref<8x128xi32, #tpu.memory_space<vmem>>, vector<1x16xi32>,
        %get3A_193 = vector.shape_cast %get3A_192 : vector<1x16xi32> to vector<16xi32>
        %dma_start3A_194 = arith.constant 0 : i32
        %dma_start3A_195 = arith.constant 0 : i32
        %dma_start3A_196 = tpu.memref_slice %arg11[%dma_start3A_194, %dma_start3A_195] : memref<10000x128xf32, #tpu.memory_space<vmem_shared>> -> memref<10000x128xf32, #tpu.memory_space<vmem_shared>>
        tpu.enqueue_indirect_dma source(%dma_start3A_196 : memref<10000x128xf32, #tpu.memory_space<vmem_shared>>) target(%arg9 : memref<16x128xf32, #tpu.memory_space<vmem>>) offsets(%get3A_193 : vector<16xi32>) semaphore(%arg13 : memref<!tpu.dma_semaphore, #tpu.memory_space<semaphore_mem>>)
        %dma_wait3A_197 = arith.constant 0 : i32
        %dma_wait3A_198 = arith.constant 0 : i32
        %dma_wait3A_199 = tpu.memref_slice %arg11[%dma_wait3A_197, %dma_wait3A_198] : memref<10000x128xf32, #tpu.memory_space<vmem_shared>> -> memref<10000x128xf32, #tpu.memory_space<vmem_shared>>
        tpu.wait_indirect_dma semaphore(%arg13 : memref<!tpu.dma_semaphore, #tpu.memory_space<semaphore_mem>>) src(%dma_wait3A_199 : memref<10000x128xf32, #tpu.memory_space<vmem_shared>>) dst(%arg10 : memref<16x128xf32, #tpu.memory_space<vmem>>)
        %get3A_200 = arith.constant 0 : i32
        %get3A_201 = arith.constant 0 : i32
        %get3A_202 = tpu.memref_slice %arg8[%scan3A_141, %get3A_200, %get3A_201] : memref<2x8x128xi32, #tpu.memory_space<vmem>> -> memref<1x8x128xi32, #tpu.memory_space<vmem>>
        %get3A_203 = tpu.memref_squeeze %get3A_202 : memref<1x8x128xi32, #tpu.memory_space<vmem>> -> memref<8x128xi32, #tpu.memory_space<vmem>>
        %get3A_204 = arith.index_cast %scan3A_147 : i32 to index
        %get3A_205 = arith.constant 16 : index
        %get3A_206 = tpu.vector_load %get3A_203[%get3A_204, %get3A_205] {strides = array<i32>} : memref<8x128xi32, #tpu.memory_space<vmem>>, vector<1x16xi32>,
        %get3A_207 = vector.shape_cast %get3A_206 : vector<1x16xi32> to vector<16xi32>
        %dma_start3A_208 = arith.constant 0 : i32
        %dma_start3A_209 = arith.constant 0 : i32
        %dma_start3A_210 = tpu.memref_slice %arg12[%dma_start3A_208, %dma_start3A_209] : memref<5120x128xf32, #tpu.memory_space<vmem_shared>> -> memref<5120x128xf32, #tpu.memory_space<vmem_shared>>
        tpu.enqueue_indirect_dma source(%arg10 : memref<16x128xf32, #tpu.memory_space<vmem>>) target(%dma_start3A_210 : memref<5120x128xf32, #tpu.memory_space<vmem_shared>>) offsets(%get3A_207 : vector<16xi32>) semaphore(%arg14 : memref<!tpu.dma_semaphore, #tpu.memory_space<semaphore_mem>>) {add = true}
        %dma_wait3A_211 = arith.constant 0 : i32
        %dma_wait3A_212 = arith.constant 0 : i32
        %dma_wait3A_213 = tpu.memref_slice %arg12[%dma_wait3A_211, %dma_wait3A_212] : memref<5120x128xf32, #tpu.memory_space<vmem_shared>> -> memref<5120x128xf32, #tpu.memory_space<vmem_shared>>
        tpu.wait_indirect_dma semaphore(%arg14 : memref<!tpu.dma_semaphore, #tpu.memory_space<semaphore_mem>>) src(%arg10 : memref<16x128xf32, #tpu.memory_space<vmem>>) dst(%dma_wait3A_213 : memref<5120x128xf32, #tpu.memory_space<vmem_shared>>)
        %get3A_214 = arith.constant 0 : i32
        %get3A_215 = arith.constant 0 : i32
        %get3A_216 = tpu.memref_slice %arg7[%scan3A_140, %get3A_214, %get3A_215] : memref<2x8x128xi32, #tpu.memory_space<vmem>> -> memref<1x8x128xi32, #tpu.memory_space<vmem>>
        %get3A_217 = tpu.memref_squeeze %get3A_216 : memref<1x8x128xi32, #tpu.memory_space<vmem>> -> memref<8x128xi32, #tpu.memory_space<vmem>>
        %get3A_218 = arith.index_cast %scan3A_147 : i32 to index
        %get3A_219 = arith.constant 48 : index
        %get3A_220 = tpu.vector_load %get3A_217[%get3A_218, %get3A_219] {strides = array<i32>} : memref<8x128xi32, #tpu.memory_space<vmem>>, vector<1x16xi32>,
        %get3A_221 = vector.shape_cast %get3A_220 : vector<1x16xi32> to vector<16xi32>
        %dma_start3A_222 = arith.constant 0 : i32
        %dma_start3A_223 = arith.constant 0 : i32
        %dma_start3A_224 = tpu.memref_slice %arg11[%dma_start3A_222, %dma_start3A_223] : memref<10000x128xf32, #tpu.memory_space<vmem_shared>> -> memref<10000x128xf32, #tpu.memory_space<vmem_shared>>
        tpu.enqueue_indirect_dma source(%dma_start3A_224 : memref<10000x128xf32, #tpu.memory_space<vmem_shared>>) target(%arg10 : memref<16x128xf32, #tpu.memory_space<vmem>>) offsets(%get3A_221 : vector<16xi32>) semaphore(%arg13 : memref<!tpu.dma_semaphore, #tpu.memory_space<semaphore_mem>>)
        %dma_wait3A_225 = arith.constant 0 : i32
        %dma_wait3A_226 = arith.constant 0 : i32
        %dma_wait3A_227 = tpu.memref_slice %arg11[%dma_wait3A_225, %dma_wait3A_226] : memref<10000x128xf32, #tpu.memory_space<vmem_shared>> -> memref<10000x128xf32, #tpu.memory_space<vmem_shared>>
        tpu.wait_indirect_dma semaphore(%arg13 : memref<!tpu.dma_semaphore, #tpu.memory_space<semaphore_mem>>) src(%dma_wait3A_227 : memref<10000x128xf32, #tpu.memory_space<vmem_shared>>) dst(%arg9 : memref<16x128xf32, #tpu.memory_space<vmem>>)
        %get3A_228 = arith.constant 0 : i32
        %get3A_229 = arith.constant 0 : i32
        %get3A_230 = tpu.memref_slice %arg8[%scan3A_141, %get3A_228, %get3A_229] : memref<2x8x128xi32, #tpu.memory_space<vmem>> -> memref<1x8x128xi32, #tpu.memory_space<vmem>>
        %get3A_231 = tpu.memref_squeeze %get3A_230 : memref<1x8x128xi32, #tpu.memory_space<vmem>> -> memref<8x128xi32, #tpu.memory_space<vmem>>
        %get3A_232 = arith.index_cast %scan3A_147 : i32 to index
        %get3A_233 = arith.constant 32 : index
        %get3A_234 = tpu.vector_load %get3A_231[%get3A_232, %get3A_233] {strides = array<i32>} : memref<8x128xi32, #tpu.memory_space<vmem>>, vector<1x16xi32>,
        %get3A_235 = vector.shape_cast %get3A_234 : vector<1x16xi32> to vector<16xi32>
        %dma_start3A_236 = arith.constant 0 : i32
        %dma_start3A_237 = arith.constant 0 : i32
        %dma_start3A_238 = tpu.memref_slice %arg12[%dma_start3A_236, %dma_start3A_237] : memref<5120x128xf32, #tpu.memory_space<vmem_shared>> -> memref<5120x128xf32, #tpu.memory_space<vmem_shared>>
        tpu.enqueue_indirect_dma source(%arg9 : memref<16x128xf32, #tpu.memory_space<vmem>>) target(%dma_start3A_238 : memref<5120x128xf32, #tpu.memory_space<vmem_shared>>) offsets(%get3A_235 : vector<16xi32>) semaphore(%arg14 : memref<!tpu.dma_semaphore, #tpu.memory_space<semaphore_mem>>) {add = true}
        %dma_wait3A_239 = arith.constant 0 : i32
        %dma_wait3A_240 = arith.constant 0 : i32
        %dma_wait3A_241 = tpu.memref_slice %arg12[%dma_wait3A_239, %dma_wait3A_240] : memref<5120x128xf32, #tpu.memory_space<vmem_shared>> -> memref<5120x128xf32, #tpu.memory_space<vmem_shared>>
        tpu.wait_indirect_dma semaphore(%arg14 : memref<!tpu.dma_semaphore, #tpu.memory_space<semaphore_mem>>) src(%arg9 : memref<16x128xf32, #tpu.memory_space<vmem>>) dst(%dma_wait3A_241 : memref<5120x128xf32, #tpu.memory_space<vmem_shared>>)
        %get3A_242 = arith.constant 0 : i32
        %get3A_243 = arith.constant 0 : i32
        %get3A_244 = tpu.memref_slice %arg7[%scan3A_140, %get3A_242, %get3A_243] : memref<2x8x128xi32, #tpu.memory_space<vmem>> -> memref<1x8x128xi32, #tpu.memory_space<vmem>>
        %get3A_245 = tpu.memref_squeeze %get3A_244 : memref<1x8x128xi32, #tpu.memory_space<vmem>> -> memref<8x128xi32, #tpu.memory_space<vmem>>
        %get3A_246 = arith.index_cast %scan3A_147 : i32 to index
        %get3A_247 = arith.constant 64 : index
        %get3A_248 = tpu.vector_load %get3A_245[%get3A_246, %get3A_247] {strides = array<i32>} : memref<8x128xi32, #tpu.memory_space<vmem>>, vector<1x16xi32>,
        %get3A_249 = vector.shape_cast %get3A_248 : vector<1x16xi32> to vector<16xi32>
        %dma_start3A_250 = arith.constant 0 : i32
        %dma_start3A_251 = arith.constant 0 : i32
        %dma_start3A_252 = tpu.memref_slice %arg11[%dma_start3A_250, %dma_start3A_251] : memref<10000x128xf32, #tpu.memory_space<vmem_shared>> -> memref<10000x128xf32, #tpu.memory_space<vmem_shared>>
        tpu.enqueue_indirect_dma source(%dma_start3A_252 : memref<10000x128xf32, #tpu.memory_space<vmem_shared>>) target(%arg9 : memref<16x128xf32, #tpu.memory_space<vmem>>) offsets(%get3A_249 : vector<16xi32>) semaphore(%arg13 : memref<!tpu.dma_semaphore, #tpu.memory_space<semaphore_mem>>)
        %dma_wait3A_253 = arith.constant 0 : i32
        %dma_wait3A_254 = arith.constant 0 : i32
        %dma_wait3A_255 = tpu.memref_slice %arg11[%dma_wait3A_253, %dma_wait3A_254] : memref<10000x128xf32, #tpu.memory_space<vmem_shared>> -> memref<10000x128xf32, #tpu.memory_space<vmem_shared>>
        tpu.wait_indirect_dma semaphore(%arg13 : memref<!tpu.dma_semaphore, #tpu.memory_space<semaphore_mem>>) src(%dma_wait3A_255 : memref<10000x128xf32, #tpu.memory_space<vmem_shared>>) dst(%arg10 : memref<16x128xf32, #tpu.memory_space<vmem>>)
        %get3A_256 = arith.constant 0 : i32
        %get3A_257 = arith.constant 0 : i32
        %get3A_258 = tpu.memref_slice %arg8[%scan3A_141, %get3A_256, %get3A_257] : memref<2x8x128xi32, #tpu.memory_space<vmem>> -> memref<1x8x128xi32, #tpu.memory_space<vmem>>
        %get3A_259 = tpu.memref_squeeze %get3A_258 : memref<1x8x128xi32, #tpu.memory_space<vmem>> -> memref<8x128xi32, #tpu.memory_space<vmem>>
        %get3A_260 = arith.index_cast %scan3A_147 : i32 to index
        %get3A_261 = arith.constant 48 : index
        %get3A_262 = tpu.vector_load %get3A_259[%get3A_260, %get3A_261] {strides = array<i32>} : memref<8x128xi32, #tpu.memory_space<vmem>>, vector<1x16xi32>,
        %get3A_263 = vector.shape_cast %get3A_262 : vector<1x16xi32> to vector<16xi32>
        %dma_start3A_264 = arith.constant 0 : i32
        %dma_start3A_265 = arith.constant 0 : i32
        %dma_start3A_266 = tpu.memref_slice %arg12[%dma_start3A_264, %dma_start3A_265] : memref<5120x128xf32, #tpu.memory_space<vmem_shared>> -> memref<5120x128xf32, #tpu.memory_space<vmem_shared>>
        tpu.enqueue_indirect_dma source(%arg10 : memref<16x128xf32, #tpu.memory_space<vmem>>) target(%dma_start3A_266 : memref<5120x128xf32, #tpu.memory_space<vmem_shared>>) offsets(%get3A_263 : vector<16xi32>) semaphore(%arg14 : memref<!tpu.dma_semaphore, #tpu.memory_space<semaphore_mem>>) {add = true}
        %dma_wait3A_267 = arith.constant 0 : i32
        %dma_wait3A_268 = arith.constant 0 : i32
        %dma_wait3A_269 = tpu.memref_slice %arg12[%dma_wait3A_267, %dma_wait3A_268] : memref<5120x128xf32, #tpu.memory_space<vmem_shared>> -> memref<5120x128xf32, #tpu.memory_space<vmem_shared>>
        tpu.wait_indirect_dma semaphore(%arg14 : memref<!tpu.dma_semaphore, #tpu.memory_space<semaphore_mem>>) src(%arg10 : memref<16x128xf32, #tpu.memory_space<vmem>>) dst(%dma_wait3A_269 : memref<5120x128xf32, #tpu.memory_space<vmem_shared>>)
        %get3A_270 = arith.constant 0 : i32
        %get3A_271 = arith.constant 0 : i32
        %get3A_272 = tpu.memref_slice %arg7[%scan3A_140, %get3A_270, %get3A_271] : memref<2x8x128xi32, #tpu.memory_space<vmem>> -> memref<1x8x128xi32, #tpu.memory_space<vmem>>
        %get3A_273 = tpu.memref_squeeze %get3A_272 : memref<1x8x128xi32, #tpu.memory_space<vmem>> -> memref<8x128xi32, #tpu.memory_space<vmem>>
        %get3A_274 = arith.index_cast %scan3A_147 : i32 to index
        %get3A_275 = arith.constant 80 : index
        %get3A_276 = tpu.vector_load %get3A_273[%get3A_274, %get3A_275] {strides = array<i32>} : memref<8x128xi32, #tpu.memory_space<vmem>>, vector<1x16xi32>,
        %get3A_277 = vector.shape_cast %get3A_276 : vector<1x16xi32> to vector<16xi32>
        %dma_start3A_278 = arith.constant 0 : i32
        %dma_start3A_279 = arith.constant 0 : i32
        %dma_start3A_280 = tpu.memref_slice %arg11[%dma_start3A_278, %dma_start3A_279] : memref<10000x128xf32, #tpu.memory_space<vmem_shared>> -> memref<10000x128xf32, #tpu.memory_space<vmem_shared>>
        tpu.enqueue_indirect_dma source(%dma_start3A_280 : memref<10000x128xf32, #tpu.memory_space<vmem_shared>>) target(%arg10 : memref<16x128xf32, #tpu.memory_space<vmem>>) offsets(%get3A_277 : vector<16xi32>) semaphore(%arg13 : memref<!tpu.dma_semaphore, #tpu.memory_space<semaphore_mem>>)
        %dma_wait3A_281 = arith.constant 0 : i32
        %dma_wait3A_282 = arith.constant 0 : i32
        %dma_wait3A_283 = tpu.memref_slice %arg11[%dma_wait3A_281, %dma_wait3A_282] : memref<10000x128xf32, #tpu.memory_space<vmem_shared>> -> memref<10000x128xf32, #tpu.memory_space<vmem_shared>>
        tpu.wait_indirect_dma semaphore(%arg13 : memref<!tpu.dma_semaphore, #tpu.memory_space<semaphore_mem>>) src(%dma_wait3A_283 : memref<10000x128xf32, #tpu.memory_space<vmem_shared>>) dst(%arg9 : memref<16x128xf32, #tpu.memory_space<vmem>>)
        %get3A_284 = arith.constant 0 : i32
        %get3A_285 = arith.constant 0 : i32
        %get3A_286 = tpu.memref_slice %arg8[%scan3A_141, %get3A_284, %get3A_285] : memref<2x8x128xi32, #tpu.memory_space<vmem>> -> memref<1x8x128xi32, #tpu.memory_space<vmem>>
        %get3A_287 = tpu.memref_squeeze %get3A_286 : memref<1x8x128xi32, #tpu.memory_space<vmem>> -> memref<8x128xi32, #tpu.memory_space<vmem>>
        %get3A_288 = arith.index_cast %scan3A_147 : i32 to index
        %get3A_289 = arith.constant 64 : index
        %get3A_290 = tpu.vector_load %get3A_287[%get3A_288, %get3A_289] {strides = array<i32>} : memref<8x128xi32, #tpu.memory_space<vmem>>, vector<1x16xi32>,
        %get3A_291 = vector.shape_cast %get3A_290 : vector<1x16xi32> to vector<16xi32>
        %dma_start3A_292 = arith.constant 0 : i32
        %dma_start3A_293 = arith.constant 0 : i32
        %dma_start3A_294 = tpu.memref_slice %arg12[%dma_start3A_292, %dma_start3A_293] : memref<5120x128xf32, #tpu.memory_space<vmem_shared>> -> memref<5120x128xf32, #tpu.memory_space<vmem_shared>>
        tpu.enqueue_indirect_dma source(%arg9 : memref<16x128xf32, #tpu.memory_space<vmem>>) target(%dma_start3A_294 : memref<5120x128xf32, #tpu.memory_space<vmem_shared>>) offsets(%get3A_291 : vector<16xi32>) semaphore(%arg14 : memref<!tpu.dma_semaphore, #tpu.memory_space<semaphore_mem>>) {add = true}
        %dma_wait3A_295 = arith.constant 0 : i32
        %dma_wait3A_296 = arith.constant 0 : i32
        %dma_wait3A_297 = tpu.memref_slice %arg12[%dma_wait3A_295, %dma_wait3A_296] : memref<5120x128xf32, #tpu.memory_space<vmem_shared>> -> memref<5120x128xf32, #tpu.memory_space<vmem_shared>>
        tpu.wait_indirect_dma semaphore(%arg14 : memref<!tpu.dma_semaphore, #tpu.memory_space<semaphore_mem>>) src(%arg9 : memref<16x128xf32, #tpu.memory_space<vmem>>) dst(%dma_wait3A_297 : memref<5120x128xf32, #tpu.memory_space<vmem_shared>>)
        %get3A_298 = arith.constant 0 : i32
        %get3A_299 = arith.constant 0 : i32
        %get3A_300 = tpu.memref_slice %arg7[%scan3A_140, %get3A_298, %get3A_299] : memref<2x8x128xi32, #tpu.memory_space<vmem>> -> memref<1x8x128xi32, #tpu.memory_space<vmem>>
        %get3A_301 = tpu.memref_squeeze %get3A_300 : memref<1x8x128xi32, #tpu.memory_space<vmem>> -> memref<8x128xi32, #tpu.memory_space<vmem>>
        %get3A_302 = arith.index_cast %scan3A_147 : i32 to index
        %get3A_303 = arith.constant 96 : index
        %get3A_304 = tpu.vector_load %get3A_301[%get3A_302, %get3A_303] {strides = array<i32>} : memref<8x128xi32, #tpu.memory_space<vmem>>, vector<1x16xi32>,
        %get3A_305 = vector.shape_cast %get3A_304 : vector<1x16xi32> to vector<16xi32>
        %dma_start3A_306 = arith.constant 0 : i32
        %dma_start3A_307 = arith.constant 0 : i32
        %dma_start3A_308 = tpu.memref_slice %arg11[%dma_start3A_306, %dma_start3A_307] : memref<10000x128xf32, #tpu.memory_space<vmem_shared>> -> memref<10000x128xf32, #tpu.memory_space<vmem_shared>>
        tpu.enqueue_indirect_dma source(%dma_start3A_308 : memref<10000x128xf32, #tpu.memory_space<vmem_shared>>) target(%arg9 : memref<16x128xf32, #tpu.memory_space<vmem>>) offsets(%get3A_305 : vector<16xi32>) semaphore(%arg13 : memref<!tpu.dma_semaphore, #tpu.memory_space<semaphore_mem>>)
        %dma_wait3A_309 = arith.constant 0 : i32
        %dma_wait3A_310 = arith.constant 0 : i32
        %dma_wait3A_311 = tpu.memref_slice %arg11[%dma_wait3A_309, %dma_wait3A_310] : memref<10000x128xf32, #tpu.memory_space<vmem_shared>> -> memref<10000x128xf32, #tpu.memory_space<vmem_shared>>
        tpu.wait_indirect_dma semaphore(%arg13 : memref<!tpu.dma_semaphore, #tpu.memory_space<semaphore_mem>>) src(%dma_wait3A_311 : memref<10000x128xf32, #tpu.memory_space<vmem_shared>>) dst(%arg10 : memref<16x128xf32, #tpu.memory_space<vmem>>)
        %get3A_312 = arith.constant 0 : i32
        %get3A_313 = arith.constant 0 : i32
        %get3A_314 = tpu.memref_slice %arg8[%scan3A_141, %get3A_312, %get3A_313] : memref<2x8x128xi32, #tpu.memory_space<vmem>> -> memref<1x8x128xi32, #tpu.memory_space<vmem>>
        %get3A_315 = tpu.memref_squeeze %get3A_314 : memref<1x8x128xi32, #tpu.memory_space<vmem>> -> memref<8x128xi32, #tpu.memory_space<vmem>>
        %get3A_316 = arith.index_cast %scan3A_147 : i32 to index
        %get3A_317 = arith.constant 80 : index
        %get3A_318 = tpu.vector_load %get3A_315[%get3A_316, %get3A_317] {strides = array<i32>} : memref<8x128xi32, #tpu.memory_space<vmem>>, vector<1x16xi32>,
        %get3A_319 = vector.shape_cast %get3A_318 : vector<1x16xi32> to vector<16xi32>
        %dma_start3A_320 = arith.constant 0 : i32
        %dma_start3A_321 = arith.constant 0 : i32
        %dma_start3A_322 = tpu.memref_slice %arg12[%dma_start3A_320, %dma_start3A_321] : memref<5120x128xf32, #tpu.memory_space<vmem_shared>> -> memref<5120x128xf32, #tpu.memory_space<vmem_shared>>
        tpu.enqueue_indirect_dma source(%arg10 : memref<16x128xf32, #tpu.memory_space<vmem>>) target(%dma_start3A_322 : memref<5120x128xf32, #tpu.memory_space<vmem_shared>>) offsets(%get3A_319 : vector<16xi32>) semaphore(%arg14 : memref<!tpu.dma_semaphore, #tpu.memory_space<semaphore_mem>>) {add = true}
        %dma_wait3A_323 = arith.constant 0 : i32
        %dma_wait3A_324 = arith.constant 0 : i32
        %dma_wait3A_325 = tpu.memref_slice %arg12[%dma_wait3A_323, %dma_wait3A_324] : memref<5120x128xf32, #tpu.memory_space<vmem_shared>> -> memref<5120x128xf32, #tpu.memory_space<vmem_shared>>
        tpu.wait_indirect_dma semaphore(%arg14 : memref<!tpu.dma_semaphore, #tpu.memory_space<semaphore_mem>>) src(%arg10 : memref<16x128xf32, #tpu.memory_space<vmem>>) dst(%dma_wait3A_325 : memref<5120x128xf32, #tpu.memory_space<vmem_shared>>)
        %get3A_326 = arith.constant 0 : i32
        %get3A_327 = arith.constant 0 : i32
        %get3A_328 = tpu.memref_slice %arg7[%scan3A_140, %get3A_326, %get3A_327] : memref<2x8x128xi32, #tpu.memory_space<vmem>> -> memref<1x8x128xi32, #tpu.memory_space<vmem>>
        %get3A_329 = tpu.memref_squeeze %get3A_328 : memref<1x8x128xi32, #tpu.memory_space<vmem>> -> memref<8x128xi32, #tpu.memory_space<vmem>>
        %get3A_330 = arith.index_cast %scan3A_147 : i32 to index
        %get3A_331 = arith.constant 112 : index
        %get3A_332 = tpu.vector_load %get3A_329[%get3A_330, %get3A_331] {strides = array<i32>} : memref<8x128xi32, #tpu.memory_space<vmem>>, vector<1x16xi32>,
        %get3A_333 = vector.shape_cast %get3A_332 : vector<1x16xi32> to vector<16xi32>
        %dma_start3A_334 = arith.constant 0 : i32
        %dma_start3A_335 = arith.constant 0 : i32
        %dma_start3A_336 = tpu.memref_slice %arg11[%dma_start3A_334, %dma_start3A_335] : memref<10000x128xf32, #tpu.memory_space<vmem_shared>> -> memref<10000x128xf32, #tpu.memory_space<vmem_shared>>
        tpu.enqueue_indirect_dma source(%dma_start3A_336 : memref<10000x128xf32, #tpu.memory_space<vmem_shared>>) target(%arg10 : memref<16x128xf32, #tpu.memory_space<vmem>>) offsets(%get3A_333 : vector<16xi32>) semaphore(%arg13 : memref<!tpu.dma_semaphore, #tpu.memory_space<semaphore_mem>>)
        %dma_wait3A_337 = arith.constant 0 : i32
        %dma_wait3A_338 = arith.constant 0 : i32
        %dma_wait3A_339 = tpu.memref_slice %arg11[%dma_wait3A_337, %dma_wait3A_338] : memref<10000x128xf32, #tpu.memory_space<vmem_shared>> -> memref<10000x128xf32, #tpu.memory_space<vmem_shared>>
        tpu.wait_indirect_dma semaphore(%arg13 : memref<!tpu.dma_semaphore, #tpu.memory_space<semaphore_mem>>) src(%dma_wait3A_339 : memref<10000x128xf32, #tpu.memory_space<vmem_shared>>) dst(%arg9 : memref<16x128xf32, #tpu.memory_space<vmem>>)
        %get3A_340 = arith.constant 0 : i32
        %get3A_341 = arith.constant 0 : i32
        %get3A_342 = tpu.memref_slice %arg8[%scan3A_141, %get3A_340, %get3A_341] : memref<2x8x128xi32, #tpu.memory_space<vmem>> -> memref<1x8x128xi32, #tpu.memory_space<vmem>>
        %get3A_343 = tpu.memref_squeeze %get3A_342 : memref<1x8x128xi32, #tpu.memory_space<vmem>> -> memref<8x128xi32, #tpu.memory_space<vmem>>
        %get3A_344 = arith.index_cast %scan3A_147 : i32 to index
        %get3A_345 = arith.constant 96 : index
        %get3A_346 = tpu.vector_load %get3A_343[%get3A_344, %get3A_345] {strides = array<i32>} : memref<8x128xi32, #tpu.memory_space<vmem>>, vector<1x16xi32>,
        %get3A_347 = vector.shape_cast %get3A_346 : vector<1x16xi32> to vector<16xi32>
        %dma_start3A_348 = arith.constant 0 : i32
        %dma_start3A_349 = arith.constant 0 : i32
        %dma_start3A_350 = tpu.memref_slice %arg12[%dma_start3A_348, %dma_start3A_349] : memref<5120x128xf32, #tpu.memory_space<vmem_shared>> -> memref<5120x128xf32, #tpu.memory_space<vmem_shared>>
        tpu.enqueue_indirect_dma source(%arg9 : memref<16x128xf32, #tpu.memory_space<vmem>>) target(%dma_start3A_350 : memref<5120x128xf32, #tpu.memory_space<vmem_shared>>) offsets(%get3A_347 : vector<16xi32>) semaphore(%arg14 : memref<!tpu.dma_semaphore, #tpu.memory_space<semaphore_mem>>) {add = true}
        %dma_wait3A_351 = arith.constant 0 : i32
        %dma_wait3A_352 = arith.constant 0 : i32
        %dma_wait3A_353 = tpu.memref_slice %arg11[%dma_wait3A_351, %dma_wait3A_352] : memref<10000x128xf32, #tpu.memory_space<vmem_shared>> -> memref<10000x128xf32, #tpu.memory_space<vmem_shared>>
        tpu.wait_indirect_dma semaphore(%arg13 : memref<!tpu.dma_semaphore, #tpu.memory_space<semaphore_mem>>) src(%dma_wait3A_353 : memref<10000x128xf32, #tpu.memory_space<vmem_shared>>) dst(%arg10 : memref<16x128xf32, #tpu.memory_space<vmem>>)
        %get3A_354 = arith.constant 0 : i32
        %get3A_355 = arith.constant 0 : i32
        %get3A_356 = tpu.memref_slice %arg8[%scan3A_141, %get3A_354, %get3A_355] : memref<2x8x128xi32, #tpu.memory_space<vmem>> -> memref<1x8x128xi32, #tpu.memory_space<vmem>>
        %get3A_357 = tpu.memref_squeeze %get3A_356 : memref<1x8x128xi32, #tpu.memory_space<vmem>> -> memref<8x128xi32, #tpu.memory_space<vmem>>
        %get3A_358 = arith.index_cast %scan3A_147 : i32 to index
        %get3A_359 = arith.constant 112 : index
        %get3A_360 = tpu.vector_load %get3A_357[%get3A_358, %get3A_359] {strides = array<i32>} : memref<8x128xi32, #tpu.memory_space<vmem>>, vector<1x16xi32>,
        %get3A_361 = vector.shape_cast %get3A_360 : vector<1x16xi32> to vector<16xi32>
        %dma_start3A_362 = arith.constant 0 : i32
        %dma_start3A_363 = arith.constant 0 : i32
        %dma_start3A_364 = tpu.memref_slice %arg12[%dma_start3A_362, %dma_start3A_363] : memref<5120x128xf32, #tpu.memory_space<vmem_shared>> -> memref<5120x128xf32, #tpu.memory_space<vmem_shared>>
        tpu.enqueue_indirect_dma source(%arg10 : memref<16x128xf32, #tpu.memory_space<vmem>>) target(%dma_start3A_364 : memref<5120x128xf32, #tpu.memory_space<vmem_shared>>) offsets(%get3A_361 : vector<16xi32>) semaphore(%arg14 : memref<!tpu.dma_semaphore, #tpu.memory_space<semaphore_mem>>) {add = true}
        %dma_wait3A_365 = arith.constant 0 : i32
        %dma_wait3A_366 = arith.constant 0 : i32
        %dma_wait3A_367 = tpu.memref_slice %arg12[%dma_wait3A_365, %dma_wait3A_366] : memref<5120x128xf32, #tpu.memory_space<vmem_shared>> -> memref<5120x128xf32, #tpu.memory_space<vmem_shared>>
        tpu.wait_indirect_dma semaphore(%arg14 : memref<!tpu.dma_semaphore, #tpu.memory_space<semaphore_mem>>) src(%arg9 : memref<16x128xf32, #tpu.memory_space<vmem>>) dst(%dma_wait3A_367 : memref<5120x128xf32, #tpu.memory_space<vmem_shared>>)
        %dma_wait3A_368 = arith.constant 0 : i32
        %dma_wait3A_369 = arith.constant 0 : i32
        %dma_wait3A_370 = tpu.memref_slice %arg12[%dma_wait3A_368, %dma_wait3A_369] : memref<5120x128xf32, #tpu.memory_space<vmem_shared>> -> memref<5120x128xf32, #tpu.memory_space<vmem_shared>>
        tpu.wait_indirect_dma semaphore(%arg14 : memref<!tpu.dma_semaphore, #tpu.memory_space<semaphore_mem>>) src(%arg10 : memref<16x128xf32, #tpu.memory_space<vmem>>) dst(%dma_wait3A_370 : memref<5120x128xf32, #tpu.memory_space<vmem_shared>>)
      }
      %scan3A_146 = arith.constant 8 : i32
    }
    %scan3A_44 = arith.constant 10 : i32
    %barrier3A_45 = arith.constant 0 : index
    tpu.barrier barrier_id(%barrier3A_45)
    %lt3A_46 = arith.constant 15 : i32
    %lt3A_47 = arith.cmpi slt, %arg1, %lt3A_46 : i32
    %convert_element_type3A_48 = arith.extui %lt3A_47 : i1 to i32
    %cond3A_49 = arith.constant 0 : i32
    %cond3A_50 = arith.cmpi ne, %convert_element_type3A_48, %cond3A_49 : i32
    scf.if %cond3A_50 {
      %mul3A_56 = arith.constant 312 : i32
      %mul3A_57 = arith.muli %arg1, %mul3A_56 : i32
      %mul3A_58 = arith.constant 5000 : i32
      %mul3A_59 = arith.muli %arg0, %mul3A_58 : i32
      %mul3A_60 = arith.constant 312 : i32
      %mul3A_61 = arith.muli %arg1, %mul3A_60 : i32
      %add3A = arith.addi %mul3A_59, %mul3A_61 : i32
      "tpu.region"() ({
        %run_scoped3A = tpu.sem_alloc : memref<!tpu.dma_semaphore, #tpu.memory_space<semaphore_mem>>
        %dma_start3A_62 = arith.constant 0 : i32
        %dma_start3A_63 = tpu.memref_slice %arg6[%add3A, %dma_start3A_62] : memref<10000x128xf32, #tpu.memory_space<hbm>> -> memref<312x128xf32, #tpu.memory_space<hbm>>
        %dma_start3A_64 = arith.constant 0 : i32
        %dma_start3A_65 = tpu.memref_slice %arg12[%mul3A_57, %dma_start3A_64] : memref<5120x128xf32, #tpu.memory_space<vmem_shared>> -> memref<312x128xf32, #tpu.memory_space<vmem_shared>>
        tpu.enqueue_dma source(%dma_start3A_65 : memref<312x128xf32, #tpu.memory_space<vmem_shared>>) target(%dma_start3A_63 : memref<312x128xf32, #tpu.memory_space<hbm>>) target_semaphore(%run_scoped3A : memref<!tpu.dma_semaphore, #tpu.memory_space<semaphore_mem>>)
        %dma_wait3A = arith.constant 0 : i32
        %dma_wait3A_66 = tpu.memref_slice %arg6[%add3A, %dma_wait3A] : memref<10000x128xf32, #tpu.memory_space<hbm>> -> memref<312x128xf32, #tpu.memory_space<hbm>>
        %dma_wait3A_67 = arith.constant 0 : i32
        %dma_wait3A_68 = tpu.memref_slice %arg12[%mul3A_57, %dma_wait3A_67] : memref<5120x128xf32, #tpu.memory_space<vmem_shared>> -> memref<312x128xf32, #tpu.memory_space<vmem_shared>>
        tpu.wait_dma2 semaphore(%run_scoped3A : memref<!tpu.dma_semaphore, #tpu.memory_space<semaphore_mem>>) src(%dma_wait3A_68 : memref<312x128xf32, #tpu.memory_space<vmem_shared>>) dst(%dma_wait3A_66 : memref<312x128xf32, #tpu.memory_space<hbm>>)
        tpu.yield
      }) : () -> ()
    } else {
    }
    %eq3A_51 = arith.constant 15 : i32
    %eq3A_52 = arith.cmpi eq, %arg1, %eq3A_51 : i32
    %convert_element_type3A_53 = arith.extui %eq3A_52 : i1 to i32
    %cond3A_54 = arith.constant 0 : i32
    %cond3A_55 = arith.cmpi ne, %convert_element_type3A_53, %cond3A_54 : i32
    scf.if %cond3A_55 {
      %mul3A_56 = arith.constant 5000 : i32
      %mul3A_57 = arith.muli %arg0, %mul3A_56 : i32
      %add3A = arith.constant 4680 : i32
      %add3A_58 = arith.addi %mul3A_57, %add3A : i32
      "tpu.region"() ({
        %run_scoped3A = tpu.sem_alloc : memref<!tpu.dma_semaphore, #tpu.memory_space<semaphore_mem>>
        %dma_start3A_59 = arith.constant 0 : i32
        %dma_start3A_60 = tpu.memref_slice %arg6[%add3A_58, %dma_start3A_59] : memref<10000x128xf32, #tpu.memory_space<hbm>> -> memref<320x128xf32, #tpu.memory_space<hbm>>
        %dma_start3A_61 = arith.constant 4680 : i32
        %dma_start3A_62 = arith.constant 0 : i32
        %dma_start3A_63 = tpu.memref_slice %arg12[%dma_start3A_61, %dma_start3A_62] : memref<5120x128xf32, #tpu.memory_space<vmem_shared>> -> memref<320x128xf32, #tpu.memory_space<vmem_shared>>
        tpu.enqueue_dma source(%dma_start3A_63 : memref<320x128xf32, #tpu.memory_space<vmem_shared>>) target(%dma_start3A_60 : memref<320x128xf32, #tpu.memory_space<hbm>>) target_semaphore(%run_scoped3A : memref<!tpu.dma_semaphore, #tpu.memory_space<semaphore_mem>>)
        %dma_wait3A = arith.constant 0 : i32
        %dma_wait3A_64 = tpu.memref_slice %arg6[%add3A_58, %dma_wait3A] : memref<10000x128xf32, #tpu.memory_space<hbm>> -> memref<320x128xf32, #tpu.memory_space<hbm>>
        %dma_wait3A_65 = arith.constant 4680 : i32
        %dma_wait3A_66 = arith.constant 0 : i32
        %dma_wait3A_67 = tpu.memref_slice %arg12[%dma_wait3A_65, %dma_wait3A_66] : memref<5120x128xf32, #tpu.memory_space<vmem_shared>> -> memref<320x128xf32, #tpu.memory_space<vmem_shared>>
        tpu.wait_dma2 semaphore(%run_scoped3A : memref<!tpu.dma_semaphore, #tpu.memory_space<semaphore_mem>>) src(%dma_wait3A_67 : memref<320x128xf32, #tpu.memory_space<vmem_shared>>) dst(%dma_wait3A_64 : memref<320x128xf32, #tpu.memory_space<hbm>>)
        tpu.yield
      }) : () -> ()
    } else {
    }
    return
  }
}

#map = affine_map<(d0, d1) -> (0, 0)>
#map1 = affine_map<(d0, d1) -> (0, 0, 0)>
module attributes {stable_mosaic.version = 14 : i64} {
  func.func @_sc_deg(%arg0: i32, %arg1: i32, %arg2: memref<2560x128xi32, #tpu.memory_space<hbm>>, %arg3: memref<128x128xf32, #tpu.memory_space<hbm>>, %arg4: memref<640x128xf32, #tpu.memory_space<hbm>>, %arg5: memref<2x10000x128xf32, #tpu.memory_space<hbm>>, %arg6: memref<2x8x128xi32, #tpu.memory_space<vmem>>, %arg7: memref<128x128xf32, #tpu.memory_space<vmem>>, %arg8: memref<10240x128xf32, #tpu.memory_space<vmem_shared>>, %arg9: memref<!tpu.dma_semaphore, #tpu.memory_space<semaphore_mem>>, %arg10: memref<!tpu.dma_semaphore, #tpu.memory_space<semaphore_mem>>) attributes {dimension_semantics = [#tpu.dimension_semantics<core_parallel>, #tpu.dimension_semantics<subcore_parallel>], iteration_bounds = array<i64: 2, 16>, scalar_prefetch = 0 : i64, scratch_operands = 5 : i64, tpu.core_type = #tpu.core_type<sc_vector_subcore>, window_params = [{transform_indices = #map}, {transform_indices = #map}, {transform_indices = #map}, {transform_indices = #map1}]} {
    %mul3A = arith.constant 2 : i32
    %mul3A_0 = arith.muli %arg1, %mul3A : i32
    %add3A = arith.addi %mul3A_0, %arg0 : i32
    %mul3A_1 = arith.constant 10 : i32
    %mul3A_2 = arith.muli %add3A, %mul3A_1 : i32
    %mul3A_3 = arith.constant 8 : i32
    %mul3A_4 = arith.muli %mul3A_2, %mul3A_3 : i32
    %dma_start3A = arith.constant 0 : i32
    %dma_start3A_5 = arith.constant 0 : i32
    %dma_start3A_6 = arith.constant 0 : i32
    %dma_start3A_7 = tpu.memref_slice %arg6[%dma_start3A, %dma_start3A_5, %dma_start3A_6] : memref<2x8x128xi32, #tpu.memory_space<vmem>> -> memref<1x8x128xi32, #tpu.memory_space<vmem>>
    %dma_start3A_8 = tpu.memref_squeeze %dma_start3A_7 : memref<1x8x128xi32, #tpu.memory_space<vmem>> -> memref<8x128xi32, #tpu.memory_space<vmem>>
    %dma_start3A_9 = arith.constant 0 : i32
    %dma_start3A_10 = tpu.memref_slice %arg2[%mul3A_4, %dma_start3A_9] : memref<2560x128xi32, #tpu.memory_space<hbm>> -> memref<8x128xi32, #tpu.memory_space<hbm>>
    %dma_start3A_11 = arith.constant 0 : i32
    %dma_start3A_12 = arith.constant 0 : i32
    %dma_start3A_13 = tpu.memref_slice %arg6[%dma_start3A, %dma_start3A_11, %dma_start3A_12] : memref<2x8x128xi32, #tpu.memory_space<vmem>> -> memref<1x8x128xi32, #tpu.memory_space<vmem>>
    %dma_start3A_14 = tpu.memref_squeeze %dma_start3A_13 : memref<1x8x128xi32, #tpu.memory_space<vmem>> -> memref<8x128xi32, #tpu.memory_space<vmem>>
    %dma_start3A_15 = arith.constant 0 : i32
    %dma_start3A_16 = tpu.memref_slice %arg2[%mul3A_4, %dma_start3A_15] : memref<2560x128xi32, #tpu.memory_space<hbm>> -> memref<8x128xi32, #tpu.memory_space<hbm>>
    tpu.enqueue_dma source(%dma_start3A_16 : memref<8x128xi32, #tpu.memory_space<hbm>>) target(%dma_start3A_14 : memref<8x128xi32, #tpu.memory_space<vmem>>) target_semaphore(%arg10 : memref<!tpu.dma_semaphore, #tpu.memory_space<semaphore_mem>>)
    "tpu.region"() ({
      %run_scoped3A = tpu.sem_alloc : memref<!tpu.dma_semaphore, #tpu.memory_space<semaphore_mem>>
      tpu.enqueue_dma source(%arg3 : memref<128x128xf32, #tpu.memory_space<hbm>>) target(%arg7 : memref<128x128xf32, #tpu.memory_space<vmem>>) target_semaphore(%run_scoped3A : memref<!tpu.dma_semaphore, #tpu.memory_space<semaphore_mem>>)
      tpu.wait_dma2 semaphore(%run_scoped3A : memref<!tpu.dma_semaphore, #tpu.memory_space<semaphore_mem>>) src(%arg3 : memref<128x128xf32, #tpu.memory_space<hbm>>) dst(%arg7 : memref<128x128xf32, #tpu.memory_space<vmem>>)
      tpu.yield
    }) : () -> ()
    %mul3A_17 = arith.constant 640 : i32
    %mul3A_18 = arith.muli %arg1, %mul3A_17 : i32
    "tpu.region"() ({
      %run_scoped3A = tpu.sem_alloc : memref<!tpu.dma_semaphore, #tpu.memory_space<semaphore_mem>>
      %dma_start3A_31 = arith.constant 0 : i32
      %dma_start3A_32 = tpu.memref_slice %arg8[%mul3A_18, %dma_start3A_31] : memref<10240x128xf32, #tpu.memory_space<vmem_shared>> -> memref<640x128xf32, #tpu.memory_space<vmem_shared>>
      tpu.enqueue_dma source(%arg4 : memref<640x128xf32, #tpu.memory_space<hbm>>) target(%dma_start3A_32 : memref<640x128xf32, #tpu.memory_space<vmem_shared>>) target_semaphore(%run_scoped3A : memref<!tpu.dma_semaphore, #tpu.memory_space<semaphore_mem>>)
      %dma_wait3A = arith.constant 0 : i32
      %dma_wait3A_33 = tpu.memref_slice %arg8[%mul3A_18, %dma_wait3A] : memref<10240x128xf32, #tpu.memory_space<vmem_shared>> -> memref<640x128xf32, #tpu.memory_space<vmem_shared>>
      tpu.wait_dma2 semaphore(%run_scoped3A : memref<!tpu.dma_semaphore, #tpu.memory_space<semaphore_mem>>) src(%arg4 : memref<640x128xf32, #tpu.memory_space<hbm>>) dst(%dma_wait3A_33 : memref<640x128xf32, #tpu.memory_space<vmem_shared>>)
      tpu.yield
    }) : () -> ()
    %barrier3A = arith.constant 0 : index
    tpu.barrier barrier_id(%barrier3A)
    %scan3A = arith.constant 0 : i32
    %scan3A_19 = arith.constant 0 : i32
    %scan3A_20 = arith.constant 5 : i32
    %scan3A_21 = arith.addi %scan3A_19, %scan3A_20 : i32
    %scan3A_22 = arith.constant 1 : i32
    scf.for %scan3A_31 = %scan3A_19 to %scan3A_21 step %scan3A_22  : i32 {
      %mul3A_32 = arith.constant 2 : i32
      %mul3A_33 = arith.muli %mul3A_32, %scan3A_31 : i32
      %dma_wait3A = arith.constant 0 : i32
      %dma_wait3A_34 = arith.constant 0 : i32
      %dma_wait3A_35 = arith.constant 0 : i32
      %dma_wait3A_36 = tpu.memref_slice %arg6[%dma_wait3A, %dma_wait3A_34, %dma_wait3A_35] : memref<2x8x128xi32, #tpu.memory_space<vmem>> -> memref<1x8x128xi32, #tpu.memory_space<vmem>>
      %dma_wait3A_37 = tpu.memref_squeeze %dma_wait3A_36 : memref<1x8x128xi32, #tpu.memory_space<vmem>> -> memref<8x128xi32, #tpu.memory_space<vmem>>
      %dma_wait3A_38 = arith.constant 0 : i32
      %dma_wait3A_39 = arith.constant 0 : i32
      %dma_wait3A_40 = tpu.memref_slice %arg2[%dma_wait3A_38, %dma_wait3A_39] : memref<2560x128xi32, #tpu.memory_space<hbm>> -> memref<8x128xi32, #tpu.memory_space<hbm>>
      %dma_wait3A_41 = arith.constant 0 : i32
      %dma_wait3A_42 = arith.constant 0 : i32
      %dma_wait3A_43 = tpu.memref_slice %arg6[%dma_wait3A, %dma_wait3A_41, %dma_wait3A_42] : memref<2x8x128xi32, #tpu.memory_space<vmem>> -> memref<1x8x128xi32, #tpu.memory_space<vmem>>
      %dma_wait3A_44 = tpu.memref_squeeze %dma_wait3A_43 : memref<1x8x128xi32, #tpu.memory_space<vmem>> -> memref<8x128xi32, #tpu.memory_space<vmem>>
      %dma_wait3A_45 = arith.constant 0 : i32
      %dma_wait3A_46 = arith.constant 0 : i32
      %dma_wait3A_47 = tpu.memref_slice %arg2[%dma_wait3A_45, %dma_wait3A_46] : memref<2560x128xi32, #tpu.memory_space<hbm>> -> memref<8x128xi32, #tpu.memory_space<hbm>>
      tpu.wait_dma2 semaphore(%arg10 : memref<!tpu.dma_semaphore, #tpu.memory_space<semaphore_mem>>) src(%dma_wait3A_47 : memref<8x128xi32, #tpu.memory_space<hbm>>) dst(%dma_wait3A_44 : memref<8x128xi32, #tpu.memory_space<vmem>>)
      %lt3A_48 = arith.constant 9 : i32
      %lt3A_49 = arith.cmpi slt, %mul3A_33, %lt3A_48 : i32
      %convert_element_type3A_50 = arith.extui %lt3A_49 : i1 to i32
      %cond3A_51 = arith.constant 0 : i32
      %cond3A_52 = arith.cmpi ne, %convert_element_type3A_50, %cond3A_51 : i32
      scf.if %cond3A_52 {
        %mul3A_333 = arith.constant 10 : i32
        %mul3A_334 = arith.muli %add3A, %mul3A_333 : i32
        %add3A_335 = arith.addi %mul3A_334, %mul3A_33 : i32
        %add3A_336 = arith.constant 1 : i32
        %add3A_337 = arith.addi %add3A_335, %add3A_336 : i32
        %mul3A_338 = arith.constant 8 : i32
        %mul3A_339 = arith.muli %add3A_337, %mul3A_338 : i32
        %dma_start3A_340 = arith.constant 1 : i32
        %dma_start3A_341 = arith.constant 0 : i32
        %dma_start3A_342 = arith.constant 0 : i32
        %dma_start3A_343 = tpu.memref_slice %arg6[%dma_start3A_340, %dma_start3A_341, %dma_start3A_342] : memref<2x8x128xi32, #tpu.memory_space<vmem>> -> memref<1x8x128xi32, #tpu.memory_space<vmem>>
        %dma_start3A_344 = tpu.memref_squeeze %dma_start3A_343 : memref<1x8x128xi32, #tpu.memory_space<vmem>> -> memref<8x128xi32, #tpu.memory_space<vmem>>
        %dma_start3A_345 = arith.constant 0 : i32
        %dma_start3A_346 = tpu.memref_slice %arg2[%mul3A_339, %dma_start3A_345] : memref<2560x128xi32, #tpu.memory_space<hbm>> -> memref<8x128xi32, #tpu.memory_space<hbm>>
        %dma_start3A_347 = arith.constant 0 : i32
        %dma_start3A_348 = arith.constant 0 : i32
        %dma_start3A_349 = tpu.memref_slice %arg6[%dma_start3A_340, %dma_start3A_347, %dma_start3A_348] : memref<2x8x128xi32, #tpu.memory_space<vmem>> -> memref<1x8x128xi32, #tpu.memory_space<vmem>>
        %dma_start3A_350 = tpu.memref_squeeze %dma_start3A_349 : memref<1x8x128xi32, #tpu.memory_space<vmem>> -> memref<8x128xi32, #tpu.memory_space<vmem>>
        %dma_start3A_351 = arith.constant 0 : i32
        %dma_start3A_352 = tpu.memref_slice %arg2[%mul3A_339, %dma_start3A_351] : memref<2560x128xi32, #tpu.memory_space<hbm>> -> memref<8x128xi32, #tpu.memory_space<hbm>>
        tpu.enqueue_dma source(%dma_start3A_352 : memref<8x128xi32, #tpu.memory_space<hbm>>) target(%dma_start3A_350 : memref<8x128xi32, #tpu.memory_space<vmem>>) target_semaphore(%arg10 : memref<!tpu.dma_semaphore, #tpu.memory_space<semaphore_mem>>)
      } else {
      }
      %dma_start3A_53 = arith.constant 0 : i32
      %dma_start3A_54 = arith.constant 0 : i32
      %dma_start3A_55 = arith.constant 0 : i32
      %dma_start3A_56 = tpu.memref_slice %arg6[%dma_start3A_53, %dma_start3A_54, %dma_start3A_55] : memref<2x8x128xi32, #tpu.memory_space<vmem>> -> memref<1x1x128xi32, #tpu.memory_space<vmem>>
      %dma_start3A_57 = tpu.memref_squeeze %dma_start3A_56 : memref<1x1x128xi32, #tpu.memory_space<vmem>> -> memref<128xi32, #tpu.memory_space<vmem>>
      %dma_start3A_58 = arith.constant 0 : i32
      %dma_start3A_59 = arith.constant 0 : i32
      %dma_start3A_60 = tpu.memref_slice %arg8[%dma_start3A_58, %dma_start3A_59] : memref<10240x128xf32, #tpu.memory_space<vmem_shared>> -> memref<10240x128xf32, #tpu.memory_space<vmem_shared>>
      tpu.enqueue_indirect_dma source(%arg7 : memref<128x128xf32, #tpu.memory_space<vmem>>) target(%dma_start3A_60 : memref<10240x128xf32, #tpu.memory_space<vmem_shared>>) offsets(%dma_start3A_57 : memref<128xi32, #tpu.memory_space<vmem>>) semaphore(%arg9 : memref<!tpu.dma_semaphore, #tpu.memory_space<semaphore_mem>>) {add = true}
      %dma_start3A_61 = arith.constant 0 : i32
      %dma_start3A_62 = arith.constant 1 : i32
      %dma_start3A_63 = arith.constant 0 : i32
      %dma_start3A_64 = tpu.memref_slice %arg6[%dma_start3A_61, %dma_start3A_62, %dma_start3A_63] : memref<2x8x128xi32, #tpu.memory_space<vmem>> -> memref<1x1x128xi32, #tpu.memory_space<vmem>>
      %dma_start3A_65 = tpu.memref_squeeze %dma_start3A_64 : memref<1x1x128xi32, #tpu.memory_space<vmem>> -> memref<128xi32, #tpu.memory_space<vmem>>
      %dma_start3A_66 = arith.constant 0 : i32
      %dma_start3A_67 = arith.constant 0 : i32
      %dma_start3A_68 = tpu.memref_slice %arg8[%dma_start3A_66, %dma_start3A_67] : memref<10240x128xf32, #tpu.memory_space<vmem_shared>> -> memref<10240x128xf32, #tpu.memory_space<vmem_shared>>
      tpu.enqueue_indirect_dma source(%arg7 : memref<128x128xf32, #tpu.memory_space<vmem>>) target(%dma_start3A_68 : memref<10240x128xf32, #tpu.memory_space<vmem_shared>>) offsets(%dma_start3A_65 : memref<128xi32, #tpu.memory_space<vmem>>) semaphore(%arg9 : memref<!tpu.dma_semaphore, #tpu.memory_space<semaphore_mem>>) {add = true}
      %dma_start3A_69 = arith.constant 0 : i32
      %dma_start3A_70 = arith.constant 2 : i32
      %dma_start3A_71 = arith.constant 0 : i32
      %dma_start3A_72 = tpu.memref_slice %arg6[%dma_start3A_69, %dma_start3A_70, %dma_start3A_71] : memref<2x8x128xi32, #tpu.memory_space<vmem>> -> memref<1x1x128xi32, #tpu.memory_space<vmem>>
      %dma_start3A_73 = tpu.memref_squeeze %dma_start3A_72 : memref<1x1x128xi32, #tpu.memory_space<vmem>> -> memref<128xi32, #tpu.memory_space<vmem>>
      %dma_start3A_74 = arith.constant 0 : i32
      %dma_start3A_75 = arith.constant 0 : i32
      %dma_start3A_76 = tpu.memref_slice %arg8[%dma_start3A_74, %dma_start3A_75] : memref<10240x128xf32, #tpu.memory_space<vmem_shared>> -> memref<10240x128xf32, #tpu.memory_space<vmem_shared>>
      tpu.enqueue_indirect_dma source(%arg7 : memref<128x128xf32, #tpu.memory_space<vmem>>) target(%dma_start3A_76 : memref<10240x128xf32, #tpu.memory_space<vmem_shared>>) offsets(%dma_start3A_73 : memref<128xi32, #tpu.memory_space<vmem>>) semaphore(%arg9 : memref<!tpu.dma_semaphore, #tpu.memory_space<semaphore_mem>>) {add = true}
      %dma_start3A_77 = arith.constant 0 : i32
      %dma_start3A_78 = arith.constant 3 : i32
      %dma_start3A_79 = arith.constant 0 : i32
      %dma_start3A_80 = tpu.memref_slice %arg6[%dma_start3A_77, %dma_start3A_78, %dma_start3A_79] : memref<2x8x128xi32, #tpu.memory_space<vmem>> -> memref<1x1x128xi32, #tpu.memory_space<vmem>>
      %dma_start3A_81 = tpu.memref_squeeze %dma_start3A_80 : memref<1x1x128xi32, #tpu.memory_space<vmem>> -> memref<128xi32, #tpu.memory_space<vmem>>
      %dma_start3A_82 = arith.constant 0 : i32
      %dma_start3A_83 = arith.constant 0 : i32
      %dma_start3A_84 = tpu.memref_slice %arg8[%dma_start3A_82, %dma_start3A_83] : memref<10240x128xf32, #tpu.memory_space<vmem_shared>> -> memref<10240x128xf32, #tpu.memory_space<vmem_shared>>
      tpu.enqueue_indirect_dma source(%arg7 : memref<128x128xf32, #tpu.memory_space<vmem>>) target(%dma_start3A_84 : memref<10240x128xf32, #tpu.memory_space<vmem_shared>>) offsets(%dma_start3A_81 : memref<128xi32, #tpu.memory_space<vmem>>) semaphore(%arg9 : memref<!tpu.dma_semaphore, #tpu.memory_space<semaphore_mem>>) {add = true}
      %dma_start3A_85 = arith.constant 0 : i32
      %dma_start3A_86 = arith.constant 4 : i32
      %dma_start3A_87 = arith.constant 0 : i32
      %dma_start3A_88 = tpu.memref_slice %arg6[%dma_start3A_85, %dma_start3A_86, %dma_start3A_87] : memref<2x8x128xi32, #tpu.memory_space<vmem>> -> memref<1x1x128xi32, #tpu.memory_space<vmem>>
      %dma_start3A_89 = tpu.memref_squeeze %dma_start3A_88 : memref<1x1x128xi32, #tpu.memory_space<vmem>> -> memref<128xi32, #tpu.memory_space<vmem>>
      %dma_start3A_90 = arith.constant 0 : i32
      %dma_start3A_91 = arith.constant 0 : i32
      %dma_start3A_92 = tpu.memref_slice %arg8[%dma_start3A_90, %dma_start3A_91] : memref<10240x128xf32, #tpu.memory_space<vmem_shared>> -> memref<10240x128xf32, #tpu.memory_space<vmem_shared>>
      tpu.enqueue_indirect_dma source(%arg7 : memref<128x128xf32, #tpu.memory_space<vmem>>) target(%dma_start3A_92 : memref<10240x128xf32, #tpu.memory_space<vmem_shared>>) offsets(%dma_start3A_89 : memref<128xi32, #tpu.memory_space<vmem>>) semaphore(%arg9 : memref<!tpu.dma_semaphore, #tpu.memory_space<semaphore_mem>>) {add = true}
      %dma_start3A_93 = arith.constant 0 : i32
      %dma_start3A_94 = arith.constant 5 : i32
      %dma_start3A_95 = arith.constant 0 : i32
      %dma_start3A_96 = tpu.memref_slice %arg6[%dma_start3A_93, %dma_start3A_94, %dma_start3A_95] : memref<2x8x128xi32, #tpu.memory_space<vmem>> -> memref<1x1x128xi32, #tpu.memory_space<vmem>>
      %dma_start3A_97 = tpu.memref_squeeze %dma_start3A_96 : memref<1x1x128xi32, #tpu.memory_space<vmem>> -> memref<128xi32, #tpu.memory_space<vmem>>
      %dma_start3A_98 = arith.constant 0 : i32
      %dma_start3A_99 = arith.constant 0 : i32
      %dma_start3A_100 = tpu.memref_slice %arg8[%dma_start3A_98, %dma_start3A_99] : memref<10240x128xf32, #tpu.memory_space<vmem_shared>> -> memref<10240x128xf32, #tpu.memory_space<vmem_shared>>
      tpu.enqueue_indirect_dma source(%arg7 : memref<128x128xf32, #tpu.memory_space<vmem>>) target(%dma_start3A_100 : memref<10240x128xf32, #tpu.memory_space<vmem_shared>>) offsets(%dma_start3A_97 : memref<128xi32, #tpu.memory_space<vmem>>) semaphore(%arg9 : memref<!tpu.dma_semaphore, #tpu.memory_space<semaphore_mem>>) {add = true}
      %dma_start3A_101 = arith.constant 0 : i32
      %dma_start3A_102 = arith.constant 6 : i32
      %dma_start3A_103 = arith.constant 0 : i32
      %dma_start3A_104 = tpu.memref_slice %arg6[%dma_start3A_101, %dma_start3A_102, %dma_start3A_103] : memref<2x8x128xi32, #tpu.memory_space<vmem>> -> memref<1x1x128xi32, #tpu.memory_space<vmem>>
      %dma_start3A_105 = tpu.memref_squeeze %dma_start3A_104 : memref<1x1x128xi32, #tpu.memory_space<vmem>> -> memref<128xi32, #tpu.memory_space<vmem>>
      %dma_start3A_106 = arith.constant 0 : i32
      %dma_start3A_107 = arith.constant 0 : i32
      %dma_start3A_108 = tpu.memref_slice %arg8[%dma_start3A_106, %dma_start3A_107] : memref<10240x128xf32, #tpu.memory_space<vmem_shared>> -> memref<10240x128xf32, #tpu.memory_space<vmem_shared>>
      tpu.enqueue_indirect_dma source(%arg7 : memref<128x128xf32, #tpu.memory_space<vmem>>) target(%dma_start3A_108 : memref<10240x128xf32, #tpu.memory_space<vmem_shared>>) offsets(%dma_start3A_105 : memref<128xi32, #tpu.memory_space<vmem>>) semaphore(%arg9 : memref<!tpu.dma_semaphore, #tpu.memory_space<semaphore_mem>>) {add = true}
      %dma_start3A_109 = arith.constant 0 : i32
      %dma_start3A_110 = arith.constant 7 : i32
      %dma_start3A_111 = arith.constant 0 : i32
      %dma_start3A_112 = tpu.memref_slice %arg6[%dma_start3A_109, %dma_start3A_110, %dma_start3A_111] : memref<2x8x128xi32, #tpu.memory_space<vmem>> -> memref<1x1x128xi32, #tpu.memory_space<vmem>>
      %dma_start3A_113 = tpu.memref_squeeze %dma_start3A_112 : memref<1x1x128xi32, #tpu.memory_space<vmem>> -> memref<128xi32, #tpu.memory_space<vmem>>
      %dma_start3A_114 = arith.constant 0 : i32
      %dma_start3A_115 = arith.constant 0 : i32
      %dma_start3A_116 = tpu.memref_slice %arg8[%dma_start3A_114, %dma_start3A_115] : memref<10240x128xf32, #tpu.memory_space<vmem_shared>> -> memref<10240x128xf32, #tpu.memory_space<vmem_shared>>
      tpu.enqueue_indirect_dma source(%arg7 : memref<128x128xf32, #tpu.memory_space<vmem>>) target(%dma_start3A_116 : memref<10240x128xf32, #tpu.memory_space<vmem_shared>>) offsets(%dma_start3A_113 : memref<128xi32, #tpu.memory_space<vmem>>) semaphore(%arg9 : memref<!tpu.dma_semaphore, #tpu.memory_space<semaphore_mem>>) {add = true}
      %dma_wait3A_117 = arith.constant 0 : i32
      %dma_wait3A_118 = arith.constant 0 : i32
      %dma_wait3A_119 = arith.constant 0 : i32
      %dma_wait3A_120 = tpu.memref_slice %arg6[%dma_wait3A_117, %dma_wait3A_118, %dma_wait3A_119] : memref<2x8x128xi32, #tpu.memory_space<vmem>> -> memref<1x1x128xi32, #tpu.memory_space<vmem>>
      %dma_wait3A_121 = tpu.memref_squeeze %dma_wait3A_120 : memref<1x1x128xi32, #tpu.memory_space<vmem>> -> memref<128xi32, #tpu.memory_space<vmem>>
      %dma_wait3A_122 = arith.constant 0 : i32
      %dma_wait3A_123 = arith.constant 0 : i32
      %dma_wait3A_124 = tpu.memref_slice %arg8[%dma_wait3A_122, %dma_wait3A_123] : memref<10240x128xf32, #tpu.memory_space<vmem_shared>> -> memref<10240x128xf32, #tpu.memory_space<vmem_shared>>
      tpu.wait_indirect_dma semaphore(%arg9 : memref<!tpu.dma_semaphore, #tpu.memory_space<semaphore_mem>>) src(%arg7 : memref<128x128xf32, #tpu.memory_space<vmem>>) dst(%dma_wait3A_124 : memref<10240x128xf32, #tpu.memory_space<vmem_shared>>)
      %dma_wait3A_125 = arith.constant 0 : i32
      %dma_wait3A_126 = arith.constant 1 : i32
      %dma_wait3A_127 = arith.constant 0 : i32
      %dma_wait3A_128 = tpu.memref_slice %arg6[%dma_wait3A_125, %dma_wait3A_126, %dma_wait3A_127] : memref<2x8x128xi32, #tpu.memory_space<vmem>> -> memref<1x1x128xi32, #tpu.memory_space<vmem>>
      %dma_wait3A_129 = tpu.memref_squeeze %dma_wait3A_128 : memref<1x1x128xi32, #tpu.memory_space<vmem>> -> memref<128xi32, #tpu.memory_space<vmem>>
      %dma_wait3A_130 = arith.constant 0 : i32
      %dma_wait3A_131 = arith.constant 0 : i32
      %dma_wait3A_132 = tpu.memref_slice %arg8[%dma_wait3A_130, %dma_wait3A_131] : memref<10240x128xf32, #tpu.memory_space<vmem_shared>> -> memref<10240x128xf32, #tpu.memory_space<vmem_shared>>
      tpu.wait_indirect_dma semaphore(%arg9 : memref<!tpu.dma_semaphore, #tpu.memory_space<semaphore_mem>>) src(%arg7 : memref<128x128xf32, #tpu.memory_space<vmem>>) dst(%dma_wait3A_132 : memref<10240x128xf32, #tpu.memory_space<vmem_shared>>)
      %dma_wait3A_133 = arith.constant 0 : i32
      %dma_wait3A_134 = arith.constant 2 : i32
      %dma_wait3A_135 = arith.constant 0 : i32
      %dma_wait3A_136 = tpu.memref_slice %arg6[%dma_wait3A_133, %dma_wait3A_134, %dma_wait3A_135] : memref<2x8x128xi32, #tpu.memory_space<vmem>> -> memref<1x1x128xi32, #tpu.memory_space<vmem>>
      %dma_wait3A_137 = tpu.memref_squeeze %dma_wait3A_136 : memref<1x1x128xi32, #tpu.memory_space<vmem>> -> memref<128xi32, #tpu.memory_space<vmem>>
      %dma_wait3A_138 = arith.constant 0 : i32
      %dma_wait3A_139 = arith.constant 0 : i32
      %dma_wait3A_140 = tpu.memref_slice %arg8[%dma_wait3A_138, %dma_wait3A_139] : memref<10240x128xf32, #tpu.memory_space<vmem_shared>> -> memref<10240x128xf32, #tpu.memory_space<vmem_shared>>
      tpu.wait_indirect_dma semaphore(%arg9 : memref<!tpu.dma_semaphore, #tpu.memory_space<semaphore_mem>>) src(%arg7 : memref<128x128xf32, #tpu.memory_space<vmem>>) dst(%dma_wait3A_140 : memref<10240x128xf32, #tpu.memory_space<vmem_shared>>)
      %dma_wait3A_141 = arith.constant 0 : i32
      %dma_wait3A_142 = arith.constant 3 : i32
      %dma_wait3A_143 = arith.constant 0 : i32
      %dma_wait3A_144 = tpu.memref_slice %arg6[%dma_wait3A_141, %dma_wait3A_142, %dma_wait3A_143] : memref<2x8x128xi32, #tpu.memory_space<vmem>> -> memref<1x1x128xi32, #tpu.memory_space<vmem>>
      %dma_wait3A_145 = tpu.memref_squeeze %dma_wait3A_144 : memref<1x1x128xi32, #tpu.memory_space<vmem>> -> memref<128xi32, #tpu.memory_space<vmem>>
      %dma_wait3A_146 = arith.constant 0 : i32
      %dma_wait3A_147 = arith.constant 0 : i32
      %dma_wait3A_148 = tpu.memref_slice %arg8[%dma_wait3A_146, %dma_wait3A_147] : memref<10240x128xf32, #tpu.memory_space<vmem_shared>> -> memref<10240x128xf32, #tpu.memory_space<vmem_shared>>
      tpu.wait_indirect_dma semaphore(%arg9 : memref<!tpu.dma_semaphore, #tpu.memory_space<semaphore_mem>>) src(%arg7 : memref<128x128xf32, #tpu.memory_space<vmem>>) dst(%dma_wait3A_148 : memref<10240x128xf32, #tpu.memory_space<vmem_shared>>)
      %dma_wait3A_149 = arith.constant 0 : i32
      %dma_wait3A_150 = arith.constant 4 : i32
      %dma_wait3A_151 = arith.constant 0 : i32
      %dma_wait3A_152 = tpu.memref_slice %arg6[%dma_wait3A_149, %dma_wait3A_150, %dma_wait3A_151] : memref<2x8x128xi32, #tpu.memory_space<vmem>> -> memref<1x1x128xi32, #tpu.memory_space<vmem>>
      %dma_wait3A_153 = tpu.memref_squeeze %dma_wait3A_152 : memref<1x1x128xi32, #tpu.memory_space<vmem>> -> memref<128xi32, #tpu.memory_space<vmem>>
      %dma_wait3A_154 = arith.constant 0 : i32
      %dma_wait3A_155 = arith.constant 0 : i32
      %dma_wait3A_156 = tpu.memref_slice %arg8[%dma_wait3A_154, %dma_wait3A_155] : memref<10240x128xf32, #tpu.memory_space<vmem_shared>> -> memref<10240x128xf32, #tpu.memory_space<vmem_shared>>
      tpu.wait_indirect_dma semaphore(%arg9 : memref<!tpu.dma_semaphore, #tpu.memory_space<semaphore_mem>>) src(%arg7 : memref<128x128xf32, #tpu.memory_space<vmem>>) dst(%dma_wait3A_156 : memref<10240x128xf32, #tpu.memory_space<vmem_shared>>)
      %dma_wait3A_157 = arith.constant 0 : i32
      %dma_wait3A_158 = arith.constant 5 : i32
      %dma_wait3A_159 = arith.constant 0 : i32
      %dma_wait3A_160 = tpu.memref_slice %arg6[%dma_wait3A_157, %dma_wait3A_158, %dma_wait3A_159] : memref<2x8x128xi32, #tpu.memory_space<vmem>> -> memref<1x1x128xi32, #tpu.memory_space<vmem>>
      %dma_wait3A_161 = tpu.memref_squeeze %dma_wait3A_160 : memref<1x1x128xi32, #tpu.memory_space<vmem>> -> memref<128xi32, #tpu.memory_space<vmem>>
      %dma_wait3A_162 = arith.constant 0 : i32
      %dma_wait3A_163 = arith.constant 0 : i32
      %dma_wait3A_164 = tpu.memref_slice %arg8[%dma_wait3A_162, %dma_wait3A_163] : memref<10240x128xf32, #tpu.memory_space<vmem_shared>> -> memref<10240x128xf32, #tpu.memory_space<vmem_shared>>
      tpu.wait_indirect_dma semaphore(%arg9 : memref<!tpu.dma_semaphore, #tpu.memory_space<semaphore_mem>>) src(%arg7 : memref<128x128xf32, #tpu.memory_space<vmem>>) dst(%dma_wait3A_164 : memref<10240x128xf32, #tpu.memory_space<vmem_shared>>)
      %dma_wait3A_165 = arith.constant 0 : i32
      %dma_wait3A_166 = arith.constant 6 : i32
      %dma_wait3A_167 = arith.constant 0 : i32
      %dma_wait3A_168 = tpu.memref_slice %arg6[%dma_wait3A_165, %dma_wait3A_166, %dma_wait3A_167] : memref<2x8x128xi32, #tpu.memory_space<vmem>> -> memref<1x1x128xi32, #tpu.memory_space<vmem>>
      %dma_wait3A_169 = tpu.memref_squeeze %dma_wait3A_168 : memref<1x1x128xi32, #tpu.memory_space<vmem>> -> memref<128xi32, #tpu.memory_space<vmem>>
      %dma_wait3A_170 = arith.constant 0 : i32
      %dma_wait3A_171 = arith.constant 0 : i32
      %dma_wait3A_172 = tpu.memref_slice %arg8[%dma_wait3A_170, %dma_wait3A_171] : memref<10240x128xf32, #tpu.memory_space<vmem_shared>> -> memref<10240x128xf32, #tpu.memory_space<vmem_shared>>
      tpu.wait_indirect_dma semaphore(%arg9 : memref<!tpu.dma_semaphore, #tpu.memory_space<semaphore_mem>>) src(%arg7 : memref<128x128xf32, #tpu.memory_space<vmem>>) dst(%dma_wait3A_172 : memref<10240x128xf32, #tpu.memory_space<vmem_shared>>)
      %dma_wait3A_173 = arith.constant 0 : i32
      %dma_wait3A_174 = arith.constant 7 : i32
      %dma_wait3A_175 = arith.constant 0 : i32
      %dma_wait3A_176 = tpu.memref_slice %arg6[%dma_wait3A_173, %dma_wait3A_174, %dma_wait3A_175] : memref<2x8x128xi32, #tpu.memory_space<vmem>> -> memref<1x1x128xi32, #tpu.memory_space<vmem>>
      %dma_wait3A_177 = tpu.memref_squeeze %dma_wait3A_176 : memref<1x1x128xi32, #tpu.memory_space<vmem>> -> memref<128xi32, #tpu.memory_space<vmem>>
      %dma_wait3A_178 = arith.constant 0 : i32
      %dma_wait3A_179 = arith.constant 0 : i32
      %dma_wait3A_180 = tpu.memref_slice %arg8[%dma_wait3A_178, %dma_wait3A_179] : memref<10240x128xf32, #tpu.memory_space<vmem_shared>> -> memref<10240x128xf32, #tpu.memory_space<vmem_shared>>
      tpu.wait_indirect_dma semaphore(%arg9 : memref<!tpu.dma_semaphore, #tpu.memory_space<semaphore_mem>>) src(%arg7 : memref<128x128xf32, #tpu.memory_space<vmem>>) dst(%dma_wait3A_180 : memref<10240x128xf32, #tpu.memory_space<vmem_shared>>)
      %mul3A_181 = arith.constant 2 : i32
      %mul3A_182 = arith.muli %mul3A_181, %scan3A_31 : i32
      %add3A_183 = arith.constant 1 : i32
      %add3A_184 = arith.addi %mul3A_182, %add3A_183 : i32
      %dma_wait3A_185 = arith.constant 1 : i32
      %dma_wait3A_186 = arith.constant 0 : i32
      %dma_wait3A_187 = arith.constant 0 : i32
      %dma_wait3A_188 = tpu.memref_slice %arg6[%dma_wait3A_185, %dma_wait3A_186, %dma_wait3A_187] : memref<2x8x128xi32, #tpu.memory_space<vmem>> -> memref<1x8x128xi32, #tpu.memory_space<vmem>>
      %dma_wait3A_189 = tpu.memref_squeeze %dma_wait3A_188 : memref<1x8x128xi32, #tpu.memory_space<vmem>> -> memref<8x128xi32, #tpu.memory_space<vmem>>
      %dma_wait3A_190 = arith.constant 0 : i32
      %dma_wait3A_191 = arith.constant 0 : i32
      %dma_wait3A_192 = tpu.memref_slice %arg2[%dma_wait3A_190, %dma_wait3A_191] : memref<2560x128xi32, #tpu.memory_space<hbm>> -> memref<8x128xi32, #tpu.memory_space<hbm>>
      %dma_wait3A_193 = arith.constant 0 : i32
      %dma_wait3A_194 = arith.constant 0 : i32
      %dma_wait3A_195 = tpu.memref_slice %arg6[%dma_wait3A_185, %dma_wait3A_193, %dma_wait3A_194] : memref<2x8x128xi32, #tpu.memory_space<vmem>> -> memref<1x8x128xi32, #tpu.memory_space<vmem>>
      %dma_wait3A_196 = tpu.memref_squeeze %dma_wait3A_195 : memref<1x8x128xi32, #tpu.memory_space<vmem>> -> memref<8x128xi32, #tpu.memory_space<vmem>>
      %dma_wait3A_197 = arith.constant 0 : i32
      %dma_wait3A_198 = arith.constant 0 : i32
      %dma_wait3A_199 = tpu.memref_slice %arg2[%dma_wait3A_197, %dma_wait3A_198] : memref<2560x128xi32, #tpu.memory_space<hbm>> -> memref<8x128xi32, #tpu.memory_space<hbm>>
      tpu.wait_dma2 semaphore(%arg10 : memref<!tpu.dma_semaphore, #tpu.memory_space<semaphore_mem>>) src(%dma_wait3A_199 : memref<8x128xi32, #tpu.memory_space<hbm>>) dst(%dma_wait3A_196 : memref<8x128xi32, #tpu.memory_space<vmem>>)
      %lt3A_200 = arith.constant 9 : i32
      %lt3A_201 = arith.cmpi slt, %add3A_184, %lt3A_200 : i32
      %convert_element_type3A_202 = arith.extui %lt3A_201 : i1 to i32
      %cond3A_203 = arith.constant 0 : i32
      %cond3A_204 = arith.cmpi ne, %convert_element_type3A_202, %cond3A_203 : i32
      scf.if %cond3A_204 {
        %mul3A_333 = arith.constant 10 : i32
        %mul3A_334 = arith.muli %add3A, %mul3A_333 : i32
        %add3A_335 = arith.addi %mul3A_334, %add3A_184 : i32
        %add3A_336 = arith.constant 1 : i32
        %add3A_337 = arith.addi %add3A_335, %add3A_336 : i32
        %mul3A_338 = arith.constant 8 : i32
        %mul3A_339 = arith.muli %add3A_337, %mul3A_338 : i32
        %dma_start3A_340 = arith.constant 0 : i32
        %dma_start3A_341 = arith.constant 0 : i32
        %dma_start3A_342 = arith.constant 0 : i32
        %dma_start3A_343 = tpu.memref_slice %arg6[%dma_start3A_340, %dma_start3A_341, %dma_start3A_342] : memref<2x8x128xi32, #tpu.memory_space<vmem>> -> memref<1x8x128xi32, #tpu.memory_space<vmem>>
        %dma_start3A_344 = tpu.memref_squeeze %dma_start3A_343 : memref<1x8x128xi32, #tpu.memory_space<vmem>> -> memref<8x128xi32, #tpu.memory_space<vmem>>
        %dma_start3A_345 = arith.constant 0 : i32
        %dma_start3A_346 = tpu.memref_slice %arg2[%mul3A_339, %dma_start3A_345] : memref<2560x128xi32, #tpu.memory_space<hbm>> -> memref<8x128xi32, #tpu.memory_space<hbm>>
        %dma_start3A_347 = arith.constant 0 : i32
        %dma_start3A_348 = arith.constant 0 : i32
        %dma_start3A_349 = tpu.memref_slice %arg6[%dma_start3A_340, %dma_start3A_347, %dma_start3A_348] : memref<2x8x128xi32, #tpu.memory_space<vmem>> -> memref<1x8x128xi32, #tpu.memory_space<vmem>>
        %dma_start3A_350 = tpu.memref_squeeze %dma_start3A_349 : memref<1x8x128xi32, #tpu.memory_space<vmem>> -> memref<8x128xi32, #tpu.memory_space<vmem>>
        %dma_start3A_351 = arith.constant 0 : i32
        %dma_start3A_352 = tpu.memref_slice %arg2[%mul3A_339, %dma_start3A_351] : memref<2560x128xi32, #tpu.memory_space<hbm>> -> memref<8x128xi32, #tpu.memory_space<hbm>>
        tpu.enqueue_dma source(%dma_start3A_352 : memref<8x128xi32, #tpu.memory_space<hbm>>) target(%dma_start3A_350 : memref<8x128xi32, #tpu.memory_space<vmem>>) target_semaphore(%arg10 : memref<!tpu.dma_semaphore, #tpu.memory_space<semaphore_mem>>)
      } else {
      }
      %dma_start3A_205 = arith.constant 1 : i32
      %dma_start3A_206 = arith.constant 0 : i32
      %dma_start3A_207 = arith.constant 0 : i32
      %dma_start3A_208 = tpu.memref_slice %arg6[%dma_start3A_205, %dma_start3A_206, %dma_start3A_207] : memref<2x8x128xi32, #tpu.memory_space<vmem>> -> memref<1x1x128xi32, #tpu.memory_space<vmem>>
      %dma_start3A_209 = tpu.memref_squeeze %dma_start3A_208 : memref<1x1x128xi32, #tpu.memory_space<vmem>> -> memref<128xi32, #tpu.memory_space<vmem>>
      %dma_start3A_210 = arith.constant 0 : i32
      %dma_start3A_211 = arith.constant 0 : i32
      %dma_start3A_212 = tpu.memref_slice %arg8[%dma_start3A_210, %dma_start3A_211] : memref<10240x128xf32, #tpu.memory_space<vmem_shared>> -> memref<10240x128xf32, #tpu.memory_space<vmem_shared>>
      tpu.enqueue_indirect_dma source(%arg7 : memref<128x128xf32, #tpu.memory_space<vmem>>) target(%dma_start3A_212 : memref<10240x128xf32, #tpu.memory_space<vmem_shared>>) offsets(%dma_start3A_209 : memref<128xi32, #tpu.memory_space<vmem>>) semaphore(%arg9 : memref<!tpu.dma_semaphore, #tpu.memory_space<semaphore_mem>>) {add = true}
      %dma_start3A_213 = arith.constant 1 : i32
      %dma_start3A_214 = arith.constant 1 : i32
      %dma_start3A_215 = arith.constant 0 : i32
      %dma_start3A_216 = tpu.memref_slice %arg6[%dma_start3A_213, %dma_start3A_214, %dma_start3A_215] : memref<2x8x128xi32, #tpu.memory_space<vmem>> -> memref<1x1x128xi32, #tpu.memory_space<vmem>>
      %dma_start3A_217 = tpu.memref_squeeze %dma_start3A_216 : memref<1x1x128xi32, #tpu.memory_space<vmem>> -> memref<128xi32, #tpu.memory_space<vmem>>
      %dma_start3A_218 = arith.constant 0 : i32
      %dma_start3A_219 = arith.constant 0 : i32
      %dma_start3A_220 = tpu.memref_slice %arg8[%dma_start3A_218, %dma_start3A_219] : memref<10240x128xf32, #tpu.memory_space<vmem_shared>> -> memref<10240x128xf32, #tpu.memory_space<vmem_shared>>
      tpu.enqueue_indirect_dma source(%arg7 : memref<128x128xf32, #tpu.memory_space<vmem>>) target(%dma_start3A_220 : memref<10240x128xf32, #tpu.memory_space<vmem_shared>>) offsets(%dma_start3A_217 : memref<128xi32, #tpu.memory_space<vmem>>) semaphore(%arg9 : memref<!tpu.dma_semaphore, #tpu.memory_space<semaphore_mem>>) {add = true}
      %dma_start3A_221 = arith.constant 1 : i32
      %dma_start3A_222 = arith.constant 2 : i32
      %dma_start3A_223 = arith.constant 0 : i32
      %dma_start3A_224 = tpu.memref_slice %arg6[%dma_start3A_221, %dma_start3A_222, %dma_start3A_223] : memref<2x8x128xi32, #tpu.memory_space<vmem>> -> memref<1x1x128xi32, #tpu.memory_space<vmem>>
      %dma_start3A_225 = tpu.memref_squeeze %dma_start3A_224 : memref<1x1x128xi32, #tpu.memory_space<vmem>> -> memref<128xi32, #tpu.memory_space<vmem>>
      %dma_start3A_226 = arith.constant 0 : i32
      %dma_start3A_227 = arith.constant 0 : i32
      %dma_start3A_228 = tpu.memref_slice %arg8[%dma_start3A_226, %dma_start3A_227] : memref<10240x128xf32, #tpu.memory_space<vmem_shared>> -> memref<10240x128xf32, #tpu.memory_space<vmem_shared>>
      tpu.enqueue_indirect_dma source(%arg7 : memref<128x128xf32, #tpu.memory_space<vmem>>) target(%dma_start3A_228 : memref<10240x128xf32, #tpu.memory_space<vmem_shared>>) offsets(%dma_start3A_225 : memref<128xi32, #tpu.memory_space<vmem>>) semaphore(%arg9 : memref<!tpu.dma_semaphore, #tpu.memory_space<semaphore_mem>>) {add = true}
      %dma_start3A_229 = arith.constant 1 : i32
      %dma_start3A_230 = arith.constant 3 : i32
      %dma_start3A_231 = arith.constant 0 : i32
      %dma_start3A_232 = tpu.memref_slice %arg6[%dma_start3A_229, %dma_start3A_230, %dma_start3A_231] : memref<2x8x128xi32, #tpu.memory_space<vmem>> -> memref<1x1x128xi32, #tpu.memory_space<vmem>>
      %dma_start3A_233 = tpu.memref_squeeze %dma_start3A_232 : memref<1x1x128xi32, #tpu.memory_space<vmem>> -> memref<128xi32, #tpu.memory_space<vmem>>
      %dma_start3A_234 = arith.constant 0 : i32
      %dma_start3A_235 = arith.constant 0 : i32
      %dma_start3A_236 = tpu.memref_slice %arg8[%dma_start3A_234, %dma_start3A_235] : memref<10240x128xf32, #tpu.memory_space<vmem_shared>> -> memref<10240x128xf32, #tpu.memory_space<vmem_shared>>
      tpu.enqueue_indirect_dma source(%arg7 : memref<128x128xf32, #tpu.memory_space<vmem>>) target(%dma_start3A_236 : memref<10240x128xf32, #tpu.memory_space<vmem_shared>>) offsets(%dma_start3A_233 : memref<128xi32, #tpu.memory_space<vmem>>) semaphore(%arg9 : memref<!tpu.dma_semaphore, #tpu.memory_space<semaphore_mem>>) {add = true}
      %dma_start3A_237 = arith.constant 1 : i32
      %dma_start3A_238 = arith.constant 4 : i32
      %dma_start3A_239 = arith.constant 0 : i32
      %dma_start3A_240 = tpu.memref_slice %arg6[%dma_start3A_237, %dma_start3A_238, %dma_start3A_239] : memref<2x8x128xi32, #tpu.memory_space<vmem>> -> memref<1x1x128xi32, #tpu.memory_space<vmem>>
      %dma_start3A_241 = tpu.memref_squeeze %dma_start3A_240 : memref<1x1x128xi32, #tpu.memory_space<vmem>> -> memref<128xi32, #tpu.memory_space<vmem>>
      %dma_start3A_242 = arith.constant 0 : i32
      %dma_start3A_243 = arith.constant 0 : i32
      %dma_start3A_244 = tpu.memref_slice %arg8[%dma_start3A_242, %dma_start3A_243] : memref<10240x128xf32, #tpu.memory_space<vmem_shared>> -> memref<10240x128xf32, #tpu.memory_space<vmem_shared>>
      tpu.enqueue_indirect_dma source(%arg7 : memref<128x128xf32, #tpu.memory_space<vmem>>) target(%dma_start3A_244 : memref<10240x128xf32, #tpu.memory_space<vmem_shared>>) offsets(%dma_start3A_241 : memref<128xi32, #tpu.memory_space<vmem>>) semaphore(%arg9 : memref<!tpu.dma_semaphore, #tpu.memory_space<semaphore_mem>>) {add = true}
      %dma_start3A_245 = arith.constant 1 : i32
      %dma_start3A_246 = arith.constant 5 : i32
      %dma_start3A_247 = arith.constant 0 : i32
      %dma_start3A_248 = tpu.memref_slice %arg6[%dma_start3A_245, %dma_start3A_246, %dma_start3A_247] : memref<2x8x128xi32, #tpu.memory_space<vmem>> -> memref<1x1x128xi32, #tpu.memory_space<vmem>>
      %dma_start3A_249 = tpu.memref_squeeze %dma_start3A_248 : memref<1x1x128xi32, #tpu.memory_space<vmem>> -> memref<128xi32, #tpu.memory_space<vmem>>
      %dma_start3A_250 = arith.constant 0 : i32
      %dma_start3A_251 = arith.constant 0 : i32
      %dma_start3A_252 = tpu.memref_slice %arg8[%dma_start3A_250, %dma_start3A_251] : memref<10240x128xf32, #tpu.memory_space<vmem_shared>> -> memref<10240x128xf32, #tpu.memory_space<vmem_shared>>
      tpu.enqueue_indirect_dma source(%arg7 : memref<128x128xf32, #tpu.memory_space<vmem>>) target(%dma_start3A_252 : memref<10240x128xf32, #tpu.memory_space<vmem_shared>>) offsets(%dma_start3A_249 : memref<128xi32, #tpu.memory_space<vmem>>) semaphore(%arg9 : memref<!tpu.dma_semaphore, #tpu.memory_space<semaphore_mem>>) {add = true}
      %dma_start3A_253 = arith.constant 1 : i32
      %dma_start3A_254 = arith.constant 6 : i32
      %dma_start3A_255 = arith.constant 0 : i32
      %dma_start3A_256 = tpu.memref_slice %arg6[%dma_start3A_253, %dma_start3A_254, %dma_start3A_255] : memref<2x8x128xi32, #tpu.memory_space<vmem>> -> memref<1x1x128xi32, #tpu.memory_space<vmem>>
      %dma_start3A_257 = tpu.memref_squeeze %dma_start3A_256 : memref<1x1x128xi32, #tpu.memory_space<vmem>> -> memref<128xi32, #tpu.memory_space<vmem>>
      %dma_start3A_258 = arith.constant 0 : i32
      %dma_start3A_259 = arith.constant 0 : i32
      %dma_start3A_260 = tpu.memref_slice %arg8[%dma_start3A_258, %dma_start3A_259] : memref<10240x128xf32, #tpu.memory_space<vmem_shared>> -> memref<10240x128xf32, #tpu.memory_space<vmem_shared>>
      tpu.enqueue_indirect_dma source(%arg7 : memref<128x128xf32, #tpu.memory_space<vmem>>) target(%dma_start3A_260 : memref<10240x128xf32, #tpu.memory_space<vmem_shared>>) offsets(%dma_start3A_257 : memref<128xi32, #tpu.memory_space<vmem>>) semaphore(%arg9 : memref<!tpu.dma_semaphore, #tpu.memory_space<semaphore_mem>>) {add = true}
      %dma_start3A_261 = arith.constant 1 : i32
      %dma_start3A_262 = arith.constant 7 : i32
      %dma_start3A_263 = arith.constant 0 : i32
      %dma_start3A_264 = tpu.memref_slice %arg6[%dma_start3A_261, %dma_start3A_262, %dma_start3A_263] : memref<2x8x128xi32, #tpu.memory_space<vmem>> -> memref<1x1x128xi32, #tpu.memory_space<vmem>>
      %dma_start3A_265 = tpu.memref_squeeze %dma_start3A_264 : memref<1x1x128xi32, #tpu.memory_space<vmem>> -> memref<128xi32, #tpu.memory_space<vmem>>
      %dma_start3A_266 = arith.constant 0 : i32
      %dma_start3A_267 = arith.constant 0 : i32
      %dma_start3A_268 = tpu.memref_slice %arg8[%dma_start3A_266, %dma_start3A_267] : memref<10240x128xf32, #tpu.memory_space<vmem_shared>> -> memref<10240x128xf32, #tpu.memory_space<vmem_shared>>
      tpu.enqueue_indirect_dma source(%arg7 : memref<128x128xf32, #tpu.memory_space<vmem>>) target(%dma_start3A_268 : memref<10240x128xf32, #tpu.memory_space<vmem_shared>>) offsets(%dma_start3A_265 : memref<128xi32, #tpu.memory_space<vmem>>) semaphore(%arg9 : memref<!tpu.dma_semaphore, #tpu.memory_space<semaphore_mem>>) {add = true}
      %dma_wait3A_269 = arith.constant 1 : i32
      %dma_wait3A_270 = arith.constant 0 : i32
      %dma_wait3A_271 = arith.constant 0 : i32
      %dma_wait3A_272 = tpu.memref_slice %arg6[%dma_wait3A_269, %dma_wait3A_270, %dma_wait3A_271] : memref<2x8x128xi32, #tpu.memory_space<vmem>> -> memref<1x1x128xi32, #tpu.memory_space<vmem>>
      %dma_wait3A_273 = tpu.memref_squeeze %dma_wait3A_272 : memref<1x1x128xi32, #tpu.memory_space<vmem>> -> memref<128xi32, #tpu.memory_space<vmem>>
      %dma_wait3A_274 = arith.constant 0 : i32
      %dma_wait3A_275 = arith.constant 0 : i32
      %dma_wait3A_276 = tpu.memref_slice %arg8[%dma_wait3A_274, %dma_wait3A_275] : memref<10240x128xf32, #tpu.memory_space<vmem_shared>> -> memref<10240x128xf32, #tpu.memory_space<vmem_shared>>
      tpu.wait_indirect_dma semaphore(%arg9 : memref<!tpu.dma_semaphore, #tpu.memory_space<semaphore_mem>>) src(%arg7 : memref<128x128xf32, #tpu.memory_space<vmem>>) dst(%dma_wait3A_276 : memref<10240x128xf32, #tpu.memory_space<vmem_shared>>)
      %dma_wait3A_277 = arith.constant 1 : i32
      %dma_wait3A_278 = arith.constant 1 : i32
      %dma_wait3A_279 = arith.constant 0 : i32
      %dma_wait3A_280 = tpu.memref_slice %arg6[%dma_wait3A_277, %dma_wait3A_278, %dma_wait3A_279] : memref<2x8x128xi32, #tpu.memory_space<vmem>> -> memref<1x1x128xi32, #tpu.memory_space<vmem>>
      %dma_wait3A_281 = tpu.memref_squeeze %dma_wait3A_280 : memref<1x1x128xi32, #tpu.memory_space<vmem>> -> memref<128xi32, #tpu.memory_space<vmem>>
      %dma_wait3A_282 = arith.constant 0 : i32
      %dma_wait3A_283 = arith.constant 0 : i32
      %dma_wait3A_284 = tpu.memref_slice %arg8[%dma_wait3A_282, %dma_wait3A_283] : memref<10240x128xf32, #tpu.memory_space<vmem_shared>> -> memref<10240x128xf32, #tpu.memory_space<vmem_shared>>
      tpu.wait_indirect_dma semaphore(%arg9 : memref<!tpu.dma_semaphore, #tpu.memory_space<semaphore_mem>>) src(%arg7 : memref<128x128xf32, #tpu.memory_space<vmem>>) dst(%dma_wait3A_284 : memref<10240x128xf32, #tpu.memory_space<vmem_shared>>)
      %dma_wait3A_285 = arith.constant 1 : i32
      %dma_wait3A_286 = arith.constant 2 : i32
      %dma_wait3A_287 = arith.constant 0 : i32
      %dma_wait3A_288 = tpu.memref_slice %arg6[%dma_wait3A_285, %dma_wait3A_286, %dma_wait3A_287] : memref<2x8x128xi32, #tpu.memory_space<vmem>> -> memref<1x1x128xi32, #tpu.memory_space<vmem>>
      %dma_wait3A_289 = tpu.memref_squeeze %dma_wait3A_288 : memref<1x1x128xi32, #tpu.memory_space<vmem>> -> memref<128xi32, #tpu.memory_space<vmem>>
      %dma_wait3A_290 = arith.constant 0 : i32
      %dma_wait3A_291 = arith.constant 0 : i32
      %dma_wait3A_292 = tpu.memref_slice %arg8[%dma_wait3A_290, %dma_wait3A_291] : memref<10240x128xf32, #tpu.memory_space<vmem_shared>> -> memref<10240x128xf32, #tpu.memory_space<vmem_shared>>
      tpu.wait_indirect_dma semaphore(%arg9 : memref<!tpu.dma_semaphore, #tpu.memory_space<semaphore_mem>>) src(%arg7 : memref<128x128xf32, #tpu.memory_space<vmem>>) dst(%dma_wait3A_292 : memref<10240x128xf32, #tpu.memory_space<vmem_shared>>)
      %dma_wait3A_293 = arith.constant 1 : i32
      %dma_wait3A_294 = arith.constant 3 : i32
      %dma_wait3A_295 = arith.constant 0 : i32
      %dma_wait3A_296 = tpu.memref_slice %arg6[%dma_wait3A_293, %dma_wait3A_294, %dma_wait3A_295] : memref<2x8x128xi32, #tpu.memory_space<vmem>> -> memref<1x1x128xi32, #tpu.memory_space<vmem>>
      %dma_wait3A_297 = tpu.memref_squeeze %dma_wait3A_296 : memref<1x1x128xi32, #tpu.memory_space<vmem>> -> memref<128xi32, #tpu.memory_space<vmem>>
      %dma_wait3A_298 = arith.constant 0 : i32
      %dma_wait3A_299 = arith.constant 0 : i32
      %dma_wait3A_300 = tpu.memref_slice %arg8[%dma_wait3A_298, %dma_wait3A_299] : memref<10240x128xf32, #tpu.memory_space<vmem_shared>> -> memref<10240x128xf32, #tpu.memory_space<vmem_shared>>
      tpu.wait_indirect_dma semaphore(%arg9 : memref<!tpu.dma_semaphore, #tpu.memory_space<semaphore_mem>>) src(%arg7 : memref<128x128xf32, #tpu.memory_space<vmem>>) dst(%dma_wait3A_300 : memref<10240x128xf32, #tpu.memory_space<vmem_shared>>)
      %dma_wait3A_301 = arith.constant 1 : i32
      %dma_wait3A_302 = arith.constant 4 : i32
      %dma_wait3A_303 = arith.constant 0 : i32
      %dma_wait3A_304 = tpu.memref_slice %arg6[%dma_wait3A_301, %dma_wait3A_302, %dma_wait3A_303] : memref<2x8x128xi32, #tpu.memory_space<vmem>> -> memref<1x1x128xi32, #tpu.memory_space<vmem>>
      %dma_wait3A_305 = tpu.memref_squeeze %dma_wait3A_304 : memref<1x1x128xi32, #tpu.memory_space<vmem>> -> memref<128xi32, #tpu.memory_space<vmem>>
      %dma_wait3A_306 = arith.constant 0 : i32
      %dma_wait3A_307 = arith.constant 0 : i32
      %dma_wait3A_308 = tpu.memref_slice %arg8[%dma_wait3A_306, %dma_wait3A_307] : memref<10240x128xf32, #tpu.memory_space<vmem_shared>> -> memref<10240x128xf32, #tpu.memory_space<vmem_shared>>
      tpu.wait_indirect_dma semaphore(%arg9 : memref<!tpu.dma_semaphore, #tpu.memory_space<semaphore_mem>>) src(%arg7 : memref<128x128xf32, #tpu.memory_space<vmem>>) dst(%dma_wait3A_308 : memref<10240x128xf32, #tpu.memory_space<vmem_shared>>)
      %dma_wait3A_309 = arith.constant 1 : i32
      %dma_wait3A_310 = arith.constant 5 : i32
      %dma_wait3A_311 = arith.constant 0 : i32
      %dma_wait3A_312 = tpu.memref_slice %arg6[%dma_wait3A_309, %dma_wait3A_310, %dma_wait3A_311] : memref<2x8x128xi32, #tpu.memory_space<vmem>> -> memref<1x1x128xi32, #tpu.memory_space<vmem>>
      %dma_wait3A_313 = tpu.memref_squeeze %dma_wait3A_312 : memref<1x1x128xi32, #tpu.memory_space<vmem>> -> memref<128xi32, #tpu.memory_space<vmem>>
      %dma_wait3A_314 = arith.constant 0 : i32
      %dma_wait3A_315 = arith.constant 0 : i32
      %dma_wait3A_316 = tpu.memref_slice %arg8[%dma_wait3A_314, %dma_wait3A_315] : memref<10240x128xf32, #tpu.memory_space<vmem_shared>> -> memref<10240x128xf32, #tpu.memory_space<vmem_shared>>
      tpu.wait_indirect_dma semaphore(%arg9 : memref<!tpu.dma_semaphore, #tpu.memory_space<semaphore_mem>>) src(%arg7 : memref<128x128xf32, #tpu.memory_space<vmem>>) dst(%dma_wait3A_316 : memref<10240x128xf32, #tpu.memory_space<vmem_shared>>)
      %dma_wait3A_317 = arith.constant 1 : i32
      %dma_wait3A_318 = arith.constant 6 : i32
      %dma_wait3A_319 = arith.constant 0 : i32
      %dma_wait3A_320 = tpu.memref_slice %arg6[%dma_wait3A_317, %dma_wait3A_318, %dma_wait3A_319] : memref<2x8x128xi32, #tpu.memory_space<vmem>> -> memref<1x1x128xi32, #tpu.memory_space<vmem>>
      %dma_wait3A_321 = tpu.memref_squeeze %dma_wait3A_320 : memref<1x1x128xi32, #tpu.memory_space<vmem>> -> memref<128xi32, #tpu.memory_space<vmem>>
      %dma_wait3A_322 = arith.constant 0 : i32
      %dma_wait3A_323 = arith.constant 0 : i32
      %dma_wait3A_324 = tpu.memref_slice %arg8[%dma_wait3A_322, %dma_wait3A_323] : memref<10240x128xf32, #tpu.memory_space<vmem_shared>> -> memref<10240x128xf32, #tpu.memory_space<vmem_shared>>
      tpu.wait_indirect_dma semaphore(%arg9 : memref<!tpu.dma_semaphore, #tpu.memory_space<semaphore_mem>>) src(%arg7 : memref<128x128xf32, #tpu.memory_space<vmem>>) dst(%dma_wait3A_324 : memref<10240x128xf32, #tpu.memory_space<vmem_shared>>)
      %dma_wait3A_325 = arith.constant 1 : i32
      %dma_wait3A_326 = arith.constant 7 : i32
      %dma_wait3A_327 = arith.constant 0 : i32
      %dma_wait3A_328 = tpu.memref_slice %arg6[%dma_wait3A_325, %dma_wait3A_326, %dma_wait3A_327] : memref<2x8x128xi32, #tpu.memory_space<vmem>> -> memref<1x1x128xi32, #tpu.memory_space<vmem>>
      %dma_wait3A_329 = tpu.memref_squeeze %dma_wait3A_328 : memref<1x1x128xi32, #tpu.memory_space<vmem>> -> memref<128xi32, #tpu.memory_space<vmem>>
      %dma_wait3A_330 = arith.constant 0 : i32
      %dma_wait3A_331 = arith.constant 0 : i32
      %dma_wait3A_332 = tpu.memref_slice %arg8[%dma_wait3A_330, %dma_wait3A_331] : memref<10240x128xf32, #tpu.memory_space<vmem_shared>> -> memref<10240x128xf32, #tpu.memory_space<vmem_shared>>
      tpu.wait_indirect_dma semaphore(%arg9 : memref<!tpu.dma_semaphore, #tpu.memory_space<semaphore_mem>>) src(%arg7 : memref<128x128xf32, #tpu.memory_space<vmem>>) dst(%dma_wait3A_332 : memref<10240x128xf32, #tpu.memory_space<vmem_shared>>)
    }
    %scan3A_23 = arith.constant 5 : i32
    %barrier3A_24 = arith.constant 0 : index
    tpu.barrier barrier_id(%barrier3A_24)
    %lt3A = arith.constant 15 : i32
    %lt3A_25 = arith.cmpi slt, %arg1, %lt3A : i32
    %convert_element_type3A = arith.extui %lt3A_25 : i1 to i32
    %cond3A = arith.constant 0 : i32
    %cond3A_26 = arith.cmpi ne, %convert_element_type3A, %cond3A : i32
    scf.if %cond3A_26 {
      %mul3A_31 = arith.constant 632 : i32
      %mul3A_32 = arith.muli %arg1, %mul3A_31 : i32
      %mul3A_33 = arith.constant 632 : i32
      %mul3A_34 = arith.muli %arg1, %mul3A_33 : i32
      "tpu.region"() ({
        %run_scoped3A = tpu.sem_alloc : memref<!tpu.dma_semaphore, #tpu.memory_space<semaphore_mem>>
        %dma_start3A_35 = arith.constant 0 : i32
        %dma_start3A_36 = tpu.memref_slice %arg5[%arg0, %mul3A_34, %dma_start3A_35] : memref<2x10000x128xf32, #tpu.memory_space<hbm>> -> memref<1x632x128xf32, #tpu.memory_space<hbm>>
        %dma_start3A_37 = tpu.memref_squeeze %dma_start3A_36 : memref<1x632x128xf32, #tpu.memory_space<hbm>> -> memref<632x128xf32, #tpu.memory_space<hbm>>
        %dma_start3A_38 = arith.constant 0 : i32
        %dma_start3A_39 = tpu.memref_slice %arg8[%mul3A_32, %dma_start3A_38] : memref<10240x128xf32, #tpu.memory_space<vmem_shared>> -> memref<632x128xf32, #tpu.memory_space<vmem_shared>>
        tpu.enqueue_dma source(%dma_start3A_39 : memref<632x128xf32, #tpu.memory_space<vmem_shared>>) target(%dma_start3A_37 : memref<632x128xf32, #tpu.memory_space<hbm>>) target_semaphore(%run_scoped3A : memref<!tpu.dma_semaphore, #tpu.memory_space<semaphore_mem>>)
        %dma_wait3A = arith.constant 0 : i32
        %dma_wait3A_40 = tpu.memref_slice %arg5[%arg0, %mul3A_34, %dma_wait3A] : memref<2x10000x128xf32, #tpu.memory_space<hbm>> -> memref<1x632x128xf32, #tpu.memory_space<hbm>>
        %dma_wait3A_41 = tpu.memref_squeeze %dma_wait3A_40 : memref<1x632x128xf32, #tpu.memory_space<hbm>> -> memref<632x128xf32, #tpu.memory_space<hbm>>
        %dma_wait3A_42 = arith.constant 0 : i32
        %dma_wait3A_43 = tpu.memref_slice %arg8[%mul3A_32, %dma_wait3A_42] : memref<10240x128xf32, #tpu.memory_space<vmem_shared>> -> memref<632x128xf32, #tpu.memory_space<vmem_shared>>
        tpu.wait_dma2 semaphore(%run_scoped3A : memref<!tpu.dma_semaphore, #tpu.memory_space<semaphore_mem>>) src(%dma_wait3A_43 : memref<632x128xf32, #tpu.memory_space<vmem_shared>>) dst(%dma_wait3A_41 : memref<632x128xf32, #tpu.memory_space<hbm>>)
        tpu.yield
      }) : () -> ()
    } else {
    }
    %eq3A = arith.constant 15 : i32
    %eq3A_27 = arith.cmpi eq, %arg1, %eq3A : i32
    %convert_element_type3A_28 = arith.extui %eq3A_27 : i1 to i32
    %cond3A_29 = arith.constant 0 : i32
    %cond3A_30 = arith.cmpi ne, %convert_element_type3A_28, %cond3A_29 : i32
    scf.if %cond3A_30 {
      "tpu.region"() ({
        %run_scoped3A = tpu.sem_alloc : memref<!tpu.dma_semaphore, #tpu.memory_space<semaphore_mem>>
        %dma_start3A_31 = arith.constant 9480 : i32
        %dma_start3A_32 = arith.constant 0 : i32
        %dma_start3A_33 = tpu.memref_slice %arg5[%arg0, %dma_start3A_31, %dma_start3A_32] : memref<2x10000x128xf32, #tpu.memory_space<hbm>> -> memref<1x520x128xf32, #tpu.memory_space<hbm>>
        %dma_start3A_34 = tpu.memref_squeeze %dma_start3A_33 : memref<1x520x128xf32, #tpu.memory_space<hbm>> -> memref<520x128xf32, #tpu.memory_space<hbm>>
        %dma_start3A_35 = arith.constant 9480 : i32
        %dma_start3A_36 = arith.constant 0 : i32
        %dma_start3A_37 = tpu.memref_slice %arg8[%dma_start3A_35, %dma_start3A_36] : memref<10240x128xf32, #tpu.memory_space<vmem_shared>> -> memref<520x128xf32, #tpu.memory_space<vmem_shared>>
        tpu.enqueue_dma source(%dma_start3A_37 : memref<520x128xf32, #tpu.memory_space<vmem_shared>>) target(%dma_start3A_34 : memref<520x128xf32, #tpu.memory_space<hbm>>) target_semaphore(%run_scoped3A : memref<!tpu.dma_semaphore, #tpu.memory_space<semaphore_mem>>)
        %dma_wait3A = arith.constant 9480 : i32
        %dma_wait3A_38 = arith.constant 0 : i32
        %dma_wait3A_39 = tpu.memref_slice %arg5[%arg0, %dma_wait3A, %dma_wait3A_38] : memref<2x10000x128xf32, #tpu.memory_space<hbm>> -> memref<1x520x128xf32, #tpu.memory_space<hbm>>
        %dma_wait3A_40 = tpu.memref_squeeze %dma_wait3A_39 : memref<1x520x128xf32, #tpu.memory_space<hbm>> -> memref<520x128xf32, #tpu.memory_space<hbm>>
        %dma_wait3A_41 = arith.constant 9480 : i32
        %dma_wait3A_42 = arith.constant 0 : i32
        %dma_wait3A_43 = tpu.memref_slice %arg8[%dma_wait3A_41, %dma_wait3A_42] : memref<10240x128xf32, #tpu.memory_space<vmem_shared>> -> memref<520x128xf32, #tpu.memory_space<vmem_shared>>
        tpu.wait_dma2 semaphore(%run_scoped3A : memref<!tpu.dma_semaphore, #tpu.memory_space<semaphore_mem>>) src(%dma_wait3A_43 : memref<520x128xf32, #tpu.memory_space<vmem_shared>>) dst(%dma_wait3A_40 : memref<520x128xf32, #tpu.memory_space<hbm>>)
        tpu.yield
      }) : () -> ()
    } else {
    }
    return
  }
}

#map = affine_map<(d0, d1) -> (0, 0)>
#map1 = affine_map<(d0, d1) -> (0, 0, 0)>
module attributes {stable_mosaic.version = 14 : i64} {
  func.func @_sc_agg(%arg0: i32, %arg1: i32, %arg2: memref<10000x128xf32, #tpu.memory_space<hbm>>, %arg3: memref<2560x128xi32, #tpu.memory_space<hbm>>, %arg4: memref<2x2560x128xi32, #tpu.memory_space<hbm>>, %arg5: memref<320x128xf32, #tpu.memory_space<hbm>>, %arg6: memref<10000x128xf32, #tpu.memory_space<hbm>>, %arg7: memref<2x8x128xi32, #tpu.memory_space<vmem>>, %arg8: memref<2x8x128xi32, #tpu.memory_space<vmem>>, %arg9: memref<16x128xf32, #tpu.memory_space<vmem>>, %arg10: memref<16x128xf32, #tpu.memory_space<vmem>>, %arg11: memref<10000x128xf32, #tpu.memory_space<vmem_shared>>, %arg12: memref<5120x128xf32, #tpu.memory_space<vmem_shared>>, %arg13: memref<!tpu.dma_semaphore, #tpu.memory_space<semaphore_mem>>, %arg14: memref<!tpu.dma_semaphore, #tpu.memory_space<semaphore_mem>>, %arg15: memref<!tpu.dma_semaphore, #tpu.memory_space<semaphore_mem>>) attributes {dimension_semantics = [#tpu.dimension_semantics<core_parallel>, #tpu.dimension_semantics<subcore_parallel>], iteration_bounds = array<i64: 2, 16>, scalar_prefetch = 0 : i64, scratch_operands = 9 : i64, tpu.core_type = #tpu.core_type<sc_vector_subcore>, window_params = [{transform_indices = #map}, {transform_indices = #map}, {transform_indices = #map1}, {transform_indices = #map}, {transform_indices = #map}]} {
    %mul3A = arith.constant 320 : i32
    %mul3A_0 = arith.muli %arg1, %mul3A : i32
    "tpu.region"() ({
      %run_scoped3A = tpu.sem_alloc : memref<!tpu.dma_semaphore, #tpu.memory_space<semaphore_mem>>
      %dma_start3A_56 = arith.constant 0 : i32
      %dma_start3A_57 = tpu.memref_slice %arg12[%mul3A_0, %dma_start3A_56] : memref<5120x128xf32, #tpu.memory_space<vmem_shared>> -> memref<320x128xf32, #tpu.memory_space<vmem_shared>>
      tpu.enqueue_dma source(%arg5 : memref<320x128xf32, #tpu.memory_space<hbm>>) target(%dma_start3A_57 : memref<320x128xf32, #tpu.memory_space<vmem_shared>>) target_semaphore(%run_scoped3A : memref<!tpu.dma_semaphore, #tpu.memory_space<semaphore_mem>>)
      %dma_wait3A = arith.constant 0 : i32
      %dma_wait3A_58 = tpu.memref_slice %arg12[%mul3A_0, %dma_wait3A] : memref<5120x128xf32, #tpu.memory_space<vmem_shared>> -> memref<320x128xf32, #tpu.memory_space<vmem_shared>>
      tpu.wait_dma2 semaphore(%run_scoped3A : memref<!tpu.dma_semaphore, #tpu.memory_space<semaphore_mem>>) src(%arg5 : memref<320x128xf32, #tpu.memory_space<hbm>>) dst(%dma_wait3A_58 : memref<320x128xf32, #tpu.memory_space<vmem_shared>>)
      tpu.yield
    }) : () -> ()
    %mul3A_1 = arith.constant 20 : i32
    %mul3A_2 = arith.muli %arg1, %mul3A_1 : i32
    %mul3A_3 = arith.constant 8 : i32
    %mul3A_4 = arith.muli %mul3A_2, %mul3A_3 : i32
    %dma_start3A = arith.constant 0 : i32
    %dma_start3A_5 = arith.constant 0 : i32
    %dma_start3A_6 = arith.constant 0 : i32
    %dma_start3A_7 = tpu.memref_slice %arg7[%dma_start3A, %dma_start3A_5, %dma_start3A_6] : memref<2x8x128xi32, #tpu.memory_space<vmem>> -> memref<1x8x128xi32, #tpu.memory_space<vmem>>
    %dma_start3A_8 = tpu.memref_squeeze %dma_start3A_7 : memref<1x8x128xi32, #tpu.memory_space<vmem>> -> memref<8x128xi32, #tpu.memory_space<vmem>>
    %dma_start3A_9 = arith.constant 0 : i32
    %dma_start3A_10 = tpu.memref_slice %arg3[%mul3A_4, %dma_start3A_9] : memref<2560x128xi32, #tpu.memory_space<hbm>> -> memref<8x128xi32, #tpu.memory_space<hbm>>
    %dma_start3A_11 = arith.constant 0 : i32
    %dma_start3A_12 = arith.constant 0 : i32
    %dma_start3A_13 = tpu.memref_slice %arg7[%dma_start3A, %dma_start3A_11, %dma_start3A_12] : memref<2x8x128xi32, #tpu.memory_space<vmem>> -> memref<1x8x128xi32, #tpu.memory_space<vmem>>
    %dma_start3A_14 = tpu.memref_squeeze %dma_start3A_13 : memref<1x8x128xi32, #tpu.memory_space<vmem>> -> memref<8x128xi32, #tpu.memory_space<vmem>>
    %dma_start3A_15 = arith.constant 0 : i32
    %dma_start3A_16 = tpu.memref_slice %arg3[%mul3A_4, %dma_start3A_15] : memref<2560x128xi32, #tpu.memory_space<hbm>> -> memref<8x128xi32, #tpu.memory_space<hbm>>
    tpu.enqueue_dma source(%dma_start3A_16 : memref<8x128xi32, #tpu.memory_space<hbm>>) target(%dma_start3A_14 : memref<8x128xi32, #tpu.memory_space<vmem>>) target_semaphore(%arg15 : memref<!tpu.dma_semaphore, #tpu.memory_space<semaphore_mem>>)
    %mul3A_17 = arith.constant 8 : i32
    %mul3A_18 = arith.muli %mul3A_2, %mul3A_17 : i32
    %dma_start3A_19 = arith.constant 0 : i32
    %dma_start3A_20 = arith.constant 0 : i32
    %dma_start3A_21 = arith.constant 0 : i32
    %dma_start3A_22 = tpu.memref_slice %arg8[%dma_start3A_19, %dma_start3A_20, %dma_start3A_21] : memref<2x8x128xi32, #tpu.memory_space<vmem>> -> memref<1x8x128xi32, #tpu.memory_space<vmem>>
    %dma_start3A_23 = tpu.memref_squeeze %dma_start3A_22 : memref<1x8x128xi32, #tpu.memory_space<vmem>> -> memref<8x128xi32, #tpu.memory_space<vmem>>
    %dma_start3A_24 = arith.constant 0 : i32
    %dma_start3A_25 = tpu.memref_slice %arg4[%arg0, %mul3A_18, %dma_start3A_24] : memref<2x2560x128xi32, #tpu.memory_space<hbm>> -> memref<1x8x128xi32, #tpu.memory_space<hbm>>
    %dma_start3A_26 = tpu.memref_squeeze %dma_start3A_25 : memref<1x8x128xi32, #tpu.memory_space<hbm>> -> memref<8x128xi32, #tpu.memory_space<hbm>>
    %dma_start3A_27 = arith.constant 0 : i32
    %dma_start3A_28 = arith.constant 0 : i32
    %dma_start3A_29 = tpu.memref_slice %arg8[%dma_start3A_19, %dma_start3A_27, %dma_start3A_28] : memref<2x8x128xi32, #tpu.memory_space<vmem>> -> memref<1x8x128xi32, #tpu.memory_space<vmem>>
    %dma_start3A_30 = tpu.memref_squeeze %dma_start3A_29 : memref<1x8x128xi32, #tpu.memory_space<vmem>> -> memref<8x128xi32, #tpu.memory_space<vmem>>
    %dma_start3A_31 = arith.constant 0 : i32
    %dma_start3A_32 = tpu.memref_slice %arg4[%arg0, %mul3A_18, %dma_start3A_31] : memref<2x2560x128xi32, #tpu.memory_space<hbm>> -> memref<1x8x128xi32, #tpu.memory_space<hbm>>
    %dma_start3A_33 = tpu.memref_squeeze %dma_start3A_32 : memref<1x8x128xi32, #tpu.memory_space<hbm>> -> memref<8x128xi32, #tpu.memory_space<hbm>>
    tpu.enqueue_dma source(%dma_start3A_33 : memref<8x128xi32, #tpu.memory_space<hbm>>) target(%dma_start3A_30 : memref<8x128xi32, #tpu.memory_space<vmem>>) target_semaphore(%arg15 : memref<!tpu.dma_semaphore, #tpu.memory_space<semaphore_mem>>)
    %lt3A = arith.constant 15 : i32
    %lt3A_34 = arith.cmpi slt, %arg1, %lt3A : i32
    %convert_element_type3A = arith.extui %lt3A_34 : i1 to i32
    %cond3A = arith.constant 0 : i32
    %cond3A_35 = arith.cmpi ne, %convert_element_type3A, %cond3A : i32
    scf.if %cond3A_35 {
      %mul3A_56 = arith.constant 632 : i32
      %mul3A_57 = arith.muli %arg1, %mul3A_56 : i32
      %mul3A_58 = arith.constant 632 : i32
      %mul3A_59 = arith.muli %arg1, %mul3A_58 : i32
      "tpu.region"() ({
        %run_scoped3A = tpu.sem_alloc : memref<!tpu.dma_semaphore, #tpu.memory_space<semaphore_mem>>
        %dma_start3A_60 = arith.constant 0 : i32
        %dma_start3A_61 = tpu.memref_slice %arg11[%mul3A_59, %dma_start3A_60] : memref<10000x128xf32, #tpu.memory_space<vmem_shared>> -> memref<632x128xf32, #tpu.memory_space<vmem_shared>>
        %dma_start3A_62 = arith.constant 0 : i32
        %dma_start3A_63 = tpu.memref_slice %arg2[%mul3A_57, %dma_start3A_62] : memref<10000x128xf32, #tpu.memory_space<hbm>> -> memref<632x128xf32, #tpu.memory_space<hbm>>
        tpu.enqueue_dma source(%dma_start3A_63 : memref<632x128xf32, #tpu.memory_space<hbm>>) target(%dma_start3A_61 : memref<632x128xf32, #tpu.memory_space<vmem_shared>>) target_semaphore(%run_scoped3A : memref<!tpu.dma_semaphore, #tpu.memory_space<semaphore_mem>>)
        %dma_wait3A = arith.constant 0 : i32
        %dma_wait3A_64 = tpu.memref_slice %arg11[%mul3A_59, %dma_wait3A] : memref<10000x128xf32, #tpu.memory_space<vmem_shared>> -> memref<632x128xf32, #tpu.memory_space<vmem_shared>>
        %dma_wait3A_65 = arith.constant 0 : i32
        %dma_wait3A_66 = tpu.memref_slice %arg2[%mul3A_57, %dma_wait3A_65] : memref<10000x128xf32, #tpu.memory_space<hbm>> -> memref<632x128xf32, #tpu.memory_space<hbm>>
        tpu.wait_dma2 semaphore(%run_scoped3A : memref<!tpu.dma_semaphore, #tpu.memory_space<semaphore_mem>>) src(%dma_wait3A_66 : memref<632x128xf32, #tpu.memory_space<hbm>>) dst(%dma_wait3A_64 : memref<632x128xf32, #tpu.memory_space<vmem_shared>>)
        tpu.yield
      }) : () -> ()
    } else {
    }
    %eq3A = arith.constant 15 : i32
    %eq3A_36 = arith.cmpi eq, %arg1, %eq3A : i32
    %convert_element_type3A_37 = arith.extui %eq3A_36 : i1 to i32
    %cond3A_38 = arith.constant 0 : i32
    %cond3A_39 = arith.cmpi ne, %convert_element_type3A_37, %cond3A_38 : i32
    scf.if %cond3A_39 {
      "tpu.region"() ({
        %run_scoped3A = tpu.sem_alloc : memref<!tpu.dma_semaphore, #tpu.memory_space<semaphore_mem>>
        %dma_start3A_56 = arith.constant 9480 : i32
        %dma_start3A_57 = arith.constant 0 : i32
        %dma_start3A_58 = tpu.memref_slice %arg11[%dma_start3A_56, %dma_start3A_57] : memref<10000x128xf32, #tpu.memory_space<vmem_shared>> -> memref<520x128xf32, #tpu.memory_space<vmem_shared>>
        %dma_start3A_59 = arith.constant 9480 : i32
        %dma_start3A_60 = arith.constant 0 : i32
        %dma_start3A_61 = tpu.memref_slice %arg2[%dma_start3A_59, %dma_start3A_60] : memref<10000x128xf32, #tpu.memory_space<hbm>> -> memref<520x128xf32, #tpu.memory_space<hbm>>
        tpu.enqueue_dma source(%dma_start3A_61 : memref<520x128xf32, #tpu.memory_space<hbm>>) target(%dma_start3A_58 : memref<520x128xf32, #tpu.memory_space<vmem_shared>>) target_semaphore(%run_scoped3A : memref<!tpu.dma_semaphore, #tpu.memory_space<semaphore_mem>>)
        %dma_wait3A = arith.constant 9480 : i32
        %dma_wait3A_62 = arith.constant 0 : i32
        %dma_wait3A_63 = tpu.memref_slice %arg11[%dma_wait3A, %dma_wait3A_62] : memref<10000x128xf32, #tpu.memory_space<vmem_shared>> -> memref<520x128xf32, #tpu.memory_space<vmem_shared>>
        %dma_wait3A_64 = arith.constant 9480 : i32
        %dma_wait3A_65 = arith.constant 0 : i32
        %dma_wait3A_66 = tpu.memref_slice %arg2[%dma_wait3A_64, %dma_wait3A_65] : memref<10000x128xf32, #tpu.memory_space<hbm>> -> memref<520x128xf32, #tpu.memory_space<hbm>>
        tpu.wait_dma2 semaphore(%run_scoped3A : memref<!tpu.dma_semaphore, #tpu.memory_space<semaphore_mem>>) src(%dma_wait3A_66 : memref<520x128xf32, #tpu.memory_space<hbm>>) dst(%dma_wait3A_63 : memref<520x128xf32, #tpu.memory_space<vmem_shared>>)
        tpu.yield
      }) : () -> ()
    } else {
    }
    %barrier3A = arith.constant 0 : index
    tpu.barrier barrier_id(%barrier3A)
    %scan3A = arith.constant 0 : i32
    %scan3A_40 = arith.constant 0 : i32
    %scan3A_41 = arith.constant 10 : i32
    %scan3A_42 = arith.addi %scan3A_40, %scan3A_41 : i32
    %scan3A_43 = arith.constant 1 : i32
    scf.for %scan3A_56 = %scan3A_40 to %scan3A_42 step %scan3A_43  : i32 {
      %mul3A_57 = arith.constant 2 : i32
      %mul3A_58 = arith.muli %mul3A_57, %scan3A_56 : i32
      %dma_wait3A = arith.constant 0 : i32
      %dma_wait3A_59 = arith.constant 0 : i32
      %dma_wait3A_60 = arith.constant 0 : i32
      %dma_wait3A_61 = tpu.memref_slice %arg7[%dma_wait3A, %dma_wait3A_59, %dma_wait3A_60] : memref<2x8x128xi32, #tpu.memory_space<vmem>> -> memref<1x8x128xi32, #tpu.memory_space<vmem>>
      %dma_wait3A_62 = tpu.memref_squeeze %dma_wait3A_61 : memref<1x8x128xi32, #tpu.memory_space<vmem>> -> memref<8x128xi32, #tpu.memory_space<vmem>>
      %dma_wait3A_63 = arith.constant 0 : i32
      %dma_wait3A_64 = arith.constant 0 : i32
      %dma_wait3A_65 = tpu.memref_slice %arg3[%dma_wait3A_63, %dma_wait3A_64] : memref<2560x128xi32, #tpu.memory_space<hbm>> -> memref<8x128xi32, #tpu.memory_space<hbm>>
      %dma_wait3A_66 = arith.constant 0 : i32
      %dma_wait3A_67 = arith.constant 0 : i32
      %dma_wait3A_68 = tpu.memref_slice %arg7[%dma_wait3A, %dma_wait3A_66, %dma_wait3A_67] : memref<2x8x128xi32, #tpu.memory_space<vmem>> -> memref<1x8x128xi32, #tpu.memory_space<vmem>>
      %dma_wait3A_69 = tpu.memref_squeeze %dma_wait3A_68 : memref<1x8x128xi32, #tpu.memory_space<vmem>> -> memref<8x128xi32, #tpu.memory_space<vmem>>
      %dma_wait3A_70 = arith.constant 0 : i32
      %dma_wait3A_71 = arith.constant 0 : i32
      %dma_wait3A_72 = tpu.memref_slice %arg3[%dma_wait3A_70, %dma_wait3A_71] : memref<2560x128xi32, #tpu.memory_space<hbm>> -> memref<8x128xi32, #tpu.memory_space<hbm>>
      tpu.wait_dma2 semaphore(%arg15 : memref<!tpu.dma_semaphore, #tpu.memory_space<semaphore_mem>>) src(%dma_wait3A_72 : memref<8x128xi32, #tpu.memory_space<hbm>>) dst(%dma_wait3A_69 : memref<8x128xi32, #tpu.memory_space<vmem>>)
      %dma_wait3A_73 = arith.constant 0 : i32
      %dma_wait3A_74 = arith.constant 0 : i32
      %dma_wait3A_75 = arith.constant 0 : i32
      %dma_wait3A_76 = tpu.memref_slice %arg8[%dma_wait3A_73, %dma_wait3A_74, %dma_wait3A_75] : memref<2x8x128xi32, #tpu.memory_space<vmem>> -> memref<1x8x128xi32, #tpu.memory_space<vmem>>
      %dma_wait3A_77 = tpu.memref_squeeze %dma_wait3A_76 : memref<1x8x128xi32, #tpu.memory_space<vmem>> -> memref<8x128xi32, #tpu.memory_space<vmem>>
      %dma_wait3A_78 = arith.constant 0 : i32
      %dma_wait3A_79 = arith.constant 0 : i32
      %dma_wait3A_80 = tpu.memref_slice %arg3[%dma_wait3A_78, %dma_wait3A_79] : memref<2560x128xi32, #tpu.memory_space<hbm>> -> memref<8x128xi32, #tpu.memory_space<hbm>>
      %dma_wait3A_81 = arith.constant 0 : i32
      %dma_wait3A_82 = arith.constant 0 : i32
      %dma_wait3A_83 = tpu.memref_slice %arg8[%dma_wait3A_73, %dma_wait3A_81, %dma_wait3A_82] : memref<2x8x128xi32, #tpu.memory_space<vmem>> -> memref<1x8x128xi32, #tpu.memory_space<vmem>>
      %dma_wait3A_84 = tpu.memref_squeeze %dma_wait3A_83 : memref<1x8x128xi32, #tpu.memory_space<vmem>> -> memref<8x128xi32, #tpu.memory_space<vmem>>
      %dma_wait3A_85 = arith.constant 0 : i32
      %dma_wait3A_86 = arith.constant 0 : i32
      %dma_wait3A_87 = tpu.memref_slice %arg3[%dma_wait3A_85, %dma_wait3A_86] : memref<2560x128xi32, #tpu.memory_space<hbm>> -> memref<8x128xi32, #tpu.memory_space<hbm>>
      tpu.wait_dma2 semaphore(%arg15 : memref<!tpu.dma_semaphore, #tpu.memory_space<semaphore_mem>>) src(%dma_wait3A_87 : memref<8x128xi32, #tpu.memory_space<hbm>>) dst(%dma_wait3A_84 : memref<8x128xi32, #tpu.memory_space<vmem>>)
      %lt3A_88 = arith.constant 19 : i32
      %lt3A_89 = arith.cmpi slt, %mul3A_58, %lt3A_88 : i32
      %convert_element_type3A_90 = arith.extui %lt3A_89 : i1 to i32
      %cond3A_91 = arith.constant 0 : i32
      %cond3A_92 = arith.cmpi ne, %convert_element_type3A_90, %cond3A_91 : i32
      scf.if %cond3A_92 {
        %mul3A_147 = arith.constant 20 : i32
        %mul3A_148 = arith.muli %arg1, %mul3A_147 : i32
        %add3A_149 = arith.addi %mul3A_148, %mul3A_58 : i32
        %add3A_150 = arith.constant 1 : i32
        %add3A_151 = arith.addi %add3A_149, %add3A_150 : i32
        %mul3A_152 = arith.constant 8 : i32
        %mul3A_153 = arith.muli %add3A_151, %mul3A_152 : i32
        %dma_start3A_154 = arith.constant 1 : i32
        %dma_start3A_155 = arith.constant 0 : i32
        %dma_start3A_156 = arith.constant 0 : i32
        %dma_start3A_157 = tpu.memref_slice %arg7[%dma_start3A_154, %dma_start3A_155, %dma_start3A_156] : memref<2x8x128xi32, #tpu.memory_space<vmem>> -> memref<1x8x128xi32, #tpu.memory_space<vmem>>
        %dma_start3A_158 = tpu.memref_squeeze %dma_start3A_157 : memref<1x8x128xi32, #tpu.memory_space<vmem>> -> memref<8x128xi32, #tpu.memory_space<vmem>>
        %dma_start3A_159 = arith.constant 0 : i32
        %dma_start3A_160 = tpu.memref_slice %arg3[%mul3A_153, %dma_start3A_159] : memref<2560x128xi32, #tpu.memory_space<hbm>> -> memref<8x128xi32, #tpu.memory_space<hbm>>
        %dma_start3A_161 = arith.constant 0 : i32
        %dma_start3A_162 = arith.constant 0 : i32
        %dma_start3A_163 = tpu.memref_slice %arg7[%dma_start3A_154, %dma_start3A_161, %dma_start3A_162] : memref<2x8x128xi32, #tpu.memory_space<vmem>> -> memref<1x8x128xi32, #tpu.memory_space<vmem>>
        %dma_start3A_164 = tpu.memref_squeeze %dma_start3A_163 : memref<1x8x128xi32, #tpu.memory_space<vmem>> -> memref<8x128xi32, #tpu.memory_space<vmem>>
        %dma_start3A_165 = arith.constant 0 : i32
        %dma_start3A_166 = tpu.memref_slice %arg3[%mul3A_153, %dma_start3A_165] : memref<2560x128xi32, #tpu.memory_space<hbm>> -> memref<8x128xi32, #tpu.memory_space<hbm>>
        tpu.enqueue_dma source(%dma_start3A_166 : memref<8x128xi32, #tpu.memory_space<hbm>>) target(%dma_start3A_164 : memref<8x128xi32, #tpu.memory_space<vmem>>) target_semaphore(%arg15 : memref<!tpu.dma_semaphore, #tpu.memory_space<semaphore_mem>>)
        %mul3A_167 = arith.constant 8 : i32
        %mul3A_168 = arith.muli %add3A_151, %mul3A_167 : i32
        %dma_start3A_169 = arith.constant 1 : i32
        %dma_start3A_170 = arith.constant 0 : i32
        %dma_start3A_171 = arith.constant 0 : i32
        %dma_start3A_172 = tpu.memref_slice %arg8[%dma_start3A_169, %dma_start3A_170, %dma_start3A_171] : memref<2x8x128xi32, #tpu.memory_space<vmem>> -> memref<1x8x128xi32, #tpu.memory_space<vmem>>
        %dma_start3A_173 = tpu.memref_squeeze %dma_start3A_172 : memref<1x8x128xi32, #tpu.memory_space<vmem>> -> memref<8x128xi32, #tpu.memory_space<vmem>>
        %dma_start3A_174 = arith.constant 0 : i32
        %dma_start3A_175 = tpu.memref_slice %arg4[%arg0, %mul3A_168, %dma_start3A_174] : memref<2x2560x128xi32, #tpu.memory_space<hbm>> -> memref<1x8x128xi32, #tpu.memory_space<hbm>>
        %dma_start3A_176 = tpu.memref_squeeze %dma_start3A_175 : memref<1x8x128xi32, #tpu.memory_space<hbm>> -> memref<8x128xi32, #tpu.memory_space<hbm>>
        %dma_start3A_177 = arith.constant 0 : i32
        %dma_start3A_178 = arith.constant 0 : i32
        %dma_start3A_179 = tpu.memref_slice %arg8[%dma_start3A_169, %dma_start3A_177, %dma_start3A_178] : memref<2x8x128xi32, #tpu.memory_space<vmem>> -> memref<1x8x128xi32, #tpu.memory_space<vmem>>
        %dma_start3A_180 = tpu.memref_squeeze %dma_start3A_179 : memref<1x8x128xi32, #tpu.memory_space<vmem>> -> memref<8x128xi32, #tpu.memory_space<vmem>>
        %dma_start3A_181 = arith.constant 0 : i32
        %dma_start3A_182 = tpu.memref_slice %arg4[%arg0, %mul3A_168, %dma_start3A_181] : memref<2x2560x128xi32, #tpu.memory_space<hbm>> -> memref<1x8x128xi32, #tpu.memory_space<hbm>>
        %dma_start3A_183 = tpu.memref_squeeze %dma_start3A_182 : memref<1x8x128xi32, #tpu.memory_space<hbm>> -> memref<8x128xi32, #tpu.memory_space<hbm>>
        tpu.enqueue_dma source(%dma_start3A_183 : memref<8x128xi32, #tpu.memory_space<hbm>>) target(%dma_start3A_180 : memref<8x128xi32, #tpu.memory_space<vmem>>) target_semaphore(%arg15 : memref<!tpu.dma_semaphore, #tpu.memory_space<semaphore_mem>>)
      } else {
      }
      %scan3A_93 = arith.constant 0 : i32
      %scan3A_94 = arith.constant 0 : i32
      %scan3A_95 = arith.constant 0 : i32
      %scan3A_96 = arith.constant 0 : i32
      %scan3A_97 = arith.constant 8 : i32
      %scan3A_98 = arith.addi %scan3A_96, %scan3A_97 : i32
      %scan3A_99 = arith.constant 1 : i32
      scf.for %scan3A_147 = %scan3A_96 to %scan3A_98 step %scan3A_99  : i32 {
        %get3A = arith.constant 0 : i32
        %get3A_148 = arith.constant 0 : i32
        %get3A_149 = tpu.memref_slice %arg7[%scan3A_94, %get3A, %get3A_148] : memref<2x8x128xi32, #tpu.memory_space<vmem>> -> memref<1x8x128xi32, #tpu.memory_space<vmem>>
        %get3A_150 = tpu.memref_squeeze %get3A_149 : memref<1x8x128xi32, #tpu.memory_space<vmem>> -> memref<8x128xi32, #tpu.memory_space<vmem>>
        %get3A_151 = arith.index_cast %scan3A_147 : i32 to index
        %get3A_152 = arith.constant 0 : index
        %get3A_153 = tpu.vector_load %get3A_150[%get3A_151, %get3A_152] {strides = array<i32>} : memref<8x128xi32, #tpu.memory_space<vmem>>, vector<1x16xi32>,
        %get3A_154 = vector.shape_cast %get3A_153 : vector<1x16xi32> to vector<16xi32>
        %dma_start3A_155 = arith.constant 0 : i32
        %dma_start3A_156 = arith.constant 0 : i32
        %dma_start3A_157 = tpu.memref_slice %arg11[%dma_start3A_155, %dma_start3A_156] : memref<10000x128xf32, #tpu.memory_space<vmem_shared>> -> memref<10000x128xf32, #tpu.memory_space<vmem_shared>>
        tpu.enqueue_indirect_dma source(%dma_start3A_157 : memref<10000x128xf32, #tpu.memory_space<vmem_shared>>) target(%arg9 : memref<16x128xf32, #tpu.memory_space<vmem>>) offsets(%get3A_154 : vector<16xi32>) semaphore(%arg13 : memref<!tpu.dma_semaphore, #tpu.memory_space<semaphore_mem>>)
        %get3A_158 = arith.constant 0 : i32
        %get3A_159 = arith.constant 0 : i32
        %get3A_160 = tpu.memref_slice %arg7[%scan3A_94, %get3A_158, %get3A_159] : memref<2x8x128xi32, #tpu.memory_space<vmem>> -> memref<1x8x128xi32, #tpu.memory_space<vmem>>
        %get3A_161 = tpu.memref_squeeze %get3A_160 : memref<1x8x128xi32, #tpu.memory_space<vmem>> -> memref<8x128xi32, #tpu.memory_space<vmem>>
        %get3A_162 = arith.index_cast %scan3A_147 : i32 to index
        %get3A_163 = arith.constant 16 : index
        %get3A_164 = tpu.vector_load %get3A_161[%get3A_162, %get3A_163] {strides = array<i32>} : memref<8x128xi32, #tpu.memory_space<vmem>>, vector<1x16xi32>,
        %get3A_165 = vector.shape_cast %get3A_164 : vector<1x16xi32> to vector<16xi32>
        %dma_start3A_166 = arith.constant 0 : i32
        %dma_start3A_167 = arith.constant 0 : i32
        %dma_start3A_168 = tpu.memref_slice %arg11[%dma_start3A_166, %dma_start3A_167] : memref<10000x128xf32, #tpu.memory_space<vmem_shared>> -> memref<10000x128xf32, #tpu.memory_space<vmem_shared>>
        tpu.enqueue_indirect_dma source(%dma_start3A_168 : memref<10000x128xf32, #tpu.memory_space<vmem_shared>>) target(%arg10 : memref<16x128xf32, #tpu.memory_space<vmem>>) offsets(%get3A_165 : vector<16xi32>) semaphore(%arg13 : memref<!tpu.dma_semaphore, #tpu.memory_space<semaphore_mem>>)
        %dma_wait3A_169 = arith.constant 0 : i32
        %dma_wait3A_170 = arith.constant 0 : i32
        %dma_wait3A_171 = tpu.memref_slice %arg11[%dma_wait3A_169, %dma_wait3A_170] : memref<10000x128xf32, #tpu.memory_space<vmem_shared>> -> memref<10000x128xf32, #tpu.memory_space<vmem_shared>>
        tpu.wait_indirect_dma semaphore(%arg13 : memref<!tpu.dma_semaphore, #tpu.memory_space<semaphore_mem>>) src(%dma_wait3A_171 : memref<10000x128xf32, #tpu.memory_space<vmem_shared>>) dst(%arg9 : memref<16x128xf32, #tpu.memory_space<vmem>>)
        %get3A_172 = arith.constant 0 : i32
        %get3A_173 = arith.constant 0 : i32
        %get3A_174 = tpu.memref_slice %arg8[%scan3A_95, %get3A_172, %get3A_173] : memref<2x8x128xi32, #tpu.memory_space<vmem>> -> memref<1x8x128xi32, #tpu.memory_space<vmem>>
        %get3A_175 = tpu.memref_squeeze %get3A_174 : memref<1x8x128xi32, #tpu.memory_space<vmem>> -> memref<8x128xi32, #tpu.memory_space<vmem>>
        %get3A_176 = arith.index_cast %scan3A_147 : i32 to index
        %get3A_177 = arith.constant 0 : index
        %get3A_178 = tpu.vector_load %get3A_175[%get3A_176, %get3A_177] {strides = array<i32>} : memref<8x128xi32, #tpu.memory_space<vmem>>, vector<1x16xi32>,
        %get3A_179 = vector.shape_cast %get3A_178 : vector<1x16xi32> to vector<16xi32>
        %dma_start3A_180 = arith.constant 0 : i32
        %dma_start3A_181 = arith.constant 0 : i32
        %dma_start3A_182 = tpu.memref_slice %arg12[%dma_start3A_180, %dma_start3A_181] : memref<5120x128xf32, #tpu.memory_space<vmem_shared>> -> memref<5120x128xf32, #tpu.memory_space<vmem_shared>>
        tpu.enqueue_indirect_dma source(%arg9 : memref<16x128xf32, #tpu.memory_space<vmem>>) target(%dma_start3A_182 : memref<5120x128xf32, #tpu.memory_space<vmem_shared>>) offsets(%get3A_179 : vector<16xi32>) semaphore(%arg14 : memref<!tpu.dma_semaphore, #tpu.memory_space<semaphore_mem>>) {add = true}
        %dma_wait3A_183 = arith.constant 0 : i32
        %dma_wait3A_184 = arith.constant 0 : i32
        %dma_wait3A_185 = tpu.memref_slice %arg12[%dma_wait3A_183, %dma_wait3A_184] : memref<5120x128xf32, #tpu.memory_space<vmem_shared>> -> memref<5120x128xf32, #tpu.memory_space<vmem_shared>>
        tpu.wait_indirect_dma semaphore(%arg14 : memref<!tpu.dma_semaphore, #tpu.memory_space<semaphore_mem>>) src(%arg9 : memref<16x128xf32, #tpu.memory_space<vmem>>) dst(%dma_wait3A_185 : memref<5120x128xf32, #tpu.memory_space<vmem_shared>>)
        %get3A_186 = arith.constant 0 : i32
        %get3A_187 = arith.constant 0 : i32
        %get3A_188 = tpu.memref_slice %arg7[%scan3A_94, %get3A_186, %get3A_187] : memref<2x8x128xi32, #tpu.memory_space<vmem>> -> memref<1x8x128xi32, #tpu.memory_space<vmem>>
        %get3A_189 = tpu.memref_squeeze %get3A_188 : memref<1x8x128xi32, #tpu.memory_space<vmem>> -> memref<8x128xi32, #tpu.memory_space<vmem>>
        %get3A_190 = arith.index_cast %scan3A_147 : i32 to index
        %get3A_191 = arith.constant 32 : index
        %get3A_192 = tpu.vector_load %get3A_189[%get3A_190, %get3A_191] {strides = array<i32>} : memref<8x128xi32, #tpu.memory_space<vmem>>, vector<1x16xi32>,
        %get3A_193 = vector.shape_cast %get3A_192 : vector<1x16xi32> to vector<16xi32>
        %dma_start3A_194 = arith.constant 0 : i32
        %dma_start3A_195 = arith.constant 0 : i32
        %dma_start3A_196 = tpu.memref_slice %arg11[%dma_start3A_194, %dma_start3A_195] : memref<10000x128xf32, #tpu.memory_space<vmem_shared>> -> memref<10000x128xf32, #tpu.memory_space<vmem_shared>>
        tpu.enqueue_indirect_dma source(%dma_start3A_196 : memref<10000x128xf32, #tpu.memory_space<vmem_shared>>) target(%arg9 : memref<16x128xf32, #tpu.memory_space<vmem>>) offsets(%get3A_193 : vector<16xi32>) semaphore(%arg13 : memref<!tpu.dma_semaphore, #tpu.memory_space<semaphore_mem>>)
        %dma_wait3A_197 = arith.constant 0 : i32
        %dma_wait3A_198 = arith.constant 0 : i32
        %dma_wait3A_199 = tpu.memref_slice %arg11[%dma_wait3A_197, %dma_wait3A_198] : memref<10000x128xf32, #tpu.memory_space<vmem_shared>> -> memref<10000x128xf32, #tpu.memory_space<vmem_shared>>
        tpu.wait_indirect_dma semaphore(%arg13 : memref<!tpu.dma_semaphore, #tpu.memory_space<semaphore_mem>>) src(%dma_wait3A_199 : memref<10000x128xf32, #tpu.memory_space<vmem_shared>>) dst(%arg10 : memref<16x128xf32, #tpu.memory_space<vmem>>)
        %get3A_200 = arith.constant 0 : i32
        %get3A_201 = arith.constant 0 : i32
        %get3A_202 = tpu.memref_slice %arg8[%scan3A_95, %get3A_200, %get3A_201] : memref<2x8x128xi32, #tpu.memory_space<vmem>> -> memref<1x8x128xi32, #tpu.memory_space<vmem>>
        %get3A_203 = tpu.memref_squeeze %get3A_202 : memref<1x8x128xi32, #tpu.memory_space<vmem>> -> memref<8x128xi32, #tpu.memory_space<vmem>>
        %get3A_204 = arith.index_cast %scan3A_147 : i32 to index
        %get3A_205 = arith.constant 16 : index
        %get3A_206 = tpu.vector_load %get3A_203[%get3A_204, %get3A_205] {strides = array<i32>} : memref<8x128xi32, #tpu.memory_space<vmem>>, vector<1x16xi32>,
        %get3A_207 = vector.shape_cast %get3A_206 : vector<1x16xi32> to vector<16xi32>
        %dma_start3A_208 = arith.constant 0 : i32
        %dma_start3A_209 = arith.constant 0 : i32
        %dma_start3A_210 = tpu.memref_slice %arg12[%dma_start3A_208, %dma_start3A_209] : memref<5120x128xf32, #tpu.memory_space<vmem_shared>> -> memref<5120x128xf32, #tpu.memory_space<vmem_shared>>
        tpu.enqueue_indirect_dma source(%arg10 : memref<16x128xf32, #tpu.memory_space<vmem>>) target(%dma_start3A_210 : memref<5120x128xf32, #tpu.memory_space<vmem_shared>>) offsets(%get3A_207 : vector<16xi32>) semaphore(%arg14 : memref<!tpu.dma_semaphore, #tpu.memory_space<semaphore_mem>>) {add = true}
        %dma_wait3A_211 = arith.constant 0 : i32
        %dma_wait3A_212 = arith.constant 0 : i32
        %dma_wait3A_213 = tpu.memref_slice %arg12[%dma_wait3A_211, %dma_wait3A_212] : memref<5120x128xf32, #tpu.memory_space<vmem_shared>> -> memref<5120x128xf32, #tpu.memory_space<vmem_shared>>
        tpu.wait_indirect_dma semaphore(%arg14 : memref<!tpu.dma_semaphore, #tpu.memory_space<semaphore_mem>>) src(%arg10 : memref<16x128xf32, #tpu.memory_space<vmem>>) dst(%dma_wait3A_213 : memref<5120x128xf32, #tpu.memory_space<vmem_shared>>)
        %get3A_214 = arith.constant 0 : i32
        %get3A_215 = arith.constant 0 : i32
        %get3A_216 = tpu.memref_slice %arg7[%scan3A_94, %get3A_214, %get3A_215] : memref<2x8x128xi32, #tpu.memory_space<vmem>> -> memref<1x8x128xi32, #tpu.memory_space<vmem>>
        %get3A_217 = tpu.memref_squeeze %get3A_216 : memref<1x8x128xi32, #tpu.memory_space<vmem>> -> memref<8x128xi32, #tpu.memory_space<vmem>>
        %get3A_218 = arith.index_cast %scan3A_147 : i32 to index
        %get3A_219 = arith.constant 48 : index
        %get3A_220 = tpu.vector_load %get3A_217[%get3A_218, %get3A_219] {strides = array<i32>} : memref<8x128xi32, #tpu.memory_space<vmem>>, vector<1x16xi32>,
        %get3A_221 = vector.shape_cast %get3A_220 : vector<1x16xi32> to vector<16xi32>
        %dma_start3A_222 = arith.constant 0 : i32
        %dma_start3A_223 = arith.constant 0 : i32
        %dma_start3A_224 = tpu.memref_slice %arg11[%dma_start3A_222, %dma_start3A_223] : memref<10000x128xf32, #tpu.memory_space<vmem_shared>> -> memref<10000x128xf32, #tpu.memory_space<vmem_shared>>
        tpu.enqueue_indirect_dma source(%dma_start3A_224 : memref<10000x128xf32, #tpu.memory_space<vmem_shared>>) target(%arg10 : memref<16x128xf32, #tpu.memory_space<vmem>>) offsets(%get3A_221 : vector<16xi32>) semaphore(%arg13 : memref<!tpu.dma_semaphore, #tpu.memory_space<semaphore_mem>>)
        %dma_wait3A_225 = arith.constant 0 : i32
        %dma_wait3A_226 = arith.constant 0 : i32
        %dma_wait3A_227 = tpu.memref_slice %arg11[%dma_wait3A_225, %dma_wait3A_226] : memref<10000x128xf32, #tpu.memory_space<vmem_shared>> -> memref<10000x128xf32, #tpu.memory_space<vmem_shared>>
        tpu.wait_indirect_dma semaphore(%arg13 : memref<!tpu.dma_semaphore, #tpu.memory_space<semaphore_mem>>) src(%dma_wait3A_227 : memref<10000x128xf32, #tpu.memory_space<vmem_shared>>) dst(%arg9 : memref<16x128xf32, #tpu.memory_space<vmem>>)
        %get3A_228 = arith.constant 0 : i32
        %get3A_229 = arith.constant 0 : i32
        %get3A_230 = tpu.memref_slice %arg8[%scan3A_95, %get3A_228, %get3A_229] : memref<2x8x128xi32, #tpu.memory_space<vmem>> -> memref<1x8x128xi32, #tpu.memory_space<vmem>>
        %get3A_231 = tpu.memref_squeeze %get3A_230 : memref<1x8x128xi32, #tpu.memory_space<vmem>> -> memref<8x128xi32, #tpu.memory_space<vmem>>
        %get3A_232 = arith.index_cast %scan3A_147 : i32 to index
        %get3A_233 = arith.constant 32 : index
        %get3A_234 = tpu.vector_load %get3A_231[%get3A_232, %get3A_233] {strides = array<i32>} : memref<8x128xi32, #tpu.memory_space<vmem>>, vector<1x16xi32>,
        %get3A_235 = vector.shape_cast %get3A_234 : vector<1x16xi32> to vector<16xi32>
        %dma_start3A_236 = arith.constant 0 : i32
        %dma_start3A_237 = arith.constant 0 : i32
        %dma_start3A_238 = tpu.memref_slice %arg12[%dma_start3A_236, %dma_start3A_237] : memref<5120x128xf32, #tpu.memory_space<vmem_shared>> -> memref<5120x128xf32, #tpu.memory_space<vmem_shared>>
        tpu.enqueue_indirect_dma source(%arg9 : memref<16x128xf32, #tpu.memory_space<vmem>>) target(%dma_start3A_238 : memref<5120x128xf32, #tpu.memory_space<vmem_shared>>) offsets(%get3A_235 : vector<16xi32>) semaphore(%arg14 : memref<!tpu.dma_semaphore, #tpu.memory_space<semaphore_mem>>) {add = true}
        %dma_wait3A_239 = arith.constant 0 : i32
        %dma_wait3A_240 = arith.constant 0 : i32
        %dma_wait3A_241 = tpu.memref_slice %arg12[%dma_wait3A_239, %dma_wait3A_240] : memref<5120x128xf32, #tpu.memory_space<vmem_shared>> -> memref<5120x128xf32, #tpu.memory_space<vmem_shared>>
        tpu.wait_indirect_dma semaphore(%arg14 : memref<!tpu.dma_semaphore, #tpu.memory_space<semaphore_mem>>) src(%arg9 : memref<16x128xf32, #tpu.memory_space<vmem>>) dst(%dma_wait3A_241 : memref<5120x128xf32, #tpu.memory_space<vmem_shared>>)
        %get3A_242 = arith.constant 0 : i32
        %get3A_243 = arith.constant 0 : i32
        %get3A_244 = tpu.memref_slice %arg7[%scan3A_94, %get3A_242, %get3A_243] : memref<2x8x128xi32, #tpu.memory_space<vmem>> -> memref<1x8x128xi32, #tpu.memory_space<vmem>>
        %get3A_245 = tpu.memref_squeeze %get3A_244 : memref<1x8x128xi32, #tpu.memory_space<vmem>> -> memref<8x128xi32, #tpu.memory_space<vmem>>
        %get3A_246 = arith.index_cast %scan3A_147 : i32 to index
        %get3A_247 = arith.constant 64 : index
        %get3A_248 = tpu.vector_load %get3A_245[%get3A_246, %get3A_247] {strides = array<i32>} : memref<8x128xi32, #tpu.memory_space<vmem>>, vector<1x16xi32>,
        %get3A_249 = vector.shape_cast %get3A_248 : vector<1x16xi32> to vector<16xi32>
        %dma_start3A_250 = arith.constant 0 : i32
        %dma_start3A_251 = arith.constant 0 : i32
        %dma_start3A_252 = tpu.memref_slice %arg11[%dma_start3A_250, %dma_start3A_251] : memref<10000x128xf32, #tpu.memory_space<vmem_shared>> -> memref<10000x128xf32, #tpu.memory_space<vmem_shared>>
        tpu.enqueue_indirect_dma source(%dma_start3A_252 : memref<10000x128xf32, #tpu.memory_space<vmem_shared>>) target(%arg9 : memref<16x128xf32, #tpu.memory_space<vmem>>) offsets(%get3A_249 : vector<16xi32>) semaphore(%arg13 : memref<!tpu.dma_semaphore, #tpu.memory_space<semaphore_mem>>)
        %dma_wait3A_253 = arith.constant 0 : i32
        %dma_wait3A_254 = arith.constant 0 : i32
        %dma_wait3A_255 = tpu.memref_slice %arg11[%dma_wait3A_253, %dma_wait3A_254] : memref<10000x128xf32, #tpu.memory_space<vmem_shared>> -> memref<10000x128xf32, #tpu.memory_space<vmem_shared>>
        tpu.wait_indirect_dma semaphore(%arg13 : memref<!tpu.dma_semaphore, #tpu.memory_space<semaphore_mem>>) src(%dma_wait3A_255 : memref<10000x128xf32, #tpu.memory_space<vmem_shared>>) dst(%arg10 : memref<16x128xf32, #tpu.memory_space<vmem>>)
        %get3A_256 = arith.constant 0 : i32
        %get3A_257 = arith.constant 0 : i32
        %get3A_258 = tpu.memref_slice %arg8[%scan3A_95, %get3A_256, %get3A_257] : memref<2x8x128xi32, #tpu.memory_space<vmem>> -> memref<1x8x128xi32, #tpu.memory_space<vmem>>
        %get3A_259 = tpu.memref_squeeze %get3A_258 : memref<1x8x128xi32, #tpu.memory_space<vmem>> -> memref<8x128xi32, #tpu.memory_space<vmem>>
        %get3A_260 = arith.index_cast %scan3A_147 : i32 to index
        %get3A_261 = arith.constant 48 : index
        %get3A_262 = tpu.vector_load %get3A_259[%get3A_260, %get3A_261] {strides = array<i32>} : memref<8x128xi32, #tpu.memory_space<vmem>>, vector<1x16xi32>,
        %get3A_263 = vector.shape_cast %get3A_262 : vector<1x16xi32> to vector<16xi32>
        %dma_start3A_264 = arith.constant 0 : i32
        %dma_start3A_265 = arith.constant 0 : i32
        %dma_start3A_266 = tpu.memref_slice %arg12[%dma_start3A_264, %dma_start3A_265] : memref<5120x128xf32, #tpu.memory_space<vmem_shared>> -> memref<5120x128xf32, #tpu.memory_space<vmem_shared>>
        tpu.enqueue_indirect_dma source(%arg10 : memref<16x128xf32, #tpu.memory_space<vmem>>) target(%dma_start3A_266 : memref<5120x128xf32, #tpu.memory_space<vmem_shared>>) offsets(%get3A_263 : vector<16xi32>) semaphore(%arg14 : memref<!tpu.dma_semaphore, #tpu.memory_space<semaphore_mem>>) {add = true}
        %dma_wait3A_267 = arith.constant 0 : i32
        %dma_wait3A_268 = arith.constant 0 : i32
        %dma_wait3A_269 = tpu.memref_slice %arg12[%dma_wait3A_267, %dma_wait3A_268] : memref<5120x128xf32, #tpu.memory_space<vmem_shared>> -> memref<5120x128xf32, #tpu.memory_space<vmem_shared>>
        tpu.wait_indirect_dma semaphore(%arg14 : memref<!tpu.dma_semaphore, #tpu.memory_space<semaphore_mem>>) src(%arg10 : memref<16x128xf32, #tpu.memory_space<vmem>>) dst(%dma_wait3A_269 : memref<5120x128xf32, #tpu.memory_space<vmem_shared>>)
        %get3A_270 = arith.constant 0 : i32
        %get3A_271 = arith.constant 0 : i32
        %get3A_272 = tpu.memref_slice %arg7[%scan3A_94, %get3A_270, %get3A_271] : memref<2x8x128xi32, #tpu.memory_space<vmem>> -> memref<1x8x128xi32, #tpu.memory_space<vmem>>
        %get3A_273 = tpu.memref_squeeze %get3A_272 : memref<1x8x128xi32, #tpu.memory_space<vmem>> -> memref<8x128xi32, #tpu.memory_space<vmem>>
        %get3A_274 = arith.index_cast %scan3A_147 : i32 to index
        %get3A_275 = arith.constant 80 : index
        %get3A_276 = tpu.vector_load %get3A_273[%get3A_274, %get3A_275] {strides = array<i32>} : memref<8x128xi32, #tpu.memory_space<vmem>>, vector<1x16xi32>,
        %get3A_277 = vector.shape_cast %get3A_276 : vector<1x16xi32> to vector<16xi32>
        %dma_start3A_278 = arith.constant 0 : i32
        %dma_start3A_279 = arith.constant 0 : i32
        %dma_start3A_280 = tpu.memref_slice %arg11[%dma_start3A_278, %dma_start3A_279] : memref<10000x128xf32, #tpu.memory_space<vmem_shared>> -> memref<10000x128xf32, #tpu.memory_space<vmem_shared>>
        tpu.enqueue_indirect_dma source(%dma_start3A_280 : memref<10000x128xf32, #tpu.memory_space<vmem_shared>>) target(%arg10 : memref<16x128xf32, #tpu.memory_space<vmem>>) offsets(%get3A_277 : vector<16xi32>) semaphore(%arg13 : memref<!tpu.dma_semaphore, #tpu.memory_space<semaphore_mem>>)
        %dma_wait3A_281 = arith.constant 0 : i32
        %dma_wait3A_282 = arith.constant 0 : i32
        %dma_wait3A_283 = tpu.memref_slice %arg11[%dma_wait3A_281, %dma_wait3A_282] : memref<10000x128xf32, #tpu.memory_space<vmem_shared>> -> memref<10000x128xf32, #tpu.memory_space<vmem_shared>>
        tpu.wait_indirect_dma semaphore(%arg13 : memref<!tpu.dma_semaphore, #tpu.memory_space<semaphore_mem>>) src(%dma_wait3A_283 : memref<10000x128xf32, #tpu.memory_space<vmem_shared>>) dst(%arg9 : memref<16x128xf32, #tpu.memory_space<vmem>>)
        %get3A_284 = arith.constant 0 : i32
        %get3A_285 = arith.constant 0 : i32
        %get3A_286 = tpu.memref_slice %arg8[%scan3A_95, %get3A_284, %get3A_285] : memref<2x8x128xi32, #tpu.memory_space<vmem>> -> memref<1x8x128xi32, #tpu.memory_space<vmem>>
        %get3A_287 = tpu.memref_squeeze %get3A_286 : memref<1x8x128xi32, #tpu.memory_space<vmem>> -> memref<8x128xi32, #tpu.memory_space<vmem>>
        %get3A_288 = arith.index_cast %scan3A_147 : i32 to index
        %get3A_289 = arith.constant 64 : index
        %get3A_290 = tpu.vector_load %get3A_287[%get3A_288, %get3A_289] {strides = array<i32>} : memref<8x128xi32, #tpu.memory_space<vmem>>, vector<1x16xi32>,
        %get3A_291 = vector.shape_cast %get3A_290 : vector<1x16xi32> to vector<16xi32>
        %dma_start3A_292 = arith.constant 0 : i32
        %dma_start3A_293 = arith.constant 0 : i32
        %dma_start3A_294 = tpu.memref_slice %arg12[%dma_start3A_292, %dma_start3A_293] : memref<5120x128xf32, #tpu.memory_space<vmem_shared>> -> memref<5120x128xf32, #tpu.memory_space<vmem_shared>>
        tpu.enqueue_indirect_dma source(%arg9 : memref<16x128xf32, #tpu.memory_space<vmem>>) target(%dma_start3A_294 : memref<5120x128xf32, #tpu.memory_space<vmem_shared>>) offsets(%get3A_291 : vector<16xi32>) semaphore(%arg14 : memref<!tpu.dma_semaphore, #tpu.memory_space<semaphore_mem>>) {add = true}
        %dma_wait3A_295 = arith.constant 0 : i32
        %dma_wait3A_296 = arith.constant 0 : i32
        %dma_wait3A_297 = tpu.memref_slice %arg12[%dma_wait3A_295, %dma_wait3A_296] : memref<5120x128xf32, #tpu.memory_space<vmem_shared>> -> memref<5120x128xf32, #tpu.memory_space<vmem_shared>>
        tpu.wait_indirect_dma semaphore(%arg14 : memref<!tpu.dma_semaphore, #tpu.memory_space<semaphore_mem>>) src(%arg9 : memref<16x128xf32, #tpu.memory_space<vmem>>) dst(%dma_wait3A_297 : memref<5120x128xf32, #tpu.memory_space<vmem_shared>>)
        %get3A_298 = arith.constant 0 : i32
        %get3A_299 = arith.constant 0 : i32
        %get3A_300 = tpu.memref_slice %arg7[%scan3A_94, %get3A_298, %get3A_299] : memref<2x8x128xi32, #tpu.memory_space<vmem>> -> memref<1x8x128xi32, #tpu.memory_space<vmem>>
        %get3A_301 = tpu.memref_squeeze %get3A_300 : memref<1x8x128xi32, #tpu.memory_space<vmem>> -> memref<8x128xi32, #tpu.memory_space<vmem>>
        %get3A_302 = arith.index_cast %scan3A_147 : i32 to index
        %get3A_303 = arith.constant 96 : index
        %get3A_304 = tpu.vector_load %get3A_301[%get3A_302, %get3A_303] {strides = array<i32>} : memref<8x128xi32, #tpu.memory_space<vmem>>, vector<1x16xi32>,
        %get3A_305 = vector.shape_cast %get3A_304 : vector<1x16xi32> to vector<16xi32>
        %dma_start3A_306 = arith.constant 0 : i32
        %dma_start3A_307 = arith.constant 0 : i32
        %dma_start3A_308 = tpu.memref_slice %arg11[%dma_start3A_306, %dma_start3A_307] : memref<10000x128xf32, #tpu.memory_space<vmem_shared>> -> memref<10000x128xf32, #tpu.memory_space<vmem_shared>>
        tpu.enqueue_indirect_dma source(%dma_start3A_308 : memref<10000x128xf32, #tpu.memory_space<vmem_shared>>) target(%arg9 : memref<16x128xf32, #tpu.memory_space<vmem>>) offsets(%get3A_305 : vector<16xi32>) semaphore(%arg13 : memref<!tpu.dma_semaphore, #tpu.memory_space<semaphore_mem>>)
        %dma_wait3A_309 = arith.constant 0 : i32
        %dma_wait3A_310 = arith.constant 0 : i32
        %dma_wait3A_311 = tpu.memref_slice %arg11[%dma_wait3A_309, %dma_wait3A_310] : memref<10000x128xf32, #tpu.memory_space<vmem_shared>> -> memref<10000x128xf32, #tpu.memory_space<vmem_shared>>
        tpu.wait_indirect_dma semaphore(%arg13 : memref<!tpu.dma_semaphore, #tpu.memory_space<semaphore_mem>>) src(%dma_wait3A_311 : memref<10000x128xf32, #tpu.memory_space<vmem_shared>>) dst(%arg10 : memref<16x128xf32, #tpu.memory_space<vmem>>)
        %get3A_312 = arith.constant 0 : i32
        %get3A_313 = arith.constant 0 : i32
        %get3A_314 = tpu.memref_slice %arg8[%scan3A_95, %get3A_312, %get3A_313] : memref<2x8x128xi32, #tpu.memory_space<vmem>> -> memref<1x8x128xi32, #tpu.memory_space<vmem>>
        %get3A_315 = tpu.memref_squeeze %get3A_314 : memref<1x8x128xi32, #tpu.memory_space<vmem>> -> memref<8x128xi32, #tpu.memory_space<vmem>>
        %get3A_316 = arith.index_cast %scan3A_147 : i32 to index
        %get3A_317 = arith.constant 80 : index
        %get3A_318 = tpu.vector_load %get3A_315[%get3A_316, %get3A_317] {strides = array<i32>} : memref<8x128xi32, #tpu.memory_space<vmem>>, vector<1x16xi32>,
        %get3A_319 = vector.shape_cast %get3A_318 : vector<1x16xi32> to vector<16xi32>
        %dma_start3A_320 = arith.constant 0 : i32
        %dma_start3A_321 = arith.constant 0 : i32
        %dma_start3A_322 = tpu.memref_slice %arg12[%dma_start3A_320, %dma_start3A_321] : memref<5120x128xf32, #tpu.memory_space<vmem_shared>> -> memref<5120x128xf32, #tpu.memory_space<vmem_shared>>
        tpu.enqueue_indirect_dma source(%arg10 : memref<16x128xf32, #tpu.memory_space<vmem>>) target(%dma_start3A_322 : memref<5120x128xf32, #tpu.memory_space<vmem_shared>>) offsets(%get3A_319 : vector<16xi32>) semaphore(%arg14 : memref<!tpu.dma_semaphore, #tpu.memory_space<semaphore_mem>>) {add = true}
        %dma_wait3A_323 = arith.constant 0 : i32
        %dma_wait3A_324 = arith.constant 0 : i32
        %dma_wait3A_325 = tpu.memref_slice %arg12[%dma_wait3A_323, %dma_wait3A_324] : memref<5120x128xf32, #tpu.memory_space<vmem_shared>> -> memref<5120x128xf32, #tpu.memory_space<vmem_shared>>
        tpu.wait_indirect_dma semaphore(%arg14 : memref<!tpu.dma_semaphore, #tpu.memory_space<semaphore_mem>>) src(%arg10 : memref<16x128xf32, #tpu.memory_space<vmem>>) dst(%dma_wait3A_325 : memref<5120x128xf32, #tpu.memory_space<vmem_shared>>)
        %get3A_326 = arith.constant 0 : i32
        %get3A_327 = arith.constant 0 : i32
        %get3A_328 = tpu.memref_slice %arg7[%scan3A_94, %get3A_326, %get3A_327] : memref<2x8x128xi32, #tpu.memory_space<vmem>> -> memref<1x8x128xi32, #tpu.memory_space<vmem>>
        %get3A_329 = tpu.memref_squeeze %get3A_328 : memref<1x8x128xi32, #tpu.memory_space<vmem>> -> memref<8x128xi32, #tpu.memory_space<vmem>>
        %get3A_330 = arith.index_cast %scan3A_147 : i32 to index
        %get3A_331 = arith.constant 112 : index
        %get3A_332 = tpu.vector_load %get3A_329[%get3A_330, %get3A_331] {strides = array<i32>} : memref<8x128xi32, #tpu.memory_space<vmem>>, vector<1x16xi32>,
        %get3A_333 = vector.shape_cast %get3A_332 : vector<1x16xi32> to vector<16xi32>
        %dma_start3A_334 = arith.constant 0 : i32
        %dma_start3A_335 = arith.constant 0 : i32
        %dma_start3A_336 = tpu.memref_slice %arg11[%dma_start3A_334, %dma_start3A_335] : memref<10000x128xf32, #tpu.memory_space<vmem_shared>> -> memref<10000x128xf32, #tpu.memory_space<vmem_shared>>
        tpu.enqueue_indirect_dma source(%dma_start3A_336 : memref<10000x128xf32, #tpu.memory_space<vmem_shared>>) target(%arg10 : memref<16x128xf32, #tpu.memory_space<vmem>>) offsets(%get3A_333 : vector<16xi32>) semaphore(%arg13 : memref<!tpu.dma_semaphore, #tpu.memory_space<semaphore_mem>>)
        %dma_wait3A_337 = arith.constant 0 : i32
        %dma_wait3A_338 = arith.constant 0 : i32
        %dma_wait3A_339 = tpu.memref_slice %arg11[%dma_wait3A_337, %dma_wait3A_338] : memref<10000x128xf32, #tpu.memory_space<vmem_shared>> -> memref<10000x128xf32, #tpu.memory_space<vmem_shared>>
        tpu.wait_indirect_dma semaphore(%arg13 : memref<!tpu.dma_semaphore, #tpu.memory_space<semaphore_mem>>) src(%dma_wait3A_339 : memref<10000x128xf32, #tpu.memory_space<vmem_shared>>) dst(%arg9 : memref<16x128xf32, #tpu.memory_space<vmem>>)
        %get3A_340 = arith.constant 0 : i32
        %get3A_341 = arith.constant 0 : i32
        %get3A_342 = tpu.memref_slice %arg8[%scan3A_95, %get3A_340, %get3A_341] : memref<2x8x128xi32, #tpu.memory_space<vmem>> -> memref<1x8x128xi32, #tpu.memory_space<vmem>>
        %get3A_343 = tpu.memref_squeeze %get3A_342 : memref<1x8x128xi32, #tpu.memory_space<vmem>> -> memref<8x128xi32, #tpu.memory_space<vmem>>
        %get3A_344 = arith.index_cast %scan3A_147 : i32 to index
        %get3A_345 = arith.constant 96 : index
        %get3A_346 = tpu.vector_load %get3A_343[%get3A_344, %get3A_345] {strides = array<i32>} : memref<8x128xi32, #tpu.memory_space<vmem>>, vector<1x16xi32>,
        %get3A_347 = vector.shape_cast %get3A_346 : vector<1x16xi32> to vector<16xi32>
        %dma_start3A_348 = arith.constant 0 : i32
        %dma_start3A_349 = arith.constant 0 : i32
        %dma_start3A_350 = tpu.memref_slice %arg12[%dma_start3A_348, %dma_start3A_349] : memref<5120x128xf32, #tpu.memory_space<vmem_shared>> -> memref<5120x128xf32, #tpu.memory_space<vmem_shared>>
        tpu.enqueue_indirect_dma source(%arg9 : memref<16x128xf32, #tpu.memory_space<vmem>>) target(%dma_start3A_350 : memref<5120x128xf32, #tpu.memory_space<vmem_shared>>) offsets(%get3A_347 : vector<16xi32>) semaphore(%arg14 : memref<!tpu.dma_semaphore, #tpu.memory_space<semaphore_mem>>) {add = true}
        %dma_wait3A_351 = arith.constant 0 : i32
        %dma_wait3A_352 = arith.constant 0 : i32
        %dma_wait3A_353 = tpu.memref_slice %arg11[%dma_wait3A_351, %dma_wait3A_352] : memref<10000x128xf32, #tpu.memory_space<vmem_shared>> -> memref<10000x128xf32, #tpu.memory_space<vmem_shared>>
        tpu.wait_indirect_dma semaphore(%arg13 : memref<!tpu.dma_semaphore, #tpu.memory_space<semaphore_mem>>) src(%dma_wait3A_353 : memref<10000x128xf32, #tpu.memory_space<vmem_shared>>) dst(%arg10 : memref<16x128xf32, #tpu.memory_space<vmem>>)
        %get3A_354 = arith.constant 0 : i32
        %get3A_355 = arith.constant 0 : i32
        %get3A_356 = tpu.memref_slice %arg8[%scan3A_95, %get3A_354, %get3A_355] : memref<2x8x128xi32, #tpu.memory_space<vmem>> -> memref<1x8x128xi32, #tpu.memory_space<vmem>>
        %get3A_357 = tpu.memref_squeeze %get3A_356 : memref<1x8x128xi32, #tpu.memory_space<vmem>> -> memref<8x128xi32, #tpu.memory_space<vmem>>
        %get3A_358 = arith.index_cast %scan3A_147 : i32 to index
        %get3A_359 = arith.constant 112 : index
        %get3A_360 = tpu.vector_load %get3A_357[%get3A_358, %get3A_359] {strides = array<i32>} : memref<8x128xi32, #tpu.memory_space<vmem>>, vector<1x16xi32>,
        %get3A_361 = vector.shape_cast %get3A_360 : vector<1x16xi32> to vector<16xi32>
        %dma_start3A_362 = arith.constant 0 : i32
        %dma_start3A_363 = arith.constant 0 : i32
        %dma_start3A_364 = tpu.memref_slice %arg12[%dma_start3A_362, %dma_start3A_363] : memref<5120x128xf32, #tpu.memory_space<vmem_shared>> -> memref<5120x128xf32, #tpu.memory_space<vmem_shared>>
        tpu.enqueue_indirect_dma source(%arg10 : memref<16x128xf32, #tpu.memory_space<vmem>>) target(%dma_start3A_364 : memref<5120x128xf32, #tpu.memory_space<vmem_shared>>) offsets(%get3A_361 : vector<16xi32>) semaphore(%arg14 : memref<!tpu.dma_semaphore, #tpu.memory_space<semaphore_mem>>) {add = true}
        %dma_wait3A_365 = arith.constant 0 : i32
        %dma_wait3A_366 = arith.constant 0 : i32
        %dma_wait3A_367 = tpu.memref_slice %arg12[%dma_wait3A_365, %dma_wait3A_366] : memref<5120x128xf32, #tpu.memory_space<vmem_shared>> -> memref<5120x128xf32, #tpu.memory_space<vmem_shared>>
        tpu.wait_indirect_dma semaphore(%arg14 : memref<!tpu.dma_semaphore, #tpu.memory_space<semaphore_mem>>) src(%arg9 : memref<16x128xf32, #tpu.memory_space<vmem>>) dst(%dma_wait3A_367 : memref<5120x128xf32, #tpu.memory_space<vmem_shared>>)
        %dma_wait3A_368 = arith.constant 0 : i32
        %dma_wait3A_369 = arith.constant 0 : i32
        %dma_wait3A_370 = tpu.memref_slice %arg12[%dma_wait3A_368, %dma_wait3A_369] : memref<5120x128xf32, #tpu.memory_space<vmem_shared>> -> memref<5120x128xf32, #tpu.memory_space<vmem_shared>>
        tpu.wait_indirect_dma semaphore(%arg14 : memref<!tpu.dma_semaphore, #tpu.memory_space<semaphore_mem>>) src(%arg10 : memref<16x128xf32, #tpu.memory_space<vmem>>) dst(%dma_wait3A_370 : memref<5120x128xf32, #tpu.memory_space<vmem_shared>>)
      }
      %scan3A_100 = arith.constant 8 : i32
      %mul3A_101 = arith.constant 2 : i32
      %mul3A_102 = arith.muli %mul3A_101, %scan3A_56 : i32
      %add3A = arith.constant 1 : i32
      %add3A_103 = arith.addi %mul3A_102, %add3A : i32
      %dma_wait3A_104 = arith.constant 1 : i32
      %dma_wait3A_105 = arith.constant 0 : i32
      %dma_wait3A_106 = arith.constant 0 : i32
      %dma_wait3A_107 = tpu.memref_slice %arg7[%dma_wait3A_104, %dma_wait3A_105, %dma_wait3A_106] : memref<2x8x128xi32, #tpu.memory_space<vmem>> -> memref<1x8x128xi32, #tpu.memory_space<vmem>>
      %dma_wait3A_108 = tpu.memref_squeeze %dma_wait3A_107 : memref<1x8x128xi32, #tpu.memory_space<vmem>> -> memref<8x128xi32, #tpu.memory_space<vmem>>
      %dma_wait3A_109 = arith.constant 0 : i32
      %dma_wait3A_110 = arith.constant 0 : i32
      %dma_wait3A_111 = tpu.memref_slice %arg3[%dma_wait3A_109, %dma_wait3A_110] : memref<2560x128xi32, #tpu.memory_space<hbm>> -> memref<8x128xi32, #tpu.memory_space<hbm>>
      %dma_wait3A_112 = arith.constant 0 : i32
      %dma_wait3A_113 = arith.constant 0 : i32
      %dma_wait3A_114 = tpu.memref_slice %arg7[%dma_wait3A_104, %dma_wait3A_112, %dma_wait3A_113] : memref<2x8x128xi32, #tpu.memory_space<vmem>> -> memref<1x8x128xi32, #tpu.memory_space<vmem>>
      %dma_wait3A_115 = tpu.memref_squeeze %dma_wait3A_114 : memref<1x8x128xi32, #tpu.memory_space<vmem>> -> memref<8x128xi32, #tpu.memory_space<vmem>>
      %dma_wait3A_116 = arith.constant 0 : i32
      %dma_wait3A_117 = arith.constant 0 : i32
      %dma_wait3A_118 = tpu.memref_slice %arg3[%dma_wait3A_116, %dma_wait3A_117] : memref<2560x128xi32, #tpu.memory_space<hbm>> -> memref<8x128xi32, #tpu.memory_space<hbm>>
      tpu.wait_dma2 semaphore(%arg15 : memref<!tpu.dma_semaphore, #tpu.memory_space<semaphore_mem>>) src(%dma_wait3A_118 : memref<8x128xi32, #tpu.memory_space<hbm>>) dst(%dma_wait3A_115 : memref<8x128xi32, #tpu.memory_space<vmem>>)
      %dma_wait3A_119 = arith.constant 1 : i32
      %dma_wait3A_120 = arith.constant 0 : i32
      %dma_wait3A_121 = arith.constant 0 : i32
      %dma_wait3A_122 = tpu.memref_slice %arg8[%dma_wait3A_119, %dma_wait3A_120, %dma_wait3A_121] : memref<2x8x128xi32, #tpu.memory_space<vmem>> -> memref<1x8x128xi32, #tpu.memory_space<vmem>>
      %dma_wait3A_123 = tpu.memref_squeeze %dma_wait3A_122 : memref<1x8x128xi32, #tpu.memory_space<vmem>> -> memref<8x128xi32, #tpu.memory_space<vmem>>
      %dma_wait3A_124 = arith.constant 0 : i32
      %dma_wait3A_125 = arith.constant 0 : i32
      %dma_wait3A_126 = tpu.memref_slice %arg3[%dma_wait3A_124, %dma_wait3A_125] : memref<2560x128xi32, #tpu.memory_space<hbm>> -> memref<8x128xi32, #tpu.memory_space<hbm>>
      %dma_wait3A_127 = arith.constant 0 : i32
      %dma_wait3A_128 = arith.constant 0 : i32
      %dma_wait3A_129 = tpu.memref_slice %arg8[%dma_wait3A_119, %dma_wait3A_127, %dma_wait3A_128] : memref<2x8x128xi32, #tpu.memory_space<vmem>> -> memref<1x8x128xi32, #tpu.memory_space<vmem>>
      %dma_wait3A_130 = tpu.memref_squeeze %dma_wait3A_129 : memref<1x8x128xi32, #tpu.memory_space<vmem>> -> memref<8x128xi32, #tpu.memory_space<vmem>>
      %dma_wait3A_131 = arith.constant 0 : i32
      %dma_wait3A_132 = arith.constant 0 : i32
      %dma_wait3A_133 = tpu.memref_slice %arg3[%dma_wait3A_131, %dma_wait3A_132] : memref<2560x128xi32, #tpu.memory_space<hbm>> -> memref<8x128xi32, #tpu.memory_space<hbm>>
      tpu.wait_dma2 semaphore(%arg15 : memref<!tpu.dma_semaphore, #tpu.memory_space<semaphore_mem>>) src(%dma_wait3A_133 : memref<8x128xi32, #tpu.memory_space<hbm>>) dst(%dma_wait3A_130 : memref<8x128xi32, #tpu.memory_space<vmem>>)
      %lt3A_134 = arith.constant 19 : i32
      %lt3A_135 = arith.cmpi slt, %add3A_103, %lt3A_134 : i32
      %convert_element_type3A_136 = arith.extui %lt3A_135 : i1 to i32
      %cond3A_137 = arith.constant 0 : i32
      %cond3A_138 = arith.cmpi ne, %convert_element_type3A_136, %cond3A_137 : i32
      scf.if %cond3A_138 {
        %mul3A_147 = arith.constant 20 : i32
        %mul3A_148 = arith.muli %arg1, %mul3A_147 : i32
        %add3A_149 = arith.addi %mul3A_148, %add3A_103 : i32
        %add3A_150 = arith.constant 1 : i32
        %add3A_151 = arith.addi %add3A_149, %add3A_150 : i32
        %mul3A_152 = arith.constant 8 : i32
        %mul3A_153 = arith.muli %add3A_151, %mul3A_152 : i32
        %dma_start3A_154 = arith.constant 0 : i32
        %dma_start3A_155 = arith.constant 0 : i32
        %dma_start3A_156 = arith.constant 0 : i32
        %dma_start3A_157 = tpu.memref_slice %arg7[%dma_start3A_154, %dma_start3A_155, %dma_start3A_156] : memref<2x8x128xi32, #tpu.memory_space<vmem>> -> memref<1x8x128xi32, #tpu.memory_space<vmem>>
        %dma_start3A_158 = tpu.memref_squeeze %dma_start3A_157 : memref<1x8x128xi32, #tpu.memory_space<vmem>> -> memref<8x128xi32, #tpu.memory_space<vmem>>
        %dma_start3A_159 = arith.constant 0 : i32
        %dma_start3A_160 = tpu.memref_slice %arg3[%mul3A_153, %dma_start3A_159] : memref<2560x128xi32, #tpu.memory_space<hbm>> -> memref<8x128xi32, #tpu.memory_space<hbm>>
        %dma_start3A_161 = arith.constant 0 : i32
        %dma_start3A_162 = arith.constant 0 : i32
        %dma_start3A_163 = tpu.memref_slice %arg7[%dma_start3A_154, %dma_start3A_161, %dma_start3A_162] : memref<2x8x128xi32, #tpu.memory_space<vmem>> -> memref<1x8x128xi32, #tpu.memory_space<vmem>>
        %dma_start3A_164 = tpu.memref_squeeze %dma_start3A_163 : memref<1x8x128xi32, #tpu.memory_space<vmem>> -> memref<8x128xi32, #tpu.memory_space<vmem>>
        %dma_start3A_165 = arith.constant 0 : i32
        %dma_start3A_166 = tpu.memref_slice %arg3[%mul3A_153, %dma_start3A_165] : memref<2560x128xi32, #tpu.memory_space<hbm>> -> memref<8x128xi32, #tpu.memory_space<hbm>>
        tpu.enqueue_dma source(%dma_start3A_166 : memref<8x128xi32, #tpu.memory_space<hbm>>) target(%dma_start3A_164 : memref<8x128xi32, #tpu.memory_space<vmem>>) target_semaphore(%arg15 : memref<!tpu.dma_semaphore, #tpu.memory_space<semaphore_mem>>)
        %mul3A_167 = arith.constant 8 : i32
        %mul3A_168 = arith.muli %add3A_151, %mul3A_167 : i32
        %dma_start3A_169 = arith.constant 0 : i32
        %dma_start3A_170 = arith.constant 0 : i32
        %dma_start3A_171 = arith.constant 0 : i32
        %dma_start3A_172 = tpu.memref_slice %arg8[%dma_start3A_169, %dma_start3A_170, %dma_start3A_171] : memref<2x8x128xi32, #tpu.memory_space<vmem>> -> memref<1x8x128xi32, #tpu.memory_space<vmem>>
        %dma_start3A_173 = tpu.memref_squeeze %dma_start3A_172 : memref<1x8x128xi32, #tpu.memory_space<vmem>> -> memref<8x128xi32, #tpu.memory_space<vmem>>
        %dma_start3A_174 = arith.constant 0 : i32
        %dma_start3A_175 = tpu.memref_slice %arg4[%arg0, %mul3A_168, %dma_start3A_174] : memref<2x2560x128xi32, #tpu.memory_space<hbm>> -> memref<1x8x128xi32, #tpu.memory_space<hbm>>
        %dma_start3A_176 = tpu.memref_squeeze %dma_start3A_175 : memref<1x8x128xi32, #tpu.memory_space<hbm>> -> memref<8x128xi32, #tpu.memory_space<hbm>>
        %dma_start3A_177 = arith.constant 0 : i32
        %dma_start3A_178 = arith.constant 0 : i32
        %dma_start3A_179 = tpu.memref_slice %arg8[%dma_start3A_169, %dma_start3A_177, %dma_start3A_178] : memref<2x8x128xi32, #tpu.memory_space<vmem>> -> memref<1x8x128xi32, #tpu.memory_space<vmem>>
        %dma_start3A_180 = tpu.memref_squeeze %dma_start3A_179 : memref<1x8x128xi32, #tpu.memory_space<vmem>> -> memref<8x128xi32, #tpu.memory_space<vmem>>
        %dma_start3A_181 = arith.constant 0 : i32
        %dma_start3A_182 = tpu.memref_slice %arg4[%arg0, %mul3A_168, %dma_start3A_181] : memref<2x2560x128xi32, #tpu.memory_space<hbm>> -> memref<1x8x128xi32, #tpu.memory_space<hbm>>
        %dma_start3A_183 = tpu.memref_squeeze %dma_start3A_182 : memref<1x8x128xi32, #tpu.memory_space<hbm>> -> memref<8x128xi32, #tpu.memory_space<hbm>>
        tpu.enqueue_dma source(%dma_start3A_183 : memref<8x128xi32, #tpu.memory_space<hbm>>) target(%dma_start3A_180 : memref<8x128xi32, #tpu.memory_space<vmem>>) target_semaphore(%arg15 : memref<!tpu.dma_semaphore, #tpu.memory_space<semaphore_mem>>)
      } else {
      }
      %scan3A_139 = arith.constant 0 : i32
      %scan3A_140 = arith.constant 1 : i32
      %scan3A_141 = arith.constant 1 : i32
      %scan3A_142 = arith.constant 0 : i32
      %scan3A_143 = arith.constant 8 : i32
      %scan3A_144 = arith.addi %scan3A_142, %scan3A_143 : i32
      %scan3A_145 = arith.constant 1 : i32
      scf.for %scan3A_147 = %scan3A_142 to %scan3A_144 step %scan3A_145  : i32 {
        %get3A = arith.constant 0 : i32
        %get3A_148 = arith.constant 0 : i32
        %get3A_149 = tpu.memref_slice %arg7[%scan3A_140, %get3A, %get3A_148] : memref<2x8x128xi32, #tpu.memory_space<vmem>> -> memref<1x8x128xi32, #tpu.memory_space<vmem>>
        %get3A_150 = tpu.memref_squeeze %get3A_149 : memref<1x8x128xi32, #tpu.memory_space<vmem>> -> memref<8x128xi32, #tpu.memory_space<vmem>>
        %get3A_151 = arith.index_cast %scan3A_147 : i32 to index
        %get3A_152 = arith.constant 0 : index
        %get3A_153 = tpu.vector_load %get3A_150[%get3A_151, %get3A_152] {strides = array<i32>} : memref<8x128xi32, #tpu.memory_space<vmem>>, vector<1x16xi32>,
        %get3A_154 = vector.shape_cast %get3A_153 : vector<1x16xi32> to vector<16xi32>
        %dma_start3A_155 = arith.constant 0 : i32
        %dma_start3A_156 = arith.constant 0 : i32
        %dma_start3A_157 = tpu.memref_slice %arg11[%dma_start3A_155, %dma_start3A_156] : memref<10000x128xf32, #tpu.memory_space<vmem_shared>> -> memref<10000x128xf32, #tpu.memory_space<vmem_shared>>
        tpu.enqueue_indirect_dma source(%dma_start3A_157 : memref<10000x128xf32, #tpu.memory_space<vmem_shared>>) target(%arg9 : memref<16x128xf32, #tpu.memory_space<vmem>>) offsets(%get3A_154 : vector<16xi32>) semaphore(%arg13 : memref<!tpu.dma_semaphore, #tpu.memory_space<semaphore_mem>>)
        %get3A_158 = arith.constant 0 : i32
        %get3A_159 = arith.constant 0 : i32
        %get3A_160 = tpu.memref_slice %arg7[%scan3A_140, %get3A_158, %get3A_159] : memref<2x8x128xi32, #tpu.memory_space<vmem>> -> memref<1x8x128xi32, #tpu.memory_space<vmem>>
        %get3A_161 = tpu.memref_squeeze %get3A_160 : memref<1x8x128xi32, #tpu.memory_space<vmem>> -> memref<8x128xi32, #tpu.memory_space<vmem>>
        %get3A_162 = arith.index_cast %scan3A_147 : i32 to index
        %get3A_163 = arith.constant 16 : index
        %get3A_164 = tpu.vector_load %get3A_161[%get3A_162, %get3A_163] {strides = array<i32>} : memref<8x128xi32, #tpu.memory_space<vmem>>, vector<1x16xi32>,
        %get3A_165 = vector.shape_cast %get3A_164 : vector<1x16xi32> to vector<16xi32>
        %dma_start3A_166 = arith.constant 0 : i32
        %dma_start3A_167 = arith.constant 0 : i32
        %dma_start3A_168 = tpu.memref_slice %arg11[%dma_start3A_166, %dma_start3A_167] : memref<10000x128xf32, #tpu.memory_space<vmem_shared>> -> memref<10000x128xf32, #tpu.memory_space<vmem_shared>>
        tpu.enqueue_indirect_dma source(%dma_start3A_168 : memref<10000x128xf32, #tpu.memory_space<vmem_shared>>) target(%arg10 : memref<16x128xf32, #tpu.memory_space<vmem>>) offsets(%get3A_165 : vector<16xi32>) semaphore(%arg13 : memref<!tpu.dma_semaphore, #tpu.memory_space<semaphore_mem>>)
        %dma_wait3A_169 = arith.constant 0 : i32
        %dma_wait3A_170 = arith.constant 0 : i32
        %dma_wait3A_171 = tpu.memref_slice %arg11[%dma_wait3A_169, %dma_wait3A_170] : memref<10000x128xf32, #tpu.memory_space<vmem_shared>> -> memref<10000x128xf32, #tpu.memory_space<vmem_shared>>
        tpu.wait_indirect_dma semaphore(%arg13 : memref<!tpu.dma_semaphore, #tpu.memory_space<semaphore_mem>>) src(%dma_wait3A_171 : memref<10000x128xf32, #tpu.memory_space<vmem_shared>>) dst(%arg9 : memref<16x128xf32, #tpu.memory_space<vmem>>)
        %get3A_172 = arith.constant 0 : i32
        %get3A_173 = arith.constant 0 : i32
        %get3A_174 = tpu.memref_slice %arg8[%scan3A_141, %get3A_172, %get3A_173] : memref<2x8x128xi32, #tpu.memory_space<vmem>> -> memref<1x8x128xi32, #tpu.memory_space<vmem>>
        %get3A_175 = tpu.memref_squeeze %get3A_174 : memref<1x8x128xi32, #tpu.memory_space<vmem>> -> memref<8x128xi32, #tpu.memory_space<vmem>>
        %get3A_176 = arith.index_cast %scan3A_147 : i32 to index
        %get3A_177 = arith.constant 0 : index
        %get3A_178 = tpu.vector_load %get3A_175[%get3A_176, %get3A_177] {strides = array<i32>} : memref<8x128xi32, #tpu.memory_space<vmem>>, vector<1x16xi32>,
        %get3A_179 = vector.shape_cast %get3A_178 : vector<1x16xi32> to vector<16xi32>
        %dma_start3A_180 = arith.constant 0 : i32
        %dma_start3A_181 = arith.constant 0 : i32
        %dma_start3A_182 = tpu.memref_slice %arg12[%dma_start3A_180, %dma_start3A_181] : memref<5120x128xf32, #tpu.memory_space<vmem_shared>> -> memref<5120x128xf32, #tpu.memory_space<vmem_shared>>
        tpu.enqueue_indirect_dma source(%arg9 : memref<16x128xf32, #tpu.memory_space<vmem>>) target(%dma_start3A_182 : memref<5120x128xf32, #tpu.memory_space<vmem_shared>>) offsets(%get3A_179 : vector<16xi32>) semaphore(%arg14 : memref<!tpu.dma_semaphore, #tpu.memory_space<semaphore_mem>>) {add = true}
        %dma_wait3A_183 = arith.constant 0 : i32
        %dma_wait3A_184 = arith.constant 0 : i32
        %dma_wait3A_185 = tpu.memref_slice %arg12[%dma_wait3A_183, %dma_wait3A_184] : memref<5120x128xf32, #tpu.memory_space<vmem_shared>> -> memref<5120x128xf32, #tpu.memory_space<vmem_shared>>
        tpu.wait_indirect_dma semaphore(%arg14 : memref<!tpu.dma_semaphore, #tpu.memory_space<semaphore_mem>>) src(%arg9 : memref<16x128xf32, #tpu.memory_space<vmem>>) dst(%dma_wait3A_185 : memref<5120x128xf32, #tpu.memory_space<vmem_shared>>)
        %get3A_186 = arith.constant 0 : i32
        %get3A_187 = arith.constant 0 : i32
        %get3A_188 = tpu.memref_slice %arg7[%scan3A_140, %get3A_186, %get3A_187] : memref<2x8x128xi32, #tpu.memory_space<vmem>> -> memref<1x8x128xi32, #tpu.memory_space<vmem>>
        %get3A_189 = tpu.memref_squeeze %get3A_188 : memref<1x8x128xi32, #tpu.memory_space<vmem>> -> memref<8x128xi32, #tpu.memory_space<vmem>>
        %get3A_190 = arith.index_cast %scan3A_147 : i32 to index
        %get3A_191 = arith.constant 32 : index
        %get3A_192 = tpu.vector_load %get3A_189[%get3A_190, %get3A_191] {strides = array<i32>} : memref<8x128xi32, #tpu.memory_space<vmem>>, vector<1x16xi32>,
        %get3A_193 = vector.shape_cast %get3A_192 : vector<1x16xi32> to vector<16xi32>
        %dma_start3A_194 = arith.constant 0 : i32
        %dma_start3A_195 = arith.constant 0 : i32
        %dma_start3A_196 = tpu.memref_slice %arg11[%dma_start3A_194, %dma_start3A_195] : memref<10000x128xf32, #tpu.memory_space<vmem_shared>> -> memref<10000x128xf32, #tpu.memory_space<vmem_shared>>
        tpu.enqueue_indirect_dma source(%dma_start3A_196 : memref<10000x128xf32, #tpu.memory_space<vmem_shared>>) target(%arg9 : memref<16x128xf32, #tpu.memory_space<vmem>>) offsets(%get3A_193 : vector<16xi32>) semaphore(%arg13 : memref<!tpu.dma_semaphore, #tpu.memory_space<semaphore_mem>>)
        %dma_wait3A_197 = arith.constant 0 : i32
        %dma_wait3A_198 = arith.constant 0 : i32
        %dma_wait3A_199 = tpu.memref_slice %arg11[%dma_wait3A_197, %dma_wait3A_198] : memref<10000x128xf32, #tpu.memory_space<vmem_shared>> -> memref<10000x128xf32, #tpu.memory_space<vmem_shared>>
        tpu.wait_indirect_dma semaphore(%arg13 : memref<!tpu.dma_semaphore, #tpu.memory_space<semaphore_mem>>) src(%dma_wait3A_199 : memref<10000x128xf32, #tpu.memory_space<vmem_shared>>) dst(%arg10 : memref<16x128xf32, #tpu.memory_space<vmem>>)
        %get3A_200 = arith.constant 0 : i32
        %get3A_201 = arith.constant 0 : i32
        %get3A_202 = tpu.memref_slice %arg8[%scan3A_141, %get3A_200, %get3A_201] : memref<2x8x128xi32, #tpu.memory_space<vmem>> -> memref<1x8x128xi32, #tpu.memory_space<vmem>>
        %get3A_203 = tpu.memref_squeeze %get3A_202 : memref<1x8x128xi32, #tpu.memory_space<vmem>> -> memref<8x128xi32, #tpu.memory_space<vmem>>
        %get3A_204 = arith.index_cast %scan3A_147 : i32 to index
        %get3A_205 = arith.constant 16 : index
        %get3A_206 = tpu.vector_load %get3A_203[%get3A_204, %get3A_205] {strides = array<i32>} : memref<8x128xi32, #tpu.memory_space<vmem>>, vector<1x16xi32>,
        %get3A_207 = vector.shape_cast %get3A_206 : vector<1x16xi32> to vector<16xi32>
        %dma_start3A_208 = arith.constant 0 : i32
        %dma_start3A_209 = arith.constant 0 : i32
        %dma_start3A_210 = tpu.memref_slice %arg12[%dma_start3A_208, %dma_start3A_209] : memref<5120x128xf32, #tpu.memory_space<vmem_shared>> -> memref<5120x128xf32, #tpu.memory_space<vmem_shared>>
        tpu.enqueue_indirect_dma source(%arg10 : memref<16x128xf32, #tpu.memory_space<vmem>>) target(%dma_start3A_210 : memref<5120x128xf32, #tpu.memory_space<vmem_shared>>) offsets(%get3A_207 : vector<16xi32>) semaphore(%arg14 : memref<!tpu.dma_semaphore, #tpu.memory_space<semaphore_mem>>) {add = true}
        %dma_wait3A_211 = arith.constant 0 : i32
        %dma_wait3A_212 = arith.constant 0 : i32
        %dma_wait3A_213 = tpu.memref_slice %arg12[%dma_wait3A_211, %dma_wait3A_212] : memref<5120x128xf32, #tpu.memory_space<vmem_shared>> -> memref<5120x128xf32, #tpu.memory_space<vmem_shared>>
        tpu.wait_indirect_dma semaphore(%arg14 : memref<!tpu.dma_semaphore, #tpu.memory_space<semaphore_mem>>) src(%arg10 : memref<16x128xf32, #tpu.memory_space<vmem>>) dst(%dma_wait3A_213 : memref<5120x128xf32, #tpu.memory_space<vmem_shared>>)
        %get3A_214 = arith.constant 0 : i32
        %get3A_215 = arith.constant 0 : i32
        %get3A_216 = tpu.memref_slice %arg7[%scan3A_140, %get3A_214, %get3A_215] : memref<2x8x128xi32, #tpu.memory_space<vmem>> -> memref<1x8x128xi32, #tpu.memory_space<vmem>>
        %get3A_217 = tpu.memref_squeeze %get3A_216 : memref<1x8x128xi32, #tpu.memory_space<vmem>> -> memref<8x128xi32, #tpu.memory_space<vmem>>
        %get3A_218 = arith.index_cast %scan3A_147 : i32 to index
        %get3A_219 = arith.constant 48 : index
        %get3A_220 = tpu.vector_load %get3A_217[%get3A_218, %get3A_219] {strides = array<i32>} : memref<8x128xi32, #tpu.memory_space<vmem>>, vector<1x16xi32>,
        %get3A_221 = vector.shape_cast %get3A_220 : vector<1x16xi32> to vector<16xi32>
        %dma_start3A_222 = arith.constant 0 : i32
        %dma_start3A_223 = arith.constant 0 : i32
        %dma_start3A_224 = tpu.memref_slice %arg11[%dma_start3A_222, %dma_start3A_223] : memref<10000x128xf32, #tpu.memory_space<vmem_shared>> -> memref<10000x128xf32, #tpu.memory_space<vmem_shared>>
        tpu.enqueue_indirect_dma source(%dma_start3A_224 : memref<10000x128xf32, #tpu.memory_space<vmem_shared>>) target(%arg10 : memref<16x128xf32, #tpu.memory_space<vmem>>) offsets(%get3A_221 : vector<16xi32>) semaphore(%arg13 : memref<!tpu.dma_semaphore, #tpu.memory_space<semaphore_mem>>)
        %dma_wait3A_225 = arith.constant 0 : i32
        %dma_wait3A_226 = arith.constant 0 : i32
        %dma_wait3A_227 = tpu.memref_slice %arg11[%dma_wait3A_225, %dma_wait3A_226] : memref<10000x128xf32, #tpu.memory_space<vmem_shared>> -> memref<10000x128xf32, #tpu.memory_space<vmem_shared>>
        tpu.wait_indirect_dma semaphore(%arg13 : memref<!tpu.dma_semaphore, #tpu.memory_space<semaphore_mem>>) src(%dma_wait3A_227 : memref<10000x128xf32, #tpu.memory_space<vmem_shared>>) dst(%arg9 : memref<16x128xf32, #tpu.memory_space<vmem>>)
        %get3A_228 = arith.constant 0 : i32
        %get3A_229 = arith.constant 0 : i32
        %get3A_230 = tpu.memref_slice %arg8[%scan3A_141, %get3A_228, %get3A_229] : memref<2x8x128xi32, #tpu.memory_space<vmem>> -> memref<1x8x128xi32, #tpu.memory_space<vmem>>
        %get3A_231 = tpu.memref_squeeze %get3A_230 : memref<1x8x128xi32, #tpu.memory_space<vmem>> -> memref<8x128xi32, #tpu.memory_space<vmem>>
        %get3A_232 = arith.index_cast %scan3A_147 : i32 to index
        %get3A_233 = arith.constant 32 : index
        %get3A_234 = tpu.vector_load %get3A_231[%get3A_232, %get3A_233] {strides = array<i32>} : memref<8x128xi32, #tpu.memory_space<vmem>>, vector<1x16xi32>,
        %get3A_235 = vector.shape_cast %get3A_234 : vector<1x16xi32> to vector<16xi32>
        %dma_start3A_236 = arith.constant 0 : i32
        %dma_start3A_237 = arith.constant 0 : i32
        %dma_start3A_238 = tpu.memref_slice %arg12[%dma_start3A_236, %dma_start3A_237] : memref<5120x128xf32, #tpu.memory_space<vmem_shared>> -> memref<5120x128xf32, #tpu.memory_space<vmem_shared>>
        tpu.enqueue_indirect_dma source(%arg9 : memref<16x128xf32, #tpu.memory_space<vmem>>) target(%dma_start3A_238 : memref<5120x128xf32, #tpu.memory_space<vmem_shared>>) offsets(%get3A_235 : vector<16xi32>) semaphore(%arg14 : memref<!tpu.dma_semaphore, #tpu.memory_space<semaphore_mem>>) {add = true}
        %dma_wait3A_239 = arith.constant 0 : i32
        %dma_wait3A_240 = arith.constant 0 : i32
        %dma_wait3A_241 = tpu.memref_slice %arg12[%dma_wait3A_239, %dma_wait3A_240] : memref<5120x128xf32, #tpu.memory_space<vmem_shared>> -> memref<5120x128xf32, #tpu.memory_space<vmem_shared>>
        tpu.wait_indirect_dma semaphore(%arg14 : memref<!tpu.dma_semaphore, #tpu.memory_space<semaphore_mem>>) src(%arg9 : memref<16x128xf32, #tpu.memory_space<vmem>>) dst(%dma_wait3A_241 : memref<5120x128xf32, #tpu.memory_space<vmem_shared>>)
        %get3A_242 = arith.constant 0 : i32
        %get3A_243 = arith.constant 0 : i32
        %get3A_244 = tpu.memref_slice %arg7[%scan3A_140, %get3A_242, %get3A_243] : memref<2x8x128xi32, #tpu.memory_space<vmem>> -> memref<1x8x128xi32, #tpu.memory_space<vmem>>
        %get3A_245 = tpu.memref_squeeze %get3A_244 : memref<1x8x128xi32, #tpu.memory_space<vmem>> -> memref<8x128xi32, #tpu.memory_space<vmem>>
        %get3A_246 = arith.index_cast %scan3A_147 : i32 to index
        %get3A_247 = arith.constant 64 : index
        %get3A_248 = tpu.vector_load %get3A_245[%get3A_246, %get3A_247] {strides = array<i32>} : memref<8x128xi32, #tpu.memory_space<vmem>>, vector<1x16xi32>,
        %get3A_249 = vector.shape_cast %get3A_248 : vector<1x16xi32> to vector<16xi32>
        %dma_start3A_250 = arith.constant 0 : i32
        %dma_start3A_251 = arith.constant 0 : i32
        %dma_start3A_252 = tpu.memref_slice %arg11[%dma_start3A_250, %dma_start3A_251] : memref<10000x128xf32, #tpu.memory_space<vmem_shared>> -> memref<10000x128xf32, #tpu.memory_space<vmem_shared>>
        tpu.enqueue_indirect_dma source(%dma_start3A_252 : memref<10000x128xf32, #tpu.memory_space<vmem_shared>>) target(%arg9 : memref<16x128xf32, #tpu.memory_space<vmem>>) offsets(%get3A_249 : vector<16xi32>) semaphore(%arg13 : memref<!tpu.dma_semaphore, #tpu.memory_space<semaphore_mem>>)
        %dma_wait3A_253 = arith.constant 0 : i32
        %dma_wait3A_254 = arith.constant 0 : i32
        %dma_wait3A_255 = tpu.memref_slice %arg11[%dma_wait3A_253, %dma_wait3A_254] : memref<10000x128xf32, #tpu.memory_space<vmem_shared>> -> memref<10000x128xf32, #tpu.memory_space<vmem_shared>>
        tpu.wait_indirect_dma semaphore(%arg13 : memref<!tpu.dma_semaphore, #tpu.memory_space<semaphore_mem>>) src(%dma_wait3A_255 : memref<10000x128xf32, #tpu.memory_space<vmem_shared>>) dst(%arg10 : memref<16x128xf32, #tpu.memory_space<vmem>>)
        %get3A_256 = arith.constant 0 : i32
        %get3A_257 = arith.constant 0 : i32
        %get3A_258 = tpu.memref_slice %arg8[%scan3A_141, %get3A_256, %get3A_257] : memref<2x8x128xi32, #tpu.memory_space<vmem>> -> memref<1x8x128xi32, #tpu.memory_space<vmem>>
        %get3A_259 = tpu.memref_squeeze %get3A_258 : memref<1x8x128xi32, #tpu.memory_space<vmem>> -> memref<8x128xi32, #tpu.memory_space<vmem>>
        %get3A_260 = arith.index_cast %scan3A_147 : i32 to index
        %get3A_261 = arith.constant 48 : index
        %get3A_262 = tpu.vector_load %get3A_259[%get3A_260, %get3A_261] {strides = array<i32>} : memref<8x128xi32, #tpu.memory_space<vmem>>, vector<1x16xi32>,
        %get3A_263 = vector.shape_cast %get3A_262 : vector<1x16xi32> to vector<16xi32>
        %dma_start3A_264 = arith.constant 0 : i32
        %dma_start3A_265 = arith.constant 0 : i32
        %dma_start3A_266 = tpu.memref_slice %arg12[%dma_start3A_264, %dma_start3A_265] : memref<5120x128xf32, #tpu.memory_space<vmem_shared>> -> memref<5120x128xf32, #tpu.memory_space<vmem_shared>>
        tpu.enqueue_indirect_dma source(%arg10 : memref<16x128xf32, #tpu.memory_space<vmem>>) target(%dma_start3A_266 : memref<5120x128xf32, #tpu.memory_space<vmem_shared>>) offsets(%get3A_263 : vector<16xi32>) semaphore(%arg14 : memref<!tpu.dma_semaphore, #tpu.memory_space<semaphore_mem>>) {add = true}
        %dma_wait3A_267 = arith.constant 0 : i32
        %dma_wait3A_268 = arith.constant 0 : i32
        %dma_wait3A_269 = tpu.memref_slice %arg12[%dma_wait3A_267, %dma_wait3A_268] : memref<5120x128xf32, #tpu.memory_space<vmem_shared>> -> memref<5120x128xf32, #tpu.memory_space<vmem_shared>>
        tpu.wait_indirect_dma semaphore(%arg14 : memref<!tpu.dma_semaphore, #tpu.memory_space<semaphore_mem>>) src(%arg10 : memref<16x128xf32, #tpu.memory_space<vmem>>) dst(%dma_wait3A_269 : memref<5120x128xf32, #tpu.memory_space<vmem_shared>>)
        %get3A_270 = arith.constant 0 : i32
        %get3A_271 = arith.constant 0 : i32
        %get3A_272 = tpu.memref_slice %arg7[%scan3A_140, %get3A_270, %get3A_271] : memref<2x8x128xi32, #tpu.memory_space<vmem>> -> memref<1x8x128xi32, #tpu.memory_space<vmem>>
        %get3A_273 = tpu.memref_squeeze %get3A_272 : memref<1x8x128xi32, #tpu.memory_space<vmem>> -> memref<8x128xi32, #tpu.memory_space<vmem>>
        %get3A_274 = arith.index_cast %scan3A_147 : i32 to index
        %get3A_275 = arith.constant 80 : index
        %get3A_276 = tpu.vector_load %get3A_273[%get3A_274, %get3A_275] {strides = array<i32>} : memref<8x128xi32, #tpu.memory_space<vmem>>, vector<1x16xi32>,
        %get3A_277 = vector.shape_cast %get3A_276 : vector<1x16xi32> to vector<16xi32>
        %dma_start3A_278 = arith.constant 0 : i32
        %dma_start3A_279 = arith.constant 0 : i32
        %dma_start3A_280 = tpu.memref_slice %arg11[%dma_start3A_278, %dma_start3A_279] : memref<10000x128xf32, #tpu.memory_space<vmem_shared>> -> memref<10000x128xf32, #tpu.memory_space<vmem_shared>>
        tpu.enqueue_indirect_dma source(%dma_start3A_280 : memref<10000x128xf32, #tpu.memory_space<vmem_shared>>) target(%arg10 : memref<16x128xf32, #tpu.memory_space<vmem>>) offsets(%get3A_277 : vector<16xi32>) semaphore(%arg13 : memref<!tpu.dma_semaphore, #tpu.memory_space<semaphore_mem>>)
        %dma_wait3A_281 = arith.constant 0 : i32
        %dma_wait3A_282 = arith.constant 0 : i32
        %dma_wait3A_283 = tpu.memref_slice %arg11[%dma_wait3A_281, %dma_wait3A_282] : memref<10000x128xf32, #tpu.memory_space<vmem_shared>> -> memref<10000x128xf32, #tpu.memory_space<vmem_shared>>
        tpu.wait_indirect_dma semaphore(%arg13 : memref<!tpu.dma_semaphore, #tpu.memory_space<semaphore_mem>>) src(%dma_wait3A_283 : memref<10000x128xf32, #tpu.memory_space<vmem_shared>>) dst(%arg9 : memref<16x128xf32, #tpu.memory_space<vmem>>)
        %get3A_284 = arith.constant 0 : i32
        %get3A_285 = arith.constant 0 : i32
        %get3A_286 = tpu.memref_slice %arg8[%scan3A_141, %get3A_284, %get3A_285] : memref<2x8x128xi32, #tpu.memory_space<vmem>> -> memref<1x8x128xi32, #tpu.memory_space<vmem>>
        %get3A_287 = tpu.memref_squeeze %get3A_286 : memref<1x8x128xi32, #tpu.memory_space<vmem>> -> memref<8x128xi32, #tpu.memory_space<vmem>>
        %get3A_288 = arith.index_cast %scan3A_147 : i32 to index
        %get3A_289 = arith.constant 64 : index
        %get3A_290 = tpu.vector_load %get3A_287[%get3A_288, %get3A_289] {strides = array<i32>} : memref<8x128xi32, #tpu.memory_space<vmem>>, vector<1x16xi32>,
        %get3A_291 = vector.shape_cast %get3A_290 : vector<1x16xi32> to vector<16xi32>
        %dma_start3A_292 = arith.constant 0 : i32
        %dma_start3A_293 = arith.constant 0 : i32
        %dma_start3A_294 = tpu.memref_slice %arg12[%dma_start3A_292, %dma_start3A_293] : memref<5120x128xf32, #tpu.memory_space<vmem_shared>> -> memref<5120x128xf32, #tpu.memory_space<vmem_shared>>
        tpu.enqueue_indirect_dma source(%arg9 : memref<16x128xf32, #tpu.memory_space<vmem>>) target(%dma_start3A_294 : memref<5120x128xf32, #tpu.memory_space<vmem_shared>>) offsets(%get3A_291 : vector<16xi32>) semaphore(%arg14 : memref<!tpu.dma_semaphore, #tpu.memory_space<semaphore_mem>>) {add = true}
        %dma_wait3A_295 = arith.constant 0 : i32
        %dma_wait3A_296 = arith.constant 0 : i32
        %dma_wait3A_297 = tpu.memref_slice %arg12[%dma_wait3A_295, %dma_wait3A_296] : memref<5120x128xf32, #tpu.memory_space<vmem_shared>> -> memref<5120x128xf32, #tpu.memory_space<vmem_shared>>
        tpu.wait_indirect_dma semaphore(%arg14 : memref<!tpu.dma_semaphore, #tpu.memory_space<semaphore_mem>>) src(%arg9 : memref<16x128xf32, #tpu.memory_space<vmem>>) dst(%dma_wait3A_297 : memref<5120x128xf32, #tpu.memory_space<vmem_shared>>)
        %get3A_298 = arith.constant 0 : i32
        %get3A_299 = arith.constant 0 : i32
        %get3A_300 = tpu.memref_slice %arg7[%scan3A_140, %get3A_298, %get3A_299] : memref<2x8x128xi32, #tpu.memory_space<vmem>> -> memref<1x8x128xi32, #tpu.memory_space<vmem>>
        %get3A_301 = tpu.memref_squeeze %get3A_300 : memref<1x8x128xi32, #tpu.memory_space<vmem>> -> memref<8x128xi32, #tpu.memory_space<vmem>>
        %get3A_302 = arith.index_cast %scan3A_147 : i32 to index
        %get3A_303 = arith.constant 96 : index
        %get3A_304 = tpu.vector_load %get3A_301[%get3A_302, %get3A_303] {strides = array<i32>} : memref<8x128xi32, #tpu.memory_space<vmem>>, vector<1x16xi32>,
        %get3A_305 = vector.shape_cast %get3A_304 : vector<1x16xi32> to vector<16xi32>
        %dma_start3A_306 = arith.constant 0 : i32
        %dma_start3A_307 = arith.constant 0 : i32
        %dma_start3A_308 = tpu.memref_slice %arg11[%dma_start3A_306, %dma_start3A_307] : memref<10000x128xf32, #tpu.memory_space<vmem_shared>> -> memref<10000x128xf32, #tpu.memory_space<vmem_shared>>
        tpu.enqueue_indirect_dma source(%dma_start3A_308 : memref<10000x128xf32, #tpu.memory_space<vmem_shared>>) target(%arg9 : memref<16x128xf32, #tpu.memory_space<vmem>>) offsets(%get3A_305 : vector<16xi32>) semaphore(%arg13 : memref<!tpu.dma_semaphore, #tpu.memory_space<semaphore_mem>>)
        %dma_wait3A_309 = arith.constant 0 : i32
        %dma_wait3A_310 = arith.constant 0 : i32
        %dma_wait3A_311 = tpu.memref_slice %arg11[%dma_wait3A_309, %dma_wait3A_310] : memref<10000x128xf32, #tpu.memory_space<vmem_shared>> -> memref<10000x128xf32, #tpu.memory_space<vmem_shared>>
        tpu.wait_indirect_dma semaphore(%arg13 : memref<!tpu.dma_semaphore, #tpu.memory_space<semaphore_mem>>) src(%dma_wait3A_311 : memref<10000x128xf32, #tpu.memory_space<vmem_shared>>) dst(%arg10 : memref<16x128xf32, #tpu.memory_space<vmem>>)
        %get3A_312 = arith.constant 0 : i32
        %get3A_313 = arith.constant 0 : i32
        %get3A_314 = tpu.memref_slice %arg8[%scan3A_141, %get3A_312, %get3A_313] : memref<2x8x128xi32, #tpu.memory_space<vmem>> -> memref<1x8x128xi32, #tpu.memory_space<vmem>>
        %get3A_315 = tpu.memref_squeeze %get3A_314 : memref<1x8x128xi32, #tpu.memory_space<vmem>> -> memref<8x128xi32, #tpu.memory_space<vmem>>
        %get3A_316 = arith.index_cast %scan3A_147 : i32 to index
        %get3A_317 = arith.constant 80 : index
        %get3A_318 = tpu.vector_load %get3A_315[%get3A_316, %get3A_317] {strides = array<i32>} : memref<8x128xi32, #tpu.memory_space<vmem>>, vector<1x16xi32>,
        %get3A_319 = vector.shape_cast %get3A_318 : vector<1x16xi32> to vector<16xi32>
        %dma_start3A_320 = arith.constant 0 : i32
        %dma_start3A_321 = arith.constant 0 : i32
        %dma_start3A_322 = tpu.memref_slice %arg12[%dma_start3A_320, %dma_start3A_321] : memref<5120x128xf32, #tpu.memory_space<vmem_shared>> -> memref<5120x128xf32, #tpu.memory_space<vmem_shared>>
        tpu.enqueue_indirect_dma source(%arg10 : memref<16x128xf32, #tpu.memory_space<vmem>>) target(%dma_start3A_322 : memref<5120x128xf32, #tpu.memory_space<vmem_shared>>) offsets(%get3A_319 : vector<16xi32>) semaphore(%arg14 : memref<!tpu.dma_semaphore, #tpu.memory_space<semaphore_mem>>) {add = true}
        %dma_wait3A_323 = arith.constant 0 : i32
        %dma_wait3A_324 = arith.constant 0 : i32
        %dma_wait3A_325 = tpu.memref_slice %arg12[%dma_wait3A_323, %dma_wait3A_324] : memref<5120x128xf32, #tpu.memory_space<vmem_shared>> -> memref<5120x128xf32, #tpu.memory_space<vmem_shared>>
        tpu.wait_indirect_dma semaphore(%arg14 : memref<!tpu.dma_semaphore, #tpu.memory_space<semaphore_mem>>) src(%arg10 : memref<16x128xf32, #tpu.memory_space<vmem>>) dst(%dma_wait3A_325 : memref<5120x128xf32, #tpu.memory_space<vmem_shared>>)
        %get3A_326 = arith.constant 0 : i32
        %get3A_327 = arith.constant 0 : i32
        %get3A_328 = tpu.memref_slice %arg7[%scan3A_140, %get3A_326, %get3A_327] : memref<2x8x128xi32, #tpu.memory_space<vmem>> -> memref<1x8x128xi32, #tpu.memory_space<vmem>>
        %get3A_329 = tpu.memref_squeeze %get3A_328 : memref<1x8x128xi32, #tpu.memory_space<vmem>> -> memref<8x128xi32, #tpu.memory_space<vmem>>
        %get3A_330 = arith.index_cast %scan3A_147 : i32 to index
        %get3A_331 = arith.constant 112 : index
        %get3A_332 = tpu.vector_load %get3A_329[%get3A_330, %get3A_331] {strides = array<i32>} : memref<8x128xi32, #tpu.memory_space<vmem>>, vector<1x16xi32>,
        %get3A_333 = vector.shape_cast %get3A_332 : vector<1x16xi32> to vector<16xi32>
        %dma_start3A_334 = arith.constant 0 : i32
        %dma_start3A_335 = arith.constant 0 : i32
        %dma_start3A_336 = tpu.memref_slice %arg11[%dma_start3A_334, %dma_start3A_335] : memref<10000x128xf32, #tpu.memory_space<vmem_shared>> -> memref<10000x128xf32, #tpu.memory_space<vmem_shared>>
        tpu.enqueue_indirect_dma source(%dma_start3A_336 : memref<10000x128xf32, #tpu.memory_space<vmem_shared>>) target(%arg10 : memref<16x128xf32, #tpu.memory_space<vmem>>) offsets(%get3A_333 : vector<16xi32>) semaphore(%arg13 : memref<!tpu.dma_semaphore, #tpu.memory_space<semaphore_mem>>)
        %dma_wait3A_337 = arith.constant 0 : i32
        %dma_wait3A_338 = arith.constant 0 : i32
        %dma_wait3A_339 = tpu.memref_slice %arg11[%dma_wait3A_337, %dma_wait3A_338] : memref<10000x128xf32, #tpu.memory_space<vmem_shared>> -> memref<10000x128xf32, #tpu.memory_space<vmem_shared>>
        tpu.wait_indirect_dma semaphore(%arg13 : memref<!tpu.dma_semaphore, #tpu.memory_space<semaphore_mem>>) src(%dma_wait3A_339 : memref<10000x128xf32, #tpu.memory_space<vmem_shared>>) dst(%arg9 : memref<16x128xf32, #tpu.memory_space<vmem>>)
        %get3A_340 = arith.constant 0 : i32
        %get3A_341 = arith.constant 0 : i32
        %get3A_342 = tpu.memref_slice %arg8[%scan3A_141, %get3A_340, %get3A_341] : memref<2x8x128xi32, #tpu.memory_space<vmem>> -> memref<1x8x128xi32, #tpu.memory_space<vmem>>
        %get3A_343 = tpu.memref_squeeze %get3A_342 : memref<1x8x128xi32, #tpu.memory_space<vmem>> -> memref<8x128xi32, #tpu.memory_space<vmem>>
        %get3A_344 = arith.index_cast %scan3A_147 : i32 to index
        %get3A_345 = arith.constant 96 : index
        %get3A_346 = tpu.vector_load %get3A_343[%get3A_344, %get3A_345] {strides = array<i32>} : memref<8x128xi32, #tpu.memory_space<vmem>>, vector<1x16xi32>,
        %get3A_347 = vector.shape_cast %get3A_346 : vector<1x16xi32> to vector<16xi32>
        %dma_start3A_348 = arith.constant 0 : i32
        %dma_start3A_349 = arith.constant 0 : i32
        %dma_start3A_350 = tpu.memref_slice %arg12[%dma_start3A_348, %dma_start3A_349] : memref<5120x128xf32, #tpu.memory_space<vmem_shared>> -> memref<5120x128xf32, #tpu.memory_space<vmem_shared>>
        tpu.enqueue_indirect_dma source(%arg9 : memref<16x128xf32, #tpu.memory_space<vmem>>) target(%dma_start3A_350 : memref<5120x128xf32, #tpu.memory_space<vmem_shared>>) offsets(%get3A_347 : vector<16xi32>) semaphore(%arg14 : memref<!tpu.dma_semaphore, #tpu.memory_space<semaphore_mem>>) {add = true}
        %dma_wait3A_351 = arith.constant 0 : i32
        %dma_wait3A_352 = arith.constant 0 : i32
        %dma_wait3A_353 = tpu.memref_slice %arg11[%dma_wait3A_351, %dma_wait3A_352] : memref<10000x128xf32, #tpu.memory_space<vmem_shared>> -> memref<10000x128xf32, #tpu.memory_space<vmem_shared>>
        tpu.wait_indirect_dma semaphore(%arg13 : memref<!tpu.dma_semaphore, #tpu.memory_space<semaphore_mem>>) src(%dma_wait3A_353 : memref<10000x128xf32, #tpu.memory_space<vmem_shared>>) dst(%arg10 : memref<16x128xf32, #tpu.memory_space<vmem>>)
        %get3A_354 = arith.constant 0 : i32
        %get3A_355 = arith.constant 0 : i32
        %get3A_356 = tpu.memref_slice %arg8[%scan3A_141, %get3A_354, %get3A_355] : memref<2x8x128xi32, #tpu.memory_space<vmem>> -> memref<1x8x128xi32, #tpu.memory_space<vmem>>
        %get3A_357 = tpu.memref_squeeze %get3A_356 : memref<1x8x128xi32, #tpu.memory_space<vmem>> -> memref<8x128xi32, #tpu.memory_space<vmem>>
        %get3A_358 = arith.index_cast %scan3A_147 : i32 to index
        %get3A_359 = arith.constant 112 : index
        %get3A_360 = tpu.vector_load %get3A_357[%get3A_358, %get3A_359] {strides = array<i32>} : memref<8x128xi32, #tpu.memory_space<vmem>>, vector<1x16xi32>,
        %get3A_361 = vector.shape_cast %get3A_360 : vector<1x16xi32> to vector<16xi32>
        %dma_start3A_362 = arith.constant 0 : i32
        %dma_start3A_363 = arith.constant 0 : i32
        %dma_start3A_364 = tpu.memref_slice %arg12[%dma_start3A_362, %dma_start3A_363] : memref<5120x128xf32, #tpu.memory_space<vmem_shared>> -> memref<5120x128xf32, #tpu.memory_space<vmem_shared>>
        tpu.enqueue_indirect_dma source(%arg10 : memref<16x128xf32, #tpu.memory_space<vmem>>) target(%dma_start3A_364 : memref<5120x128xf32, #tpu.memory_space<vmem_shared>>) offsets(%get3A_361 : vector<16xi32>) semaphore(%arg14 : memref<!tpu.dma_semaphore, #tpu.memory_space<semaphore_mem>>) {add = true}
        %dma_wait3A_365 = arith.constant 0 : i32
        %dma_wait3A_366 = arith.constant 0 : i32
        %dma_wait3A_367 = tpu.memref_slice %arg12[%dma_wait3A_365, %dma_wait3A_366] : memref<5120x128xf32, #tpu.memory_space<vmem_shared>> -> memref<5120x128xf32, #tpu.memory_space<vmem_shared>>
        tpu.wait_indirect_dma semaphore(%arg14 : memref<!tpu.dma_semaphore, #tpu.memory_space<semaphore_mem>>) src(%arg9 : memref<16x128xf32, #tpu.memory_space<vmem>>) dst(%dma_wait3A_367 : memref<5120x128xf32, #tpu.memory_space<vmem_shared>>)
        %dma_wait3A_368 = arith.constant 0 : i32
        %dma_wait3A_369 = arith.constant 0 : i32
        %dma_wait3A_370 = tpu.memref_slice %arg12[%dma_wait3A_368, %dma_wait3A_369] : memref<5120x128xf32, #tpu.memory_space<vmem_shared>> -> memref<5120x128xf32, #tpu.memory_space<vmem_shared>>
        tpu.wait_indirect_dma semaphore(%arg14 : memref<!tpu.dma_semaphore, #tpu.memory_space<semaphore_mem>>) src(%arg10 : memref<16x128xf32, #tpu.memory_space<vmem>>) dst(%dma_wait3A_370 : memref<5120x128xf32, #tpu.memory_space<vmem_shared>>)
      }
      %scan3A_146 = arith.constant 8 : i32
    }
    %scan3A_44 = arith.constant 10 : i32
    %barrier3A_45 = arith.constant 0 : index
    tpu.barrier barrier_id(%barrier3A_45)
    %lt3A_46 = arith.constant 15 : i32
    %lt3A_47 = arith.cmpi slt, %arg1, %lt3A_46 : i32
    %convert_element_type3A_48 = arith.extui %lt3A_47 : i1 to i32
    %cond3A_49 = arith.constant 0 : i32
    %cond3A_50 = arith.cmpi ne, %convert_element_type3A_48, %cond3A_49 : i32
    scf.if %cond3A_50 {
      %mul3A_56 = arith.constant 312 : i32
      %mul3A_57 = arith.muli %arg1, %mul3A_56 : i32
      %mul3A_58 = arith.constant 5000 : i32
      %mul3A_59 = arith.muli %arg0, %mul3A_58 : i32
      %mul3A_60 = arith.constant 312 : i32
      %mul3A_61 = arith.muli %arg1, %mul3A_60 : i32
      %add3A = arith.addi %mul3A_59, %mul3A_61 : i32
      "tpu.region"() ({
        %run_scoped3A = tpu.sem_alloc : memref<!tpu.dma_semaphore, #tpu.memory_space<semaphore_mem>>
        %dma_start3A_62 = arith.constant 0 : i32
        %dma_start3A_63 = tpu.memref_slice %arg6[%add3A, %dma_start3A_62] : memref<10000x128xf32, #tpu.memory_space<hbm>> -> memref<312x128xf32, #tpu.memory_space<hbm>>
        %dma_start3A_64 = arith.constant 0 : i32
        %dma_start3A_65 = tpu.memref_slice %arg12[%mul3A_57, %dma_start3A_64] : memref<5120x128xf32, #tpu.memory_space<vmem_shared>> -> memref<312x128xf32, #tpu.memory_space<vmem_shared>>
        tpu.enqueue_dma source(%dma_start3A_65 : memref<312x128xf32, #tpu.memory_space<vmem_shared>>) target(%dma_start3A_63 : memref<312x128xf32, #tpu.memory_space<hbm>>) target_semaphore(%run_scoped3A : memref<!tpu.dma_semaphore, #tpu.memory_space<semaphore_mem>>)
        %dma_wait3A = arith.constant 0 : i32
        %dma_wait3A_66 = tpu.memref_slice %arg6[%add3A, %dma_wait3A] : memref<10000x128xf32, #tpu.memory_space<hbm>> -> memref<312x128xf32, #tpu.memory_space<hbm>>
        %dma_wait3A_67 = arith.constant 0 : i32
        %dma_wait3A_68 = tpu.memref_slice %arg12[%mul3A_57, %dma_wait3A_67] : memref<5120x128xf32, #tpu.memory_space<vmem_shared>> -> memref<312x128xf32, #tpu.memory_space<vmem_shared>>
        tpu.wait_dma2 semaphore(%run_scoped3A : memref<!tpu.dma_semaphore, #tpu.memory_space<semaphore_mem>>) src(%dma_wait3A_68 : memref<312x128xf32, #tpu.memory_space<vmem_shared>>) dst(%dma_wait3A_66 : memref<312x128xf32, #tpu.memory_space<hbm>>)
        tpu.yield
      }) : () -> ()
    } else {
    }
    %eq3A_51 = arith.constant 15 : i32
    %eq3A_52 = arith.cmpi eq, %arg1, %eq3A_51 : i32
    %convert_element_type3A_53 = arith.extui %eq3A_52 : i1 to i32
    %cond3A_54 = arith.constant 0 : i32
    %cond3A_55 = arith.cmpi ne, %convert_element_type3A_53, %cond3A_54 : i32
    scf.if %cond3A_55 {
      %mul3A_56 = arith.constant 5000 : i32
      %mul3A_57 = arith.muli %arg0, %mul3A_56 : i32
      %add3A = arith.constant 4680 : i32
      %add3A_58 = arith.addi %mul3A_57, %add3A : i32
      "tpu.region"() ({
        %run_scoped3A = tpu.sem_alloc : memref<!tpu.dma_semaphore, #tpu.memory_space<semaphore_mem>>
        %dma_start3A_59 = arith.constant 0 : i32
        %dma_start3A_60 = tpu.memref_slice %arg6[%add3A_58, %dma_start3A_59] : memref<10000x128xf32, #tpu.memory_space<hbm>> -> memref<320x128xf32, #tpu.memory_space<hbm>>
        %dma_start3A_61 = arith.constant 4680 : i32
        %dma_start3A_62 = arith.constant 0 : i32
        %dma_start3A_63 = tpu.memref_slice %arg12[%dma_start3A_61, %dma_start3A_62] : memref<5120x128xf32, #tpu.memory_space<vmem_shared>> -> memref<320x128xf32, #tpu.memory_space<vmem_shared>>
        tpu.enqueue_dma source(%dma_start3A_63 : memref<320x128xf32, #tpu.memory_space<vmem_shared>>) target(%dma_start3A_60 : memref<320x128xf32, #tpu.memory_space<hbm>>) target_semaphore(%run_scoped3A : memref<!tpu.dma_semaphore, #tpu.memory_space<semaphore_mem>>)
        %dma_wait3A = arith.constant 0 : i32
        %dma_wait3A_64 = tpu.memref_slice %arg6[%add3A_58, %dma_wait3A] : memref<10000x128xf32, #tpu.memory_space<hbm>> -> memref<320x128xf32, #tpu.memory_space<hbm>>
        %dma_wait3A_65 = arith.constant 4680 : i32
        %dma_wait3A_66 = arith.constant 0 : i32
        %dma_wait3A_67 = tpu.memref_slice %arg12[%dma_wait3A_65, %dma_wait3A_66] : memref<5120x128xf32, #tpu.memory_space<vmem_shared>> -> memref<320x128xf32, #tpu.memory_space<vmem_shared>>
        tpu.wait_dma2 semaphore(%run_scoped3A : memref<!tpu.dma_semaphore, #tpu.memory_space<semaphore_mem>>) src(%dma_wait3A_67 : memref<320x128xf32, #tpu.memory_space<vmem_shared>>) dst(%dma_wait3A_64 : memref<320x128xf32, #tpu.memory_space<hbm>>)
        tpu.yield
      }) : () -> ()
    } else {
    }
    return
  }
}

#map = affine_map<(d0, d1) -> (0, 0)>
#map1 = affine_map<(d0, d1) -> (0, 0, 0)>
module attributes {stable_mosaic.version = 14 : i64} {
  func.func @_sc_agg(%arg0: i32, %arg1: i32, %arg2: memref<10000x128xf32, #tpu.memory_space<hbm>>, %arg3: memref<2560x128xi32, #tpu.memory_space<hbm>>, %arg4: memref<2x2560x128xi32, #tpu.memory_space<hbm>>, %arg5: memref<320x128xf32, #tpu.memory_space<hbm>>, %arg6: memref<10000x128xf32, #tpu.memory_space<hbm>>, %arg7: memref<2x8x128xi32, #tpu.memory_space<vmem>>, %arg8: memref<2x8x128xi32, #tpu.memory_space<vmem>>, %arg9: memref<16x128xf32, #tpu.memory_space<vmem>>, %arg10: memref<16x128xf32, #tpu.memory_space<vmem>>, %arg11: memref<10000x128xf32, #tpu.memory_space<vmem_shared>>, %arg12: memref<5120x128xf32, #tpu.memory_space<vmem_shared>>, %arg13: memref<!tpu.dma_semaphore, #tpu.memory_space<semaphore_mem>>, %arg14: memref<!tpu.dma_semaphore, #tpu.memory_space<semaphore_mem>>, %arg15: memref<!tpu.dma_semaphore, #tpu.memory_space<semaphore_mem>>) attributes {dimension_semantics = [#tpu.dimension_semantics<core_parallel>, #tpu.dimension_semantics<subcore_parallel>], iteration_bounds = array<i64: 2, 16>, scalar_prefetch = 0 : i64, scratch_operands = 9 : i64, tpu.core_type = #tpu.core_type<sc_vector_subcore>, window_params = [{transform_indices = #map}, {transform_indices = #map}, {transform_indices = #map1}, {transform_indices = #map}, {transform_indices = #map}]} {
    %mul3A = arith.constant 320 : i32
    %mul3A_0 = arith.muli %arg1, %mul3A : i32
    "tpu.region"() ({
      %run_scoped3A = tpu.sem_alloc : memref<!tpu.dma_semaphore, #tpu.memory_space<semaphore_mem>>
      %dma_start3A_56 = arith.constant 0 : i32
      %dma_start3A_57 = tpu.memref_slice %arg12[%mul3A_0, %dma_start3A_56] : memref<5120x128xf32, #tpu.memory_space<vmem_shared>> -> memref<320x128xf32, #tpu.memory_space<vmem_shared>>
      tpu.enqueue_dma source(%arg5 : memref<320x128xf32, #tpu.memory_space<hbm>>) target(%dma_start3A_57 : memref<320x128xf32, #tpu.memory_space<vmem_shared>>) target_semaphore(%run_scoped3A : memref<!tpu.dma_semaphore, #tpu.memory_space<semaphore_mem>>)
      %dma_wait3A = arith.constant 0 : i32
      %dma_wait3A_58 = tpu.memref_slice %arg12[%mul3A_0, %dma_wait3A] : memref<5120x128xf32, #tpu.memory_space<vmem_shared>> -> memref<320x128xf32, #tpu.memory_space<vmem_shared>>
      tpu.wait_dma2 semaphore(%run_scoped3A : memref<!tpu.dma_semaphore, #tpu.memory_space<semaphore_mem>>) src(%arg5 : memref<320x128xf32, #tpu.memory_space<hbm>>) dst(%dma_wait3A_58 : memref<320x128xf32, #tpu.memory_space<vmem_shared>>)
      tpu.yield
    }) : () -> ()
    %mul3A_1 = arith.constant 20 : i32
    %mul3A_2 = arith.muli %arg1, %mul3A_1 : i32
    %mul3A_3 = arith.constant 8 : i32
    %mul3A_4 = arith.muli %mul3A_2, %mul3A_3 : i32
    %dma_start3A = arith.constant 0 : i32
    %dma_start3A_5 = arith.constant 0 : i32
    %dma_start3A_6 = arith.constant 0 : i32
    %dma_start3A_7 = tpu.memref_slice %arg7[%dma_start3A, %dma_start3A_5, %dma_start3A_6] : memref<2x8x128xi32, #tpu.memory_space<vmem>> -> memref<1x8x128xi32, #tpu.memory_space<vmem>>
    %dma_start3A_8 = tpu.memref_squeeze %dma_start3A_7 : memref<1x8x128xi32, #tpu.memory_space<vmem>> -> memref<8x128xi32, #tpu.memory_space<vmem>>
    %dma_start3A_9 = arith.constant 0 : i32
    %dma_start3A_10 = tpu.memref_slice %arg3[%mul3A_4, %dma_start3A_9] : memref<2560x128xi32, #tpu.memory_space<hbm>> -> memref<8x128xi32, #tpu.memory_space<hbm>>
    %dma_start3A_11 = arith.constant 0 : i32
    %dma_start3A_12 = arith.constant 0 : i32
    %dma_start3A_13 = tpu.memref_slice %arg7[%dma_start3A, %dma_start3A_11, %dma_start3A_12] : memref<2x8x128xi32, #tpu.memory_space<vmem>> -> memref<1x8x128xi32, #tpu.memory_space<vmem>>
    %dma_start3A_14 = tpu.memref_squeeze %dma_start3A_13 : memref<1x8x128xi32, #tpu.memory_space<vmem>> -> memref<8x128xi32, #tpu.memory_space<vmem>>
    %dma_start3A_15 = arith.constant 0 : i32
    %dma_start3A_16 = tpu.memref_slice %arg3[%mul3A_4, %dma_start3A_15] : memref<2560x128xi32, #tpu.memory_space<hbm>> -> memref<8x128xi32, #tpu.memory_space<hbm>>
    tpu.enqueue_dma source(%dma_start3A_16 : memref<8x128xi32, #tpu.memory_space<hbm>>) target(%dma_start3A_14 : memref<8x128xi32, #tpu.memory_space<vmem>>) target_semaphore(%arg15 : memref<!tpu.dma_semaphore, #tpu.memory_space<semaphore_mem>>)
    %mul3A_17 = arith.constant 8 : i32
    %mul3A_18 = arith.muli %mul3A_2, %mul3A_17 : i32
    %dma_start3A_19 = arith.constant 0 : i32
    %dma_start3A_20 = arith.constant 0 : i32
    %dma_start3A_21 = arith.constant 0 : i32
    %dma_start3A_22 = tpu.memref_slice %arg8[%dma_start3A_19, %dma_start3A_20, %dma_start3A_21] : memref<2x8x128xi32, #tpu.memory_space<vmem>> -> memref<1x8x128xi32, #tpu.memory_space<vmem>>
    %dma_start3A_23 = tpu.memref_squeeze %dma_start3A_22 : memref<1x8x128xi32, #tpu.memory_space<vmem>> -> memref<8x128xi32, #tpu.memory_space<vmem>>
    %dma_start3A_24 = arith.constant 0 : i32
    %dma_start3A_25 = tpu.memref_slice %arg4[%arg0, %mul3A_18, %dma_start3A_24] : memref<2x2560x128xi32, #tpu.memory_space<hbm>> -> memref<1x8x128xi32, #tpu.memory_space<hbm>>
    %dma_start3A_26 = tpu.memref_squeeze %dma_start3A_25 : memref<1x8x128xi32, #tpu.memory_space<hbm>> -> memref<8x128xi32, #tpu.memory_space<hbm>>
    %dma_start3A_27 = arith.constant 0 : i32
    %dma_start3A_28 = arith.constant 0 : i32
    %dma_start3A_29 = tpu.memref_slice %arg8[%dma_start3A_19, %dma_start3A_27, %dma_start3A_28] : memref<2x8x128xi32, #tpu.memory_space<vmem>> -> memref<1x8x128xi32, #tpu.memory_space<vmem>>
    %dma_start3A_30 = tpu.memref_squeeze %dma_start3A_29 : memref<1x8x128xi32, #tpu.memory_space<vmem>> -> memref<8x128xi32, #tpu.memory_space<vmem>>
    %dma_start3A_31 = arith.constant 0 : i32
    %dma_start3A_32 = tpu.memref_slice %arg4[%arg0, %mul3A_18, %dma_start3A_31] : memref<2x2560x128xi32, #tpu.memory_space<hbm>> -> memref<1x8x128xi32, #tpu.memory_space<hbm>>
    %dma_start3A_33 = tpu.memref_squeeze %dma_start3A_32 : memref<1x8x128xi32, #tpu.memory_space<hbm>> -> memref<8x128xi32, #tpu.memory_space<hbm>>
    tpu.enqueue_dma source(%dma_start3A_33 : memref<8x128xi32, #tpu.memory_space<hbm>>) target(%dma_start3A_30 : memref<8x128xi32, #tpu.memory_space<vmem>>) target_semaphore(%arg15 : memref<!tpu.dma_semaphore, #tpu.memory_space<semaphore_mem>>)
    %lt3A = arith.constant 15 : i32
    %lt3A_34 = arith.cmpi slt, %arg1, %lt3A : i32
    %convert_element_type3A = arith.extui %lt3A_34 : i1 to i32
    %cond3A = arith.constant 0 : i32
    %cond3A_35 = arith.cmpi ne, %convert_element_type3A, %cond3A : i32
    scf.if %cond3A_35 {
      %mul3A_56 = arith.constant 632 : i32
      %mul3A_57 = arith.muli %arg1, %mul3A_56 : i32
      %mul3A_58 = arith.constant 632 : i32
      %mul3A_59 = arith.muli %arg1, %mul3A_58 : i32
      "tpu.region"() ({
        %run_scoped3A = tpu.sem_alloc : memref<!tpu.dma_semaphore, #tpu.memory_space<semaphore_mem>>
        %dma_start3A_60 = arith.constant 0 : i32
        %dma_start3A_61 = tpu.memref_slice %arg11[%mul3A_59, %dma_start3A_60] : memref<10000x128xf32, #tpu.memory_space<vmem_shared>> -> memref<632x128xf32, #tpu.memory_space<vmem_shared>>
        %dma_start3A_62 = arith.constant 0 : i32
        %dma_start3A_63 = tpu.memref_slice %arg2[%mul3A_57, %dma_start3A_62] : memref<10000x128xf32, #tpu.memory_space<hbm>> -> memref<632x128xf32, #tpu.memory_space<hbm>>
        tpu.enqueue_dma source(%dma_start3A_63 : memref<632x128xf32, #tpu.memory_space<hbm>>) target(%dma_start3A_61 : memref<632x128xf32, #tpu.memory_space<vmem_shared>>) target_semaphore(%run_scoped3A : memref<!tpu.dma_semaphore, #tpu.memory_space<semaphore_mem>>)
        %dma_wait3A = arith.constant 0 : i32
        %dma_wait3A_64 = tpu.memref_slice %arg11[%mul3A_59, %dma_wait3A] : memref<10000x128xf32, #tpu.memory_space<vmem_shared>> -> memref<632x128xf32, #tpu.memory_space<vmem_shared>>
        %dma_wait3A_65 = arith.constant 0 : i32
        %dma_wait3A_66 = tpu.memref_slice %arg2[%mul3A_57, %dma_wait3A_65] : memref<10000x128xf32, #tpu.memory_space<hbm>> -> memref<632x128xf32, #tpu.memory_space<hbm>>
        tpu.wait_dma2 semaphore(%run_scoped3A : memref<!tpu.dma_semaphore, #tpu.memory_space<semaphore_mem>>) src(%dma_wait3A_66 : memref<632x128xf32, #tpu.memory_space<hbm>>) dst(%dma_wait3A_64 : memref<632x128xf32, #tpu.memory_space<vmem_shared>>)
        tpu.yield
      }) : () -> ()
    } else {
    }
    %eq3A = arith.constant 15 : i32
    %eq3A_36 = arith.cmpi eq, %arg1, %eq3A : i32
    %convert_element_type3A_37 = arith.extui %eq3A_36 : i1 to i32
    %cond3A_38 = arith.constant 0 : i32
    %cond3A_39 = arith.cmpi ne, %convert_element_type3A_37, %cond3A_38 : i32
    scf.if %cond3A_39 {
      "tpu.region"() ({
        %run_scoped3A = tpu.sem_alloc : memref<!tpu.dma_semaphore, #tpu.memory_space<semaphore_mem>>
        %dma_start3A_56 = arith.constant 9480 : i32
        %dma_start3A_57 = arith.constant 0 : i32
        %dma_start3A_58 = tpu.memref_slice %arg11[%dma_start3A_56, %dma_start3A_57] : memref<10000x128xf32, #tpu.memory_space<vmem_shared>> -> memref<520x128xf32, #tpu.memory_space<vmem_shared>>
        %dma_start3A_59 = arith.constant 9480 : i32
        %dma_start3A_60 = arith.constant 0 : i32
        %dma_start3A_61 = tpu.memref_slice %arg2[%dma_start3A_59, %dma_start3A_60] : memref<10000x128xf32, #tpu.memory_space<hbm>> -> memref<520x128xf32, #tpu.memory_space<hbm>>
        tpu.enqueue_dma source(%dma_start3A_61 : memref<520x128xf32, #tpu.memory_space<hbm>>) target(%dma_start3A_58 : memref<520x128xf32, #tpu.memory_space<vmem_shared>>) target_semaphore(%run_scoped3A : memref<!tpu.dma_semaphore, #tpu.memory_space<semaphore_mem>>)
        %dma_wait3A = arith.constant 9480 : i32
        %dma_wait3A_62 = arith.constant 0 : i32
        %dma_wait3A_63 = tpu.memref_slice %arg11[%dma_wait3A, %dma_wait3A_62] : memref<10000x128xf32, #tpu.memory_space<vmem_shared>> -> memref<520x128xf32, #tpu.memory_space<vmem_shared>>
        %dma_wait3A_64 = arith.constant 9480 : i32
        %dma_wait3A_65 = arith.constant 0 : i32
        %dma_wait3A_66 = tpu.memref_slice %arg2[%dma_wait3A_64, %dma_wait3A_65] : memref<10000x128xf32, #tpu.memory_space<hbm>> -> memref<520x128xf32, #tpu.memory_space<hbm>>
        tpu.wait_dma2 semaphore(%run_scoped3A : memref<!tpu.dma_semaphore, #tpu.memory_space<semaphore_mem>>) src(%dma_wait3A_66 : memref<520x128xf32, #tpu.memory_space<hbm>>) dst(%dma_wait3A_63 : memref<520x128xf32, #tpu.memory_space<vmem_shared>>)
        tpu.yield
      }) : () -> ()
    } else {
    }
    %barrier3A = arith.constant 0 : index
    tpu.barrier barrier_id(%barrier3A)
    %scan3A = arith.constant 0 : i32
    %scan3A_40 = arith.constant 0 : i32
    %scan3A_41 = arith.constant 10 : i32
    %scan3A_42 = arith.addi %scan3A_40, %scan3A_41 : i32
    %scan3A_43 = arith.constant 1 : i32
    scf.for %scan3A_56 = %scan3A_40 to %scan3A_42 step %scan3A_43  : i32 {
      %mul3A_57 = arith.constant 2 : i32
      %mul3A_58 = arith.muli %mul3A_57, %scan3A_56 : i32
      %dma_wait3A = arith.constant 0 : i32
      %dma_wait3A_59 = arith.constant 0 : i32
      %dma_wait3A_60 = arith.constant 0 : i32
      %dma_wait3A_61 = tpu.memref_slice %arg7[%dma_wait3A, %dma_wait3A_59, %dma_wait3A_60] : memref<2x8x128xi32, #tpu.memory_space<vmem>> -> memref<1x8x128xi32, #tpu.memory_space<vmem>>
      %dma_wait3A_62 = tpu.memref_squeeze %dma_wait3A_61 : memref<1x8x128xi32, #tpu.memory_space<vmem>> -> memref<8x128xi32, #tpu.memory_space<vmem>>
      %dma_wait3A_63 = arith.constant 0 : i32
      %dma_wait3A_64 = arith.constant 0 : i32
      %dma_wait3A_65 = tpu.memref_slice %arg3[%dma_wait3A_63, %dma_wait3A_64] : memref<2560x128xi32, #tpu.memory_space<hbm>> -> memref<8x128xi32, #tpu.memory_space<hbm>>
      %dma_wait3A_66 = arith.constant 0 : i32
      %dma_wait3A_67 = arith.constant 0 : i32
      %dma_wait3A_68 = tpu.memref_slice %arg7[%dma_wait3A, %dma_wait3A_66, %dma_wait3A_67] : memref<2x8x128xi32, #tpu.memory_space<vmem>> -> memref<1x8x128xi32, #tpu.memory_space<vmem>>
      %dma_wait3A_69 = tpu.memref_squeeze %dma_wait3A_68 : memref<1x8x128xi32, #tpu.memory_space<vmem>> -> memref<8x128xi32, #tpu.memory_space<vmem>>
      %dma_wait3A_70 = arith.constant 0 : i32
      %dma_wait3A_71 = arith.constant 0 : i32
      %dma_wait3A_72 = tpu.memref_slice %arg3[%dma_wait3A_70, %dma_wait3A_71] : memref<2560x128xi32, #tpu.memory_space<hbm>> -> memref<8x128xi32, #tpu.memory_space<hbm>>
      tpu.wait_dma2 semaphore(%arg15 : memref<!tpu.dma_semaphore, #tpu.memory_space<semaphore_mem>>) src(%dma_wait3A_72 : memref<8x128xi32, #tpu.memory_space<hbm>>) dst(%dma_wait3A_69 : memref<8x128xi32, #tpu.memory_space<vmem>>)
      %dma_wait3A_73 = arith.constant 0 : i32
      %dma_wait3A_74 = arith.constant 0 : i32
      %dma_wait3A_75 = arith.constant 0 : i32
      %dma_wait3A_76 = tpu.memref_slice %arg8[%dma_wait3A_73, %dma_wait3A_74, %dma_wait3A_75] : memref<2x8x128xi32, #tpu.memory_space<vmem>> -> memref<1x8x128xi32, #tpu.memory_space<vmem>>
      %dma_wait3A_77 = tpu.memref_squeeze %dma_wait3A_76 : memref<1x8x128xi32, #tpu.memory_space<vmem>> -> memref<8x128xi32, #tpu.memory_space<vmem>>
      %dma_wait3A_78 = arith.constant 0 : i32
      %dma_wait3A_79 = arith.constant 0 : i32
      %dma_wait3A_80 = tpu.memref_slice %arg3[%dma_wait3A_78, %dma_wait3A_79] : memref<2560x128xi32, #tpu.memory_space<hbm>> -> memref<8x128xi32, #tpu.memory_space<hbm>>
      %dma_wait3A_81 = arith.constant 0 : i32
      %dma_wait3A_82 = arith.constant 0 : i32
      %dma_wait3A_83 = tpu.memref_slice %arg8[%dma_wait3A_73, %dma_wait3A_81, %dma_wait3A_82] : memref<2x8x128xi32, #tpu.memory_space<vmem>> -> memref<1x8x128xi32, #tpu.memory_space<vmem>>
      %dma_wait3A_84 = tpu.memref_squeeze %dma_wait3A_83 : memref<1x8x128xi32, #tpu.memory_space<vmem>> -> memref<8x128xi32, #tpu.memory_space<vmem>>
      %dma_wait3A_85 = arith.constant 0 : i32
      %dma_wait3A_86 = arith.constant 0 : i32
      %dma_wait3A_87 = tpu.memref_slice %arg3[%dma_wait3A_85, %dma_wait3A_86] : memref<2560x128xi32, #tpu.memory_space<hbm>> -> memref<8x128xi32, #tpu.memory_space<hbm>>
      tpu.wait_dma2 semaphore(%arg15 : memref<!tpu.dma_semaphore, #tpu.memory_space<semaphore_mem>>) src(%dma_wait3A_87 : memref<8x128xi32, #tpu.memory_space<hbm>>) dst(%dma_wait3A_84 : memref<8x128xi32, #tpu.memory_space<vmem>>)
      %lt3A_88 = arith.constant 19 : i32
      %lt3A_89 = arith.cmpi slt, %mul3A_58, %lt3A_88 : i32
      %convert_element_type3A_90 = arith.extui %lt3A_89 : i1 to i32
      %cond3A_91 = arith.constant 0 : i32
      %cond3A_92 = arith.cmpi ne, %convert_element_type3A_90, %cond3A_91 : i32
      scf.if %cond3A_92 {
        %mul3A_147 = arith.constant 20 : i32
        %mul3A_148 = arith.muli %arg1, %mul3A_147 : i32
        %add3A_149 = arith.addi %mul3A_148, %mul3A_58 : i32
        %add3A_150 = arith.constant 1 : i32
        %add3A_151 = arith.addi %add3A_149, %add3A_150 : i32
        %mul3A_152 = arith.constant 8 : i32
        %mul3A_153 = arith.muli %add3A_151, %mul3A_152 : i32
        %dma_start3A_154 = arith.constant 1 : i32
        %dma_start3A_155 = arith.constant 0 : i32
        %dma_start3A_156 = arith.constant 0 : i32
        %dma_start3A_157 = tpu.memref_slice %arg7[%dma_start3A_154, %dma_start3A_155, %dma_start3A_156] : memref<2x8x128xi32, #tpu.memory_space<vmem>> -> memref<1x8x128xi32, #tpu.memory_space<vmem>>
        %dma_start3A_158 = tpu.memref_squeeze %dma_start3A_157 : memref<1x8x128xi32, #tpu.memory_space<vmem>> -> memref<8x128xi32, #tpu.memory_space<vmem>>
        %dma_start3A_159 = arith.constant 0 : i32
        %dma_start3A_160 = tpu.memref_slice %arg3[%mul3A_153, %dma_start3A_159] : memref<2560x128xi32, #tpu.memory_space<hbm>> -> memref<8x128xi32, #tpu.memory_space<hbm>>
        %dma_start3A_161 = arith.constant 0 : i32
        %dma_start3A_162 = arith.constant 0 : i32
        %dma_start3A_163 = tpu.memref_slice %arg7[%dma_start3A_154, %dma_start3A_161, %dma_start3A_162] : memref<2x8x128xi32, #tpu.memory_space<vmem>> -> memref<1x8x128xi32, #tpu.memory_space<vmem>>
        %dma_start3A_164 = tpu.memref_squeeze %dma_start3A_163 : memref<1x8x128xi32, #tpu.memory_space<vmem>> -> memref<8x128xi32, #tpu.memory_space<vmem>>
        %dma_start3A_165 = arith.constant 0 : i32
        %dma_start3A_166 = tpu.memref_slice %arg3[%mul3A_153, %dma_start3A_165] : memref<2560x128xi32, #tpu.memory_space<hbm>> -> memref<8x128xi32, #tpu.memory_space<hbm>>
        tpu.enqueue_dma source(%dma_start3A_166 : memref<8x128xi32, #tpu.memory_space<hbm>>) target(%dma_start3A_164 : memref<8x128xi32, #tpu.memory_space<vmem>>) target_semaphore(%arg15 : memref<!tpu.dma_semaphore, #tpu.memory_space<semaphore_mem>>)
        %mul3A_167 = arith.constant 8 : i32
        %mul3A_168 = arith.muli %add3A_151, %mul3A_167 : i32
        %dma_start3A_169 = arith.constant 1 : i32
        %dma_start3A_170 = arith.constant 0 : i32
        %dma_start3A_171 = arith.constant 0 : i32
        %dma_start3A_172 = tpu.memref_slice %arg8[%dma_start3A_169, %dma_start3A_170, %dma_start3A_171] : memref<2x8x128xi32, #tpu.memory_space<vmem>> -> memref<1x8x128xi32, #tpu.memory_space<vmem>>
        %dma_start3A_173 = tpu.memref_squeeze %dma_start3A_172 : memref<1x8x128xi32, #tpu.memory_space<vmem>> -> memref<8x128xi32, #tpu.memory_space<vmem>>
        %dma_start3A_174 = arith.constant 0 : i32
        %dma_start3A_175 = tpu.memref_slice %arg4[%arg0, %mul3A_168, %dma_start3A_174] : memref<2x2560x128xi32, #tpu.memory_space<hbm>> -> memref<1x8x128xi32, #tpu.memory_space<hbm>>
        %dma_start3A_176 = tpu.memref_squeeze %dma_start3A_175 : memref<1x8x128xi32, #tpu.memory_space<hbm>> -> memref<8x128xi32, #tpu.memory_space<hbm>>
        %dma_start3A_177 = arith.constant 0 : i32
        %dma_start3A_178 = arith.constant 0 : i32
        %dma_start3A_179 = tpu.memref_slice %arg8[%dma_start3A_169, %dma_start3A_177, %dma_start3A_178] : memref<2x8x128xi32, #tpu.memory_space<vmem>> -> memref<1x8x128xi32, #tpu.memory_space<vmem>>
        %dma_start3A_180 = tpu.memref_squeeze %dma_start3A_179 : memref<1x8x128xi32, #tpu.memory_space<vmem>> -> memref<8x128xi32, #tpu.memory_space<vmem>>
        %dma_start3A_181 = arith.constant 0 : i32
        %dma_start3A_182 = tpu.memref_slice %arg4[%arg0, %mul3A_168, %dma_start3A_181] : memref<2x2560x128xi32, #tpu.memory_space<hbm>> -> memref<1x8x128xi32, #tpu.memory_space<hbm>>
        %dma_start3A_183 = tpu.memref_squeeze %dma_start3A_182 : memref<1x8x128xi32, #tpu.memory_space<hbm>> -> memref<8x128xi32, #tpu.memory_space<hbm>>
        tpu.enqueue_dma source(%dma_start3A_183 : memref<8x128xi32, #tpu.memory_space<hbm>>) target(%dma_start3A_180 : memref<8x128xi32, #tpu.memory_space<vmem>>) target_semaphore(%arg15 : memref<!tpu.dma_semaphore, #tpu.memory_space<semaphore_mem>>)
      } else {
      }
      %scan3A_93 = arith.constant 0 : i32
      %scan3A_94 = arith.constant 0 : i32
      %scan3A_95 = arith.constant 0 : i32
      %scan3A_96 = arith.constant 0 : i32
      %scan3A_97 = arith.constant 8 : i32
      %scan3A_98 = arith.addi %scan3A_96, %scan3A_97 : i32
      %scan3A_99 = arith.constant 1 : i32
      scf.for %scan3A_147 = %scan3A_96 to %scan3A_98 step %scan3A_99  : i32 {
        %get3A = arith.constant 0 : i32
        %get3A_148 = arith.constant 0 : i32
        %get3A_149 = tpu.memref_slice %arg7[%scan3A_94, %get3A, %get3A_148] : memref<2x8x128xi32, #tpu.memory_space<vmem>> -> memref<1x8x128xi32, #tpu.memory_space<vmem>>
        %get3A_150 = tpu.memref_squeeze %get3A_149 : memref<1x8x128xi32, #tpu.memory_space<vmem>> -> memref<8x128xi32, #tpu.memory_space<vmem>>
        %get3A_151 = arith.index_cast %scan3A_147 : i32 to index
        %get3A_152 = arith.constant 0 : index
        %get3A_153 = tpu.vector_load %get3A_150[%get3A_151, %get3A_152] {strides = array<i32>} : memref<8x128xi32, #tpu.memory_space<vmem>>, vector<1x16xi32>,
        %get3A_154 = vector.shape_cast %get3A_153 : vector<1x16xi32> to vector<16xi32>
        %dma_start3A_155 = arith.constant 0 : i32
        %dma_start3A_156 = arith.constant 0 : i32
        %dma_start3A_157 = tpu.memref_slice %arg11[%dma_start3A_155, %dma_start3A_156] : memref<10000x128xf32, #tpu.memory_space<vmem_shared>> -> memref<10000x128xf32, #tpu.memory_space<vmem_shared>>
        tpu.enqueue_indirect_dma source(%dma_start3A_157 : memref<10000x128xf32, #tpu.memory_space<vmem_shared>>) target(%arg9 : memref<16x128xf32, #tpu.memory_space<vmem>>) offsets(%get3A_154 : vector<16xi32>) semaphore(%arg13 : memref<!tpu.dma_semaphore, #tpu.memory_space<semaphore_mem>>)
        %get3A_158 = arith.constant 0 : i32
        %get3A_159 = arith.constant 0 : i32
        %get3A_160 = tpu.memref_slice %arg7[%scan3A_94, %get3A_158, %get3A_159] : memref<2x8x128xi32, #tpu.memory_space<vmem>> -> memref<1x8x128xi32, #tpu.memory_space<vmem>>
        %get3A_161 = tpu.memref_squeeze %get3A_160 : memref<1x8x128xi32, #tpu.memory_space<vmem>> -> memref<8x128xi32, #tpu.memory_space<vmem>>
        %get3A_162 = arith.index_cast %scan3A_147 : i32 to index
        %get3A_163 = arith.constant 16 : index
        %get3A_164 = tpu.vector_load %get3A_161[%get3A_162, %get3A_163] {strides = array<i32>} : memref<8x128xi32, #tpu.memory_space<vmem>>, vector<1x16xi32>,
        %get3A_165 = vector.shape_cast %get3A_164 : vector<1x16xi32> to vector<16xi32>
        %dma_start3A_166 = arith.constant 0 : i32
        %dma_start3A_167 = arith.constant 0 : i32
        %dma_start3A_168 = tpu.memref_slice %arg11[%dma_start3A_166, %dma_start3A_167] : memref<10000x128xf32, #tpu.memory_space<vmem_shared>> -> memref<10000x128xf32, #tpu.memory_space<vmem_shared>>
        tpu.enqueue_indirect_dma source(%dma_start3A_168 : memref<10000x128xf32, #tpu.memory_space<vmem_shared>>) target(%arg10 : memref<16x128xf32, #tpu.memory_space<vmem>>) offsets(%get3A_165 : vector<16xi32>) semaphore(%arg13 : memref<!tpu.dma_semaphore, #tpu.memory_space<semaphore_mem>>)
        %dma_wait3A_169 = arith.constant 0 : i32
        %dma_wait3A_170 = arith.constant 0 : i32
        %dma_wait3A_171 = tpu.memref_slice %arg11[%dma_wait3A_169, %dma_wait3A_170] : memref<10000x128xf32, #tpu.memory_space<vmem_shared>> -> memref<10000x128xf32, #tpu.memory_space<vmem_shared>>
        tpu.wait_indirect_dma semaphore(%arg13 : memref<!tpu.dma_semaphore, #tpu.memory_space<semaphore_mem>>) src(%dma_wait3A_171 : memref<10000x128xf32, #tpu.memory_space<vmem_shared>>) dst(%arg9 : memref<16x128xf32, #tpu.memory_space<vmem>>)
        %get3A_172 = arith.constant 0 : i32
        %get3A_173 = arith.constant 0 : i32
        %get3A_174 = tpu.memref_slice %arg8[%scan3A_95, %get3A_172, %get3A_173] : memref<2x8x128xi32, #tpu.memory_space<vmem>> -> memref<1x8x128xi32, #tpu.memory_space<vmem>>
        %get3A_175 = tpu.memref_squeeze %get3A_174 : memref<1x8x128xi32, #tpu.memory_space<vmem>> -> memref<8x128xi32, #tpu.memory_space<vmem>>
        %get3A_176 = arith.index_cast %scan3A_147 : i32 to index
        %get3A_177 = arith.constant 0 : index
        %get3A_178 = tpu.vector_load %get3A_175[%get3A_176, %get3A_177] {strides = array<i32>} : memref<8x128xi32, #tpu.memory_space<vmem>>, vector<1x16xi32>,
        %get3A_179 = vector.shape_cast %get3A_178 : vector<1x16xi32> to vector<16xi32>
        %dma_start3A_180 = arith.constant 0 : i32
        %dma_start3A_181 = arith.constant 0 : i32
        %dma_start3A_182 = tpu.memref_slice %arg12[%dma_start3A_180, %dma_start3A_181] : memref<5120x128xf32, #tpu.memory_space<vmem_shared>> -> memref<5120x128xf32, #tpu.memory_space<vmem_shared>>
        tpu.enqueue_indirect_dma source(%arg9 : memref<16x128xf32, #tpu.memory_space<vmem>>) target(%dma_start3A_182 : memref<5120x128xf32, #tpu.memory_space<vmem_shared>>) offsets(%get3A_179 : vector<16xi32>) semaphore(%arg14 : memref<!tpu.dma_semaphore, #tpu.memory_space<semaphore_mem>>) {add = true}
        %dma_wait3A_183 = arith.constant 0 : i32
        %dma_wait3A_184 = arith.constant 0 : i32
        %dma_wait3A_185 = tpu.memref_slice %arg12[%dma_wait3A_183, %dma_wait3A_184] : memref<5120x128xf32, #tpu.memory_space<vmem_shared>> -> memref<5120x128xf32, #tpu.memory_space<vmem_shared>>
        tpu.wait_indirect_dma semaphore(%arg14 : memref<!tpu.dma_semaphore, #tpu.memory_space<semaphore_mem>>) src(%arg9 : memref<16x128xf32, #tpu.memory_space<vmem>>) dst(%dma_wait3A_185 : memref<5120x128xf32, #tpu.memory_space<vmem_shared>>)
        %get3A_186 = arith.constant 0 : i32
        %get3A_187 = arith.constant 0 : i32
        %get3A_188 = tpu.memref_slice %arg7[%scan3A_94, %get3A_186, %get3A_187] : memref<2x8x128xi32, #tpu.memory_space<vmem>> -> memref<1x8x128xi32, #tpu.memory_space<vmem>>
        %get3A_189 = tpu.memref_squeeze %get3A_188 : memref<1x8x128xi32, #tpu.memory_space<vmem>> -> memref<8x128xi32, #tpu.memory_space<vmem>>
        %get3A_190 = arith.index_cast %scan3A_147 : i32 to index
        %get3A_191 = arith.constant 32 : index
        %get3A_192 = tpu.vector_load %get3A_189[%get3A_190, %get3A_191] {strides = array<i32>} : memref<8x128xi32, #tpu.memory_space<vmem>>, vector<1x16xi32>,
        %get3A_193 = vector.shape_cast %get3A_192 : vector<1x16xi32> to vector<16xi32>
        %dma_start3A_194 = arith.constant 0 : i32
        %dma_start3A_195 = arith.constant 0 : i32
        %dma_start3A_196 = tpu.memref_slice %arg11[%dma_start3A_194, %dma_start3A_195] : memref<10000x128xf32, #tpu.memory_space<vmem_shared>> -> memref<10000x128xf32, #tpu.memory_space<vmem_shared>>
        tpu.enqueue_indirect_dma source(%dma_start3A_196 : memref<10000x128xf32, #tpu.memory_space<vmem_shared>>) target(%arg9 : memref<16x128xf32, #tpu.memory_space<vmem>>) offsets(%get3A_193 : vector<16xi32>) semaphore(%arg13 : memref<!tpu.dma_semaphore, #tpu.memory_space<semaphore_mem>>)
        %dma_wait3A_197 = arith.constant 0 : i32
        %dma_wait3A_198 = arith.constant 0 : i32
        %dma_wait3A_199 = tpu.memref_slice %arg11[%dma_wait3A_197, %dma_wait3A_198] : memref<10000x128xf32, #tpu.memory_space<vmem_shared>> -> memref<10000x128xf32, #tpu.memory_space<vmem_shared>>
        tpu.wait_indirect_dma semaphore(%arg13 : memref<!tpu.dma_semaphore, #tpu.memory_space<semaphore_mem>>) src(%dma_wait3A_199 : memref<10000x128xf32, #tpu.memory_space<vmem_shared>>) dst(%arg10 : memref<16x128xf32, #tpu.memory_space<vmem>>)
        %get3A_200 = arith.constant 0 : i32
        %get3A_201 = arith.constant 0 : i32
        %get3A_202 = tpu.memref_slice %arg8[%scan3A_95, %get3A_200, %get3A_201] : memref<2x8x128xi32, #tpu.memory_space<vmem>> -> memref<1x8x128xi32, #tpu.memory_space<vmem>>
        %get3A_203 = tpu.memref_squeeze %get3A_202 : memref<1x8x128xi32, #tpu.memory_space<vmem>> -> memref<8x128xi32, #tpu.memory_space<vmem>>
        %get3A_204 = arith.index_cast %scan3A_147 : i32 to index
        %get3A_205 = arith.constant 16 : index
        %get3A_206 = tpu.vector_load %get3A_203[%get3A_204, %get3A_205] {strides = array<i32>} : memref<8x128xi32, #tpu.memory_space<vmem>>, vector<1x16xi32>,
        %get3A_207 = vector.shape_cast %get3A_206 : vector<1x16xi32> to vector<16xi32>
        %dma_start3A_208 = arith.constant 0 : i32
        %dma_start3A_209 = arith.constant 0 : i32
        %dma_start3A_210 = tpu.memref_slice %arg12[%dma_start3A_208, %dma_start3A_209] : memref<5120x128xf32, #tpu.memory_space<vmem_shared>> -> memref<5120x128xf32, #tpu.memory_space<vmem_shared>>
        tpu.enqueue_indirect_dma source(%arg10 : memref<16x128xf32, #tpu.memory_space<vmem>>) target(%dma_start3A_210 : memref<5120x128xf32, #tpu.memory_space<vmem_shared>>) offsets(%get3A_207 : vector<16xi32>) semaphore(%arg14 : memref<!tpu.dma_semaphore, #tpu.memory_space<semaphore_mem>>) {add = true}
        %dma_wait3A_211 = arith.constant 0 : i32
        %dma_wait3A_212 = arith.constant 0 : i32
        %dma_wait3A_213 = tpu.memref_slice %arg12[%dma_wait3A_211, %dma_wait3A_212] : memref<5120x128xf32, #tpu.memory_space<vmem_shared>> -> memref<5120x128xf32, #tpu.memory_space<vmem_shared>>
        tpu.wait_indirect_dma semaphore(%arg14 : memref<!tpu.dma_semaphore, #tpu.memory_space<semaphore_mem>>) src(%arg10 : memref<16x128xf32, #tpu.memory_space<vmem>>) dst(%dma_wait3A_213 : memref<5120x128xf32, #tpu.memory_space<vmem_shared>>)
        %get3A_214 = arith.constant 0 : i32
        %get3A_215 = arith.constant 0 : i32
        %get3A_216 = tpu.memref_slice %arg7[%scan3A_94, %get3A_214, %get3A_215] : memref<2x8x128xi32, #tpu.memory_space<vmem>> -> memref<1x8x128xi32, #tpu.memory_space<vmem>>
        %get3A_217 = tpu.memref_squeeze %get3A_216 : memref<1x8x128xi32, #tpu.memory_space<vmem>> -> memref<8x128xi32, #tpu.memory_space<vmem>>
        %get3A_218 = arith.index_cast %scan3A_147 : i32 to index
        %get3A_219 = arith.constant 48 : index
        %get3A_220 = tpu.vector_load %get3A_217[%get3A_218, %get3A_219] {strides = array<i32>} : memref<8x128xi32, #tpu.memory_space<vmem>>, vector<1x16xi32>,
        %get3A_221 = vector.shape_cast %get3A_220 : vector<1x16xi32> to vector<16xi32>
        %dma_start3A_222 = arith.constant 0 : i32
        %dma_start3A_223 = arith.constant 0 : i32
        %dma_start3A_224 = tpu.memref_slice %arg11[%dma_start3A_222, %dma_start3A_223] : memref<10000x128xf32, #tpu.memory_space<vmem_shared>> -> memref<10000x128xf32, #tpu.memory_space<vmem_shared>>
        tpu.enqueue_indirect_dma source(%dma_start3A_224 : memref<10000x128xf32, #tpu.memory_space<vmem_shared>>) target(%arg10 : memref<16x128xf32, #tpu.memory_space<vmem>>) offsets(%get3A_221 : vector<16xi32>) semaphore(%arg13 : memref<!tpu.dma_semaphore, #tpu.memory_space<semaphore_mem>>)
        %dma_wait3A_225 = arith.constant 0 : i32
        %dma_wait3A_226 = arith.constant 0 : i32
        %dma_wait3A_227 = tpu.memref_slice %arg11[%dma_wait3A_225, %dma_wait3A_226] : memref<10000x128xf32, #tpu.memory_space<vmem_shared>> -> memref<10000x128xf32, #tpu.memory_space<vmem_shared>>
        tpu.wait_indirect_dma semaphore(%arg13 : memref<!tpu.dma_semaphore, #tpu.memory_space<semaphore_mem>>) src(%dma_wait3A_227 : memref<10000x128xf32, #tpu.memory_space<vmem_shared>>) dst(%arg9 : memref<16x128xf32, #tpu.memory_space<vmem>>)
        %get3A_228 = arith.constant 0 : i32
        %get3A_229 = arith.constant 0 : i32
        %get3A_230 = tpu.memref_slice %arg8[%scan3A_95, %get3A_228, %get3A_229] : memref<2x8x128xi32, #tpu.memory_space<vmem>> -> memref<1x8x128xi32, #tpu.memory_space<vmem>>
        %get3A_231 = tpu.memref_squeeze %get3A_230 : memref<1x8x128xi32, #tpu.memory_space<vmem>> -> memref<8x128xi32, #tpu.memory_space<vmem>>
        %get3A_232 = arith.index_cast %scan3A_147 : i32 to index
        %get3A_233 = arith.constant 32 : index
        %get3A_234 = tpu.vector_load %get3A_231[%get3A_232, %get3A_233] {strides = array<i32>} : memref<8x128xi32, #tpu.memory_space<vmem>>, vector<1x16xi32>,
        %get3A_235 = vector.shape_cast %get3A_234 : vector<1x16xi32> to vector<16xi32>
        %dma_start3A_236 = arith.constant 0 : i32
        %dma_start3A_237 = arith.constant 0 : i32
        %dma_start3A_238 = tpu.memref_slice %arg12[%dma_start3A_236, %dma_start3A_237] : memref<5120x128xf32, #tpu.memory_space<vmem_shared>> -> memref<5120x128xf32, #tpu.memory_space<vmem_shared>>
        tpu.enqueue_indirect_dma source(%arg9 : memref<16x128xf32, #tpu.memory_space<vmem>>) target(%dma_start3A_238 : memref<5120x128xf32, #tpu.memory_space<vmem_shared>>) offsets(%get3A_235 : vector<16xi32>) semaphore(%arg14 : memref<!tpu.dma_semaphore, #tpu.memory_space<semaphore_mem>>) {add = true}
        %dma_wait3A_239 = arith.constant 0 : i32
        %dma_wait3A_240 = arith.constant 0 : i32
        %dma_wait3A_241 = tpu.memref_slice %arg12[%dma_wait3A_239, %dma_wait3A_240] : memref<5120x128xf32, #tpu.memory_space<vmem_shared>> -> memref<5120x128xf32, #tpu.memory_space<vmem_shared>>
        tpu.wait_indirect_dma semaphore(%arg14 : memref<!tpu.dma_semaphore, #tpu.memory_space<semaphore_mem>>) src(%arg9 : memref<16x128xf32, #tpu.memory_space<vmem>>) dst(%dma_wait3A_241 : memref<5120x128xf32, #tpu.memory_space<vmem_shared>>)
        %get3A_242 = arith.constant 0 : i32
        %get3A_243 = arith.constant 0 : i32
        %get3A_244 = tpu.memref_slice %arg7[%scan3A_94, %get3A_242, %get3A_243] : memref<2x8x128xi32, #tpu.memory_space<vmem>> -> memref<1x8x128xi32, #tpu.memory_space<vmem>>
        %get3A_245 = tpu.memref_squeeze %get3A_244 : memref<1x8x128xi32, #tpu.memory_space<vmem>> -> memref<8x128xi32, #tpu.memory_space<vmem>>
        %get3A_246 = arith.index_cast %scan3A_147 : i32 to index
        %get3A_247 = arith.constant 64 : index
        %get3A_248 = tpu.vector_load %get3A_245[%get3A_246, %get3A_247] {strides = array<i32>} : memref<8x128xi32, #tpu.memory_space<vmem>>, vector<1x16xi32>,
        %get3A_249 = vector.shape_cast %get3A_248 : vector<1x16xi32> to vector<16xi32>
        %dma_start3A_250 = arith.constant 0 : i32
        %dma_start3A_251 = arith.constant 0 : i32
        %dma_start3A_252 = tpu.memref_slice %arg11[%dma_start3A_250, %dma_start3A_251] : memref<10000x128xf32, #tpu.memory_space<vmem_shared>> -> memref<10000x128xf32, #tpu.memory_space<vmem_shared>>
        tpu.enqueue_indirect_dma source(%dma_start3A_252 : memref<10000x128xf32, #tpu.memory_space<vmem_shared>>) target(%arg9 : memref<16x128xf32, #tpu.memory_space<vmem>>) offsets(%get3A_249 : vector<16xi32>) semaphore(%arg13 : memref<!tpu.dma_semaphore, #tpu.memory_space<semaphore_mem>>)
        %dma_wait3A_253 = arith.constant 0 : i32
        %dma_wait3A_254 = arith.constant 0 : i32
        %dma_wait3A_255 = tpu.memref_slice %arg11[%dma_wait3A_253, %dma_wait3A_254] : memref<10000x128xf32, #tpu.memory_space<vmem_shared>> -> memref<10000x128xf32, #tpu.memory_space<vmem_shared>>
        tpu.wait_indirect_dma semaphore(%arg13 : memref<!tpu.dma_semaphore, #tpu.memory_space<semaphore_mem>>) src(%dma_wait3A_255 : memref<10000x128xf32, #tpu.memory_space<vmem_shared>>) dst(%arg10 : memref<16x128xf32, #tpu.memory_space<vmem>>)
        %get3A_256 = arith.constant 0 : i32
        %get3A_257 = arith.constant 0 : i32
        %get3A_258 = tpu.memref_slice %arg8[%scan3A_95, %get3A_256, %get3A_257] : memref<2x8x128xi32, #tpu.memory_space<vmem>> -> memref<1x8x128xi32, #tpu.memory_space<vmem>>
        %get3A_259 = tpu.memref_squeeze %get3A_258 : memref<1x8x128xi32, #tpu.memory_space<vmem>> -> memref<8x128xi32, #tpu.memory_space<vmem>>
        %get3A_260 = arith.index_cast %scan3A_147 : i32 to index
        %get3A_261 = arith.constant 48 : index
        %get3A_262 = tpu.vector_load %get3A_259[%get3A_260, %get3A_261] {strides = array<i32>} : memref<8x128xi32, #tpu.memory_space<vmem>>, vector<1x16xi32>,
        %get3A_263 = vector.shape_cast %get3A_262 : vector<1x16xi32> to vector<16xi32>
        %dma_start3A_264 = arith.constant 0 : i32
        %dma_start3A_265 = arith.constant 0 : i32
        %dma_start3A_266 = tpu.memref_slice %arg12[%dma_start3A_264, %dma_start3A_265] : memref<5120x128xf32, #tpu.memory_space<vmem_shared>> -> memref<5120x128xf32, #tpu.memory_space<vmem_shared>>
        tpu.enqueue_indirect_dma source(%arg10 : memref<16x128xf32, #tpu.memory_space<vmem>>) target(%dma_start3A_266 : memref<5120x128xf32, #tpu.memory_space<vmem_shared>>) offsets(%get3A_263 : vector<16xi32>) semaphore(%arg14 : memref<!tpu.dma_semaphore, #tpu.memory_space<semaphore_mem>>) {add = true}
        %dma_wait3A_267 = arith.constant 0 : i32
        %dma_wait3A_268 = arith.constant 0 : i32
        %dma_wait3A_269 = tpu.memref_slice %arg12[%dma_wait3A_267, %dma_wait3A_268] : memref<5120x128xf32, #tpu.memory_space<vmem_shared>> -> memref<5120x128xf32, #tpu.memory_space<vmem_shared>>
        tpu.wait_indirect_dma semaphore(%arg14 : memref<!tpu.dma_semaphore, #tpu.memory_space<semaphore_mem>>) src(%arg10 : memref<16x128xf32, #tpu.memory_space<vmem>>) dst(%dma_wait3A_269 : memref<5120x128xf32, #tpu.memory_space<vmem_shared>>)
        %get3A_270 = arith.constant 0 : i32
        %get3A_271 = arith.constant 0 : i32
        %get3A_272 = tpu.memref_slice %arg7[%scan3A_94, %get3A_270, %get3A_271] : memref<2x8x128xi32, #tpu.memory_space<vmem>> -> memref<1x8x128xi32, #tpu.memory_space<vmem>>
        %get3A_273 = tpu.memref_squeeze %get3A_272 : memref<1x8x128xi32, #tpu.memory_space<vmem>> -> memref<8x128xi32, #tpu.memory_space<vmem>>
        %get3A_274 = arith.index_cast %scan3A_147 : i32 to index
        %get3A_275 = arith.constant 80 : index
        %get3A_276 = tpu.vector_load %get3A_273[%get3A_274, %get3A_275] {strides = array<i32>} : memref<8x128xi32, #tpu.memory_space<vmem>>, vector<1x16xi32>,
        %get3A_277 = vector.shape_cast %get3A_276 : vector<1x16xi32> to vector<16xi32>
        %dma_start3A_278 = arith.constant 0 : i32
        %dma_start3A_279 = arith.constant 0 : i32
        %dma_start3A_280 = tpu.memref_slice %arg11[%dma_start3A_278, %dma_start3A_279] : memref<10000x128xf32, #tpu.memory_space<vmem_shared>> -> memref<10000x128xf32, #tpu.memory_space<vmem_shared>>
        tpu.enqueue_indirect_dma source(%dma_start3A_280 : memref<10000x128xf32, #tpu.memory_space<vmem_shared>>) target(%arg10 : memref<16x128xf32, #tpu.memory_space<vmem>>) offsets(%get3A_277 : vector<16xi32>) semaphore(%arg13 : memref<!tpu.dma_semaphore, #tpu.memory_space<semaphore_mem>>)
        %dma_wait3A_281 = arith.constant 0 : i32
        %dma_wait3A_282 = arith.constant 0 : i32
        %dma_wait3A_283 = tpu.memref_slice %arg11[%dma_wait3A_281, %dma_wait3A_282] : memref<10000x128xf32, #tpu.memory_space<vmem_shared>> -> memref<10000x128xf32, #tpu.memory_space<vmem_shared>>
        tpu.wait_indirect_dma semaphore(%arg13 : memref<!tpu.dma_semaphore, #tpu.memory_space<semaphore_mem>>) src(%dma_wait3A_283 : memref<10000x128xf32, #tpu.memory_space<vmem_shared>>) dst(%arg9 : memref<16x128xf32, #tpu.memory_space<vmem>>)
        %get3A_284 = arith.constant 0 : i32
        %get3A_285 = arith.constant 0 : i32
        %get3A_286 = tpu.memref_slice %arg8[%scan3A_95, %get3A_284, %get3A_285] : memref<2x8x128xi32, #tpu.memory_space<vmem>> -> memref<1x8x128xi32, #tpu.memory_space<vmem>>
        %get3A_287 = tpu.memref_squeeze %get3A_286 : memref<1x8x128xi32, #tpu.memory_space<vmem>> -> memref<8x128xi32, #tpu.memory_space<vmem>>
        %get3A_288 = arith.index_cast %scan3A_147 : i32 to index
        %get3A_289 = arith.constant 64 : index
        %get3A_290 = tpu.vector_load %get3A_287[%get3A_288, %get3A_289] {strides = array<i32>} : memref<8x128xi32, #tpu.memory_space<vmem>>, vector<1x16xi32>,
        %get3A_291 = vector.shape_cast %get3A_290 : vector<1x16xi32> to vector<16xi32>
        %dma_start3A_292 = arith.constant 0 : i32
        %dma_start3A_293 = arith.constant 0 : i32
        %dma_start3A_294 = tpu.memref_slice %arg12[%dma_start3A_292, %dma_start3A_293] : memref<5120x128xf32, #tpu.memory_space<vmem_shared>> -> memref<5120x128xf32, #tpu.memory_space<vmem_shared>>
        tpu.enqueue_indirect_dma source(%arg9 : memref<16x128xf32, #tpu.memory_space<vmem>>) target(%dma_start3A_294 : memref<5120x128xf32, #tpu.memory_space<vmem_shared>>) offsets(%get3A_291 : vector<16xi32>) semaphore(%arg14 : memref<!tpu.dma_semaphore, #tpu.memory_space<semaphore_mem>>) {add = true}
        %dma_wait3A_295 = arith.constant 0 : i32
        %dma_wait3A_296 = arith.constant 0 : i32
        %dma_wait3A_297 = tpu.memref_slice %arg12[%dma_wait3A_295, %dma_wait3A_296] : memref<5120x128xf32, #tpu.memory_space<vmem_shared>> -> memref<5120x128xf32, #tpu.memory_space<vmem_shared>>
        tpu.wait_indirect_dma semaphore(%arg14 : memref<!tpu.dma_semaphore, #tpu.memory_space<semaphore_mem>>) src(%arg9 : memref<16x128xf32, #tpu.memory_space<vmem>>) dst(%dma_wait3A_297 : memref<5120x128xf32, #tpu.memory_space<vmem_shared>>)
        %get3A_298 = arith.constant 0 : i32
        %get3A_299 = arith.constant 0 : i32
        %get3A_300 = tpu.memref_slice %arg7[%scan3A_94, %get3A_298, %get3A_299] : memref<2x8x128xi32, #tpu.memory_space<vmem>> -> memref<1x8x128xi32, #tpu.memory_space<vmem>>
        %get3A_301 = tpu.memref_squeeze %get3A_300 : memref<1x8x128xi32, #tpu.memory_space<vmem>> -> memref<8x128xi32, #tpu.memory_space<vmem>>
        %get3A_302 = arith.index_cast %scan3A_147 : i32 to index
        %get3A_303 = arith.constant 96 : index
        %get3A_304 = tpu.vector_load %get3A_301[%get3A_302, %get3A_303] {strides = array<i32>} : memref<8x128xi32, #tpu.memory_space<vmem>>, vector<1x16xi32>,
        %get3A_305 = vector.shape_cast %get3A_304 : vector<1x16xi32> to vector<16xi32>
        %dma_start3A_306 = arith.constant 0 : i32
        %dma_start3A_307 = arith.constant 0 : i32
        %dma_start3A_308 = tpu.memref_slice %arg11[%dma_start3A_306, %dma_start3A_307] : memref<10000x128xf32, #tpu.memory_space<vmem_shared>> -> memref<10000x128xf32, #tpu.memory_space<vmem_shared>>
        tpu.enqueue_indirect_dma source(%dma_start3A_308 : memref<10000x128xf32, #tpu.memory_space<vmem_shared>>) target(%arg9 : memref<16x128xf32, #tpu.memory_space<vmem>>) offsets(%get3A_305 : vector<16xi32>) semaphore(%arg13 : memref<!tpu.dma_semaphore, #tpu.memory_space<semaphore_mem>>)
        %dma_wait3A_309 = arith.constant 0 : i32
        %dma_wait3A_310 = arith.constant 0 : i32
        %dma_wait3A_311 = tpu.memref_slice %arg11[%dma_wait3A_309, %dma_wait3A_310] : memref<10000x128xf32, #tpu.memory_space<vmem_shared>> -> memref<10000x128xf32, #tpu.memory_space<vmem_shared>>
        tpu.wait_indirect_dma semaphore(%arg13 : memref<!tpu.dma_semaphore, #tpu.memory_space<semaphore_mem>>) src(%dma_wait3A_311 : memref<10000x128xf32, #tpu.memory_space<vmem_shared>>) dst(%arg10 : memref<16x128xf32, #tpu.memory_space<vmem>>)
        %get3A_312 = arith.constant 0 : i32
        %get3A_313 = arith.constant 0 : i32
        %get3A_314 = tpu.memref_slice %arg8[%scan3A_95, %get3A_312, %get3A_313] : memref<2x8x128xi32, #tpu.memory_space<vmem>> -> memref<1x8x128xi32, #tpu.memory_space<vmem>>
        %get3A_315 = tpu.memref_squeeze %get3A_314 : memref<1x8x128xi32, #tpu.memory_space<vmem>> -> memref<8x128xi32, #tpu.memory_space<vmem>>
        %get3A_316 = arith.index_cast %scan3A_147 : i32 to index
        %get3A_317 = arith.constant 80 : index
        %get3A_318 = tpu.vector_load %get3A_315[%get3A_316, %get3A_317] {strides = array<i32>} : memref<8x128xi32, #tpu.memory_space<vmem>>, vector<1x16xi32>,
        %get3A_319 = vector.shape_cast %get3A_318 : vector<1x16xi32> to vector<16xi32>
        %dma_start3A_320 = arith.constant 0 : i32
        %dma_start3A_321 = arith.constant 0 : i32
        %dma_start3A_322 = tpu.memref_slice %arg12[%dma_start3A_320, %dma_start3A_321] : memref<5120x128xf32, #tpu.memory_space<vmem_shared>> -> memref<5120x128xf32, #tpu.memory_space<vmem_shared>>
        tpu.enqueue_indirect_dma source(%arg10 : memref<16x128xf32, #tpu.memory_space<vmem>>) target(%dma_start3A_322 : memref<5120x128xf32, #tpu.memory_space<vmem_shared>>) offsets(%get3A_319 : vector<16xi32>) semaphore(%arg14 : memref<!tpu.dma_semaphore, #tpu.memory_space<semaphore_mem>>) {add = true}
        %dma_wait3A_323 = arith.constant 0 : i32
        %dma_wait3A_324 = arith.constant 0 : i32
        %dma_wait3A_325 = tpu.memref_slice %arg12[%dma_wait3A_323, %dma_wait3A_324] : memref<5120x128xf32, #tpu.memory_space<vmem_shared>> -> memref<5120x128xf32, #tpu.memory_space<vmem_shared>>
        tpu.wait_indirect_dma semaphore(%arg14 : memref<!tpu.dma_semaphore, #tpu.memory_space<semaphore_mem>>) src(%arg10 : memref<16x128xf32, #tpu.memory_space<vmem>>) dst(%dma_wait3A_325 : memref<5120x128xf32, #tpu.memory_space<vmem_shared>>)
        %get3A_326 = arith.constant 0 : i32
        %get3A_327 = arith.constant 0 : i32
        %get3A_328 = tpu.memref_slice %arg7[%scan3A_94, %get3A_326, %get3A_327] : memref<2x8x128xi32, #tpu.memory_space<vmem>> -> memref<1x8x128xi32, #tpu.memory_space<vmem>>
        %get3A_329 = tpu.memref_squeeze %get3A_328 : memref<1x8x128xi32, #tpu.memory_space<vmem>> -> memref<8x128xi32, #tpu.memory_space<vmem>>
        %get3A_330 = arith.index_cast %scan3A_147 : i32 to index
        %get3A_331 = arith.constant 112 : index
        %get3A_332 = tpu.vector_load %get3A_329[%get3A_330, %get3A_331] {strides = array<i32>} : memref<8x128xi32, #tpu.memory_space<vmem>>, vector<1x16xi32>,
        %get3A_333 = vector.shape_cast %get3A_332 : vector<1x16xi32> to vector<16xi32>
        %dma_start3A_334 = arith.constant 0 : i32
        %dma_start3A_335 = arith.constant 0 : i32
        %dma_start3A_336 = tpu.memref_slice %arg11[%dma_start3A_334, %dma_start3A_335] : memref<10000x128xf32, #tpu.memory_space<vmem_shared>> -> memref<10000x128xf32, #tpu.memory_space<vmem_shared>>
        tpu.enqueue_indirect_dma source(%dma_start3A_336 : memref<10000x128xf32, #tpu.memory_space<vmem_shared>>) target(%arg10 : memref<16x128xf32, #tpu.memory_space<vmem>>) offsets(%get3A_333 : vector<16xi32>) semaphore(%arg13 : memref<!tpu.dma_semaphore, #tpu.memory_space<semaphore_mem>>)
        %dma_wait3A_337 = arith.constant 0 : i32
        %dma_wait3A_338 = arith.constant 0 : i32
        %dma_wait3A_339 = tpu.memref_slice %arg11[%dma_wait3A_337, %dma_wait3A_338] : memref<10000x128xf32, #tpu.memory_space<vmem_shared>> -> memref<10000x128xf32, #tpu.memory_space<vmem_shared>>
        tpu.wait_indirect_dma semaphore(%arg13 : memref<!tpu.dma_semaphore, #tpu.memory_space<semaphore_mem>>) src(%dma_wait3A_339 : memref<10000x128xf32, #tpu.memory_space<vmem_shared>>) dst(%arg9 : memref<16x128xf32, #tpu.memory_space<vmem>>)
        %get3A_340 = arith.constant 0 : i32
        %get3A_341 = arith.constant 0 : i32
        %get3A_342 = tpu.memref_slice %arg8[%scan3A_95, %get3A_340, %get3A_341] : memref<2x8x128xi32, #tpu.memory_space<vmem>> -> memref<1x8x128xi32, #tpu.memory_space<vmem>>
        %get3A_343 = tpu.memref_squeeze %get3A_342 : memref<1x8x128xi32, #tpu.memory_space<vmem>> -> memref<8x128xi32, #tpu.memory_space<vmem>>
        %get3A_344 = arith.index_cast %scan3A_147 : i32 to index
        %get3A_345 = arith.constant 96 : index
        %get3A_346 = tpu.vector_load %get3A_343[%get3A_344, %get3A_345] {strides = array<i32>} : memref<8x128xi32, #tpu.memory_space<vmem>>, vector<1x16xi32>,
        %get3A_347 = vector.shape_cast %get3A_346 : vector<1x16xi32> to vector<16xi32>
        %dma_start3A_348 = arith.constant 0 : i32
        %dma_start3A_349 = arith.constant 0 : i32
        %dma_start3A_350 = tpu.memref_slice %arg12[%dma_start3A_348, %dma_start3A_349] : memref<5120x128xf32, #tpu.memory_space<vmem_shared>> -> memref<5120x128xf32, #tpu.memory_space<vmem_shared>>
        tpu.enqueue_indirect_dma source(%arg9 : memref<16x128xf32, #tpu.memory_space<vmem>>) target(%dma_start3A_350 : memref<5120x128xf32, #tpu.memory_space<vmem_shared>>) offsets(%get3A_347 : vector<16xi32>) semaphore(%arg14 : memref<!tpu.dma_semaphore, #tpu.memory_space<semaphore_mem>>) {add = true}
        %dma_wait3A_351 = arith.constant 0 : i32
        %dma_wait3A_352 = arith.constant 0 : i32
        %dma_wait3A_353 = tpu.memref_slice %arg11[%dma_wait3A_351, %dma_wait3A_352] : memref<10000x128xf32, #tpu.memory_space<vmem_shared>> -> memref<10000x128xf32, #tpu.memory_space<vmem_shared>>
        tpu.wait_indirect_dma semaphore(%arg13 : memref<!tpu.dma_semaphore, #tpu.memory_space<semaphore_mem>>) src(%dma_wait3A_353 : memref<10000x128xf32, #tpu.memory_space<vmem_shared>>) dst(%arg10 : memref<16x128xf32, #tpu.memory_space<vmem>>)
        %get3A_354 = arith.constant 0 : i32
        %get3A_355 = arith.constant 0 : i32
        %get3A_356 = tpu.memref_slice %arg8[%scan3A_95, %get3A_354, %get3A_355] : memref<2x8x128xi32, #tpu.memory_space<vmem>> -> memref<1x8x128xi32, #tpu.memory_space<vmem>>
        %get3A_357 = tpu.memref_squeeze %get3A_356 : memref<1x8x128xi32, #tpu.memory_space<vmem>> -> memref<8x128xi32, #tpu.memory_space<vmem>>
        %get3A_358 = arith.index_cast %scan3A_147 : i32 to index
        %get3A_359 = arith.constant 112 : index
        %get3A_360 = tpu.vector_load %get3A_357[%get3A_358, %get3A_359] {strides = array<i32>} : memref<8x128xi32, #tpu.memory_space<vmem>>, vector<1x16xi32>,
        %get3A_361 = vector.shape_cast %get3A_360 : vector<1x16xi32> to vector<16xi32>
        %dma_start3A_362 = arith.constant 0 : i32
        %dma_start3A_363 = arith.constant 0 : i32
        %dma_start3A_364 = tpu.memref_slice %arg12[%dma_start3A_362, %dma_start3A_363] : memref<5120x128xf32, #tpu.memory_space<vmem_shared>> -> memref<5120x128xf32, #tpu.memory_space<vmem_shared>>
        tpu.enqueue_indirect_dma source(%arg10 : memref<16x128xf32, #tpu.memory_space<vmem>>) target(%dma_start3A_364 : memref<5120x128xf32, #tpu.memory_space<vmem_shared>>) offsets(%get3A_361 : vector<16xi32>) semaphore(%arg14 : memref<!tpu.dma_semaphore, #tpu.memory_space<semaphore_mem>>) {add = true}
        %dma_wait3A_365 = arith.constant 0 : i32
        %dma_wait3A_366 = arith.constant 0 : i32
        %dma_wait3A_367 = tpu.memref_slice %arg12[%dma_wait3A_365, %dma_wait3A_366] : memref<5120x128xf32, #tpu.memory_space<vmem_shared>> -> memref<5120x128xf32, #tpu.memory_space<vmem_shared>>
        tpu.wait_indirect_dma semaphore(%arg14 : memref<!tpu.dma_semaphore, #tpu.memory_space<semaphore_mem>>) src(%arg9 : memref<16x128xf32, #tpu.memory_space<vmem>>) dst(%dma_wait3A_367 : memref<5120x128xf32, #tpu.memory_space<vmem_shared>>)
        %dma_wait3A_368 = arith.constant 0 : i32
        %dma_wait3A_369 = arith.constant 0 : i32
        %dma_wait3A_370 = tpu.memref_slice %arg12[%dma_wait3A_368, %dma_wait3A_369] : memref<5120x128xf32, #tpu.memory_space<vmem_shared>> -> memref<5120x128xf32, #tpu.memory_space<vmem_shared>>
        tpu.wait_indirect_dma semaphore(%arg14 : memref<!tpu.dma_semaphore, #tpu.memory_space<semaphore_mem>>) src(%arg10 : memref<16x128xf32, #tpu.memory_space<vmem>>) dst(%dma_wait3A_370 : memref<5120x128xf32, #tpu.memory_space<vmem_shared>>)
      }
      %scan3A_100 = arith.constant 8 : i32
      %mul3A_101 = arith.constant 2 : i32
      %mul3A_102 = arith.muli %mul3A_101, %scan3A_56 : i32
      %add3A = arith.constant 1 : i32
      %add3A_103 = arith.addi %mul3A_102, %add3A : i32
      %dma_wait3A_104 = arith.constant 1 : i32
      %dma_wait3A_105 = arith.constant 0 : i32
      %dma_wait3A_106 = arith.constant 0 : i32
      %dma_wait3A_107 = tpu.memref_slice %arg7[%dma_wait3A_104, %dma_wait3A_105, %dma_wait3A_106] : memref<2x8x128xi32, #tpu.memory_space<vmem>> -> memref<1x8x128xi32, #tpu.memory_space<vmem>>
      %dma_wait3A_108 = tpu.memref_squeeze %dma_wait3A_107 : memref<1x8x128xi32, #tpu.memory_space<vmem>> -> memref<8x128xi32, #tpu.memory_space<vmem>>
      %dma_wait3A_109 = arith.constant 0 : i32
      %dma_wait3A_110 = arith.constant 0 : i32
      %dma_wait3A_111 = tpu.memref_slice %arg3[%dma_wait3A_109, %dma_wait3A_110] : memref<2560x128xi32, #tpu.memory_space<hbm>> -> memref<8x128xi32, #tpu.memory_space<hbm>>
      %dma_wait3A_112 = arith.constant 0 : i32
      %dma_wait3A_113 = arith.constant 0 : i32
      %dma_wait3A_114 = tpu.memref_slice %arg7[%dma_wait3A_104, %dma_wait3A_112, %dma_wait3A_113] : memref<2x8x128xi32, #tpu.memory_space<vmem>> -> memref<1x8x128xi32, #tpu.memory_space<vmem>>
      %dma_wait3A_115 = tpu.memref_squeeze %dma_wait3A_114 : memref<1x8x128xi32, #tpu.memory_space<vmem>> -> memref<8x128xi32, #tpu.memory_space<vmem>>
      %dma_wait3A_116 = arith.constant 0 : i32
      %dma_wait3A_117 = arith.constant 0 : i32
      %dma_wait3A_118 = tpu.memref_slice %arg3[%dma_wait3A_116, %dma_wait3A_117] : memref<2560x128xi32, #tpu.memory_space<hbm>> -> memref<8x128xi32, #tpu.memory_space<hbm>>
      tpu.wait_dma2 semaphore(%arg15 : memref<!tpu.dma_semaphore, #tpu.memory_space<semaphore_mem>>) src(%dma_wait3A_118 : memref<8x128xi32, #tpu.memory_space<hbm>>) dst(%dma_wait3A_115 : memref<8x128xi32, #tpu.memory_space<vmem>>)
      %dma_wait3A_119 = arith.constant 1 : i32
      %dma_wait3A_120 = arith.constant 0 : i32
      %dma_wait3A_121 = arith.constant 0 : i32
      %dma_wait3A_122 = tpu.memref_slice %arg8[%dma_wait3A_119, %dma_wait3A_120, %dma_wait3A_121] : memref<2x8x128xi32, #tpu.memory_space<vmem>> -> memref<1x8x128xi32, #tpu.memory_space<vmem>>
      %dma_wait3A_123 = tpu.memref_squeeze %dma_wait3A_122 : memref<1x8x128xi32, #tpu.memory_space<vmem>> -> memref<8x128xi32, #tpu.memory_space<vmem>>
      %dma_wait3A_124 = arith.constant 0 : i32
      %dma_wait3A_125 = arith.constant 0 : i32
      %dma_wait3A_126 = tpu.memref_slice %arg3[%dma_wait3A_124, %dma_wait3A_125] : memref<2560x128xi32, #tpu.memory_space<hbm>> -> memref<8x128xi32, #tpu.memory_space<hbm>>
      %dma_wait3A_127 = arith.constant 0 : i32
      %dma_wait3A_128 = arith.constant 0 : i32
      %dma_wait3A_129 = tpu.memref_slice %arg8[%dma_wait3A_119, %dma_wait3A_127, %dma_wait3A_128] : memref<2x8x128xi32, #tpu.memory_space<vmem>> -> memref<1x8x128xi32, #tpu.memory_space<vmem>>
      %dma_wait3A_130 = tpu.memref_squeeze %dma_wait3A_129 : memref<1x8x128xi32, #tpu.memory_space<vmem>> -> memref<8x128xi32, #tpu.memory_space<vmem>>
      %dma_wait3A_131 = arith.constant 0 : i32
      %dma_wait3A_132 = arith.constant 0 : i32
      %dma_wait3A_133 = tpu.memref_slice %arg3[%dma_wait3A_131, %dma_wait3A_132] : memref<2560x128xi32, #tpu.memory_space<hbm>> -> memref<8x128xi32, #tpu.memory_space<hbm>>
      tpu.wait_dma2 semaphore(%arg15 : memref<!tpu.dma_semaphore, #tpu.memory_space<semaphore_mem>>) src(%dma_wait3A_133 : memref<8x128xi32, #tpu.memory_space<hbm>>) dst(%dma_wait3A_130 : memref<8x128xi32, #tpu.memory_space<vmem>>)
      %lt3A_134 = arith.constant 19 : i32
      %lt3A_135 = arith.cmpi slt, %add3A_103, %lt3A_134 : i32
      %convert_element_type3A_136 = arith.extui %lt3A_135 : i1 to i32
      %cond3A_137 = arith.constant 0 : i32
      %cond3A_138 = arith.cmpi ne, %convert_element_type3A_136, %cond3A_137 : i32
      scf.if %cond3A_138 {
        %mul3A_147 = arith.constant 20 : i32
        %mul3A_148 = arith.muli %arg1, %mul3A_147 : i32
        %add3A_149 = arith.addi %mul3A_148, %add3A_103 : i32
        %add3A_150 = arith.constant 1 : i32
        %add3A_151 = arith.addi %add3A_149, %add3A_150 : i32
        %mul3A_152 = arith.constant 8 : i32
        %mul3A_153 = arith.muli %add3A_151, %mul3A_152 : i32
        %dma_start3A_154 = arith.constant 0 : i32
        %dma_start3A_155 = arith.constant 0 : i32
        %dma_start3A_156 = arith.constant 0 : i32
        %dma_start3A_157 = tpu.memref_slice %arg7[%dma_start3A_154, %dma_start3A_155, %dma_start3A_156] : memref<2x8x128xi32, #tpu.memory_space<vmem>> -> memref<1x8x128xi32, #tpu.memory_space<vmem>>
        %dma_start3A_158 = tpu.memref_squeeze %dma_start3A_157 : memref<1x8x128xi32, #tpu.memory_space<vmem>> -> memref<8x128xi32, #tpu.memory_space<vmem>>
        %dma_start3A_159 = arith.constant 0 : i32
        %dma_start3A_160 = tpu.memref_slice %arg3[%mul3A_153, %dma_start3A_159] : memref<2560x128xi32, #tpu.memory_space<hbm>> -> memref<8x128xi32, #tpu.memory_space<hbm>>
        %dma_start3A_161 = arith.constant 0 : i32
        %dma_start3A_162 = arith.constant 0 : i32
        %dma_start3A_163 = tpu.memref_slice %arg7[%dma_start3A_154, %dma_start3A_161, %dma_start3A_162] : memref<2x8x128xi32, #tpu.memory_space<vmem>> -> memref<1x8x128xi32, #tpu.memory_space<vmem>>
        %dma_start3A_164 = tpu.memref_squeeze %dma_start3A_163 : memref<1x8x128xi32, #tpu.memory_space<vmem>> -> memref<8x128xi32, #tpu.memory_space<vmem>>
        %dma_start3A_165 = arith.constant 0 : i32
        %dma_start3A_166 = tpu.memref_slice %arg3[%mul3A_153, %dma_start3A_165] : memref<2560x128xi32, #tpu.memory_space<hbm>> -> memref<8x128xi32, #tpu.memory_space<hbm>>
        tpu.enqueue_dma source(%dma_start3A_166 : memref<8x128xi32, #tpu.memory_space<hbm>>) target(%dma_start3A_164 : memref<8x128xi32, #tpu.memory_space<vmem>>) target_semaphore(%arg15 : memref<!tpu.dma_semaphore, #tpu.memory_space<semaphore_mem>>)
        %mul3A_167 = arith.constant 8 : i32
        %mul3A_168 = arith.muli %add3A_151, %mul3A_167 : i32
        %dma_start3A_169 = arith.constant 0 : i32
        %dma_start3A_170 = arith.constant 0 : i32
        %dma_start3A_171 = arith.constant 0 : i32
        %dma_start3A_172 = tpu.memref_slice %arg8[%dma_start3A_169, %dma_start3A_170, %dma_start3A_171] : memref<2x8x128xi32, #tpu.memory_space<vmem>> -> memref<1x8x128xi32, #tpu.memory_space<vmem>>
        %dma_start3A_173 = tpu.memref_squeeze %dma_start3A_172 : memref<1x8x128xi32, #tpu.memory_space<vmem>> -> memref<8x128xi32, #tpu.memory_space<vmem>>
        %dma_start3A_174 = arith.constant 0 : i32
        %dma_start3A_175 = tpu.memref_slice %arg4[%arg0, %mul3A_168, %dma_start3A_174] : memref<2x2560x128xi32, #tpu.memory_space<hbm>> -> memref<1x8x128xi32, #tpu.memory_space<hbm>>
        %dma_start3A_176 = tpu.memref_squeeze %dma_start3A_175 : memref<1x8x128xi32, #tpu.memory_space<hbm>> -> memref<8x128xi32, #tpu.memory_space<hbm>>
        %dma_start3A_177 = arith.constant 0 : i32
        %dma_start3A_178 = arith.constant 0 : i32
        %dma_start3A_179 = tpu.memref_slice %arg8[%dma_start3A_169, %dma_start3A_177, %dma_start3A_178] : memref<2x8x128xi32, #tpu.memory_space<vmem>> -> memref<1x8x128xi32, #tpu.memory_space<vmem>>
        %dma_start3A_180 = tpu.memref_squeeze %dma_start3A_179 : memref<1x8x128xi32, #tpu.memory_space<vmem>> -> memref<8x128xi32, #tpu.memory_space<vmem>>
        %dma_start3A_181 = arith.constant 0 : i32
        %dma_start3A_182 = tpu.memref_slice %arg4[%arg0, %mul3A_168, %dma_start3A_181] : memref<2x2560x128xi32, #tpu.memory_space<hbm>> -> memref<1x8x128xi32, #tpu.memory_space<hbm>>
        %dma_start3A_183 = tpu.memref_squeeze %dma_start3A_182 : memref<1x8x128xi32, #tpu.memory_space<hbm>> -> memref<8x128xi32, #tpu.memory_space<hbm>>
        tpu.enqueue_dma source(%dma_start3A_183 : memref<8x128xi32, #tpu.memory_space<hbm>>) target(%dma_start3A_180 : memref<8x128xi32, #tpu.memory_space<vmem>>) target_semaphore(%arg15 : memref<!tpu.dma_semaphore, #tpu.memory_space<semaphore_mem>>)
      } else {
      }
      %scan3A_139 = arith.constant 0 : i32
      %scan3A_140 = arith.constant 1 : i32
      %scan3A_141 = arith.constant 1 : i32
      %scan3A_142 = arith.constant 0 : i32
      %scan3A_143 = arith.constant 8 : i32
      %scan3A_144 = arith.addi %scan3A_142, %scan3A_143 : i32
      %scan3A_145 = arith.constant 1 : i32
      scf.for %scan3A_147 = %scan3A_142 to %scan3A_144 step %scan3A_145  : i32 {
        %get3A = arith.constant 0 : i32
        %get3A_148 = arith.constant 0 : i32
        %get3A_149 = tpu.memref_slice %arg7[%scan3A_140, %get3A, %get3A_148] : memref<2x8x128xi32, #tpu.memory_space<vmem>> -> memref<1x8x128xi32, #tpu.memory_space<vmem>>
        %get3A_150 = tpu.memref_squeeze %get3A_149 : memref<1x8x128xi32, #tpu.memory_space<vmem>> -> memref<8x128xi32, #tpu.memory_space<vmem>>
        %get3A_151 = arith.index_cast %scan3A_147 : i32 to index
        %get3A_152 = arith.constant 0 : index
        %get3A_153 = tpu.vector_load %get3A_150[%get3A_151, %get3A_152] {strides = array<i32>} : memref<8x128xi32, #tpu.memory_space<vmem>>, vector<1x16xi32>,
        %get3A_154 = vector.shape_cast %get3A_153 : vector<1x16xi32> to vector<16xi32>
        %dma_start3A_155 = arith.constant 0 : i32
        %dma_start3A_156 = arith.constant 0 : i32
        %dma_start3A_157 = tpu.memref_slice %arg11[%dma_start3A_155, %dma_start3A_156] : memref<10000x128xf32, #tpu.memory_space<vmem_shared>> -> memref<10000x128xf32, #tpu.memory_space<vmem_shared>>
        tpu.enqueue_indirect_dma source(%dma_start3A_157 : memref<10000x128xf32, #tpu.memory_space<vmem_shared>>) target(%arg9 : memref<16x128xf32, #tpu.memory_space<vmem>>) offsets(%get3A_154 : vector<16xi32>) semaphore(%arg13 : memref<!tpu.dma_semaphore, #tpu.memory_space<semaphore_mem>>)
        %get3A_158 = arith.constant 0 : i32
        %get3A_159 = arith.constant 0 : i32
        %get3A_160 = tpu.memref_slice %arg7[%scan3A_140, %get3A_158, %get3A_159] : memref<2x8x128xi32, #tpu.memory_space<vmem>> -> memref<1x8x128xi32, #tpu.memory_space<vmem>>
        %get3A_161 = tpu.memref_squeeze %get3A_160 : memref<1x8x128xi32, #tpu.memory_space<vmem>> -> memref<8x128xi32, #tpu.memory_space<vmem>>
        %get3A_162 = arith.index_cast %scan3A_147 : i32 to index
        %get3A_163 = arith.constant 16 : index
        %get3A_164 = tpu.vector_load %get3A_161[%get3A_162, %get3A_163] {strides = array<i32>} : memref<8x128xi32, #tpu.memory_space<vmem>>, vector<1x16xi32>,
        %get3A_165 = vector.shape_cast %get3A_164 : vector<1x16xi32> to vector<16xi32>
        %dma_start3A_166 = arith.constant 0 : i32
        %dma_start3A_167 = arith.constant 0 : i32
        %dma_start3A_168 = tpu.memref_slice %arg11[%dma_start3A_166, %dma_start3A_167] : memref<10000x128xf32, #tpu.memory_space<vmem_shared>> -> memref<10000x128xf32, #tpu.memory_space<vmem_shared>>
        tpu.enqueue_indirect_dma source(%dma_start3A_168 : memref<10000x128xf32, #tpu.memory_space<vmem_shared>>) target(%arg10 : memref<16x128xf32, #tpu.memory_space<vmem>>) offsets(%get3A_165 : vector<16xi32>) semaphore(%arg13 : memref<!tpu.dma_semaphore, #tpu.memory_space<semaphore_mem>>)
        %dma_wait3A_169 = arith.constant 0 : i32
        %dma_wait3A_170 = arith.constant 0 : i32
        %dma_wait3A_171 = tpu.memref_slice %arg11[%dma_wait3A_169, %dma_wait3A_170] : memref<10000x128xf32, #tpu.memory_space<vmem_shared>> -> memref<10000x128xf32, #tpu.memory_space<vmem_shared>>
        tpu.wait_indirect_dma semaphore(%arg13 : memref<!tpu.dma_semaphore, #tpu.memory_space<semaphore_mem>>) src(%dma_wait3A_171 : memref<10000x128xf32, #tpu.memory_space<vmem_shared>>) dst(%arg9 : memref<16x128xf32, #tpu.memory_space<vmem>>)
        %get3A_172 = arith.constant 0 : i32
        %get3A_173 = arith.constant 0 : i32
        %get3A_174 = tpu.memref_slice %arg8[%scan3A_141, %get3A_172, %get3A_173] : memref<2x8x128xi32, #tpu.memory_space<vmem>> -> memref<1x8x128xi32, #tpu.memory_space<vmem>>
        %get3A_175 = tpu.memref_squeeze %get3A_174 : memref<1x8x128xi32, #tpu.memory_space<vmem>> -> memref<8x128xi32, #tpu.memory_space<vmem>>
        %get3A_176 = arith.index_cast %scan3A_147 : i32 to index
        %get3A_177 = arith.constant 0 : index
        %get3A_178 = tpu.vector_load %get3A_175[%get3A_176, %get3A_177] {strides = array<i32>} : memref<8x128xi32, #tpu.memory_space<vmem>>, vector<1x16xi32>,
        %get3A_179 = vector.shape_cast %get3A_178 : vector<1x16xi32> to vector<16xi32>
        %dma_start3A_180 = arith.constant 0 : i32
        %dma_start3A_181 = arith.constant 0 : i32
        %dma_start3A_182 = tpu.memref_slice %arg12[%dma_start3A_180, %dma_start3A_181] : memref<5120x128xf32, #tpu.memory_space<vmem_shared>> -> memref<5120x128xf32, #tpu.memory_space<vmem_shared>>
        tpu.enqueue_indirect_dma source(%arg9 : memref<16x128xf32, #tpu.memory_space<vmem>>) target(%dma_start3A_182 : memref<5120x128xf32, #tpu.memory_space<vmem_shared>>) offsets(%get3A_179 : vector<16xi32>) semaphore(%arg14 : memref<!tpu.dma_semaphore, #tpu.memory_space<semaphore_mem>>) {add = true}
        %dma_wait3A_183 = arith.constant 0 : i32
        %dma_wait3A_184 = arith.constant 0 : i32
        %dma_wait3A_185 = tpu.memref_slice %arg12[%dma_wait3A_183, %dma_wait3A_184] : memref<5120x128xf32, #tpu.memory_space<vmem_shared>> -> memref<5120x128xf32, #tpu.memory_space<vmem_shared>>
        tpu.wait_indirect_dma semaphore(%arg14 : memref<!tpu.dma_semaphore, #tpu.memory_space<semaphore_mem>>) src(%arg9 : memref<16x128xf32, #tpu.memory_space<vmem>>) dst(%dma_wait3A_185 : memref<5120x128xf32, #tpu.memory_space<vmem_shared>>)
        %get3A_186 = arith.constant 0 : i32
        %get3A_187 = arith.constant 0 : i32
        %get3A_188 = tpu.memref_slice %arg7[%scan3A_140, %get3A_186, %get3A_187] : memref<2x8x128xi32, #tpu.memory_space<vmem>> -> memref<1x8x128xi32, #tpu.memory_space<vmem>>
        %get3A_189 = tpu.memref_squeeze %get3A_188 : memref<1x8x128xi32, #tpu.memory_space<vmem>> -> memref<8x128xi32, #tpu.memory_space<vmem>>
        %get3A_190 = arith.index_cast %scan3A_147 : i32 to index
        %get3A_191 = arith.constant 32 : index
        %get3A_192 = tpu.vector_load %get3A_189[%get3A_190, %get3A_191] {strides = array<i32>} : memref<8x128xi32, #tpu.memory_space<vmem>>, vector<1x16xi32>,
        %get3A_193 = vector.shape_cast %get3A_192 : vector<1x16xi32> to vector<16xi32>
        %dma_start3A_194 = arith.constant 0 : i32
        %dma_start3A_195 = arith.constant 0 : i32
        %dma_start3A_196 = tpu.memref_slice %arg11[%dma_start3A_194, %dma_start3A_195] : memref<10000x128xf32, #tpu.memory_space<vmem_shared>> -> memref<10000x128xf32, #tpu.memory_space<vmem_shared>>
        tpu.enqueue_indirect_dma source(%dma_start3A_196 : memref<10000x128xf32, #tpu.memory_space<vmem_shared>>) target(%arg9 : memref<16x128xf32, #tpu.memory_space<vmem>>) offsets(%get3A_193 : vector<16xi32>) semaphore(%arg13 : memref<!tpu.dma_semaphore, #tpu.memory_space<semaphore_mem>>)
        %dma_wait3A_197 = arith.constant 0 : i32
        %dma_wait3A_198 = arith.constant 0 : i32
        %dma_wait3A_199 = tpu.memref_slice %arg11[%dma_wait3A_197, %dma_wait3A_198] : memref<10000x128xf32, #tpu.memory_space<vmem_shared>> -> memref<10000x128xf32, #tpu.memory_space<vmem_shared>>
        tpu.wait_indirect_dma semaphore(%arg13 : memref<!tpu.dma_semaphore, #tpu.memory_space<semaphore_mem>>) src(%dma_wait3A_199 : memref<10000x128xf32, #tpu.memory_space<vmem_shared>>) dst(%arg10 : memref<16x128xf32, #tpu.memory_space<vmem>>)
        %get3A_200 = arith.constant 0 : i32
        %get3A_201 = arith.constant 0 : i32
        %get3A_202 = tpu.memref_slice %arg8[%scan3A_141, %get3A_200, %get3A_201] : memref<2x8x128xi32, #tpu.memory_space<vmem>> -> memref<1x8x128xi32, #tpu.memory_space<vmem>>
        %get3A_203 = tpu.memref_squeeze %get3A_202 : memref<1x8x128xi32, #tpu.memory_space<vmem>> -> memref<8x128xi32, #tpu.memory_space<vmem>>
        %get3A_204 = arith.index_cast %scan3A_147 : i32 to index
        %get3A_205 = arith.constant 16 : index
        %get3A_206 = tpu.vector_load %get3A_203[%get3A_204, %get3A_205] {strides = array<i32>} : memref<8x128xi32, #tpu.memory_space<vmem>>, vector<1x16xi32>,
        %get3A_207 = vector.shape_cast %get3A_206 : vector<1x16xi32> to vector<16xi32>
        %dma_start3A_208 = arith.constant 0 : i32
        %dma_start3A_209 = arith.constant 0 : i32
        %dma_start3A_210 = tpu.memref_slice %arg12[%dma_start3A_208, %dma_start3A_209] : memref<5120x128xf32, #tpu.memory_space<vmem_shared>> -> memref<5120x128xf32, #tpu.memory_space<vmem_shared>>
        tpu.enqueue_indirect_dma source(%arg10 : memref<16x128xf32, #tpu.memory_space<vmem>>) target(%dma_start3A_210 : memref<5120x128xf32, #tpu.memory_space<vmem_shared>>) offsets(%get3A_207 : vector<16xi32>) semaphore(%arg14 : memref<!tpu.dma_semaphore, #tpu.memory_space<semaphore_mem>>) {add = true}
        %dma_wait3A_211 = arith.constant 0 : i32
        %dma_wait3A_212 = arith.constant 0 : i32
        %dma_wait3A_213 = tpu.memref_slice %arg12[%dma_wait3A_211, %dma_wait3A_212] : memref<5120x128xf32, #tpu.memory_space<vmem_shared>> -> memref<5120x128xf32, #tpu.memory_space<vmem_shared>>
        tpu.wait_indirect_dma semaphore(%arg14 : memref<!tpu.dma_semaphore, #tpu.memory_space<semaphore_mem>>) src(%arg10 : memref<16x128xf32, #tpu.memory_space<vmem>>) dst(%dma_wait3A_213 : memref<5120x128xf32, #tpu.memory_space<vmem_shared>>)
        %get3A_214 = arith.constant 0 : i32
        %get3A_215 = arith.constant 0 : i32
        %get3A_216 = tpu.memref_slice %arg7[%scan3A_140, %get3A_214, %get3A_215] : memref<2x8x128xi32, #tpu.memory_space<vmem>> -> memref<1x8x128xi32, #tpu.memory_space<vmem>>
        %get3A_217 = tpu.memref_squeeze %get3A_216 : memref<1x8x128xi32, #tpu.memory_space<vmem>> -> memref<8x128xi32, #tpu.memory_space<vmem>>
        %get3A_218 = arith.index_cast %scan3A_147 : i32 to index
        %get3A_219 = arith.constant 48 : index
        %get3A_220 = tpu.vector_load %get3A_217[%get3A_218, %get3A_219] {strides = array<i32>} : memref<8x128xi32, #tpu.memory_space<vmem>>, vector<1x16xi32>,
        %get3A_221 = vector.shape_cast %get3A_220 : vector<1x16xi32> to vector<16xi32>
        %dma_start3A_222 = arith.constant 0 : i32
        %dma_start3A_223 = arith.constant 0 : i32
        %dma_start3A_224 = tpu.memref_slice %arg11[%dma_start3A_222, %dma_start3A_223] : memref<10000x128xf32, #tpu.memory_space<vmem_shared>> -> memref<10000x128xf32, #tpu.memory_space<vmem_shared>>
        tpu.enqueue_indirect_dma source(%dma_start3A_224 : memref<10000x128xf32, #tpu.memory_space<vmem_shared>>) target(%arg10 : memref<16x128xf32, #tpu.memory_space<vmem>>) offsets(%get3A_221 : vector<16xi32>) semaphore(%arg13 : memref<!tpu.dma_semaphore, #tpu.memory_space<semaphore_mem>>)
        %dma_wait3A_225 = arith.constant 0 : i32
        %dma_wait3A_226 = arith.constant 0 : i32
        %dma_wait3A_227 = tpu.memref_slice %arg11[%dma_wait3A_225, %dma_wait3A_226] : memref<10000x128xf32, #tpu.memory_space<vmem_shared>> -> memref<10000x128xf32, #tpu.memory_space<vmem_shared>>
        tpu.wait_indirect_dma semaphore(%arg13 : memref<!tpu.dma_semaphore, #tpu.memory_space<semaphore_mem>>) src(%dma_wait3A_227 : memref<10000x128xf32, #tpu.memory_space<vmem_shared>>) dst(%arg9 : memref<16x128xf32, #tpu.memory_space<vmem>>)
        %get3A_228 = arith.constant 0 : i32
        %get3A_229 = arith.constant 0 : i32
        %get3A_230 = tpu.memref_slice %arg8[%scan3A_141, %get3A_228, %get3A_229] : memref<2x8x128xi32, #tpu.memory_space<vmem>> -> memref<1x8x128xi32, #tpu.memory_space<vmem>>
        %get3A_231 = tpu.memref_squeeze %get3A_230 : memref<1x8x128xi32, #tpu.memory_space<vmem>> -> memref<8x128xi32, #tpu.memory_space<vmem>>
        %get3A_232 = arith.index_cast %scan3A_147 : i32 to index
        %get3A_233 = arith.constant 32 : index
        %get3A_234 = tpu.vector_load %get3A_231[%get3A_232, %get3A_233] {strides = array<i32>} : memref<8x128xi32, #tpu.memory_space<vmem>>, vector<1x16xi32>,
        %get3A_235 = vector.shape_cast %get3A_234 : vector<1x16xi32> to vector<16xi32>
        %dma_start3A_236 = arith.constant 0 : i32
        %dma_start3A_237 = arith.constant 0 : i32
        %dma_start3A_238 = tpu.memref_slice %arg12[%dma_start3A_236, %dma_start3A_237] : memref<5120x128xf32, #tpu.memory_space<vmem_shared>> -> memref<5120x128xf32, #tpu.memory_space<vmem_shared>>
        tpu.enqueue_indirect_dma source(%arg9 : memref<16x128xf32, #tpu.memory_space<vmem>>) target(%dma_start3A_238 : memref<5120x128xf32, #tpu.memory_space<vmem_shared>>) offsets(%get3A_235 : vector<16xi32>) semaphore(%arg14 : memref<!tpu.dma_semaphore, #tpu.memory_space<semaphore_mem>>) {add = true}
        %dma_wait3A_239 = arith.constant 0 : i32
        %dma_wait3A_240 = arith.constant 0 : i32
        %dma_wait3A_241 = tpu.memref_slice %arg12[%dma_wait3A_239, %dma_wait3A_240] : memref<5120x128xf32, #tpu.memory_space<vmem_shared>> -> memref<5120x128xf32, #tpu.memory_space<vmem_shared>>
        tpu.wait_indirect_dma semaphore(%arg14 : memref<!tpu.dma_semaphore, #tpu.memory_space<semaphore_mem>>) src(%arg9 : memref<16x128xf32, #tpu.memory_space<vmem>>) dst(%dma_wait3A_241 : memref<5120x128xf32, #tpu.memory_space<vmem_shared>>)
        %get3A_242 = arith.constant 0 : i32
        %get3A_243 = arith.constant 0 : i32
        %get3A_244 = tpu.memref_slice %arg7[%scan3A_140, %get3A_242, %get3A_243] : memref<2x8x128xi32, #tpu.memory_space<vmem>> -> memref<1x8x128xi32, #tpu.memory_space<vmem>>
        %get3A_245 = tpu.memref_squeeze %get3A_244 : memref<1x8x128xi32, #tpu.memory_space<vmem>> -> memref<8x128xi32, #tpu.memory_space<vmem>>
        %get3A_246 = arith.index_cast %scan3A_147 : i32 to index
        %get3A_247 = arith.constant 64 : index
        %get3A_248 = tpu.vector_load %get3A_245[%get3A_246, %get3A_247] {strides = array<i32>} : memref<8x128xi32, #tpu.memory_space<vmem>>, vector<1x16xi32>,
        %get3A_249 = vector.shape_cast %get3A_248 : vector<1x16xi32> to vector<16xi32>
        %dma_start3A_250 = arith.constant 0 : i32
        %dma_start3A_251 = arith.constant 0 : i32
        %dma_start3A_252 = tpu.memref_slice %arg11[%dma_start3A_250, %dma_start3A_251] : memref<10000x128xf32, #tpu.memory_space<vmem_shared>> -> memref<10000x128xf32, #tpu.memory_space<vmem_shared>>
        tpu.enqueue_indirect_dma source(%dma_start3A_252 : memref<10000x128xf32, #tpu.memory_space<vmem_shared>>) target(%arg9 : memref<16x128xf32, #tpu.memory_space<vmem>>) offsets(%get3A_249 : vector<16xi32>) semaphore(%arg13 : memref<!tpu.dma_semaphore, #tpu.memory_space<semaphore_mem>>)
        %dma_wait3A_253 = arith.constant 0 : i32
        %dma_wait3A_254 = arith.constant 0 : i32
        %dma_wait3A_255 = tpu.memref_slice %arg11[%dma_wait3A_253, %dma_wait3A_254] : memref<10000x128xf32, #tpu.memory_space<vmem_shared>> -> memref<10000x128xf32, #tpu.memory_space<vmem_shared>>
        tpu.wait_indirect_dma semaphore(%arg13 : memref<!tpu.dma_semaphore, #tpu.memory_space<semaphore_mem>>) src(%dma_wait3A_255 : memref<10000x128xf32, #tpu.memory_space<vmem_shared>>) dst(%arg10 : memref<16x128xf32, #tpu.memory_space<vmem>>)
        %get3A_256 = arith.constant 0 : i32
        %get3A_257 = arith.constant 0 : i32
        %get3A_258 = tpu.memref_slice %arg8[%scan3A_141, %get3A_256, %get3A_257] : memref<2x8x128xi32, #tpu.memory_space<vmem>> -> memref<1x8x128xi32, #tpu.memory_space<vmem>>
        %get3A_259 = tpu.memref_squeeze %get3A_258 : memref<1x8x128xi32, #tpu.memory_space<vmem>> -> memref<8x128xi32, #tpu.memory_space<vmem>>
        %get3A_260 = arith.index_cast %scan3A_147 : i32 to index
        %get3A_261 = arith.constant 48 : index
        %get3A_262 = tpu.vector_load %get3A_259[%get3A_260, %get3A_261] {strides = array<i32>} : memref<8x128xi32, #tpu.memory_space<vmem>>, vector<1x16xi32>,
        %get3A_263 = vector.shape_cast %get3A_262 : vector<1x16xi32> to vector<16xi32>
        %dma_start3A_264 = arith.constant 0 : i32
        %dma_start3A_265 = arith.constant 0 : i32
        %dma_start3A_266 = tpu.memref_slice %arg12[%dma_start3A_264, %dma_start3A_265] : memref<5120x128xf32, #tpu.memory_space<vmem_shared>> -> memref<5120x128xf32, #tpu.memory_space<vmem_shared>>
        tpu.enqueue_indirect_dma source(%arg10 : memref<16x128xf32, #tpu.memory_space<vmem>>) target(%dma_start3A_266 : memref<5120x128xf32, #tpu.memory_space<vmem_shared>>) offsets(%get3A_263 : vector<16xi32>) semaphore(%arg14 : memref<!tpu.dma_semaphore, #tpu.memory_space<semaphore_mem>>) {add = true}
        %dma_wait3A_267 = arith.constant 0 : i32
        %dma_wait3A_268 = arith.constant 0 : i32
        %dma_wait3A_269 = tpu.memref_slice %arg12[%dma_wait3A_267, %dma_wait3A_268] : memref<5120x128xf32, #tpu.memory_space<vmem_shared>> -> memref<5120x128xf32, #tpu.memory_space<vmem_shared>>
        tpu.wait_indirect_dma semaphore(%arg14 : memref<!tpu.dma_semaphore, #tpu.memory_space<semaphore_mem>>) src(%arg10 : memref<16x128xf32, #tpu.memory_space<vmem>>) dst(%dma_wait3A_269 : memref<5120x128xf32, #tpu.memory_space<vmem_shared>>)
        %get3A_270 = arith.constant 0 : i32
        %get3A_271 = arith.constant 0 : i32
        %get3A_272 = tpu.memref_slice %arg7[%scan3A_140, %get3A_270, %get3A_271] : memref<2x8x128xi32, #tpu.memory_space<vmem>> -> memref<1x8x128xi32, #tpu.memory_space<vmem>>
        %get3A_273 = tpu.memref_squeeze %get3A_272 : memref<1x8x128xi32, #tpu.memory_space<vmem>> -> memref<8x128xi32, #tpu.memory_space<vmem>>
        %get3A_274 = arith.index_cast %scan3A_147 : i32 to index
        %get3A_275 = arith.constant 80 : index
        %get3A_276 = tpu.vector_load %get3A_273[%get3A_274, %get3A_275] {strides = array<i32>} : memref<8x128xi32, #tpu.memory_space<vmem>>, vector<1x16xi32>,
        %get3A_277 = vector.shape_cast %get3A_276 : vector<1x16xi32> to vector<16xi32>
        %dma_start3A_278 = arith.constant 0 : i32
        %dma_start3A_279 = arith.constant 0 : i32
        %dma_start3A_280 = tpu.memref_slice %arg11[%dma_start3A_278, %dma_start3A_279] : memref<10000x128xf32, #tpu.memory_space<vmem_shared>> -> memref<10000x128xf32, #tpu.memory_space<vmem_shared>>
        tpu.enqueue_indirect_dma source(%dma_start3A_280 : memref<10000x128xf32, #tpu.memory_space<vmem_shared>>) target(%arg10 : memref<16x128xf32, #tpu.memory_space<vmem>>) offsets(%get3A_277 : vector<16xi32>) semaphore(%arg13 : memref<!tpu.dma_semaphore, #tpu.memory_space<semaphore_mem>>)
        %dma_wait3A_281 = arith.constant 0 : i32
        %dma_wait3A_282 = arith.constant 0 : i32
        %dma_wait3A_283 = tpu.memref_slice %arg11[%dma_wait3A_281, %dma_wait3A_282] : memref<10000x128xf32, #tpu.memory_space<vmem_shared>> -> memref<10000x128xf32, #tpu.memory_space<vmem_shared>>
        tpu.wait_indirect_dma semaphore(%arg13 : memref<!tpu.dma_semaphore, #tpu.memory_space<semaphore_mem>>) src(%dma_wait3A_283 : memref<10000x128xf32, #tpu.memory_space<vmem_shared>>) dst(%arg9 : memref<16x128xf32, #tpu.memory_space<vmem>>)
        %get3A_284 = arith.constant 0 : i32
        %get3A_285 = arith.constant 0 : i32
        %get3A_286 = tpu.memref_slice %arg8[%scan3A_141, %get3A_284, %get3A_285] : memref<2x8x128xi32, #tpu.memory_space<vmem>> -> memref<1x8x128xi32, #tpu.memory_space<vmem>>
        %get3A_287 = tpu.memref_squeeze %get3A_286 : memref<1x8x128xi32, #tpu.memory_space<vmem>> -> memref<8x128xi32, #tpu.memory_space<vmem>>
        %get3A_288 = arith.index_cast %scan3A_147 : i32 to index
        %get3A_289 = arith.constant 64 : index
        %get3A_290 = tpu.vector_load %get3A_287[%get3A_288, %get3A_289] {strides = array<i32>} : memref<8x128xi32, #tpu.memory_space<vmem>>, vector<1x16xi32>,
        %get3A_291 = vector.shape_cast %get3A_290 : vector<1x16xi32> to vector<16xi32>
        %dma_start3A_292 = arith.constant 0 : i32
        %dma_start3A_293 = arith.constant 0 : i32
        %dma_start3A_294 = tpu.memref_slice %arg12[%dma_start3A_292, %dma_start3A_293] : memref<5120x128xf32, #tpu.memory_space<vmem_shared>> -> memref<5120x128xf32, #tpu.memory_space<vmem_shared>>
        tpu.enqueue_indirect_dma source(%arg9 : memref<16x128xf32, #tpu.memory_space<vmem>>) target(%dma_start3A_294 : memref<5120x128xf32, #tpu.memory_space<vmem_shared>>) offsets(%get3A_291 : vector<16xi32>) semaphore(%arg14 : memref<!tpu.dma_semaphore, #tpu.memory_space<semaphore_mem>>) {add = true}
        %dma_wait3A_295 = arith.constant 0 : i32
        %dma_wait3A_296 = arith.constant 0 : i32
        %dma_wait3A_297 = tpu.memref_slice %arg12[%dma_wait3A_295, %dma_wait3A_296] : memref<5120x128xf32, #tpu.memory_space<vmem_shared>> -> memref<5120x128xf32, #tpu.memory_space<vmem_shared>>
        tpu.wait_indirect_dma semaphore(%arg14 : memref<!tpu.dma_semaphore, #tpu.memory_space<semaphore_mem>>) src(%arg9 : memref<16x128xf32, #tpu.memory_space<vmem>>) dst(%dma_wait3A_297 : memref<5120x128xf32, #tpu.memory_space<vmem_shared>>)
        %get3A_298 = arith.constant 0 : i32
        %get3A_299 = arith.constant 0 : i32
        %get3A_300 = tpu.memref_slice %arg7[%scan3A_140, %get3A_298, %get3A_299] : memref<2x8x128xi32, #tpu.memory_space<vmem>> -> memref<1x8x128xi32, #tpu.memory_space<vmem>>
        %get3A_301 = tpu.memref_squeeze %get3A_300 : memref<1x8x128xi32, #tpu.memory_space<vmem>> -> memref<8x128xi32, #tpu.memory_space<vmem>>
        %get3A_302 = arith.index_cast %scan3A_147 : i32 to index
        %get3A_303 = arith.constant 96 : index
        %get3A_304 = tpu.vector_load %get3A_301[%get3A_302, %get3A_303] {strides = array<i32>} : memref<8x128xi32, #tpu.memory_space<vmem>>, vector<1x16xi32>,
        %get3A_305 = vector.shape_cast %get3A_304 : vector<1x16xi32> to vector<16xi32>
        %dma_start3A_306 = arith.constant 0 : i32
        %dma_start3A_307 = arith.constant 0 : i32
        %dma_start3A_308 = tpu.memref_slice %arg11[%dma_start3A_306, %dma_start3A_307] : memref<10000x128xf32, #tpu.memory_space<vmem_shared>> -> memref<10000x128xf32, #tpu.memory_space<vmem_shared>>
        tpu.enqueue_indirect_dma source(%dma_start3A_308 : memref<10000x128xf32, #tpu.memory_space<vmem_shared>>) target(%arg9 : memref<16x128xf32, #tpu.memory_space<vmem>>) offsets(%get3A_305 : vector<16xi32>) semaphore(%arg13 : memref<!tpu.dma_semaphore, #tpu.memory_space<semaphore_mem>>)
        %dma_wait3A_309 = arith.constant 0 : i32
        %dma_wait3A_310 = arith.constant 0 : i32
        %dma_wait3A_311 = tpu.memref_slice %arg11[%dma_wait3A_309, %dma_wait3A_310] : memref<10000x128xf32, #tpu.memory_space<vmem_shared>> -> memref<10000x128xf32, #tpu.memory_space<vmem_shared>>
        tpu.wait_indirect_dma semaphore(%arg13 : memref<!tpu.dma_semaphore, #tpu.memory_space<semaphore_mem>>) src(%dma_wait3A_311 : memref<10000x128xf32, #tpu.memory_space<vmem_shared>>) dst(%arg10 : memref<16x128xf32, #tpu.memory_space<vmem>>)
        %get3A_312 = arith.constant 0 : i32
        %get3A_313 = arith.constant 0 : i32
        %get3A_314 = tpu.memref_slice %arg8[%scan3A_141, %get3A_312, %get3A_313] : memref<2x8x128xi32, #tpu.memory_space<vmem>> -> memref<1x8x128xi32, #tpu.memory_space<vmem>>
        %get3A_315 = tpu.memref_squeeze %get3A_314 : memref<1x8x128xi32, #tpu.memory_space<vmem>> -> memref<8x128xi32, #tpu.memory_space<vmem>>
        %get3A_316 = arith.index_cast %scan3A_147 : i32 to index
        %get3A_317 = arith.constant 80 : index
        %get3A_318 = tpu.vector_load %get3A_315[%get3A_316, %get3A_317] {strides = array<i32>} : memref<8x128xi32, #tpu.memory_space<vmem>>, vector<1x16xi32>,
        %get3A_319 = vector.shape_cast %get3A_318 : vector<1x16xi32> to vector<16xi32>
        %dma_start3A_320 = arith.constant 0 : i32
        %dma_start3A_321 = arith.constant 0 : i32
        %dma_start3A_322 = tpu.memref_slice %arg12[%dma_start3A_320, %dma_start3A_321] : memref<5120x128xf32, #tpu.memory_space<vmem_shared>> -> memref<5120x128xf32, #tpu.memory_space<vmem_shared>>
        tpu.enqueue_indirect_dma source(%arg10 : memref<16x128xf32, #tpu.memory_space<vmem>>) target(%dma_start3A_322 : memref<5120x128xf32, #tpu.memory_space<vmem_shared>>) offsets(%get3A_319 : vector<16xi32>) semaphore(%arg14 : memref<!tpu.dma_semaphore, #tpu.memory_space<semaphore_mem>>) {add = true}
        %dma_wait3A_323 = arith.constant 0 : i32
        %dma_wait3A_324 = arith.constant 0 : i32
        %dma_wait3A_325 = tpu.memref_slice %arg12[%dma_wait3A_323, %dma_wait3A_324] : memref<5120x128xf32, #tpu.memory_space<vmem_shared>> -> memref<5120x128xf32, #tpu.memory_space<vmem_shared>>
        tpu.wait_indirect_dma semaphore(%arg14 : memref<!tpu.dma_semaphore, #tpu.memory_space<semaphore_mem>>) src(%arg10 : memref<16x128xf32, #tpu.memory_space<vmem>>) dst(%dma_wait3A_325 : memref<5120x128xf32, #tpu.memory_space<vmem_shared>>)
        %get3A_326 = arith.constant 0 : i32
        %get3A_327 = arith.constant 0 : i32
        %get3A_328 = tpu.memref_slice %arg7[%scan3A_140, %get3A_326, %get3A_327] : memref<2x8x128xi32, #tpu.memory_space<vmem>> -> memref<1x8x128xi32, #tpu.memory_space<vmem>>
        %get3A_329 = tpu.memref_squeeze %get3A_328 : memref<1x8x128xi32, #tpu.memory_space<vmem>> -> memref<8x128xi32, #tpu.memory_space<vmem>>
        %get3A_330 = arith.index_cast %scan3A_147 : i32 to index
        %get3A_331 = arith.constant 112 : index
        %get3A_332 = tpu.vector_load %get3A_329[%get3A_330, %get3A_331] {strides = array<i32>} : memref<8x128xi32, #tpu.memory_space<vmem>>, vector<1x16xi32>,
        %get3A_333 = vector.shape_cast %get3A_332 : vector<1x16xi32> to vector<16xi32>
        %dma_start3A_334 = arith.constant 0 : i32
        %dma_start3A_335 = arith.constant 0 : i32
        %dma_start3A_336 = tpu.memref_slice %arg11[%dma_start3A_334, %dma_start3A_335] : memref<10000x128xf32, #tpu.memory_space<vmem_shared>> -> memref<10000x128xf32, #tpu.memory_space<vmem_shared>>
        tpu.enqueue_indirect_dma source(%dma_start3A_336 : memref<10000x128xf32, #tpu.memory_space<vmem_shared>>) target(%arg10 : memref<16x128xf32, #tpu.memory_space<vmem>>) offsets(%get3A_333 : vector<16xi32>) semaphore(%arg13 : memref<!tpu.dma_semaphore, #tpu.memory_space<semaphore_mem>>)
        %dma_wait3A_337 = arith.constant 0 : i32
        %dma_wait3A_338 = arith.constant 0 : i32
        %dma_wait3A_339 = tpu.memref_slice %arg11[%dma_wait3A_337, %dma_wait3A_338] : memref<10000x128xf32, #tpu.memory_space<vmem_shared>> -> memref<10000x128xf32, #tpu.memory_space<vmem_shared>>
        tpu.wait_indirect_dma semaphore(%arg13 : memref<!tpu.dma_semaphore, #tpu.memory_space<semaphore_mem>>) src(%dma_wait3A_339 : memref<10000x128xf32, #tpu.memory_space<vmem_shared>>) dst(%arg9 : memref<16x128xf32, #tpu.memory_space<vmem>>)
        %get3A_340 = arith.constant 0 : i32
        %get3A_341 = arith.constant 0 : i32
        %get3A_342 = tpu.memref_slice %arg8[%scan3A_141, %get3A_340, %get3A_341] : memref<2x8x128xi32, #tpu.memory_space<vmem>> -> memref<1x8x128xi32, #tpu.memory_space<vmem>>
        %get3A_343 = tpu.memref_squeeze %get3A_342 : memref<1x8x128xi32, #tpu.memory_space<vmem>> -> memref<8x128xi32, #tpu.memory_space<vmem>>
        %get3A_344 = arith.index_cast %scan3A_147 : i32 to index
        %get3A_345 = arith.constant 96 : index
        %get3A_346 = tpu.vector_load %get3A_343[%get3A_344, %get3A_345] {strides = array<i32>} : memref<8x128xi32, #tpu.memory_space<vmem>>, vector<1x16xi32>,
        %get3A_347 = vector.shape_cast %get3A_346 : vector<1x16xi32> to vector<16xi32>
        %dma_start3A_348 = arith.constant 0 : i32
        %dma_start3A_349 = arith.constant 0 : i32
        %dma_start3A_350 = tpu.memref_slice %arg12[%dma_start3A_348, %dma_start3A_349] : memref<5120x128xf32, #tpu.memory_space<vmem_shared>> -> memref<5120x128xf32, #tpu.memory_space<vmem_shared>>
        tpu.enqueue_indirect_dma source(%arg9 : memref<16x128xf32, #tpu.memory_space<vmem>>) target(%dma_start3A_350 : memref<5120x128xf32, #tpu.memory_space<vmem_shared>>) offsets(%get3A_347 : vector<16xi32>) semaphore(%arg14 : memref<!tpu.dma_semaphore, #tpu.memory_space<semaphore_mem>>) {add = true}
        %dma_wait3A_351 = arith.constant 0 : i32
        %dma_wait3A_352 = arith.constant 0 : i32
        %dma_wait3A_353 = tpu.memref_slice %arg11[%dma_wait3A_351, %dma_wait3A_352] : memref<10000x128xf32, #tpu.memory_space<vmem_shared>> -> memref<10000x128xf32, #tpu.memory_space<vmem_shared>>
        tpu.wait_indirect_dma semaphore(%arg13 : memref<!tpu.dma_semaphore, #tpu.memory_space<semaphore_mem>>) src(%dma_wait3A_353 : memref<10000x128xf32, #tpu.memory_space<vmem_shared>>) dst(%arg10 : memref<16x128xf32, #tpu.memory_space<vmem>>)
        %get3A_354 = arith.constant 0 : i32
        %get3A_355 = arith.constant 0 : i32
        %get3A_356 = tpu.memref_slice %arg8[%scan3A_141, %get3A_354, %get3A_355] : memref<2x8x128xi32, #tpu.memory_space<vmem>> -> memref<1x8x128xi32, #tpu.memory_space<vmem>>
        %get3A_357 = tpu.memref_squeeze %get3A_356 : memref<1x8x128xi32, #tpu.memory_space<vmem>> -> memref<8x128xi32, #tpu.memory_space<vmem>>
        %get3A_358 = arith.index_cast %scan3A_147 : i32 to index
        %get3A_359 = arith.constant 112 : index
        %get3A_360 = tpu.vector_load %get3A_357[%get3A_358, %get3A_359] {strides = array<i32>} : memref<8x128xi32, #tpu.memory_space<vmem>>, vector<1x16xi32>,
        %get3A_361 = vector.shape_cast %get3A_360 : vector<1x16xi32> to vector<16xi32>
        %dma_start3A_362 = arith.constant 0 : i32
        %dma_start3A_363 = arith.constant 0 : i32
        %dma_start3A_364 = tpu.memref_slice %arg12[%dma_start3A_362, %dma_start3A_363] : memref<5120x128xf32, #tpu.memory_space<vmem_shared>> -> memref<5120x128xf32, #tpu.memory_space<vmem_shared>>
        tpu.enqueue_indirect_dma source(%arg10 : memref<16x128xf32, #tpu.memory_space<vmem>>) target(%dma_start3A_364 : memref<5120x128xf32, #tpu.memory_space<vmem_shared>>) offsets(%get3A_361 : vector<16xi32>) semaphore(%arg14 : memref<!tpu.dma_semaphore, #tpu.memory_space<semaphore_mem>>) {add = true}
        %dma_wait3A_365 = arith.constant 0 : i32
        %dma_wait3A_366 = arith.constant 0 : i32
        %dma_wait3A_367 = tpu.memref_slice %arg12[%dma_wait3A_365, %dma_wait3A_366] : memref<5120x128xf32, #tpu.memory_space<vmem_shared>> -> memref<5120x128xf32, #tpu.memory_space<vmem_shared>>
        tpu.wait_indirect_dma semaphore(%arg14 : memref<!tpu.dma_semaphore, #tpu.memory_space<semaphore_mem>>) src(%arg9 : memref<16x128xf32, #tpu.memory_space<vmem>>) dst(%dma_wait3A_367 : memref<5120x128xf32, #tpu.memory_space<vmem_shared>>)
        %dma_wait3A_368 = arith.constant 0 : i32
        %dma_wait3A_369 = arith.constant 0 : i32
        %dma_wait3A_370 = tpu.memref_slice %arg12[%dma_wait3A_368, %dma_wait3A_369] : memref<5120x128xf32, #tpu.memory_space<vmem_shared>> -> memref<5120x128xf32, #tpu.memory_space<vmem_shared>>
        tpu.wait_indirect_dma semaphore(%arg14 : memref<!tpu.dma_semaphore, #tpu.memory_space<semaphore_mem>>) src(%arg10 : memref<16x128xf32, #tpu.memory_space<vmem>>) dst(%dma_wait3A_370 : memref<5120x128xf32, #tpu.memory_space<vmem_shared>>)
      }
      %scan3A_146 = arith.constant 8 : i32
    }
    %scan3A_44 = arith.constant 10 : i32
    %barrier3A_45 = arith.constant 0 : index
    tpu.barrier barrier_id(%barrier3A_45)
    %lt3A_46 = arith.constant 15 : i32
    %lt3A_47 = arith.cmpi slt, %arg1, %lt3A_46 : i32
    %convert_element_type3A_48 = arith.extui %lt3A_47 : i1 to i32
    %cond3A_49 = arith.constant 0 : i32
    %cond3A_50 = arith.cmpi ne, %convert_element_type3A_48, %cond3A_49 : i32
    scf.if %cond3A_50 {
      %mul3A_56 = arith.constant 312 : i32
      %mul3A_57 = arith.muli %arg1, %mul3A_56 : i32
      %mul3A_58 = arith.constant 5000 : i32
      %mul3A_59 = arith.muli %arg0, %mul3A_58 : i32
      %mul3A_60 = arith.constant 312 : i32
      %mul3A_61 = arith.muli %arg1, %mul3A_60 : i32
      %add3A = arith.addi %mul3A_59, %mul3A_61 : i32
      "tpu.region"() ({
        %run_scoped3A = tpu.sem_alloc : memref<!tpu.dma_semaphore, #tpu.memory_space<semaphore_mem>>
        %dma_start3A_62 = arith.constant 0 : i32
        %dma_start3A_63 = tpu.memref_slice %arg6[%add3A, %dma_start3A_62] : memref<10000x128xf32, #tpu.memory_space<hbm>> -> memref<312x128xf32, #tpu.memory_space<hbm>>
        %dma_start3A_64 = arith.constant 0 : i32
        %dma_start3A_65 = tpu.memref_slice %arg12[%mul3A_57, %dma_start3A_64] : memref<5120x128xf32, #tpu.memory_space<vmem_shared>> -> memref<312x128xf32, #tpu.memory_space<vmem_shared>>
        tpu.enqueue_dma source(%dma_start3A_65 : memref<312x128xf32, #tpu.memory_space<vmem_shared>>) target(%dma_start3A_63 : memref<312x128xf32, #tpu.memory_space<hbm>>) target_semaphore(%run_scoped3A : memref<!tpu.dma_semaphore, #tpu.memory_space<semaphore_mem>>)
        %dma_wait3A = arith.constant 0 : i32
        %dma_wait3A_66 = tpu.memref_slice %arg6[%add3A, %dma_wait3A] : memref<10000x128xf32, #tpu.memory_space<hbm>> -> memref<312x128xf32, #tpu.memory_space<hbm>>
        %dma_wait3A_67 = arith.constant 0 : i32
        %dma_wait3A_68 = tpu.memref_slice %arg12[%mul3A_57, %dma_wait3A_67] : memref<5120x128xf32, #tpu.memory_space<vmem_shared>> -> memref<312x128xf32, #tpu.memory_space<vmem_shared>>
        tpu.wait_dma2 semaphore(%run_scoped3A : memref<!tpu.dma_semaphore, #tpu.memory_space<semaphore_mem>>) src(%dma_wait3A_68 : memref<312x128xf32, #tpu.memory_space<vmem_shared>>) dst(%dma_wait3A_66 : memref<312x128xf32, #tpu.memory_space<hbm>>)
        tpu.yield
      }) : () -> ()
    } else {
    }
    %eq3A_51 = arith.constant 15 : i32
    %eq3A_52 = arith.cmpi eq, %arg1, %eq3A_51 : i32
    %convert_element_type3A_53 = arith.extui %eq3A_52 : i1 to i32
    %cond3A_54 = arith.constant 0 : i32
    %cond3A_55 = arith.cmpi ne, %convert_element_type3A_53, %cond3A_54 : i32
    scf.if %cond3A_55 {
      %mul3A_56 = arith.constant 5000 : i32
      %mul3A_57 = arith.muli %arg0, %mul3A_56 : i32
      %add3A = arith.constant 4680 : i32
      %add3A_58 = arith.addi %mul3A_57, %add3A : i32
      "tpu.region"() ({
        %run_scoped3A = tpu.sem_alloc : memref<!tpu.dma_semaphore, #tpu.memory_space<semaphore_mem>>
        %dma_start3A_59 = arith.constant 0 : i32
        %dma_start3A_60 = tpu.memref_slice %arg6[%add3A_58, %dma_start3A_59] : memref<10000x128xf32, #tpu.memory_space<hbm>> -> memref<320x128xf32, #tpu.memory_space<hbm>>
        %dma_start3A_61 = arith.constant 4680 : i32
        %dma_start3A_62 = arith.constant 0 : i32
        %dma_start3A_63 = tpu.memref_slice %arg12[%dma_start3A_61, %dma_start3A_62] : memref<5120x128xf32, #tpu.memory_space<vmem_shared>> -> memref<320x128xf32, #tpu.memory_space<vmem_shared>>
        tpu.enqueue_dma source(%dma_start3A_63 : memref<320x128xf32, #tpu.memory_space<vmem_shared>>) target(%dma_start3A_60 : memref<320x128xf32, #tpu.memory_space<hbm>>) target_semaphore(%run_scoped3A : memref<!tpu.dma_semaphore, #tpu.memory_space<semaphore_mem>>)
        %dma_wait3A = arith.constant 0 : i32
        %dma_wait3A_64 = tpu.memref_slice %arg6[%add3A_58, %dma_wait3A] : memref<10000x128xf32, #tpu.memory_space<hbm>> -> memref<320x128xf32, #tpu.memory_space<hbm>>
        %dma_wait3A_65 = arith.constant 4680 : i32
        %dma_wait3A_66 = arith.constant 0 : i32
        %dma_wait3A_67 = tpu.memref_slice %arg12[%dma_wait3A_65, %dma_wait3A_66] : memref<5120x128xf32, #tpu.memory_space<vmem_shared>> -> memref<320x128xf32, #tpu.memory_space<vmem_shared>>
        tpu.wait_dma2 semaphore(%run_scoped3A : memref<!tpu.dma_semaphore, #tpu.memory_space<semaphore_mem>>) src(%dma_wait3A_67 : memref<320x128xf32, #tpu.memory_space<vmem_shared>>) dst(%dma_wait3A_64 : memref<320x128xf32, #tpu.memory_space<hbm>>)
        tpu.yield
      }) : () -> ()
    } else {
    }
    return
  }
}

module attributes {stable_mosaic.version = 14 : i64} {
  func.func @_dinv_body(%arg0: i32, %arg1: memref<2x1000x128xf32, #tpu.memory_space<vmem>>, %arg2: memref<1000x1xf32, #tpu.memory_space<vmem>>) attributes {dimension_semantics = [#tpu.dimension_semantics<arbitrary>], iteration_bounds = array<i64: 10>, scalar_prefetch = 0 : i64, scratch_operands = 0 : i64, tpu.core_type = #tpu.core_type<tc>, window_params = [{transform_indices = @transform_0, window_bounds = array<i64: 2, 1000, 128>}, {transform_indices = @transform_1, window_bounds = array<i64: 1000, 1>}]} {
    %get3A = arith.constant 0 : index
    %get3A_0 = arith.constant 0 : index
    %get3A_1 = arith.constant 0 : index
    %get3A_2 = vector.load %arg1[%get3A, %get3A_0, %get3A_1] : memref<2x1000x128xf32, #tpu.memory_space<vmem>>, vector<1x1000x1xf32>
    %get3A_3 = vector.shape_cast %get3A_2 : vector<1x1000x1xf32> to vector<1000x1xf32>
    %add3A = arith.constant 1.000000e+00 : f32
    %add3A_4 = vector.broadcast %add3A : f32 to vector<1000x1xf32>
    %add3A_5 = arith.addf %add3A_4, %get3A_3 : vector<1000x1xf32>
    %get3A_6 = arith.constant 1 : index
    %get3A_7 = arith.constant 0 : index
    %get3A_8 = arith.constant 0 : index
    %get3A_9 = vector.load %arg1[%get3A_6, %get3A_7, %get3A_8] : memref<2x1000x128xf32, #tpu.memory_space<vmem>>, vector<1x1000x1xf32>
    %get3A_10 = vector.shape_cast %get3A_9 : vector<1x1000x1xf32> to vector<1000x1xf32>
    %add3A_11 = arith.addf %add3A_5, %get3A_10 : vector<1000x1xf32>
    %rsqrt3A = math.rsqrt %add3A_11 : vector<1000x1xf32>
    %swap3A = arith.constant 0 : index
    %swap3A_12 = arith.constant 0 : index
    %swap3A_13 = vector.load %arg2[%swap3A, %swap3A_12] : memref<1000x1xf32, #tpu.memory_space<vmem>>, vector<1000x1xf32>
    tpu.vector_store %arg2[%swap3A, %swap3A_12], %rsqrt3A {strides = array<i32>} : memref<1000x1xf32, #tpu.memory_space<vmem>>, vector<1000x1xf32>,
    return
  }
  func.func @transform_0(%arg0: i32) -> (i32, i32, i32) {
    %c0_i32 = arith.constant 0 : i32
    %c0_i32_0 = arith.constant 0 : i32
    %c0_i32_1 = arith.constant 0 : i32
    return %c0_i32, %arg0, %c0_i32_0 : i32, i32, i32
  }
  func.func @transform_1(%arg0: i32) -> (i32, i32) {
    %c0_i32 = arith.constant 0 : i32
    %c0_i32_0 = arith.constant 0 : i32
    return %arg0, %c0_i32 : i32, i32
  }
}

module attributes {stable_mosaic.version = 14 : i64} {
  func.func @_mm_body(%arg0: i32, %arg1: memref<1000x128xf32, #tpu.memory_space<vmem>>, %arg2: memref<128x128xf32, #tpu.memory_space<vmem>>, %arg3: memref<1000x1xf32, #tpu.memory_space<vmem>>, %arg4: memref<1000x128xf32, #tpu.memory_space<vmem>>) attributes {dimension_semantics = [#tpu.dimension_semantics<arbitrary>], iteration_bounds = array<i64: 10>, scalar_prefetch = 0 : i64, scratch_operands = 0 : i64, tpu.core_type = #tpu.core_type<tc>, window_params = [{transform_indices = @transform_0, window_bounds = array<i64: 1000, 128>}, {pipeline_mode = #tpu.pipeline_mode<synchronous>, transform_indices = @transform_1, window_bounds = array<i64: 128, 128>}, {transform_indices = @transform_2, window_bounds = array<i64: 1000, 1>}, {transform_indices = @transform_3, window_bounds = array<i64: 1000, 128>}]} {
    %get3A = arith.constant 0 : index
    %get3A_0 = arith.constant 0 : index
    %get3A_1 = vector.load %arg1[%get3A, %get3A_0] : memref<1000x128xf32, #tpu.memory_space<vmem>>, vector<1000x128xf32>
    %get3A_2 = arith.constant 0 : index
    %get3A_3 = arith.constant 0 : index
    %get3A_4 = vector.load %arg2[%get3A_2, %get3A_3] : memref<128x128xf32, #tpu.memory_space<vmem>>, vector<128x128xf32>
    %dot_general3A = arith.constant dense<0.000000e+00> : vector<1000x128xf32>
    %dot_general3A_5 = tpu.matmul %get3A_1, %get3A_4, %dot_general3A {dimension_numbers = #tpu.dot_dimension_numbers<[1], [0], [0], [1], [0, 0, 1, 1], [], []>, transpose_lhs_hint = false} : vector<1000x128xf32>, vector<128x128xf32>, vector<1000x128xf32> -> vector<1000x128xf32>
    %get3A_6 = arith.constant 0 : index
    %get3A_7 = arith.constant 0 : index
    %get3A_8 = vector.load %arg3[%get3A_6, %get3A_7] : memref<1000x1xf32, #tpu.memory_space<vmem>>, vector<1000x1xf32>
    %mul3A = vector.broadcast %get3A_8 : vector<1000x1xf32> to vector<1000x128xf32>
    %mul3A_9 = arith.mulf %dot_general3A_5, %mul3A : vector<1000x128xf32>
    %swap3A = arith.constant 0 : index
    %swap3A_10 = arith.constant 0 : index
    %swap3A_11 = vector.load %arg4[%swap3A, %swap3A_10] : memref<1000x128xf32, #tpu.memory_space<vmem>>, vector<1000x128xf32>
    tpu.vector_store %arg4[%swap3A, %swap3A_10], %mul3A_9 {strides = array<i32>} : memref<1000x128xf32, #tpu.memory_space<vmem>>, vector<1000x128xf32>,
    return
  }
  func.func @transform_0(%arg0: i32) -> (i32, i32) {
    %c0_i32 = arith.constant 0 : i32
    %c0_i32_0 = arith.constant 0 : i32
    return %arg0, %c0_i32 : i32, i32
  }
  func.func @transform_1(%arg0: i32) -> (i32, i32) {
    %c0_i32 = arith.constant 0 : i32
    %c0_i32_0 = arith.constant 0 : i32
    %c0_i32_1 = arith.constant 0 : i32
    return %c0_i32, %c0_i32_0 : i32, i32
  }
  func.func @transform_2(%arg0: i32) -> (i32, i32) {
    %c0_i32 = arith.constant 0 : i32
    %c0_i32_0 = arith.constant 0 : i32
    return %arg0, %c0_i32 : i32, i32
  }
  func.func @transform_3(%arg0: i32) -> (i32, i32) {
    %c0_i32 = arith.constant 0 : i32
    %c0_i32_0 = arith.constant 0 : i32
    return %arg0, %c0_i32 : i32, i32
  }
}

module attributes {stable_mosaic.version = 14 : i64} {
  func.func @_comb_body(%arg0: i32, %arg1: memref<1000x128xf32, #tpu.memory_space<vmem>>, %arg2: memref<1000x128xf32, #tpu.memory_space<vmem>>, %arg3: memref<1000x1xf32, #tpu.memory_space<vmem>>, %arg4: memref<1x128xf32, #tpu.memory_space<vmem>>, %arg5: memref<1000x128xf32, #tpu.memory_space<vmem>>, %arg6: memref<1x128xf32, #tpu.memory_space<vmem>>, %arg7: memref<1x128xf32, #tpu.memory_space<vmem>>, %arg8: memref<1x128xf32, #tpu.memory_space<vmem>>, %arg9: memref<1x128xf32, #tpu.memory_space<vmem>>) attributes {dimension_semantics = [#tpu.dimension_semantics<arbitrary>], iteration_bounds = array<i64: 10>, scalar_prefetch = 0 : i64, scratch_operands = 2 : i64, tpu.core_type = #tpu.core_type<tc>, window_params = [{transform_indices = @transform_0, window_bounds = array<i64: 1000, 128>}, {transform_indices = @transform_1, window_bounds = array<i64: 1000, 128>}, {transform_indices = @transform_2, window_bounds = array<i64: 1000, 1>}, {pipeline_mode = #tpu.pipeline_mode<synchronous>, transform_indices = @transform_3, window_bounds = array<i64: 1, 128>}, {transform_indices = @transform_4, window_bounds = array<i64: 1000, 128>}, {pipeline_mode = #tpu.pipeline_mode<synchronous>, transform_indices = @transform_5, window_bounds = array<i64: 1, 128>}, {pipeline_mode = #tpu.pipeline_mode<synchronous>, transform_indices = @transform_6, window_bounds = array<i64: 1, 128>}]} {
    %get3A = arith.constant 0 : index
    %get3A_0 = arith.constant 0 : index
    %get3A_1 = vector.load %arg3[%get3A, %get3A_0] : memref<1000x1xf32, #tpu.memory_space<vmem>>, vector<1000x1xf32>
    %get3A_2 = arith.constant 0 : index
    %get3A_3 = arith.constant 0 : index
    %get3A_4 = vector.load %arg1[%get3A_2, %get3A_3] : memref<1000x128xf32, #tpu.memory_space<vmem>>, vector<1000x128xf32>
    %get3A_5 = arith.constant 0 : index
    %get3A_6 = arith.constant 0 : index
    %get3A_7 = vector.load %arg2[%get3A_5, %get3A_6] : memref<1000x128xf32, #tpu.memory_space<vmem>>, vector<1000x128xf32>
    %add3A = arith.addf %get3A_4, %get3A_7 : vector<1000x128xf32>
    %mul3A = vector.broadcast %get3A_1 : vector<1000x1xf32> to vector<1000x128xf32>
    %mul3A_8 = arith.mulf %mul3A, %add3A : vector<1000x128xf32>
    %get3A_9 = arith.constant 0 : index
    %get3A_10 = arith.constant 0 : index
    %get3A_11 = vector.load %arg4[%get3A_9, %get3A_10] : memref<1x128xf32, #tpu.memory_space<vmem>>, vector<1x128xf32>
    %add3A_12 = vector.broadcast %get3A_11 : vector<1x128xf32> to vector<1000x128xf32>
    %add3A_13 = arith.addf %mul3A_8, %add3A_12 : vector<1000x128xf32>
    %swap3A = arith.constant 0 : index
    %swap3A_14 = arith.constant 0 : index
    %swap3A_15 = vector.load %arg5[%swap3A, %swap3A_14] : memref<1000x128xf32, #tpu.memory_space<vmem>>, vector<1000x128xf32>
    tpu.vector_store %arg5[%swap3A, %swap3A_14], %add3A_13 {strides = array<i32>} : memref<1000x128xf32, #tpu.memory_space<vmem>>, vector<1000x128xf32>,
    %reduce_sum3A = arith.constant dense<0.000000e+00> : vector<128xf32>
    %reduce_sum3A_16 = vector.multi_reduction <add>, %add3A_13, %reduce_sum3A [0] : vector<1000x128xf32> to vector<128xf32>
    %broadcast_in_dim3A = vector.shape_cast %reduce_sum3A_16 : vector<128xf32> to vector<1x128xf32>
    %mul3A_17 = arith.mulf %add3A_13, %add3A_13 : vector<1000x128xf32>
    %reduce_sum3A_18 = arith.constant dense<0.000000e+00> : vector<128xf32>
    %reduce_sum3A_19 = vector.multi_reduction <add>, %mul3A_17, %reduce_sum3A_18 [0] : vector<1000x128xf32> to vector<128xf32>
    %broadcast_in_dim3A_20 = vector.shape_cast %reduce_sum3A_19 : vector<128xf32> to vector<1x128xf32>
    %eq3A = arith.constant 0 : i32
    %eq3A_21 = arith.cmpi eq, %arg0, %eq3A : i32
    %convert_element_type3A = arith.extui %eq3A_21 : i1 to i32
    %cond3A = arith.constant 0 : i32
    %cond3A_22 = arith.cmpi ne, %convert_element_type3A, %cond3A : i32
    scf.if %cond3A_22 {
      %swap3A_32 = arith.constant 0 : index
      %swap3A_33 = arith.constant 0 : index
      %swap3A_34 = vector.load %arg8[%swap3A_32, %swap3A_33] : memref<1x128xf32, #tpu.memory_space<vmem>>, vector<1x128xf32>
      tpu.vector_store %arg8[%swap3A_32, %swap3A_33], %broadcast_in_dim3A {strides = array<i32>} : memref<1x128xf32, #tpu.memory_space<vmem>>, vector<1x128xf32>,
      %swap3A_35 = arith.constant 0 : index
      %swap3A_36 = arith.constant 0 : index
      %swap3A_37 = vector.load %arg9[%swap3A_35, %swap3A_36] : memref<1x128xf32, #tpu.memory_space<vmem>>, vector<1x128xf32>
      tpu.vector_store %arg9[%swap3A_35, %swap3A_36], %broadcast_in_dim3A_20 {strides = array<i32>} : memref<1x128xf32, #tpu.memory_space<vmem>>, vector<1x128xf32>,
    } else {
    }
    %gt3A = arith.constant 0 : i32
    %gt3A_23 = arith.cmpi sgt, %arg0, %gt3A : i32
    %convert_element_type3A_24 = arith.extui %gt3A_23 : i1 to i32
    %cond3A_25 = arith.constant 0 : i32
    %cond3A_26 = arith.cmpi ne, %convert_element_type3A_24, %cond3A_25 : i32
    scf.if %cond3A_26 {
      %get3A_32 = arith.constant 0 : index
      %get3A_33 = arith.constant 0 : index
      %get3A_34 = vector.load %arg8[%get3A_32, %get3A_33] : memref<1x128xf32, #tpu.memory_space<vmem>>, vector<1x128xf32>
      %add3A_35 = arith.addf %get3A_34, %broadcast_in_dim3A : vector<1x128xf32>
      %swap3A_36 = arith.constant 0 : index
      %swap3A_37 = arith.constant 0 : index
      %swap3A_38 = vector.load %arg8[%swap3A_36, %swap3A_37] : memref<1x128xf32, #tpu.memory_space<vmem>>, vector<1x128xf32>
      tpu.vector_store %arg8[%swap3A_36, %swap3A_37], %add3A_35 {strides = array<i32>} : memref<1x128xf32, #tpu.memory_space<vmem>>, vector<1x128xf32>,
      %get3A_39 = arith.constant 0 : index
      %get3A_40 = arith.constant 0 : index
      %get3A_41 = vector.load %arg9[%get3A_39, %get3A_40] : memref<1x128xf32, #tpu.memory_space<vmem>>, vector<1x128xf32>
      %add3A_42 = arith.addf %get3A_41, %broadcast_in_dim3A_20 : vector<1x128xf32>
      %swap3A_43 = arith.constant 0 : index
      %swap3A_44 = arith.constant 0 : index
      %swap3A_45 = vector.load %arg9[%swap3A_43, %swap3A_44] : memref<1x128xf32, #tpu.memory_space<vmem>>, vector<1x128xf32>
      tpu.vector_store %arg9[%swap3A_43, %swap3A_44], %add3A_42 {strides = array<i32>} : memref<1x128xf32, #tpu.memory_space<vmem>>, vector<1x128xf32>,
    } else {
    }
    %eq3A_27 = arith.constant 9 : i32
    %eq3A_28 = arith.cmpi eq, %arg0, %eq3A_27 : i32
    %convert_element_type3A_29 = arith.extui %eq3A_28 : i1 to i32
    %cond3A_30 = arith.constant 0 : i32
    %cond3A_31 = arith.cmpi ne, %convert_element_type3A_29, %cond3A_30 : i32
    scf.if %cond3A_31 {
      %get3A_32 = arith.constant 0 : index
      %get3A_33 = arith.constant 0 : index
      %get3A_34 = vector.load %arg8[%get3A_32, %get3A_33] : memref<1x128xf32, #tpu.memory_space<vmem>>, vector<1x128xf32>
      %swap3A_35 = arith.constant 0 : index
      %swap3A_36 = arith.constant 0 : index
      %swap3A_37 = vector.load %arg6[%swap3A_35, %swap3A_36] : memref<1x128xf32, #tpu.memory_space<vmem>>, vector<1x128xf32>
      tpu.vector_store %arg6[%swap3A_35, %swap3A_36], %get3A_34 {strides = array<i32>} : memref<1x128xf32, #tpu.memory_space<vmem>>, vector<1x128xf32>,
      %get3A_38 = arith.constant 0 : index
      %get3A_39 = arith.constant 0 : index
      %get3A_40 = vector.load %arg9[%get3A_38, %get3A_39] : memref<1x128xf32, #tpu.memory_space<vmem>>, vector<1x128xf32>
      %swap3A_41 = arith.constant 0 : index
      %swap3A_42 = arith.constant 0 : index
      %swap3A_43 = vector.load %arg7[%swap3A_41, %swap3A_42] : memref<1x128xf32, #tpu.memory_space<vmem>>, vector<1x128xf32>
      tpu.vector_store %arg7[%swap3A_41, %swap3A_42], %get3A_40 {strides = array<i32>} : memref<1x128xf32, #tpu.memory_space<vmem>>, vector<1x128xf32>,
    } else {
    }
    return
  }
  func.func @transform_0(%arg0: i32) -> (i32, i32) {
    %c0_i32 = arith.constant 0 : i32
    %c0_i32_0 = arith.constant 0 : i32
    return %arg0, %c0_i32 : i32, i32
  }
  func.func @transform_1(%arg0: i32) -> (i32, i32) {
    %c0_i32 = arith.constant 0 : i32
    %c0_i32_0 = arith.constant 0 : i32
    return %arg0, %c0_i32 : i32, i32
  }
  func.func @transform_2(%arg0: i32) -> (i32, i32) {
    %c0_i32 = arith.constant 0 : i32
    %c0_i32_0 = arith.constant 0 : i32
    return %arg0, %c0_i32 : i32, i32
  }
  func.func @transform_3(%arg0: i32) -> (i32, i32) {
    %c0_i32 = arith.constant 0 : i32
    %c0_i32_0 = arith.constant 0 : i32
    %c0_i32_1 = arith.constant 0 : i32
    return %c0_i32, %c0_i32_0 : i32, i32
  }
  func.func @transform_4(%arg0: i32) -> (i32, i32) {
    %c0_i32 = arith.constant 0 : i32
    %c0_i32_0 = arith.constant 0 : i32
    return %arg0, %c0_i32 : i32, i32
  }
  func.func @transform_5(%arg0: i32) -> (i32, i32) {
    %c0_i32 = arith.constant 0 : i32
    %c0_i32_0 = arith.constant 0 : i32
    %c0_i32_1 = arith.constant 0 : i32
    return %c0_i32, %c0_i32_0 : i32, i32
  }
  func.func @transform_6(%arg0: i32) -> (i32, i32) {
    %c0_i32 = arith.constant 0 : i32
    %c0_i32_0 = arith.constant 0 : i32
    %c0_i32_1 = arith.constant 0 : i32
    return %c0_i32, %c0_i32_0 : i32, i32
  }
}

module attributes {stable_mosaic.version = 14 : i64} {
  func.func @_bn_mm_body(%arg0: i32, %arg1: memref<1000x128xf32, #tpu.memory_space<vmem>>, %arg2: memref<1x128xf32, #tpu.memory_space<vmem>>, %arg3: memref<1x128xf32, #tpu.memory_space<vmem>>, %arg4: memref<1x128xf32, #tpu.memory_space<vmem>>, %arg5: memref<1x128xf32, #tpu.memory_space<vmem>>, %arg6: memref<128x128xf32, #tpu.memory_space<vmem>>, %arg7: memref<1000x1xf32, #tpu.memory_space<vmem>>, %arg8: memref<1000x128xf32, #tpu.memory_space<vmem>>) attributes {dimension_semantics = [#tpu.dimension_semantics<arbitrary>], iteration_bounds = array<i64: 10>, scalar_prefetch = 0 : i64, scratch_operands = 0 : i64, tpu.core_type = #tpu.core_type<tc>, window_params = [{transform_indices = @transform_0, window_bounds = array<i64: 1000, 128>}, {pipeline_mode = #tpu.pipeline_mode<synchronous>, transform_indices = @transform_1, window_bounds = array<i64: 1, 128>}, {pipeline_mode = #tpu.pipeline_mode<synchronous>, transform_indices = @transform_2, window_bounds = array<i64: 1, 128>}, {pipeline_mode = #tpu.pipeline_mode<synchronous>, transform_indices = @transform_3, window_bounds = array<i64: 1, 128>}, {pipeline_mode = #tpu.pipeline_mode<synchronous>, transform_indices = @transform_4, window_bounds = array<i64: 1, 128>}, {pipeline_mode = #tpu.pipeline_mode<synchronous>, transform_indices = @transform_5, window_bounds = array<i64: 128, 128>}, {transform_indices = @transform_6, window_bounds = array<i64: 1000, 1>}, {transform_indices = @transform_7, window_bounds = array<i64: 1000, 128>}]} {
    %get3A = arith.constant 0 : index
    %get3A_0 = arith.constant 0 : index
    %get3A_1 = vector.load %arg2[%get3A, %get3A_0] : memref<1x128xf32, #tpu.memory_space<vmem>>, vector<1x128xf32>
    %mul3A = arith.constant 9.99999974E-5 : f32
    %mul3A_2 = vector.broadcast %mul3A : f32 to vector<1x128xf32>
    %mul3A_3 = arith.mulf %get3A_1, %mul3A_2 : vector<1x128xf32>
    %get3A_4 = arith.constant 0 : index
    %get3A_5 = arith.constant 0 : index
    %get3A_6 = vector.load %arg3[%get3A_4, %get3A_5] : memref<1x128xf32, #tpu.memory_space<vmem>>, vector<1x128xf32>
    %mul3A_7 = arith.constant 9.99999974E-5 : f32
    %mul3A_8 = vector.broadcast %mul3A_7 : f32 to vector<1x128xf32>
    %mul3A_9 = arith.mulf %get3A_6, %mul3A_8 : vector<1x128xf32>
    %mul3A_10 = arith.mulf %mul3A_3, %mul3A_3 : vector<1x128xf32>
    %sub3A = arith.subf %mul3A_9, %mul3A_10 : vector<1x128xf32>
    %add3A = arith.constant 9.99999974E-6 : f32
    %add3A_11 = vector.broadcast %add3A : f32 to vector<1x128xf32>
    %add3A_12 = arith.addf %sub3A, %add3A_11 : vector<1x128xf32>
    %rsqrt3A = math.rsqrt %add3A_12 : vector<1x128xf32>
    %get3A_13 = arith.constant 0 : index
    %get3A_14 = arith.constant 0 : index
    %get3A_15 = vector.load %arg4[%get3A_13, %get3A_14] : memref<1x128xf32, #tpu.memory_space<vmem>>, vector<1x128xf32>
    %mul3A_16 = arith.mulf %rsqrt3A, %get3A_15 : vector<1x128xf32>
    %get3A_17 = arith.constant 0 : index
    %get3A_18 = arith.constant 0 : index
    %get3A_19 = vector.load %arg1[%get3A_17, %get3A_18] : memref<1000x128xf32, #tpu.memory_space<vmem>>, vector<1000x128xf32>
    %sub3A_20 = vector.broadcast %mul3A_3 : vector<1x128xf32> to vector<1000x128xf32>
    %sub3A_21 = arith.subf %get3A_19, %sub3A_20 : vector<1000x128xf32>
    %mul3A_22 = vector.broadcast %mul3A_16 : vector<1x128xf32> to vector<1000x128xf32>
    %mul3A_23 = arith.mulf %sub3A_21, %mul3A_22 : vector<1000x128xf32>
    %get3A_24 = arith.constant 0 : index
    %get3A_25 = arith.constant 0 : index
    %get3A_26 = vector.load %arg5[%get3A_24, %get3A_25] : memref<1x128xf32, #tpu.memory_space<vmem>>, vector<1x128xf32>
    %add3A_27 = vector.broadcast %get3A_26 : vector<1x128xf32> to vector<1000x128xf32>
    %add3A_28 = arith.addf %mul3A_23, %add3A_27 : vector<1000x128xf32>
    %max3A = arith.constant 0.000000e+00 : f32
    %max3A_29 = vector.broadcast %max3A : f32 to vector<1000x128xf32>
    %max3A_30 = arith.maximumf %add3A_28, %max3A_29 : vector<1000x128xf32>
    %get3A_31 = arith.constant 0 : index
    %get3A_32 = arith.constant 0 : index
    %get3A_33 = vector.load %arg6[%get3A_31, %get3A_32] : memref<128x128xf32, #tpu.memory_space<vmem>>, vector<128x128xf32>
    %dot_general3A = arith.constant dense<0.000000e+00> : vector<1000x128xf32>
    %dot_general3A_34 = tpu.matmul %max3A_30, %get3A_33, %dot_general3A {dimension_numbers = #tpu.dot_dimension_numbers<[1], [0], [0], [1], [0, 0, 1, 1], [], []>, transpose_lhs_hint = false} : vector<1000x128xf32>, vector<128x128xf32>, vector<1000x128xf32> -> vector<1000x128xf32>
    %get3A_35 = arith.constant 0 : index
    %get3A_36 = arith.constant 0 : index
    %get3A_37 = vector.load %arg7[%get3A_35, %get3A_36] : memref<1000x1xf32, #tpu.memory_space<vmem>>, vector<1000x1xf32>
    %mul3A_38 = vector.broadcast %get3A_37 : vector<1000x1xf32> to vector<1000x128xf32>
    %mul3A_39 = arith.mulf %dot_general3A_34, %mul3A_38 : vector<1000x128xf32>
    %swap3A = arith.constant 0 : index
    %swap3A_40 = arith.constant 0 : index
    %swap3A_41 = vector.load %arg8[%swap3A, %swap3A_40] : memref<1000x128xf32, #tpu.memory_space<vmem>>, vector<1000x128xf32>
    tpu.vector_store %arg8[%swap3A, %swap3A_40], %mul3A_39 {strides = array<i32>} : memref<1000x128xf32, #tpu.memory_space<vmem>>, vector<1000x128xf32>,
    return
  }
  func.func @transform_0(%arg0: i32) -> (i32, i32) {
    %c0_i32 = arith.constant 0 : i32
    %c0_i32_0 = arith.constant 0 : i32
    return %arg0, %c0_i32 : i32, i32
  }
  func.func @transform_1(%arg0: i32) -> (i32, i32) {
    %c0_i32 = arith.constant 0 : i32
    %c0_i32_0 = arith.constant 0 : i32
    %c0_i32_1 = arith.constant 0 : i32
    return %c0_i32, %c0_i32_0 : i32, i32
  }
  func.func @transform_2(%arg0: i32) -> (i32, i32) {
    %c0_i32 = arith.constant 0 : i32
    %c0_i32_0 = arith.constant 0 : i32
    %c0_i32_1 = arith.constant 0 : i32
    return %c0_i32, %c0_i32_0 : i32, i32
  }
  func.func @transform_3(%arg0: i32) -> (i32, i32) {
    %c0_i32 = arith.constant 0 : i32
    %c0_i32_0 = arith.constant 0 : i32
    %c0_i32_1 = arith.constant 0 : i32
    return %c0_i32, %c0_i32_0 : i32, i32
  }
  func.func @transform_4(%arg0: i32) -> (i32, i32) {
    %c0_i32 = arith.constant 0 : i32
    %c0_i32_0 = arith.constant 0 : i32
    %c0_i32_1 = arith.constant 0 : i32
    return %c0_i32, %c0_i32_0 : i32, i32
  }
  func.func @transform_5(%arg0: i32) -> (i32, i32) {
    %c0_i32 = arith.constant 0 : i32
    %c0_i32_0 = arith.constant 0 : i32
    %c0_i32_1 = arith.constant 0 : i32
    return %c0_i32, %c0_i32_0 : i32, i32
  }
  func.func @transform_6(%arg0: i32) -> (i32, i32) {
    %c0_i32 = arith.constant 0 : i32
    %c0_i32_0 = arith.constant 0 : i32
    return %arg0, %c0_i32 : i32, i32
  }
  func.func @transform_7(%arg0: i32) -> (i32, i32) {
    %c0_i32 = arith.constant 0 : i32
    %c0_i32_0 = arith.constant 0 : i32
    return %arg0, %c0_i32 : i32, i32
  }
}

module attributes {stable_mosaic.version = 14 : i64} {
  func.func @_final_body(%arg0: i32, %arg1: memref<1000x128xf32, #tpu.memory_space<vmem>>, %arg2: memref<1000x128xf32, #tpu.memory_space<vmem>>, %arg3: memref<1000x1xf32, #tpu.memory_space<vmem>>, %arg4: memref<1x128xf32, #tpu.memory_space<vmem>>, %arg5: memref<1000x128xf32, #tpu.memory_space<vmem>>) attributes {dimension_semantics = [#tpu.dimension_semantics<arbitrary>], iteration_bounds = array<i64: 10>, scalar_prefetch = 0 : i64, scratch_operands = 0 : i64, tpu.core_type = #tpu.core_type<tc>, window_params = [{transform_indices = @transform_0, window_bounds = array<i64: 1000, 128>}, {transform_indices = @transform_1, window_bounds = array<i64: 1000, 128>}, {transform_indices = @transform_2, window_bounds = array<i64: 1000, 1>}, {pipeline_mode = #tpu.pipeline_mode<synchronous>, transform_indices = @transform_3, window_bounds = array<i64: 1, 128>}, {transform_indices = @transform_4, window_bounds = array<i64: 1000, 128>}]} {
    %get3A = arith.constant 0 : index
    %get3A_0 = arith.constant 0 : index
    %get3A_1 = vector.load %arg3[%get3A, %get3A_0] : memref<1000x1xf32, #tpu.memory_space<vmem>>, vector<1000x1xf32>
    %get3A_2 = arith.constant 0 : index
    %get3A_3 = arith.constant 0 : index
    %get3A_4 = vector.load %arg1[%get3A_2, %get3A_3] : memref<1000x128xf32, #tpu.memory_space<vmem>>, vector<1000x128xf32>
    %get3A_5 = arith.constant 0 : index
    %get3A_6 = arith.constant 0 : index
    %get3A_7 = vector.load %arg2[%get3A_5, %get3A_6] : memref<1000x128xf32, #tpu.memory_space<vmem>>, vector<1000x128xf32>
    %add3A = arith.addf %get3A_4, %get3A_7 : vector<1000x128xf32>
    %mul3A = vector.broadcast %get3A_1 : vector<1000x1xf32> to vector<1000x128xf32>
    %mul3A_8 = arith.mulf %mul3A, %add3A : vector<1000x128xf32>
    %get3A_9 = arith.constant 0 : index
    %get3A_10 = arith.constant 0 : index
    %get3A_11 = vector.load %arg4[%get3A_9, %get3A_10] : memref<1x128xf32, #tpu.memory_space<vmem>>, vector<1x128xf32>
    %add3A_12 = vector.broadcast %get3A_11 : vector<1x128xf32> to vector<1000x128xf32>
    %add3A_13 = arith.addf %mul3A_8, %add3A_12 : vector<1000x128xf32>
    %max3A = arith.constant 0.000000e+00 : f32
    %max3A_14 = vector.broadcast %max3A : f32 to vector<1000x128xf32>
    %max3A_15 = arith.maximumf %add3A_13, %max3A_14 : vector<1000x128xf32>
    %swap3A = arith.constant 0 : index
    %swap3A_16 = arith.constant 0 : index
    %swap3A_17 = vector.load %arg5[%swap3A, %swap3A_16] : memref<1000x128xf32, #tpu.memory_space<vmem>>, vector<1000x128xf32>
    tpu.vector_store %arg5[%swap3A, %swap3A_16], %max3A_15 {strides = array<i32>} : memref<1000x128xf32, #tpu.memory_space<vmem>>, vector<1000x128xf32>,
    return
  }
  func.func @transform_0(%arg0: i32) -> (i32, i32) {
    %c0_i32 = arith.constant 0 : i32
    %c0_i32_0 = arith.constant 0 : i32
    return %arg0, %c0_i32 : i32, i32
  }
  func.func @transform_1(%arg0: i32) -> (i32, i32) {
    %c0_i32 = arith.constant 0 : i32
    %c0_i32_0 = arith.constant 0 : i32
    return %arg0, %c0_i32 : i32, i32
  }
  func.func @transform_2(%arg0: i32) -> (i32, i32) {
    %c0_i32 = arith.constant 0 : i32
    %c0_i32_0 = arith.constant 0 : i32
    return %arg0, %c0_i32 : i32, i32
  }
  func.func @transform_3(%arg0: i32) -> (i32, i32) {
    %c0_i32 = arith.constant 0 : i32
    %c0_i32_0 = arith.constant 0 : i32
    %c0_i32_1 = arith.constant 0 : i32
    return %c0_i32, %c0_i32_0 : i32, i32
  }
  func.func @transform_4(%arg0: i32) -> (i32, i32) {
    %c0_i32 = arith.constant 0 : i32
    %c0_i32_0 = arith.constant 0 : i32
    return %arg0, %c0_i32 : i32, i32
  }
}

</mosaic_0001>

<sc_bundles>
// kernel: kernel.13.cloned.1.call-start
scs
__scs_entry_jumppad:
0x0: {  	(pc) =	sbr.rel $0x88, $3  }
0x1: {  	(tag) =	ssettag $0x0;
	lr =	simm.s32 $0x1  }
0x2: {  	[smem:$0x3F95] =	sst lr;
	_ =	strace $0xD0000000  }
0x3: {  	_ = 	snop  }
0x4: {  	_ = 	snop  }
0x5: {  	_ = 	snop  }
0x6: {  	_ = 	snop  }
0x7: {  	_ = 	snop  }
__scs_overlays_trampoline_lowered:
0x8: {  	[smem:$0x3FA4] =	sst s0  }
0x9: {  	[smem:$0x3FA5] =	sst s1  }
0xa: {  	[smem:$0x3FA6] =	sst s2  }
0xb: {  	[smem:$0x3FA7] =	sst s3  }
0xc: {  	[smem:$0x3FA8] =	sst s4  }
0xd: {  	[smem:$0x3FA9] =	sst s5  }
0xe: {  	[smem:$0x3FAA] =	sst s6  }
0xf: {  	[smem:$0x3FAB] =	sst s7  }
0x10: {  	[smem:$0x3FAC] =	sst s8  }
0x11: {  	[smem:$0x3FAD] =	sst s9;
	s0 =	simm.s32 @!p0 $0x0  }
0x12: {  	s1 =	sld [smem:$0x3F93];
	s0 =	simm.s32 @p0 $0x1  }
0x13: {  	[smem:$0x3FAE] =	sst s0;
	s0 =	simm.s32 @!p1 $0x0  }
0x14: {  	s2 =	sld [smem:$0x3F92];
	s0 =	simm.s32 @p1 $0x1  }
0x15: {  	[smem:$0x3FAF] =	sst s0;
	s0 =	simm.s32 @!p2 $0x0  }
0x16: {  	s3 =	sld [smem:$0x3FDB];
	s0 =	simm.s32 @p2 $0x1  }
0x17: {  	s4 =	simm.s32 $0x1BF5;
	[smem:$0x3FB1] =	sst s0  }
0x18: {  	s0 =	sld [smem:$0x3F94];
	_ =	swait.ge [sflag:s4], $0x0  }
0x19: {  	s7 =	sld [smem:$0x3F95]  }
0x1a: {  	s8 =	sadd.s32 $0xFFFFE003, lr  }
0x1b: {  	s9 =	sadd.s32 $0xFFFFFEF7, lr;
	s5 =	simm.s32 $0xFFFFFFFF;
	p2 =	slt.u32 s8, $0xFFFFF086  }
0x1c: {  	p1 =	slt.u32 s9, $0xF7A;
	s5 =	simm.s32 @!p2 $0x0  }
0x1d: {  	s5 =	simm.s32 @p1 $0x1;
	p0 =	seq.s32 s7, s2  }
0x1e: {  	s7 =	smul.u32 @!p0 $0xF7A, s2;
	p2 =	seq.s32 @!p0 s5, $0x0  }
0x1f: {  	s9 =	smul.u32 $0xF7A, s1;
	s8 =	simm.s32 @!p0 $0x1BF5;
	p2 =	por !p2, p0  }
0x20: {  	[sflag:s8] =	ssyncset.s32 @!p0 $0xFFFFF086;
	s6 =	sadd.s32 @!p0 s3, s7;
	s7 =	simm.s32 @!p0 $0x108  }
0x21: {  	s3 =	sadd.s32 s3, s9;
	s6 =	sadd.s32 @!p0 $0x88, s6;
	s7 =	simm.s32 @p2 $0x1082  }
0x22: {  	[simem:s7], [sflag:s8] =	dma.local @!p0 [hbm:s6], $0xF7A  }
0x23: {  	s9 =	sor.u32 $0xD0000000, s2;
	s6 =	simm.s32 $0x108;
	_ =	swait.ge @!p0 [sflag:s8], $0x0  }
0x24: {  	s3 =	sadd.s32 $0x88, s3;
	s6 =	simm.s32 @!p1 $0x1082;
	[sflag:s4] =	ssyncset.s32 $0xFFFFF086  }
0x25: {  	[simem:s6], [sflag:s4] =	dma.local [hbm:s3], $0xF7A  }
0x26: {  	[smem:$0x3F95] =	sst s1;
	(tag) =	ssettag s2;
	_ =	strace s9  }
0x27: {  	s1 =	sld [smem:$0x3FA5]  }
0x28: {  	s2 =	sld [smem:$0x3FA6]  }
0x29: {  	s4 =	sld [smem:$0x3FA8]  }
0x2a: {  	p0 =	seq.s32 s5, $0x0;
	s5 =	sld [smem:$0x3FA9]  }
0x2b: {  	s6 =	sld [smem:$0x3FAA]  }
0x2c: {  	s7 =	sld [smem:$0x3FAB]  }
0x2d: {  	s3 =	simm.s32 $0x108;
	s8 =	sld [smem:$0x3FAC]  }
0x2e: {  	s3 =	simm.s32 @!p0 $0x1082;
	s9 =	sld [smem:$0x3FAD]  }
0x2f: {  	lr =	sadd.s32 s0, s3;
	s0 =	sld [smem:$0x3FA4]  }
0x30: {  	s3 =	sld [smem:$0x3FA7]  }
0x31: {  	[smem:$0x3FB0] =	sst s10  }
0x32: {  	s10 =	sld [smem:$0x3FAE];
	_ =	sdelay $0x3  }
0x33: {  	p0 =	seq.s32 s10, $0x1;
	s10 =	sld [smem:$0x3FB0];
	_ =	sdelay $0x3  }
0x34: {  	[smem:$0x3FB0] =	sst s10  }
0x35: {  	s10 =	sld [smem:$0x3FAF];
	_ =	sdelay $0x3  }
0x36: {  	p1 =	seq.s32 s10, $0x1;
	s10 =	sld [smem:$0x3FB0];
	_ =	sdelay $0x3  }
0x37: {  	[smem:$0x3FB0] =	sst s10  }
0x38: {  	s10 =	sld [smem:$0x3FB1]  }
0x39: {  	_ = 	snop;
	(pc) =	sbr.ind lr, $3  }
0x3a: {  	_ = 	snop  }
0x3b: {  	_ = 	snop  }
0x3c: {  	p2 =	seq.s32 s10, $0x1;
	s10 =	sld [smem:$0x3FB0]  }
0x3d: {  	_ =	shalt  }
0x3e: {  	_ =	shalt  }
0x3f: {  	_ =	shalt  }
0x40: {  	_ =	shalt  }
0x41: {  	_ =	shalt  }
0x42: {  	_ =	shalt  }
0x43: {  	_ =	shalt  }
0x44: {  	_ =	shalt  }
0x45: {  	_ =	shalt  }
0x46: {  	_ =	shalt  }
0x47: {  	_ =	shalt  }
0x48: {  	_ =	shalt  }
0x49: {  	_ =	shalt  }
0x4a: {  	_ =	shalt  }
0x4b: {  	_ =	shalt  }
0x4c: {  	_ =	shalt  }
0x4d: {  	_ =	shalt  }
0x4e: {  	_ =	shalt  }
0x4f: {  	_ =	shalt  }
0x50: {  	_ =	shalt  }
0x51: {  	_ =	shalt  }
0x52: {  	_ =	shalt  }
0x53: {  	_ =	shalt  }
0x54: {  	_ =	shalt  }
0x55: {  	_ =	shalt  }
0x56: {  	_ =	shalt  }
0x57: {  	_ =	shalt  }
0x58: {  	_ =	shalt  }
0x59: {  	_ =	shalt  }
0x5a: {  	_ =	shalt  }
0x5b: {  	_ =	shalt  }
0x5c: {  	_ =	shalt  }
0x5d: {  	_ =	shalt  }
0x5e: {  	_ =	shalt  }
0x5f: {  	_ =	shalt  }
0x60: {  	_ =	shalt  }
0x61: {  	_ =	shalt  }
0x62: {  	_ =	shalt  }
0x63: {  	_ =	shalt  }
0x64: {  	_ =	shalt  }
0x65: {  	_ =	shalt  }
0x66: {  	_ =	shalt  }
0x67: {  	_ =	shalt  }
0x68: {  	_ =	shalt  }
0x69: {  	_ =	shalt  }
0x6a: {  	_ =	shalt  }
0x6b: {  	_ =	shalt  }
0x6c: {  	_ =	shalt  }
0x6d: {  	_ =	shalt  }
0x6e: {  	_ =	shalt  }
0x6f: {  	_ =	shalt  }
0x70: {  	_ =	shalt  }
0x71: {  	_ =	shalt  }
0x72: {  	_ =	shalt  }
0x73: {  	_ =	shalt  }
0x74: {  	_ =	shalt  }
0x75: {  	_ =	shalt  }
0x76: {  	_ =	shalt  }
0x77: {  	_ =	shalt  }
0x78: {  	_ =	shalt  }
0x79: {  	_ =	shalt  }
0x7a: {  	_ =	shalt  }
0x7b: {  	_ =	shalt  }
0x7c: {  	_ =	shalt  }
0x7d: {  	_ =	shalt  }
0x7e: {  	_ =	shalt  }
0x7f: {  	_ =	shalt  }
0x80: {  	_ =	shalt  }
0x81: {  	_ =	shalt  }
0x82: {  	_ =	shalt  }
0x83: {  	_ =	shalt  }
0x84: {  	_ =	shalt  }
0x85: {  	_ =	shalt  }
0x86: {  	_ =	shalt  }
0x87: {  	_ =	shalt  }
.Lfunc_end0:
.L_simem_size_0:
called_computation_lowered:
.L_overlay_start_0:
0x88: {  	s2 =	sld [smem:$0x3FD9]  }
0x89: {  	s3 =	sld [smem:$0x3FFE];
	_ =	sdelay $0x1  }
0x8a: {  	s1 =	srdreg.scid  }
0x8b: {  	s0 =	sand.u32 $0x1, s1  }
0x8c: {  	s17 =	sshll.u32 s0, $0xA;
	s2 =	sadd.s32 s3, s2  }
0x8d: {  	s2 =	sadd.s32 s2, s17  }
0x8e: {  	[smem:$0x3FBC] =	sst s2  }
0x8f: {  	_ = 	snop  }
0x90: {  	s2 =	sld [smem:$0x3FD0];
	(tm) =	ssettm $0x1  }
0x91: {  	s18 =	sld [smem:$0x3FFB];
	_ =	sdelay $0x3  }
0x92: {  	_ =	strace s18  }
0x93: {  	s3 =	sld [smem:$0x3FFC];
	_ =	sdelay $0x3  }
0x94: {  	_ =	strace s3  }
0x95: {  	s3 =	sld [smem:$0x3FFD];
	_ =	sdelay $0x3  }
0x96: {  	_ =	strace s3  }
0x97: {  	_ =	strace $0x8FFFFFFF  }
0x98: {  	s19 =	sld [smem:$0x3FDB];
	_ =	sdelay $0x1  }
0x99: {  	s4 =	simm.s32 $_scs_section_size  }
0x9a: {  	s5 =	simm.s32 $_size__tile_overlayer_lowered;
	s6 =	simm.s32 $_tile_overlayer_lowered  }
0x9b: {  	s22 =	simm.s32 $0x1BFF;
	s21 =	sshll.u32 s6, $0x1;
	s3 =	sadd.s32 s4, s19  }
0x9c: {  	s7 =	simm.s32 $0x0;
	s20 =	sshll.u32 s5, $0x1;
	s5 =	sadd.s32 s21, s3  }
0x9d: {  	[timem:s7], [sflag:s22] =	dma.local [hbm:s5], s20  }
0x9e: {  	_ =	swait.ge [sflag:s22], s20  }
0x9f: {  	s4 =	ssub.s32 $0x0, s20;
	[sflag:s22] =	ssyncset.done $0x0  }
0xa0: {  	[sflag:s22] =	ssyncadd.s32 s4;
	_ =	sdelay $0x1  }
0xa1: {  	s23 =	simm.s32 $0x1B8B  }
0xa2: {  	_ =	swait.ge [sflag:s23], $0x1  }
0xa3: {  	[sflag:s23] =	ssyncset.done $0x0  }
0xa4: {  	s25 =	simm.s32 $0x1B8E;
	s24 =	sld [smem:$0x3FFE];
	[sflag:s23] =	ssyncadd.s32 $0xFFFFFFFF  }
0xa5: {  	s26 =	simm.s32 $execute0_lowered;
	[smem:$0x3FD2] =	sst s25  }
0xa6: {  	s5 =	sshll.u32 s26, $0x1;
	_ =	strace $0x80000046;
	[dreg:$0x1] =	wrdreg $0xFFFFFFFF  }
0xa7: {  	s28 =	simm.s32 $_size_execute0_lowered;
	s3 =	sadd.s32 s3, s5;
	[dreg:$0x0] =	wrdreg $0x0  }
0xa8: {  	s5 =	sshll.u32 s28, $0x1;
	[dreg:$0x2] =	wrdreg s3  }
0xa9: {  	[dreg:$0x3] =	wrdreg s5  }
0xaa: {  	[dreg:$0x4] =	wrdreg $0xC0  }
0xab: {  	_ =	task [dreg:s7], $0x5FFFF  }
0xac: {  	[dreg:$0x1] =	wrdreg $0xFFFFFFFF  }
0xad: {  	[dreg:$0x0] =	wrdreg $0x60  }
0xae: {  	[dreg:$0x2] =	wrdreg s2  }
0xaf: {  	[dreg:$0x3] =	wrdreg s24  }
0xb0: {  	[dreg:$0x4] =	wrdreg $0x48000  }
0xb1: {  	[dreg:$0x5] =	wrdreg $0x9  }
0xb2: {  	_ =	task.clear_ibuf [dreg:s7], $0x6FFFF;
	_ =	strace $0x90000046  }
0xb3: {  	s29 =	simm.s32 $0x9;
	_ =	strace $0x80000048  }
0xb4: {  	_ =	swait.ge [sflag:s29], $0x1  }
0xb5: {  	[sflag:s29] =	ssyncadd.s32 $0xFFFFFFFF  }
0xb6: {  	_ =	strace $0x90000048  }
0xb7: {  	_ =	sfence  }
0xb8: {  	s30 =	sld [smem:$0x0];
	_ =	sdelay $0x2  }
0xb9: {  	s31 =	sshll.u32 s1, $0xD;
	s1 =	sshrl.u32 s1, $0x2  }
0xba: {  	s3 =	sand.u32 $0x4000, s31;
	s1 =	sadd.s32 s1, s30  }
0xbb: {  	s0 =	sor.u32 s3, s0;
	s1 =	sshll.u32 s1, $0x11  }
0xbc: {  	s0 =	sor.u32 s1, s0  }
0xbd: {  	s0 =	sadd.s32 $0x8F2B, s0  }
0xbe: {  	[sflag:s0] =	ssyncadd.remote.s32 $0x1  }
0xbf: {  	_ =	sfence.sel $0xFFFF  }
0xc0: {  	[dreg:$0x0] =	wrdreg $0xFFFFFFFF;
	(pc) =	sbr.abs _section_cstart, $3  }
0xc1: {  	[dreg:$0x1] =	wrdreg $0xFFFFFFFF  }
0xc2: {  	_ =	task.clear_ibuf [dreg:s7], $0x2FFFF;
	_ =	strace $0x9FFFFFFF  }
0xc3: {  	(tm) =	ssettm $0x7FFFFFFF  }
tec
execute0_lowered:
.L_overlay_start_1:
0x0: {  	(tag) =	ssettag $0x1  }
0x1: {  	s0 =	rddreg [dreg:$0x0]  }
0x2: {  	s1 =	srdreg.scid;
	s4 =	rddreg [dreg:$0x1]  }
0x3: {  	s23 =	stileid.u32;
	s2 =	rddreg [dreg:$0x2];
	s12 =	simm.s32 $0x3  }
0x4: {  	s15 =	simm.s32 $0x2;
	s16 =	simm.s32 $0x400;
	s17 =	simm.s32 $0x80  }
0x5: {  	s18 =	simm.s32 $0x100;
	s28 =	simm.s32 $0x480;
	s29 =	simm.s32 $0x500  }
0x6: {  	s30 =	simm.s32 $0x580;
	s31 =	simm.s32 $0x600;
	s6 =	smul.u32 $0x50000, s23  }
0x7: {  	s1 =	sand.u32 $0x1, s1;
	s3 =	sshll.u32 s23, $0x1;
	s10 =	smul.u32 $0x13C00, s23  }
0x8: {  	s9 =	sadd.s32 $0x4400, s4;
	s11 =	sadd.s32 $0x4C00, s4;
	s22 =	smul.u32 $0x4F000, s23  }
0x9: {  	s4 =	sadd.s32 $0x7400, s4;
	s25 =	smul.u32 $0xA00, s23;
	s26 =	sshll.u32 s23, $0x6  }
0xa: {  	p0 =	seq.s32 s23, $0xF;
	s23 =	simm.s32 $0x380;
	s5 =	sor.u32 s1, s3  }
0xb: {  	s3 =	simm.s32 $0x0;
	s7 =	ssub.s32 $0x2, s1;
	s8 =	smul.u32 $0x138800, s1  }
0xc: {  	s1 =	smul.u32 $0x500, s1;
	s13 =	sor.u32 $0x1C03, s26;
	s26 =	simm.s32 $0x1  }
0xd: {  	s5 =	smul.u32 $0x500, s5;
	[smem:$0x7FF] =	sst s3;
	s19 =	sshrl.u32 s7, $0x1  }
0xe: {  	s20 =	sshrl.u32 s6, $0x2;
	_ =	strace $0x80000047;
	[dreg:$0x4] =	wrdreg s9  }
0xf: {  	[dreg:$0x5] =	wrdreg s11;
	s7 =	ssub.s32 s7, s19;
	s21 =	sadd.s32 s10, s8  }
0x10: {  	s24 =	sshrl.u32 s8, $0x3;
	s9 =	sshrl.u32 s22, $0x2;
	s11 =	simm.s32 $0x800  }
0x11: {  	s19 =	simm.s32 $0x180;
	s22 =	simm.s32 $0x300;
	s5 =	sadd.s32 s0, s5  }
0x12: {  	s6 =	sshrl.u32 s21, $0x3;
	s0 =	sadd.s32 s25, s0;
	s7 =	smax.u32 s7, $0x1  }
0x13: {  	s21 =	simm.s32 $0x280;
	[dreg:$0x6] =	wrdreg s5;
	s5 =	sadd.s32 s20, s2  }
0x14: {  	s6 =	sadd.s32 s4, s6;
	s4 =	sadd.s32 s4, s24;
	[dreg:$0x9] =	wrdreg s7  }
0x15: {  	s0 =	sadd.s32 s1, s0;
	s20 =	simm.s32 $0x200;
	s1 =	simm.s32 $0x680  }
0x16: {  	[dreg:$0x7] =	wrdreg s6;
	s6 =	sadd.s32 s9, s2;
	s4 =	sadd.s32 $0x25080, s4  }
0x17: {  	s7 =	sadd.s32 $0x80, s0;
	s14 =	sshrl.u32 s5, $0x3;
	s0 =	simm.s32 $0x700  }
0x18: {  	s5 =	simm.s32 $0x0;
	[dreg:$0x8] =	wrdreg s4;
	s4 =	sadd.s32 $0x128400, s2  }
0x19: {  	s25 =	sshrl.u32 @!p0 s6, $0x3;
	s24 =	sshrl.u32 @p0 s4, $0x3;
	s4 =	simm.s32 $0x780  }
.LBB2_1:
0x1a: {  	s6 =	rddreg [dreg:$0x6]  }
0x1b: {  	[tilespmem:s3], [sflag:$0x2] =	stream.linear.gather [hbm4b:s6+s3], $0x400, $0x38;
	[tilespmem:$0x18800] =	vst v63  }
0x1c: {  	s9 =	rddreg [dreg:$0x4]  }
0x1d: {  	[tilespmem:s11], [sflag:$0x3] =	stream.linear.gather [hbm4b:s9+s3], $0x4000, $0x38;
	[tilespmem:$0x18800] =	vst v63  }
0x1e: {  	_ =	swait.ge [sflag:s12], $0x4000  }
0x1f: {  	[sflag:s12] =	ssyncset.done $0x0  }
0x20: {  	s10 =	rddreg [dreg:$0x5];
	[sflag:s12] =	ssyncadd.s32 $0xFFFFC000  }
0x21: {  	[spmem:s14], [sflag:s13] =	dma.local [hbm:s10], $0x2800  }
0x22: {  	_ =	swait.ge [sflag:s12], $0x2800  }
0x23: {  	[sflag:s12] =	ssyncset.done $0x0  }
0x24: {  	[sflag:s12] =	ssyncadd.s32 $0xFFFFD800  }
0x25: {  	[bflag:$0x0] =	sbarrier.arrive $0xFFFF  }
0x26: {  	_ =	swait.ge [sflag:s15], $0x400  }
0x27: {  	[sflag:s15] =	ssyncset.done $0x0  }
0x28: {  	[sflag:s15] =	ssyncadd.s32 $0xFFFFFC00  }
0x29: {  	[tilespmem:s16], [sflag:$0x2] =	stream.linear.gather [hbm4b:s7+s3], $0x400, $0x38;
	[tilespmem:$0x18800] =	vst v63  }
0x2a: {  	_ = 	snop  }
0x2b: {  	[spmem:s2] =	stream.indirect.scatter.add.f32 [tilespmem:s11], [sflag:$0x1], $0x80, s3, s17, $0xb8;
	[tilespmem:$0x18800] =	vst v63  }
0x2c: {  	_ = 	snop  }
0x2d: {  	[spmem:s2] =	stream.indirect.scatter.add.f32 [tilespmem:s11], [sflag:$0x1], $0x80, s17, s17, $0xb8;
	[tilespmem:$0x18800] =	vst v63  }
0x2e: {  	_ = 	snop  }
0x2f: {  	[spmem:s2] =	stream.indirect.scatter.add.f32 [tilespmem:s11], [sflag:$0x1], $0x80, s18, s17, $0xb8;
	[tilespmem:$0x18800] =	vst v63  }
0x30: {  	_ = 	snop  }
0x31: {  	[spmem:s2] =	stream.indirect.scatter.add.f32 [tilespmem:s11], [sflag:$0x1], $0x80, s19, s17, $0xb8;
	[tilespmem:$0x18800] =	vst v63  }
0x32: {  	_ = 	snop  }
0x33: {  	[spmem:s2] =	stream.indirect.scatter.add.f32 [tilespmem:s11], [sflag:$0x1], $0x80, s20, s17, $0xb8;
	[tilespmem:$0x18800] =	vst v63  }
0x34: {  	_ = 	snop  }
0x35: {  	[spmem:s2] =	stream.indirect.scatter.add.f32 [tilespmem:s11], [sflag:$0x1], $0x80, s21, s17, $0xb8;
	[tilespmem:$0x18800] =	vst v63  }
0x36: {  	_ = 	snop  }
0x37: {  	[spmem:s2] =	stream.indirect.scatter.add.f32 [tilespmem:s11], [sflag:$0x1], $0x80, s22, s17, $0xb8;
	[tilespmem:$0x18800] =	vst v63  }
0x38: {  	_ = 	snop  }
0x39: {  	[spmem:s2] =	stream.indirect.scatter.add.f32 [tilespmem:s11], [sflag:$0x1], $0x80, s23, s17, $0xb8;
	[tilespmem:$0x18800] =	vst v63  }
0x3a: {  	_ =	swait.ge [sflag:s26], $0x4000  }
0x3b: {  	[sflag:s26] =	ssyncset.done $0x0  }
0x3c: {  	[sflag:s26] =	ssyncadd.s32 $0xFFFFC000  }
0x3d: {  	_ =	swait.ge [sflag:s26], $0x4000  }
0x3e: {  	[sflag:s26] =	ssyncset.done $0x0  }
0x3f: {  	[sflag:s26] =	ssyncadd.s32 $0xFFFFC000  }
0x40: {  	_ =	swait.ge [sflag:s26], $0x4000  }
0x41: {  	[sflag:s26] =	ssyncset.done $0x0  }
0x42: {  	[sflag:s26] =	ssyncadd.s32 $0xFFFFC000  }
0x43: {  	_ =	swait.ge [sflag:s26], $0x4000  }
0x44: {  	[sflag:s26] =	ssyncset.done $0x0  }
0x45: {  	[sflag:s26] =	ssyncadd.s32 $0xFFFFC000  }
0x46: {  	_ =	swait.ge [sflag:s26], $0x4000  }
0x47: {  	[sflag:s26] =	ssyncset.done $0x0  }
0x48: {  	[sflag:s26] =	ssyncadd.s32 $0xFFFFC000  }
0x49: {  	_ =	swait.ge [sflag:s26], $0x4000  }
0x4a: {  	[sflag:s26] =	ssyncset.done $0x0  }
0x4b: {  	[sflag:s26] =	ssyncadd.s32 $0xFFFFC000  }
0x4c: {  	_ =	swait.ge [sflag:s26], $0x4000  }
0x4d: {  	[sflag:s26] =	ssyncset.done $0x0  }
0x4e: {  	[sflag:s26] =	ssyncadd.s32 $0xFFFFC000  }
0x4f: {  	_ =	swait.ge [sflag:s26], $0x4000  }
0x50: {  	[sflag:s26] =	ssyncset.done $0x0  }
0x51: {  	[sflag:s26] =	ssyncadd.s32 $0xFFFFC000  }
0x52: {  	_ =	swait.ge [sflag:s15], $0x400  }
0x53: {  	p1 =	por $0x0, $0x0;
	[sflag:s15] =	ssyncset.done $0x0  }
0x54: {  	s6 =	sadd.s32 @!p1 $0x80, s7;
	s8 =	simm.s32 @!p1 $0x0;
	[sflag:s15] =	ssyncadd.s32 $0xFFFFFC00  }
0x55: {  	[tilespmem:s8], [sflag:$0x2] =	stream.linear.gather @!p1 [hbm4b:s6+s8], $0x400, $0x38;
	[tilespmem:$0x18800] =	vst v63  }
0x56: {  	_ = 	snop  }
0x57: {  	[spmem:s2] =	stream.indirect.scatter.add.f32 [tilespmem:s11], [sflag:$0x1], $0x80, s16, s17, $0xb8;
	[tilespmem:$0x18800] =	vst v63  }
0x58: {  	_ = 	snop  }
0x59: {  	[spmem:s2] =	stream.indirect.scatter.add.f32 [tilespmem:s11], [sflag:$0x1], $0x80, s28, s17, $0xb8;
	[tilespmem:$0x18800] =	vst v63  }
0x5a: {  	_ = 	snop  }
0x5b: {  	[spmem:s2] =	stream.indirect.scatter.add.f32 [tilespmem:s11], [sflag:$0x1], $0x80, s29, s17, $0xb8;
	[tilespmem:$0x18800] =	vst v63  }
0x5c: {  	_ = 	snop  }
0x5d: {  	[spmem:s2] =	stream.indirect.scatter.add.f32 [tilespmem:s11], [sflag:$0x1], $0x80, s30, s17, $0xb8;
	[tilespmem:$0x18800] =	vst v63  }
0x5e: {  	_ = 	snop  }
0x5f: {  	[spmem:s2] =	stream.indirect.scatter.add.f32 [tilespmem:s11], [sflag:$0x1], $0x80, s31, s17, $0xb8;
	[tilespmem:$0x18800] =	vst v63  }
0x60: {  	_ = 	snop  }
0x61: {  	[spmem:s2] =	stream.indirect.scatter.add.f32 [tilespmem:s11], [sflag:$0x1], $0x80, s1, s17, $0xb8;
	[tilespmem:$0x18800] =	vst v63  }
0x62: {  	_ = 	snop  }
0x63: {  	[spmem:s2] =	stream.indirect.scatter.add.f32 [tilespmem:s11], [sflag:$0x1], $0x80, s0, s17, $0xb8;
	[tilespmem:$0x18800] =	vst v63  }
0x64: {  	_ = 	snop  }
0x65: {  	[spmem:s2] =	stream.indirect.scatter.add.f32 [tilespmem:s11], [sflag:$0x1], $0x80, s4, s17, $0xb8;
	[tilespmem:$0x18800] =	vst v63  }
0x66: {  	_ =	swait.ge [sflag:s26], $0x4000  }
0x67: {  	[sflag:s26] =	ssyncset.done $0x0  }
0x68: {  	[sflag:s26] =	ssyncadd.s32 $0xFFFFC000  }
0x69: {  	_ =	swait.ge [sflag:s26], $0x4000  }
0x6a: {  	[sflag:s26] =	ssyncset.done $0x0  }
0x6b: {  	[sflag:s26] =	ssyncadd.s32 $0xFFFFC000  }
0x6c: {  	_ =	swait.ge [sflag:s26], $0x4000  }
0x6d: {  	[sflag:s26] =	ssyncset.done $0x0  }
0x6e: {  	[sflag:s26] =	ssyncadd.s32 $0xFFFFC000  }
0x6f: {  	_ =	swait.ge [sflag:s26], $0x4000  }
0x70: {  	[sflag:s26] =	ssyncset.done $0x0  }
0x71: {  	[sflag:s26] =	ssyncadd.s32 $0xFFFFC000  }
0x72: {  	_ =	swait.ge [sflag:s26], $0x4000  }
0x73: {  	[sflag:s26] =	ssyncset.done $0x0  }
0x74: {  	[sflag:s26] =	ssyncadd.s32 $0xFFFFC000  }
0x75: {  	_ =	swait.ge [sflag:s26], $0x4000  }
0x76: {  	[sflag:s26] =	ssyncset.done $0x0  }
0x77: {  	[sflag:s26] =	ssyncadd.s32 $0xFFFFC000  }
0x78: {  	_ =	swait.ge [sflag:s26], $0x4000  }
0x79: {  	[sflag:s26] =	ssyncset.done $0x0  }
0x7a: {  	[sflag:s26] =	ssyncadd.s32 $0xFFFFC000  }
0x7b: {  	_ =	swait.ge [sflag:s26], $0x4000  }
0x7c: {  	s10 =	smov.u32 s7;
	s6 =	simm.s32 $0x3;
	[sflag:s26] =	ssyncset.done $0x0  }
.LBB2_2:
0x7d: {  	[sflag:s26] =	ssyncadd.s32 $0xFFFFC000  }
0x7e: {  	s10 =	sadd.s32 $0x100, s10;
	s8 =	smov.u32 s6;
	s6 =	sadd.s32 $0x2, s6  }
0x7f: {  	_ =	swait.ge [sflag:s15], $0x400;
	p1 =	sne.s32 s6, $0xB  }
0x80: {  	[sflag:s15] =	ssyncset.done $0x0  }
0x81: {  	[sflag:s15] =	ssyncadd.s32 $0xFFFFFC00  }
0x82: {  	[tilespmem:s16], [sflag:$0x2] =	stream.linear.gather [hbm4b:s10+s3], $0x400, $0x38;
	[tilespmem:$0x18800] =	vst v63  }
0x83: {  	_ = 	snop  }
0x84: {  	[spmem:s2] =	stream.indirect.scatter.add.f32 [tilespmem:s11], [sflag:$0x1], $0x80, s3, s17, $0xb8;
	[tilespmem:$0x18800] =	vst v63  }
0x85: {  	_ = 	snop  }
0x86: {  	[spmem:s2] =	stream.indirect.scatter.add.f32 [tilespmem:s11], [sflag:$0x1], $0x80, s17, s17, $0xb8;
	[tilespmem:$0x18800] =	vst v63  }
0x87: {  	_ = 	snop  }
0x88: {  	[spmem:s2] =	stream.indirect.scatter.add.f32 [tilespmem:s11], [sflag:$0x1], $0x80, s18, s17, $0xb8;
	[tilespmem:$0x18800] =	vst v63  }
0x89: {  	_ = 	snop  }
0x8a: {  	[spmem:s2] =	stream.indirect.scatter.add.f32 [tilespmem:s11], [sflag:$0x1], $0x80, s19, s17, $0xb8;
	[tilespmem:$0x18800] =	vst v63  }
0x8b: {  	_ = 	snop  }
0x8c: {  	[spmem:s2] =	stream.indirect.scatter.add.f32 [tilespmem:s11], [sflag:$0x1], $0x80, s20, s17, $0xb8;
	[tilespmem:$0x18800] =	vst v63  }
0x8d: {  	_ = 	snop  }
0x8e: {  	[spmem:s2] =	stream.indirect.scatter.add.f32 [tilespmem:s11], [sflag:$0x1], $0x80, s21, s17, $0xb8;
	[tilespmem:$0x18800] =	vst v63  }
0x8f: {  	_ = 	snop  }
0x90: {  	[spmem:s2] =	stream.indirect.scatter.add.f32 [tilespmem:s11], [sflag:$0x1], $0x80, s22, s17, $0xb8;
	[tilespmem:$0x18800] =	vst v63  }
0x91: {  	_ = 	snop  }
0x92: {  	[spmem:s2] =	stream.indirect.scatter.add.f32 [tilespmem:s11], [sflag:$0x1], $0x80, s23, s17, $0xb8;
	[tilespmem:$0x18800] =	vst v63  }
0x93: {  	_ =	swait.ge [sflag:s26], $0x4000  }
0x94: {  	[sflag:s26] =	ssyncset.done $0x0  }
0x95: {  	[sflag:s26] =	ssyncadd.s32 $0xFFFFC000  }
0x96: {  	_ =	swait.ge [sflag:s26], $0x4000  }
0x97: {  	[sflag:s26] =	ssyncset.done $0x0  }
0x98: {  	[sflag:s26] =	ssyncadd.s32 $0xFFFFC000  }
0x99: {  	_ =	swait.ge [sflag:s26], $0x4000  }
0x9a: {  	[sflag:s26] =	ssyncset.done $0x0  }
0x9b: {  	[sflag:s26] =	ssyncadd.s32 $0xFFFFC000  }
0x9c: {  	_ =	swait.ge [sflag:s26], $0x4000  }
0x9d: {  	[sflag:s26] =	ssyncset.done $0x0  }
0x9e: {  	[sflag:s26] =	ssyncadd.s32 $0xFFFFC000  }
0x9f: {  	_ =	swait.ge [sflag:s26], $0x4000  }
0xa0: {  	[sflag:s26] =	ssyncset.done $0x0  }
0xa1: {  	[sflag:s26] =	ssyncadd.s32 $0xFFFFC000  }
0xa2: {  	_ =	swait.ge [sflag:s26], $0x4000  }
0xa3: {  	[sflag:s26] =	ssyncset.done $0x0  }
0xa4: {  	[sflag:s26] =	ssyncadd.s32 $0xFFFFC000  }
0xa5: {  	_ =	swait.ge [sflag:s26], $0x4000  }
0xa6: {  	[sflag:s26] =	ssyncset.done $0x0  }
0xa7: {  	[sflag:s26] =	ssyncadd.s32 $0xFFFFC000  }
0xa8: {  	_ =	swait.ge [sflag:s26], $0x4000  }
0xa9: {  	[sflag:s26] =	ssyncset.done $0x0  }
0xaa: {  	[sflag:s26] =	ssyncadd.s32 $0xFFFFC000  }
0xab: {  	_ =	swait.ge [sflag:s15], $0x400  }
0xac: {  	p2 =	sgt.u32 s8, $0x8;
	[sflag:s15] =	ssyncset.done $0x0  }
0xad: {  	s8 =	sadd.s32 @!p2 $0x80, s10;
	s9 =	simm.s32 @!p2 $0x0;
	[sflag:s15] =	ssyncadd.s32 $0xFFFFFC00  }
0xae: {  	[tilespmem:s9], [sflag:$0x2] =	stream.linear.gather @!p2 [hbm4b:s8+s9], $0x400, $0x38;
	[tilespmem:$0x18800] =	vst v63  }
0xaf: {  	_ = 	snop  }
0xb0: {  	[spmem:s2] =	stream.indirect.scatter.add.f32 [tilespmem:s11], [sflag:$0x1], $0x80, s16, s17, $0xb8;
	[tilespmem:$0x18800] =	vst v63  }
0xb1: {  	_ = 	snop  }
0xb2: {  	[spmem:s2] =	stream.indirect.scatter.add.f32 [tilespmem:s11], [sflag:$0x1], $0x80, s28, s17, $0xb8;
	[tilespmem:$0x18800] =	vst v63  }
0xb3: {  	_ = 	snop  }
0xb4: {  	[spmem:s2] =	stream.indirect.scatter.add.f32 [tilespmem:s11], [sflag:$0x1], $0x80, s29, s17, $0xb8;
	[tilespmem:$0x18800] =	vst v63  }
0xb5: {  	_ = 	snop  }
0xb6: {  	[spmem:s2] =	stream.indirect.scatter.add.f32 [tilespmem:s11], [sflag:$0x1], $0x80, s30, s17, $0xb8;
	[tilespmem:$0x18800] =	vst v63  }
0xb7: {  	_ = 	snop  }
0xb8: {  	[spmem:s2] =	stream.indirect.scatter.add.f32 [tilespmem:s11], [sflag:$0x1], $0x80, s31, s17, $0xb8;
	[tilespmem:$0x18800] =	vst v63  }
0xb9: {  	_ = 	snop  }
0xba: {  	[spmem:s2] =	stream.indirect.scatter.add.f32 [tilespmem:s11], [sflag:$0x1], $0x80, s1, s17, $0xb8;
	[tilespmem:$0x18800] =	vst v63  }
0xbb: {  	_ = 	snop  }
0xbc: {  	[spmem:s2] =	stream.indirect.scatter.add.f32 [tilespmem:s11], [sflag:$0x1], $0x80, s0, s17, $0xb8;
	[tilespmem:$0x18800] =	vst v63  }
0xbd: {  	_ = 	snop  }
0xbe: {  	[spmem:s2] =	stream.indirect.scatter.add.f32 [tilespmem:s11], [sflag:$0x1], $0x80, s4, s17, $0xb8;
	[tilespmem:$0x18800] =	vst v63  }
0xbf: {  	_ =	swait.ge [sflag:s26], $0x4000  }
0xc0: {  	[sflag:s26] =	ssyncset.done $0x0  }
0xc1: {  	[sflag:s26] =	ssyncadd.s32 $0xFFFFC000  }
0xc2: {  	_ =	swait.ge [sflag:s26], $0x4000  }
0xc3: {  	[sflag:s26] =	ssyncset.done $0x0  }
0xc4: {  	[sflag:s26] =	ssyncadd.s32 $0xFFFFC000  }
0xc5: {  	_ =	swait.ge [sflag:s26], $0x4000  }
0xc6: {  	[sflag:s26] =	ssyncset.done $0x0  }
0xc7: {  	[sflag:s26] =	ssyncadd.s32 $0xFFFFC000  }
0xc8: {  	_ =	swait.ge [sflag:s26], $0x4000  }
0xc9: {  	[sflag:s26] =	ssyncset.done $0x0  }
0xca: {  	[sflag:s26] =	ssyncadd.s32 $0xFFFFC000  }
0xcb: {  	_ =	swait.ge [sflag:s26], $0x4000  }
0xcc: {  	[sflag:s26] =	ssyncset.done $0x0  }
0xcd: {  	[sflag:s26] =	ssyncadd.s32 $0xFFFFC000  }
0xce: {  	_ =	swait.ge [sflag:s26], $0x4000  }
0xcf: {  	[sflag:s26] =	ssyncset.done $0x0  }
0xd0: {  	[sflag:s26] =	ssyncadd.s32 $0xFFFFC000  }
.Ltmp0:
0xd1: {  	_ =	swait.ge [sflag:s26], $0x4000;
	(pc) =	sbr.rel @p1 .LBB2_2-.Ltmp0, $4  }
0xd2: {  	[sflag:s26] =	ssyncset.done $0x0  }
0xd3: {  	[sflag:s26] =	ssyncadd.s32 $0xFFFFC000  }
0xd4: {  	_ =	swait.ge [sflag:s26], $0x4000  }
0xd5: {  	[sflag:s26] =	ssyncset.done $0x0  }
0xd6: {  	[sflag:s26] =	ssyncadd.s32 $0xFFFFC000  }
0xd7: {  	[bflag:$0x0] =	sbarrier.arrive $0xFFFF  }
0xd8: {  	s6 =	rddreg [dreg:$0x8]  }
0xd9: {  	[hbm:s6], [sflag:s13] =	dma.local @p0 [spmem:s24], $0x2080  }
0xda: {  	s6 =	simm.s32 @p0 $0x3  }
0xdb: {  	_ =	swait.ge @p0 [sflag:s6], $0x2080  }
0xdc: {  	[sflag:s6] =	ssyncset.done @p0 $0x0  }
0xdd: {  	[sflag:s6] =	ssyncadd.s32 @p0 $0xFFFFDF80;
	s6 =	rddreg [dreg:$0x7]  }
0xde: {  	[hbm:s6], [sflag:s13] =	dma.local @!p0 [spmem:s25], $0x2780  }
0xdf: {  	s6 =	simm.s32 @!p0 $0x3  }
0xe0: {  	_ =	swait.ge @!p0 [sflag:s6], $0x2780  }
0xe1: {  	s5 =	sadd.s32 $0x1, s5;
	s8 =	rddreg [dreg:$0x9]  }
0xe2: {  	p1 =	sne.s32 s5, s8  }
.Ltmp1:
0xe3: {  	_ = 	snop;
	(pc) =	sbr.rel @p1 .LBB2_1-.Ltmp1, $3  }
0xe4: {  	_ =	sdelay $0x1  }
0xe5: {  	[sflag:s6] =	ssyncset.done @!p0 $0x0  }
0xe6: {  	[sflag:s6] =	ssyncadd.s32 @!p0 $0xFFFFD880  }
0xe7: {  	_ =	sfence.sel $0x180000  }
0xe8: {  	[bflag:$0x0] =	sbarrier.arrive $0xFFFF  }
0xe9: {  	_ =	strace $0x90000047  }
0xea: {  	s0 =	stileid.u32;
	[bflag:$0x2] =	sbarrier.arrive $0xFFFF  }
0xeb: {  	p0 =	sne.s32 s0, $0x0;
	s0 =	rddreg [dreg:$0x3]  }
0xec: {  	s0 =	sadd.s32 @!p0 $0x100000, s0  }
0xed: {  	[sflag:s0] =	ssyncadd.tile.s32 @!p0 $0x1;
	_ =	shalt  }
.Lfunc_end2:
_tile_overlayer_lowered:
.L_overlay_start_2:
0xee: {  	(tag) =	ssettag $0x2  }
0xef: {  	s0 =	rddreg [dreg:$0x0];
	s2 =	stileid.u32  }
0xf0: {  	s1 =	rddreg [dreg:$0x1];
	p0 =	sne.s32 s2, $0x0  }
0xf1: {  	s3 =	rddreg [dreg:$0x2];
	[bflag:$0x3] =	sbarrier.arrive $0xFFFF;
	s2 =	simm.s32 @!p0 $0x1C03  }
0xf2: {  	[timem:s3], [sflag:s2] =	dma.local @!p0 [hbm:s0], s1  }
0xf3: {  	s0 =	simm.s32 @!p0 $0x3  }
0xf4: {  	_ =	swait.ge @!p0 [sflag:s0], s1  }
0xf5: {  	s1 =	ssub.s32 @!p0 $0x0, s1;
	[sflag:s0] =	ssyncset.done @!p0 $0x0  }
0xf6: {  	[sflag:s0] =	ssyncadd.s32 @!p0 s1  }
0xf7: {  	[bflag:$0x3] =	sbarrier.arrive $0xFFFF  }
0xf8: {  	_ =	shalt  }

// kernel: kernel.16.cloned.1.call-start
scs
__scs_entry_jumppad:
0x0: {  	(pc) =	sbr.rel $0x88, $3  }
0x1: {  	(tag) =	ssettag $0x0;
	lr =	simm.s32 $0x1  }
0x2: {  	[smem:$0x3F95] =	sst lr;
	_ =	strace $0xD0000000  }
0x3: {  	_ = 	snop  }
0x4: {  	_ = 	snop  }
0x5: {  	_ = 	snop  }
0x6: {  	_ = 	snop  }
0x7: {  	_ = 	snop  }
__scs_overlays_trampoline_lowered:
0x8: {  	[smem:$0x3FA4] =	sst s0  }
0x9: {  	[smem:$0x3FA5] =	sst s1  }
0xa: {  	[smem:$0x3FA6] =	sst s2  }
0xb: {  	[smem:$0x3FA7] =	sst s3  }
0xc: {  	[smem:$0x3FA8] =	sst s4  }
0xd: {  	[smem:$0x3FA9] =	sst s5  }
0xe: {  	[smem:$0x3FAA] =	sst s6  }
0xf: {  	[smem:$0x3FAB] =	sst s7  }
0x10: {  	[smem:$0x3FAC] =	sst s8  }
0x11: {  	[smem:$0x3FAD] =	sst s9;
	s0 =	simm.s32 @!p0 $0x0  }
0x12: {  	s1 =	sld [smem:$0x3F93];
	s0 =	simm.s32 @p0 $0x1  }
0x13: {  	[smem:$0x3FAE] =	sst s0;
	s0 =	simm.s32 @!p1 $0x0  }
0x14: {  	s2 =	sld [smem:$0x3F92];
	s0 =	simm.s32 @p1 $0x1  }
0x15: {  	[smem:$0x3FAF] =	sst s0;
	s0 =	simm.s32 @!p2 $0x0  }
0x16: {  	s3 =	sld [smem:$0x3FDB];
	s0 =	simm.s32 @p2 $0x1  }
0x17: {  	s4 =	simm.s32 $0x1BF5;
	[smem:$0x3FB1] =	sst s0  }
0x18: {  	s0 =	sld [smem:$0x3F94];
	_ =	swait.ge [sflag:s4], $0x0  }
0x19: {  	s7 =	sld [smem:$0x3F95]  }
0x1a: {  	s8 =	sadd.s32 $0xFFFFE003, lr  }
0x1b: {  	s9 =	sadd.s32 $0xFFFFFEF7, lr;
	s5 =	simm.s32 $0xFFFFFFFF;
	p2 =	slt.u32 s8, $0xFFFFF086  }
0x1c: {  	p1 =	slt.u32 s9, $0xF7A;
	s5 =	simm.s32 @!p2 $0x0  }
0x1d: {  	s5 =	simm.s32 @p1 $0x1;
	p0 =	seq.s32 s7, s2  }
0x1e: {  	s7 =	smul.u32 @!p0 $0xF7A, s2;
	p2 =	seq.s32 @!p0 s5, $0x0  }
0x1f: {  	s9 =	smul.u32 $0xF7A, s1;
	s8 =	simm.s32 @!p0 $0x1BF5;
	p2 =	por !p2, p0  }
0x20: {  	[sflag:s8] =	ssyncset.s32 @!p0 $0xFFFFF086;
	s6 =	sadd.s32 @!p0 s3, s7;
	s7 =	simm.s32 @!p0 $0x108  }
0x21: {  	s3 =	sadd.s32 s3, s9;
	s6 =	sadd.s32 @!p0 $0x88, s6;
	s7 =	simm.s32 @p2 $0x1082  }
0x22: {  	[simem:s7], [sflag:s8] =	dma.local @!p0 [hbm:s6], $0xF7A  }
0x23: {  	s9 =	sor.u32 $0xD0000000, s2;
	s6 =	simm.s32 $0x108;
	_ =	swait.ge @!p0 [sflag:s8], $0x0  }
0x24: {  	s3 =	sadd.s32 $0x88, s3;
	s6 =	simm.s32 @!p1 $0x1082;
	[sflag:s4] =	ssyncset.s32 $0xFFFFF086  }
0x25: {  	[simem:s6], [sflag:s4] =	dma.local [hbm:s3], $0xF7A  }
0x26: {  	[smem:$0x3F95] =	sst s1;
	(tag) =	ssettag s2;
	_ =	strace s9  }
0x27: {  	s1 =	sld [smem:$0x3FA5]  }
0x28: {  	s2 =	sld [smem:$0x3FA6]  }
0x29: {  	s4 =	sld [smem:$0x3FA8]  }
0x2a: {  	p0 =	seq.s32 s5, $0x0;
	s5 =	sld [smem:$0x3FA9]  }
0x2b: {  	s6 =	sld [smem:$0x3FAA]  }
0x2c: {  	s7 =	sld [smem:$0x3FAB]  }
0x2d: {  	s3 =	simm.s32 $0x108;
	s8 =	sld [smem:$0x3FAC]  }
0x2e: {  	s3 =	simm.s32 @!p0 $0x1082;
	s9 =	sld [smem:$0x3FAD]  }
0x2f: {  	lr =	sadd.s32 s0, s3;
	s0 =	sld [smem:$0x3FA4]  }
0x30: {  	s3 =	sld [smem:$0x3FA7]  }
0x31: {  	[smem:$0x3FB0] =	sst s10  }
0x32: {  	s10 =	sld [smem:$0x3FAE];
	_ =	sdelay $0x3  }
0x33: {  	p0 =	seq.s32 s10, $0x1;
	s10 =	sld [smem:$0x3FB0];
	_ =	sdelay $0x3  }
0x34: {  	[smem:$0x3FB0] =	sst s10  }
0x35: {  	s10 =	sld [smem:$0x3FAF];
	_ =	sdelay $0x3  }
0x36: {  	p1 =	seq.s32 s10, $0x1;
	s10 =	sld [smem:$0x3FB0];
	_ =	sdelay $0x3  }
0x37: {  	[smem:$0x3FB0] =	sst s10  }
0x38: {  	s10 =	sld [smem:$0x3FB1]  }
0x39: {  	_ = 	snop;
	(pc) =	sbr.ind lr, $3  }
0x3a: {  	_ = 	snop  }
0x3b: {  	_ = 	snop  }
0x3c: {  	p2 =	seq.s32 s10, $0x1;
	s10 =	sld [smem:$0x3FB0]  }
0x3d: {  	_ =	shalt  }
0x3e: {  	_ =	shalt  }
0x3f: {  	_ =	shalt  }
0x40: {  	_ =	shalt  }
0x41: {  	_ =	shalt  }
0x42: {  	_ =	shalt  }
0x43: {  	_ =	shalt  }
0x44: {  	_ =	shalt  }
0x45: {  	_ =	shalt  }
0x46: {  	_ =	shalt  }
0x47: {  	_ =	shalt  }
0x48: {  	_ =	shalt  }
0x49: {  	_ =	shalt  }
0x4a: {  	_ =	shalt  }
0x4b: {  	_ =	shalt  }
0x4c: {  	_ =	shalt  }
0x4d: {  	_ =	shalt  }
0x4e: {  	_ =	shalt  }
0x4f: {  	_ =	shalt  }
0x50: {  	_ =	shalt  }
0x51: {  	_ =	shalt  }
0x52: {  	_ =	shalt  }
0x53: {  	_ =	shalt  }
0x54: {  	_ =	shalt  }
0x55: {  	_ =	shalt  }
0x56: {  	_ =	shalt  }
0x57: {  	_ =	shalt  }
0x58: {  	_ =	shalt  }
0x59: {  	_ =	shalt  }
0x5a: {  	_ =	shalt  }
0x5b: {  	_ =	shalt  }
0x5c: {  	_ =	shalt  }
0x5d: {  	_ =	shalt  }
0x5e: {  	_ =	shalt  }
0x5f: {  	_ =	shalt  }
0x60: {  	_ =	shalt  }
0x61: {  	_ =	shalt  }
0x62: {  	_ =	shalt  }
0x63: {  	_ =	shalt  }
0x64: {  	_ =	shalt  }
0x65: {  	_ =	shalt  }
0x66: {  	_ =	shalt  }
0x67: {  	_ =	shalt  }
0x68: {  	_ =	shalt  }
0x69: {  	_ =	shalt  }
0x6a: {  	_ =	shalt  }
0x6b: {  	_ =	shalt  }
0x6c: {  	_ =	shalt  }
0x6d: {  	_ =	shalt  }
0x6e: {  	_ =	shalt  }
0x6f: {  	_ =	shalt  }
0x70: {  	_ =	shalt  }
0x71: {  	_ =	shalt  }
0x72: {  	_ =	shalt  }
0x73: {  	_ =	shalt  }
0x74: {  	_ =	shalt  }
0x75: {  	_ =	shalt  }
0x76: {  	_ =	shalt  }
0x77: {  	_ =	shalt  }
0x78: {  	_ =	shalt  }
0x79: {  	_ =	shalt  }
0x7a: {  	_ =	shalt  }
0x7b: {  	_ =	shalt  }
0x7c: {  	_ =	shalt  }
0x7d: {  	_ =	shalt  }
0x7e: {  	_ =	shalt  }
0x7f: {  	_ =	shalt  }
0x80: {  	_ =	shalt  }
0x81: {  	_ =	shalt  }
0x82: {  	_ =	shalt  }
0x83: {  	_ =	shalt  }
0x84: {  	_ =	shalt  }
0x85: {  	_ =	shalt  }
0x86: {  	_ =	shalt  }
0x87: {  	_ =	shalt  }
.Lfunc_end0:
.L_simem_size_0:
called_computation.1_lowered:
.L_overlay_start_0:
0x88: {  	s2 =	sld [smem:$0x3FD9]  }
0x89: {  	s3 =	sld [smem:$0x3FFE];
	_ =	sdelay $0x1  }
0x8a: {  	s1 =	srdreg.scid  }
0x8b: {  	s0 =	sand.u32 $0x1, s1  }
0x8c: {  	s17 =	sshll.u32 s0, $0xA;
	s2 =	sadd.s32 s3, s2  }
0x8d: {  	s2 =	sadd.s32 s2, s17  }
0x8e: {  	[smem:$0x3FBC] =	sst s2  }
0x8f: {  	_ = 	snop  }
0x90: {  	s2 =	sld [smem:$0x3FD0];
	(tm) =	ssettm $0x1  }
0x91: {  	s18 =	sld [smem:$0x3FFB];
	_ =	sdelay $0x3  }
0x92: {  	_ =	strace s18  }
0x93: {  	s3 =	sld [smem:$0x3FFC];
	_ =	sdelay $0x3  }
0x94: {  	_ =	strace s3  }
0x95: {  	s3 =	sld [smem:$0x3FFD];
	_ =	sdelay $0x3  }
0x96: {  	_ =	strace s3  }
0x97: {  	_ =	strace $0x8FFFFFFF  }
0x98: {  	s19 =	sld [smem:$0x3FDB];
	_ =	sdelay $0x1  }
0x99: {  	s4 =	simm.s32 $_scs_section_size  }
0x9a: {  	s5 =	simm.s32 $_size__tile_overlayer_lowered;
	s6 =	simm.s32 $_tile_overlayer_lowered  }
0x9b: {  	s22 =	simm.s32 $0x1BFF;
	s21 =	sshll.u32 s6, $0x1;
	s3 =	sadd.s32 s4, s19  }
0x9c: {  	s7 =	simm.s32 $0x0;
	s20 =	sshll.u32 s5, $0x1;
	s5 =	sadd.s32 s21, s3  }
0x9d: {  	[timem:s7], [sflag:s22] =	dma.local [hbm:s5], s20  }
0x9e: {  	_ =	swait.ge [sflag:s22], s20  }
0x9f: {  	s4 =	ssub.s32 $0x0, s20;
	[sflag:s22] =	ssyncset.done $0x0  }
0xa0: {  	[sflag:s22] =	ssyncadd.s32 s4;
	_ =	sdelay $0x1  }
0xa1: {  	s23 =	simm.s32 $0x1B8B  }
0xa2: {  	_ =	swait.ge [sflag:s23], $0x1  }
0xa3: {  	[sflag:s23] =	ssyncset.done $0x0  }
0xa4: {  	s25 =	simm.s32 $0x1B8E;
	s24 =	sld [smem:$0x3FFE];
	[sflag:s23] =	ssyncadd.s32 $0xFFFFFFFF  }
0xa5: {  	s26 =	simm.s32 $execute0_lowered;
	[smem:$0x3FD2] =	sst s25  }
0xa6: {  	s5 =	sshll.u32 s26, $0x1;
	_ =	strace $0x80000049;
	[dreg:$0x1] =	wrdreg $0xFFFFFFFF  }
0xa7: {  	s28 =	simm.s32 $_size_execute0_lowered;
	s3 =	sadd.s32 s3, s5;
	[dreg:$0x0] =	wrdreg $0x0  }
0xa8: {  	s5 =	sshll.u32 s28, $0x1;
	[dreg:$0x2] =	wrdreg s3  }
0xa9: {  	[dreg:$0x3] =	wrdreg s5  }
0xaa: {  	[dreg:$0x4] =	wrdreg $0xC0  }
0xab: {  	_ =	task [dreg:s7], $0x5FFFF  }
0xac: {  	[dreg:$0x1] =	wrdreg $0xFFFFFFFF  }
0xad: {  	[dreg:$0x0] =	wrdreg $0x60  }
0xae: {  	[dreg:$0x2] =	wrdreg s2  }
0xaf: {  	[dreg:$0x3] =	wrdreg s24  }
0xb0: {  	[dreg:$0x4] =	wrdreg $0x20000  }
0xb1: {  	[dreg:$0x5] =	wrdreg $0x158800  }
0xb2: {  	[dreg:$0x6] =	wrdreg $0x9  }
0xb3: {  	_ =	task.clear_ibuf [dreg:s7], $0x7FFFF;
	_ =	strace $0x90000049  }
0xb4: {  	s29 =	simm.s32 $0x9;
	_ =	strace $0x8000004B  }
0xb5: {  	_ =	swait.ge [sflag:s29], $0x1  }
0xb6: {  	[sflag:s29] =	ssyncadd.s32 $0xFFFFFFFF  }
0xb7: {  	_ =	strace $0x9000004B  }
0xb8: {  	_ =	sfence  }
0xb9: {  	s30 =	sld [smem:$0x0];
	_ =	sdelay $0x2  }
0xba: {  	s31 =	sshll.u32 s1, $0xD;
	s1 =	sshrl.u32 s1, $0x2  }
0xbb: {  	s3 =	sand.u32 $0x4000, s31;
	s1 =	sadd.s32 s1, s30  }
0xbc: {  	s0 =	sor.u32 s3, s0;
	s1 =	sshll.u32 s1, $0x11  }
0xbd: {  	s0 =	sor.u32 s1, s0  }
0xbe: {  	s0 =	sadd.s32 $0x8F2B, s0  }
0xbf: {  	[sflag:s0] =	ssyncadd.remote.s32 $0x1  }
0xc0: {  	_ =	sfence.sel $0xFFFF  }
0xc1: {  	[dreg:$0x0] =	wrdreg $0xFFFFFFFF;
	(pc) =	sbr.abs _section_cstart, $3  }
0xc2: {  	[dreg:$0x1] =	wrdreg $0xFFFFFFFF  }
0xc3: {  	_ =	task.clear_ibuf [dreg:s7], $0x2FFFF;
	_ =	strace $0x9FFFFFFF  }
0xc4: {  	(tm) =	ssettm $0x7FFFFFFF  }
0xc5: {  	_ =	shalt  }
tec
execute0_lowered:
.L_overlay_start_1:
0x0: {  	(tag) =	ssettag $0x1  }
0x1: {  	s0 =	rddreg [dreg:$0x0]  }
0x2: {  	s3 =	rddreg [dreg:$0x1]  }
0x3: {  	s1 =	rddreg [dreg:$0x2]  }
0x4: {  	s2 =	rddreg [dreg:$0x3];
	s19 =	stileid.u32  }
0x5: {  	s4 =	simm.s32 $0x0;
	s20 =	srdreg.scid;
	s8 =	smul.u32 $0x28000, s19  }
0x6: {  	s28 =	simm.s32 $0xC00;
	s29 =	simm.s32 $0x1000;
	s10 =	smul.u32 $0x5000, s19  }
0x7: {  	s30 =	simm.s32 $0x1800;
	s31 =	simm.s32 $0x1;
	s11 =	smul.u32 $0x4F000, s19  }
0x8: {  	[smem:$0x7FF] =	sst s4;
	s5 =	sadd.s32 $0x55600, s3;
	s13 =	smul.u32 $0x2780, s19  }
0x9: {  	s6 =	sadd.s32 $0x5F600, s3;
	s4 =	sand.u32 $0x1, s20;
	s15 =	smul.u32 $0x27000, s19  }
0xa: {  	s7 =	sadd.s32 $0x4400, s3;
	s3 =	sadd.s32 $0x5800, s3;
	s17 =	smul.u32 $0x1380, s19  }
0xb: {  	s23 =	sshll.u32 s19, $0x6;
	s20 =	sadd.s32 $0x128400, s1;
	s14 =	smul.u32 $0x14, s19  }
0xc: {  	p0 =	seq.s32 s19, $0xF;
	s19 =	simm.s32 $0x4;
	_ =	strace $0x8000004A  }
0xd: {  	[dreg:$0x5] =	wrdreg s7;
	s21 =	ssub.s32 $0x2, s4;
	s16 =	smul.u32 $0x13880, s4  }
0xe: {  	s9 =	sshrl.u32 s21, $0x1;
	s22 =	sshrl.u32 s8, $0x2;
	s8 =	smul.u32 $0x50000, s4  }
0xf: {  	s12 =	sshrl.u32 s10, $0x3;
	s24 =	sshrl.u32 s11, $0x2;
	s4 =	smul.u32 $0x9C400, s4  }
0x10: {  	s25 =	sshrl.u32 s15, $0x2;
	s7 =	ssub.s32 s21, s9;
	s18 =	sadd.s32 s22, s2  }
0x11: {  	s9 =	sor.u32 $0x1C04, s23;
	s12 =	sadd.s32 s5, s12;
	s26 =	sadd.s32 s17, s16  }
0x12: {  	s21 =	sshrl.u32 @p0 s20, $0x3;
	s23 =	simm.s32 $0x3;
	[dreg:$0x6] =	wrdreg s12  }
0x13: {  	s10 =	sadd.s32 s10, s8;
	s12 =	sadd.s32 s0, s13;
	s13 =	sadd.s32 $0x25080, s0  }
0x14: {  	s0 =	sadd.s32 s25, s2;
	s4 =	sshrl.u32 s4, $0x3;
	s15 =	sadd.s32 s3, s26  }
0x15: {  	s17 =	smax.u32 s7, $0x1;
	s18 =	sshrl.u32 s18, $0x3;
	s26 =	simm.s32 $0x400  }
0x16: {  	s10 =	sshrl.u32 s10, $0x3;
	s3 =	sadd.s32 s3, s4;
	s25 =	sshrl.u32 @!p0 s0, $0x3  }
0x17: {  	s0 =	simm.s32 $0x2;
	s4 =	simm.s32 $0x0;
	s10 =	sadd.s32 s6, s10  }
0x18: {  	[dreg:$0x7] =	wrdreg s10;
	s10 =	sadd.s32 s24, s1;
	s24 =	sadd.s32 $0x92400, s2  }
0x19: {  	vm0 =	vmmov $0xffff;
	s16 =	sadd.s32 $0x12480, s3;
	s22 =	sshrl.u32 @!p0 s10, $0x3;
	s24 =	sshrl.u32 @p0 s24, $0x3  }
.LBB2_1:
0x1a: {  	s3 =	rddreg [dreg:$0x5]  }
0x1b: {  	[spmem:s18], [sflag:s9] =	dma.local [hbm:s3], $0x1400  }
0x1c: {  	_ =	swait.ge [sflag:s19], $0x1400  }
0x1d: {  	[sflag:s19] =	ssyncset.done $0x0  }
0x1e: {  	s11 =	simm.s32 $0x0;
	s7 =	rddreg [dreg:$0x6];
	[sflag:s19] =	ssyncadd.s32 $0xFFFFEC00  }
0x1f: {  	[tilespmem:s11], [sflag:$0x3] =	stream.linear.gather [hbm4b:s7+s11], $0x400, $0x38;
	[tilespmem:$0x1F880] =	vst v63  }
0x20: {  	s10 =	simm.s32 $0x800;
	s3 =	simm.s32 @p0 $0x4;
	s20 =	rddreg [dreg:$0x7]  }
0x21: {  	[tilespmem:s10], [sflag:$0x3] =	stream.linear.gather [hbm4b:s20+s11], $0x400, $0x38;
	[tilespmem:$0x1F880] =	vst v63  }
0x22: {  	[spmem:s21], [sflag:s9] =	dma.local @p0 [hbm:s13], $0x2080  }
0x23: {  	_ =	swait.ge @p0 [sflag:s3], $0x2080  }
0x24: {  	[sflag:s3] =	ssyncset.done @p0 $0x0  }
0x25: {  	[sflag:s3] =	ssyncadd.s32 @p0 $0xFFFFDF80;
	s3 =	simm.s32 @!p0 $0x4  }
0x26: {  	[spmem:s22], [sflag:s9] =	dma.local @!p0 [hbm:s12], $0x2780  }
0x27: {  	_ =	swait.ge @!p0 [sflag:s3], $0x2780  }
0x28: {  	[sflag:s3] =	ssyncset.done @!p0 $0x0  }
0x29: {  	[sflag:s3] =	ssyncadd.s32 @!p0 $0xFFFFD880  }
0x2a: {  	s20 =	simm.s32 $0x0;
	[bflag:$0x0] =	sbarrier.arrive $0xFFFF  }
.LBB2_2:
0x2b: {  	_ =	swait.ge [sflag:s23], $0x400  }
0x2c: {  	s3 =	sshll.u32 s20, $0x1;
	[sflag:s23] =	ssyncset.done $0x0  }
0x2d: {  	s7 =	sadd.s32 s14, s3;
	[sflag:s23] =	ssyncadd.s32 $0xFFFFFC00  }
0x2e: {  	s7 =	sshll.u32 s7, $0xA;
	_ =	swait.ge [sflag:s23], $0x400  }
0x2f: {  	s10 =	sor.u32 $0x400, s7;
	[sflag:s23] =	ssyncset.done $0x0  }
0x30: {  	s7 =	sshrl.u32 s10, $0x3;
	s10 =	sadd.s32 s8, s10;
	[sflag:s23] =	ssyncadd.s32 $0xFFFFFC00  }
0x31: {  	s11 =	sadd.s32 s5, s7;
	s7 =	simm.s32 $0x0;
	s10 =	sshrl.u32 s10, $0x3  }
0x32: {  	[tilespmem:s26], [sflag:$0x3] =	stream.linear.gather [hbm4b:s11+s7], $0x400, $0x38;
	[tilespmem:$0x1F880] =	vst v63  }
0x33: {  	s10 =	sadd.s32 s6, s10  }
0x34: {  	[tilespmem:s28], [sflag:$0x3] =	stream.linear.gather [hbm4b:s10+s7], $0x400, $0x38;
	[tilespmem:$0x1F880] =	vst v63  }
.LBB2_3:
0x35: {  	s10 =	sshra.s32 s7, $0x2  }
0x36: {  	v0 =	vld [tilespmem:s10+$0x0];
	_ =	sdelay $0x7  }
0x37: {  	[tilespmem:s29], [sflag:$0x1] =	stream.indirect_vreg.gather [spmem:s1], $0x80, v0, vm0, $0xb8;
	[tilespmem:$0x1F880] =	vst v63  }
0x38: {  	v0 =	vld [tilespmem:s10+$0x10];
	_ =	sdelay $0x7  }
0x39: {  	[tilespmem:s30], [sflag:$0x1] =	stream.indirect_vreg.gather [spmem:s1], $0x80, v0, vm0, $0xb8;
	[tilespmem:$0x1F880] =	vst v63  }
0x3a: {  	_ =	swait.ge [sflag:s31], $0x800  }
0x3b: {  	[sflag:s31] =	ssyncset.done $0x0  }
0x3c: {  	[sflag:s31] =	ssyncadd.s32 $0xFFFFF800  }
0x3d: {  	v50 =	vld [tilespmem:s10+$0x800];
	_ =	sdelay $0x7  }
0x3e: {  	[spmem:s2] =	stream.indirect_vreg.scatter.add.f32 [tilespmem:s29], [sflag:$0x2], $0x80, v50, vm0, $0xb8;
	[tilespmem:$0x1F880] =	vst v63  }
0x3f: {  	_ =	swait.ge [sflag:s0], $0x800  }
0x40: {  	[sflag:s0] =	ssyncset.done $0x0  }
0x41: {  	[sflag:s0] =	ssyncadd.s32 $0xFFFFF800  }
0x42: {  	v51 =	vld [tilespmem:s10+$0x20];
	_ =	sdelay $0x7  }
0x43: {  	[tilespmem:s29], [sflag:$0x1] =	stream.indirect_vreg.gather [spmem:s1], $0x80, v51, vm0, $0xb8;
	[tilespmem:$0x1F880] =	vst v63  }
0x44: {  	_ =	swait.ge [sflag:s31], $0x800  }
0x45: {  	[sflag:s31] =	ssyncset.done $0x0  }
0x46: {  	[sflag:s31] =	ssyncadd.s32 $0xFFFFF800  }
0x47: {  	v52 =	vld [tilespmem:s10+$0x810];
	_ =	sdelay $0x7  }
0x48: {  	[spmem:s2] =	stream.indirect_vreg.scatter.add.f32 [tilespmem:s30], [sflag:$0x2], $0x80, v52, vm0, $0xb8;
	[tilespmem:$0x1F880] =	vst v63  }
0x49: {  	_ =	swait.ge [sflag:s0], $0x800  }
0x4a: {  	[sflag:s0] =	ssyncset.done $0x0  }
0x4b: {  	[sflag:s0] =	ssyncadd.s32 $0xFFFFF800  }
0x4c: {  	v53 =	vld [tilespmem:s10+$0x30];
	_ =	sdelay $0x7  }
0x4d: {  	[tilespmem:s30], [sflag:$0x1] =	stream.indirect_vreg.gather [spmem:s1], $0x80, v53, vm0, $0xb8;
	[tilespmem:$0x1F880] =	vst v63  }
0x4e: {  	_ =	swait.ge [sflag:s31], $0x800  }
0x4f: {  	[sflag:s31] =	ssyncset.done $0x0  }
0x50: {  	[sflag:s31] =	ssyncadd.s32 $0xFFFFF800  }
0x51: {  	v54 =	vld [tilespmem:s10+$0x820];
	_ =	sdelay $0x7  }
0x52: {  	[spmem:s2] =	stream.indirect_vreg.scatter.add.f32 [tilespmem:s29], [sflag:$0x2], $0x80, v54, vm0, $0xb8;
	[tilespmem:$0x1F880] =	vst v63  }
0x53: {  	_ =	swait.ge [sflag:s0], $0x800  }
0x54: {  	[sflag:s0] =	ssyncset.done $0x0  }
0x55: {  	[sflag:s0] =	ssyncadd.s32 $0xFFFFF800  }
0x56: {  	v55 =	vld [tilespmem:s10+$0x40];
	_ =	sdelay $0x7  }
0x57: {  	[tilespmem:s29], [sflag:$0x1] =	stream.indirect_vreg.gather [spmem:s1], $0x80, v55, vm0, $0xb8;
	[tilespmem:$0x1F880] =	vst v63  }
0x58: {  	_ =	swait.ge [sflag:s31], $0x800  }
0x59: {  	[sflag:s31] =	ssyncset.done $0x0  }
0x5a: {  	[sflag:s31] =	ssyncadd.s32 $0xFFFFF800  }
0x5b: {  	v56 =	vld [tilespmem:s10+$0x830];
	_ =	sdelay $0x7  }
0x5c: {  	[spmem:s2] =	stream.indirect_vreg.scatter.add.f32 [tilespmem:s30], [sflag:$0x2], $0x80, v56, vm0, $0xb8;
	[tilespmem:$0x1F880] =	vst v63  }
0x5d: {  	_ =	swait.ge [sflag:s0], $0x800  }
0x5e: {  	[sflag:s0] =	ssyncset.done $0x0  }
0x5f: {  	[sflag:s0] =	ssyncadd.s32 $0xFFFFF800  }
0x60: {  	v57 =	vld [tilespmem:s10+$0x50];
	_ =	sdelay $0x7  }
0x61: {  	[tilespmem:s30], [sflag:$0x1] =	stream.indirect_vreg.gather [spmem:s1], $0x80, v57, vm0, $0xb8;
	[tilespmem:$0x1F880] =	vst v63  }
0x62: {  	_ =	swait.ge [sflag:s31], $0x800  }
0x63: {  	[sflag:s31] =	ssyncset.done $0x0  }
0x64: {  	[sflag:s31] =	ssyncadd.s32 $0xFFFFF800  }
0x65: {  	v58 =	vld [tilespmem:s10+$0x840];
	_ =	sdelay $0x7  }
0x66: {  	[spmem:s2] =	stream.indirect_vreg.scatter.add.f32 [tilespmem:s29], [sflag:$0x2], $0x80, v58, vm0, $0xb8;
	[tilespmem:$0x1F880] =	vst v63  }
0x67: {  	_ =	swait.ge [sflag:s0], $0x800  }
0x68: {  	[sflag:s0] =	ssyncset.done $0x0  }
0x69: {  	[sflag:s0] =	ssyncadd.s32 $0xFFFFF800  }
0x6a: {  	v59 =	vld [tilespmem:s10+$0x60];
	_ =	sdelay $0x7  }
0x6b: {  	[tilespmem:s29], [sflag:$0x1] =	stream.indirect_vreg.gather [spmem:s1], $0x80, v59, vm0, $0xb8;
	[tilespmem:$0x1F880] =	vst v63  }
0x6c: {  	_ =	swait.ge [sflag:s31], $0x800  }
0x6d: {  	[sflag:s31] =	ssyncset.done $0x0  }
0x6e: {  	[sflag:s31] =	ssyncadd.s32 $0xFFFFF800  }
0x6f: {  	v60 =	vld [tilespmem:s10+$0x850];
	_ =	sdelay $0x7  }
0x70: {  	[spmem:s2] =	stream.indirect_vreg.scatter.add.f32 [tilespmem:s30], [sflag:$0x2], $0x80, v60, vm0, $0xb8;
	[tilespmem:$0x1F880] =	vst v63  }
0x71: {  	_ =	swait.ge [sflag:s0], $0x800  }
0x72: {  	[sflag:s0] =	ssyncset.done $0x0  }
0x73: {  	[sflag:s0] =	ssyncadd.s32 $0xFFFFF800  }
0x74: {  	v61 =	vld [tilespmem:s10+$0x70];
	_ =	sdelay $0x7  }
0x75: {  	[tilespmem:s30], [sflag:$0x1] =	stream.indirect_vreg.gather [spmem:s1], $0x80, v61, vm0, $0xb8;
	[tilespmem:$0x1F880] =	vst v63  }
0x76: {  	_ =	swait.ge [sflag:s31], $0x800  }
0x77: {  	[sflag:s31] =	ssyncset.done $0x0  }
0x78: {  	[sflag:s31] =	ssyncadd.s32 $0xFFFFF800  }
0x79: {  	v62 =	vld [tilespmem:s10+$0x860];
	_ =	sdelay $0x7  }
0x7a: {  	[spmem:s2] =	stream.indirect_vreg.scatter.add.f32 [tilespmem:s29], [sflag:$0x2], $0x80, v62, vm0, $0xb8;
	[tilespmem:$0x1F880] =	vst v63  }
0x7b: {  	_ =	swait.ge [sflag:s31], $0x800  }
0x7c: {  	[sflag:s31] =	ssyncset.done $0x0  }
0x7d: {  	[sflag:s31] =	ssyncadd.s32 $0xFFFFF800  }
0x7e: {  	v63 =	vld [tilespmem:s10+$0x870];
	_ =	sdelay $0x7  }
0x7f: {  	[spmem:s2] =	stream.indirect_vreg.scatter.add.f32 [tilespmem:s30], [sflag:$0x2], $0x80, v63, vm0, $0xb8;
	[tilespmem:$0x1F880] =	vst v63  }
0x80: {  	p1 =	sne.s32 s7, $0xE00;
	_ =	swait.ge [sflag:s0], $0x800  }
.Ltmp0:
0x81: {  	[sflag:s0] =	ssyncset.done $0x0;
	(pc) =	sbr.rel @p1 .LBB2_3-.Ltmp0, $4  }
0x82: {  	[sflag:s0] =	ssyncadd.s32 $0xFFFFF800  }
0x83: {  	_ =	swait.ge [sflag:s0], $0x800  }
0x84: {  	[sflag:s0] =	ssyncset.done $0x0  }
0x85: {  	s7 =	sadd.s32 $0x200, s7;
	[sflag:s0] =	ssyncadd.s32 $0xFFFFF800  }
0x86: {  	s3 =	sor.u32 $0x1, s3  }
0x87: {  	_ =	swait.ge [sflag:s23], $0x400;
	p1 =	sgt.u32 s3, $0x12  }
0x88: {  	[sflag:s23] =	ssyncset.done $0x0;
	s3 =	sadd.s32 @!p1 s14, s3  }
0x89: {  	[sflag:s23] =	ssyncadd.s32 $0xFFFFFC00;
	s3 =	sshll.u32 @!p1 s3, $0xA  }
0x8a: {  	s10 =	simm.s32 @!p1 $0x0;
	_ =	swait.ge [sflag:s23], $0x400;
	s3 =	sadd.s32 @!p1 $0x400, s3  }
0x8b: {  	[sflag:s23] =	ssyncset.done $0x0;
	s7 =	sshrl.u32 @!p1 s3, $0x3;
	s3 =	sadd.s32 @!p1 s8, s3  }
0x8c: {  	[sflag:s23] =	ssyncadd.s32 $0xFFFFFC00;
	s7 =	sadd.s32 @!p1 s5, s7;
	s3 =	sshrl.u32 @!p1 s3, $0x3  }
0x8d: {  	[tilespmem:s10], [sflag:$0x3] =	stream.linear.gather @!p1 [hbm4b:s7+s10], $0x400, $0x38;
	[tilespmem:$0x1F880] =	vst v63  }
0x8e: {  	s3 =	sadd.s32 @!p1 s6, s3;
	s7 =	simm.s32 @!p1 $0x800  }
0x8f: {  	[tilespmem:s7], [sflag:$0x3] =	stream.linear.gather @!p1 [hbm4b:s3+s10], $0x400, $0x38;
	[tilespmem:$0x1F880] =	vst v63  }
0x90: {  	s3 =	simm.s32 $0x0  }
.LBB2_5:
0x91: {  	s7 =	sshra.s32 s3, $0x2  }
0x92: {  	v0 =	vld [tilespmem:s7+$0x400];
	_ =	sdelay $0x7  }
0x93: {  	[tilespmem:s29], [sflag:$0x1] =	stream.indirect_vreg.gather [spmem:s1], $0x80, v0, vm0, $0xb8;
	[tilespmem:$0x1F880] =	vst v63  }
0x94: {  	v0 =	vld [tilespmem:s7+$0x410];
	_ =	sdelay $0x7  }
0x95: {  	[tilespmem:s30], [sflag:$0x1] =	stream.indirect_vreg.gather [spmem:s1], $0x80, v0, vm0, $0xb8;
	[tilespmem:$0x1F880] =	vst v63  }
0x96: {  	_ =	swait.ge [sflag:s31], $0x800  }
0x97: {  	[sflag:s31] =	ssyncset.done $0x0  }
0x98: {  	[sflag:s31] =	ssyncadd.s32 $0xFFFFF800  }
0x99: {  	v50 =	vld [tilespmem:s7+$0xC00];
	_ =	sdelay $0x7  }
0x9a: {  	[spmem:s2] =	stream.indirect_vreg.scatter.add.f32 [tilespmem:s29], [sflag:$0x2], $0x80, v50, vm0, $0xb8;
	[tilespmem:$0x1F880] =	vst v63  }
0x9b: {  	_ =	swait.ge [sflag:s0], $0x800  }
0x9c: {  	[sflag:s0] =	ssyncset.done $0x0  }
0x9d: {  	[sflag:s0] =	ssyncadd.s32 $0xFFFFF800  }
0x9e: {  	v51 =	vld [tilespmem:s7+$0x420];
	_ =	sdelay $0x7  }
0x9f: {  	[tilespmem:s29], [sflag:$0x1] =	stream.indirect_vreg.gather [spmem:s1], $0x80, v51, vm0, $0xb8;
	[tilespmem:$0x1F880] =	vst v63  }
0xa0: {  	_ =	swait.ge [sflag:s31], $0x800  }
0xa1: {  	[sflag:s31] =	ssyncset.done $0x0  }
0xa2: {  	[sflag:s31] =	ssyncadd.s32 $0xFFFFF800  }
0xa3: {  	v52 =	vld [tilespmem:s7+$0xC10];
	_ =	sdelay $0x7  }
0xa4: {  	[spmem:s2] =	stream.indirect_vreg.scatter.add.f32 [tilespmem:s30], [sflag:$0x2], $0x80, v52, vm0, $0xb8;
	[tilespmem:$0x1F880] =	vst v63  }
0xa5: {  	_ =	swait.ge [sflag:s0], $0x800  }
0xa6: {  	[sflag:s0] =	ssyncset.done $0x0  }
0xa7: {  	[sflag:s0] =	ssyncadd.s32 $0xFFFFF800  }
0xa8: {  	v53 =	vld [tilespmem:s7+$0x430];
	_ =	sdelay $0x7  }
0xa9: {  	[tilespmem:s30], [sflag:$0x1] =	stream.indirect_vreg.gather [spmem:s1], $0x80, v53, vm0, $0xb8;
	[tilespmem:$0x1F880] =	vst v63  }
0xaa: {  	_ =	swait.ge [sflag:s31], $0x800  }
0xab: {  	[sflag:s31] =	ssyncset.done $0x0  }
0xac: {  	[sflag:s31] =	ssyncadd.s32 $0xFFFFF800  }
0xad: {  	v54 =	vld [tilespmem:s7+$0xC20];
	_ =	sdelay $0x7  }
0xae: {  	[spmem:s2] =	stream.indirect_vreg.scatter.add.f32 [tilespmem:s29], [sflag:$0x2], $0x80, v54, vm0, $0xb8;
	[tilespmem:$0x1F880] =	vst v63  }
0xaf: {  	_ =	swait.ge [sflag:s0], $0x800  }
0xb0: {  	[sflag:s0] =	ssyncset.done $0x0  }
0xb1: {  	[sflag:s0] =	ssyncadd.s32 $0xFFFFF800  }
0xb2: {  	v55 =	vld [tilespmem:s7+$0x440];
	_ =	sdelay $0x7  }
0xb3: {  	[tilespmem:s29], [sflag:$0x1] =	stream.indirect_vreg.gather [spmem:s1], $0x80, v55, vm0, $0xb8;
	[tilespmem:$0x1F880] =	vst v63  }
0xb4: {  	_ =	swait.ge [sflag:s31], $0x800  }
0xb5: {  	[sflag:s31] =	ssyncset.done $0x0  }
0xb6: {  	[sflag:s31] =	ssyncadd.s32 $0xFFFFF800  }
0xb7: {  	v56 =	vld [tilespmem:s7+$0xC30];
	_ =	sdelay $0x7  }
0xb8: {  	[spmem:s2] =	stream.indirect_vreg.scatter.add.f32 [tilespmem:s30], [sflag:$0x2], $0x80, v56, vm0, $0xb8;
	[tilespmem:$0x1F880] =	vst v63  }
0xb9: {  	_ =	swait.ge [sflag:s0], $0x800  }
0xba: {  	[sflag:s0] =	ssyncset.done $0x0  }
0xbb: {  	[sflag:s0] =	ssyncadd.s32 $0xFFFFF800  }
0xbc: {  	v57 =	vld [tilespmem:s7+$0x450];
	_ =	sdelay $0x7  }
0xbd: {  	[tilespmem:s30], [sflag:$0x1] =	stream.indirect_vreg.gather [spmem:s1], $0x80, v57, vm0, $0xb8;
	[tilespmem:$0x1F880] =	vst v63  }
0xbe: {  	_ =	swait.ge [sflag:s31], $0x800  }
0xbf: {  	[sflag:s31] =	ssyncset.done $0x0  }
0xc0: {  	[sflag:s31] =	ssyncadd.s32 $0xFFFFF800  }
0xc1: {  	v58 =	vld [tilespmem:s7+$0xC40];
	_ =	sdelay $0x7  }
0xc2: {  	[spmem:s2] =	stream.indirect_vreg.scatter.add.f32 [tilespmem:s29], [sflag:$0x2], $0x80, v58, vm0, $0xb8;
	[tilespmem:$0x1F880] =	vst v63  }
0xc3: {  	_ =	swait.ge [sflag:s0], $0x800  }
0xc4: {  	[sflag:s0] =	ssyncset.done $0x0  }
0xc5: {  	[sflag:s0] =	ssyncadd.s32 $0xFFFFF800  }
0xc6: {  	v59 =	vld [tilespmem:s7+$0x460];
	_ =	sdelay $0x7  }
0xc7: {  	[tilespmem:s29], [sflag:$0x1] =	stream.indirect_vreg.gather [spmem:s1], $0x80, v59, vm0, $0xb8;
	[tilespmem:$0x1F880] =	vst v63  }
0xc8: {  	_ =	swait.ge [sflag:s31], $0x800  }
0xc9: {  	[sflag:s31] =	ssyncset.done $0x0  }
0xca: {  	[sflag:s31] =	ssyncadd.s32 $0xFFFFF800  }
0xcb: {  	v60 =	vld [tilespmem:s7+$0xC50];
	_ =	sdelay $0x7  }
0xcc: {  	[spmem:s2] =	stream.indirect_vreg.scatter.add.f32 [tilespmem:s30], [sflag:$0x2], $0x80, v60, vm0, $0xb8;
	[tilespmem:$0x1F880] =	vst v63  }
0xcd: {  	_ =	swait.ge [sflag:s0], $0x800  }
0xce: {  	[sflag:s0] =	ssyncset.done $0x0  }
0xcf: {  	[sflag:s0] =	ssyncadd.s32 $0xFFFFF800  }
0xd0: {  	v61 =	vld [tilespmem:s7+$0x470];
	_ =	sdelay $0x7  }
0xd1: {  	[tilespmem:s30], [sflag:$0x1] =	stream.indirect_vreg.gather [spmem:s1], $0x80, v61, vm0, $0xb8;
	[tilespmem:$0x1F880] =	vst v63  }
0xd2: {  	_ =	swait.ge [sflag:s31], $0x800  }
0xd3: {  	[sflag:s31] =	ssyncset.done $0x0  }
0xd4: {  	[sflag:s31] =	ssyncadd.s32 $0xFFFFF800  }
0xd5: {  	v62 =	vld [tilespmem:s7+$0xC60];
	_ =	sdelay $0x7  }
0xd6: {  	[spmem:s2] =	stream.indirect_vreg.scatter.add.f32 [tilespmem:s29], [sflag:$0x2], $0x80, v62, vm0, $0xb8;
	[tilespmem:$0x1F880] =	vst v63  }
0xd7: {  	_ =	swait.ge [sflag:s31], $0x800  }
0xd8: {  	[sflag:s31] =	ssyncset.done $0x0  }
0xd9: {  	[sflag:s31] =	ssyncadd.s32 $0xFFFFF800  }
0xda: {  	v63 =	vld [tilespmem:s7+$0xC70];
	_ =	sdelay $0x7  }
0xdb: {  	[spmem:s2] =	stream.indirect_vreg.scatter.add.f32 [tilespmem:s30], [sflag:$0x2], $0x80, v63, vm0, $0xb8;
	[tilespmem:$0x1F880] =	vst v63  }
0xdc: {  	p1 =	sne.s32 s3, $0xE00;
	_ =	swait.ge [sflag:s0], $0x800  }
.Ltmp1:
0xdd: {  	[sflag:s0] =	ssyncset.done $0x0;
	(pc) =	sbr.rel @p1 .LBB2_5-.Ltmp1, $4  }
0xde: {  	[sflag:s0] =	ssyncadd.s32 $0xFFFFF800  }
0xdf: {  	_ =	swait.ge [sflag:s0], $0x800  }
0xe0: {  	[sflag:s0] =	ssyncset.done $0x0  }
0xe1: {  	s3 =	sadd.s32 $0x200, s3;
	[sflag:s0] =	ssyncadd.s32 $0xFFFFF800  }
0xe2: {  	s20 =	sadd.s32 $0x1, s20  }
0xe3: {  	p1 =	sne.s32 s20, $0xA  }
.Ltmp2:
0xe4: {  	_ = 	snop;
	(pc) =	sbr.rel @p1 .LBB2_2-.Ltmp2, $1  }
0xe5: {  	_ =	sdelay $0x3  }
0xe6: {  	[bflag:$0x0] =	sbarrier.arrive $0xFFFF;
	s3 =	simm.s32 @p0 $0x4  }
0xe7: {  	[hbm:s16], [sflag:s9] =	dma.local @p0 [spmem:s24], $0x1400  }
0xe8: {  	s4 =	sadd.s32 $0x1, s4;
	_ =	swait.ge @p0 [sflag:s3], $0x1400  }
0xe9: {  	p1 =	sne.s32 s4, s17;
	[sflag:s3] =	ssyncset.done @p0 $0x0  }
.Ltmp3:
0xea: {  	[sflag:s3] =	ssyncadd.s32 @p0 $0xFFFFEC00;
	s3 =	simm.s32 @!p0 $0x4;
	(pc) =	sbr.rel @p1 .LBB2_1-.Ltmp3, $4  }
0xeb: {  	[hbm:s15], [sflag:s9] =	dma.local @!p0 [spmem:s25], $0x1380  }
0xec: {  	_ =	swait.ge @!p0 [sflag:s3], $0x1380  }
0xed: {  	[sflag:s3] =	ssyncset.done @!p0 $0x0  }
0xee: {  	[sflag:s3] =	ssyncadd.s32 @!p0 $0xFFFFEC80  }
0xef: {  	_ =	sfence.sel $0x180000  }
0xf0: {  	[bflag:$0x0] =	sbarrier.arrive $0xFFFF  }
0xf1: {  	_ =	strace $0x9000004A  }
0xf2: {  	s0 =	stileid.u32;
	[bflag:$0x2] =	sbarrier.arrive $0xFFFF  }
0xf3: {  	p0 =	sne.s32 s0, $0x0;
	s0 =	rddreg [dreg:$0x4]  }
0xf4: {  	s0 =	sadd.s32 @!p0 $0x100000, s0  }
0xf5: {  	[sflag:s0] =	ssyncadd.tile.s32 @!p0 $0x1;
	_ =	shalt  }
.Lfunc_end2:
_tile_overlayer_lowered:
.L_overlay_start_2:
0xf6: {  	(tag) =	ssettag $0x2  }
0xf7: {  	s0 =	rddreg [dreg:$0x0];
	s2 =	stileid.u32  }
0xf8: {  	s1 =	rddreg [dreg:$0x1];
	p0 =	sne.s32 s2, $0x0  }
0xf9: {  	s3 =	rddreg [dreg:$0x2];
	[bflag:$0x3] =	sbarrier.arrive $0xFFFF;
	s2 =	simm.s32 @!p0 $0x1C04  }
0xfa: {  	[timem:s3], [sflag:s2] =	dma.local @!p0 [hbm:s0], s1  }
0xfb: {  	s0 =	simm.s32 @!p0 $0x4  }
0xfc: {  	_ =	swait.ge @!p0 [sflag:s0], s1  }
0xfd: {  	s1 =	ssub.s32 @!p0 $0x0, s1;
	[sflag:s0] =	ssyncset.done @!p0 $0x0  }
0xfe: {  	[sflag:s0] =	ssyncadd.s32 @!p0 s1  }
0xff: {  	[bflag:$0x3] =	sbarrier.arrive $0xFFFF  }
0x100: {  	_ =	shalt  }

// kernel: kernel.19.cloned.1.call-start
scs
__scs_entry_jumppad:
0x0: {  	(pc) =	sbr.rel $0x88, $3  }
0x1: {  	(tag) =	ssettag $0x0;
	lr =	simm.s32 $0x1  }
0x2: {  	[smem:$0x3F95] =	sst lr;
	_ =	strace $0xD0000000  }
0x3: {  	_ = 	snop  }
0x4: {  	_ = 	snop  }
0x5: {  	_ = 	snop  }
0x6: {  	_ = 	snop  }
0x7: {  	_ = 	snop  }
__scs_overlays_trampoline_lowered:
0x8: {  	[smem:$0x3FA4] =	sst s0  }
0x9: {  	[smem:$0x3FA5] =	sst s1  }
0xa: {  	[smem:$0x3FA6] =	sst s2  }
0xb: {  	[smem:$0x3FA7] =	sst s3  }
0xc: {  	[smem:$0x3FA8] =	sst s4  }
0xd: {  	[smem:$0x3FA9] =	sst s5  }
0xe: {  	[smem:$0x3FAA] =	sst s6  }
0xf: {  	[smem:$0x3FAB] =	sst s7  }
0x10: {  	[smem:$0x3FAC] =	sst s8  }
0x11: {  	[smem:$0x3FAD] =	sst s9;
	s0 =	simm.s32 @!p0 $0x0  }
0x12: {  	s1 =	sld [smem:$0x3F93];
	s0 =	simm.s32 @p0 $0x1  }
0x13: {  	[smem:$0x3FAE] =	sst s0;
	s0 =	simm.s32 @!p1 $0x0  }
0x14: {  	s2 =	sld [smem:$0x3F92];
	s0 =	simm.s32 @p1 $0x1  }
0x15: {  	[smem:$0x3FAF] =	sst s0;
	s0 =	simm.s32 @!p2 $0x0  }
0x16: {  	s3 =	sld [smem:$0x3FDB];
	s0 =	simm.s32 @p2 $0x1  }
0x17: {  	s4 =	simm.s32 $0x1BF5;
	[smem:$0x3FB1] =	sst s0  }
0x18: {  	s0 =	sld [smem:$0x3F94];
	_ =	swait.ge [sflag:s4], $0x0  }
0x19: {  	s7 =	sld [smem:$0x3F95]  }
0x1a: {  	s8 =	sadd.s32 $0xFFFFE003, lr  }
0x1b: {  	s9 =	sadd.s32 $0xFFFFFEF7, lr;
	s5 =	simm.s32 $0xFFFFFFFF;
	p2 =	slt.u32 s8, $0xFFFFF086  }
0x1c: {  	p1 =	slt.u32 s9, $0xF7A;
	s5 =	simm.s32 @!p2 $0x0  }
0x1d: {  	s5 =	simm.s32 @p1 $0x1;
	p0 =	seq.s32 s7, s2  }
0x1e: {  	s7 =	smul.u32 @!p0 $0xF7A, s2;
	p2 =	seq.s32 @!p0 s5, $0x0  }
0x1f: {  	s9 =	smul.u32 $0xF7A, s1;
	s8 =	simm.s32 @!p0 $0x1BF5;
	p2 =	por !p2, p0  }
0x20: {  	[sflag:s8] =	ssyncset.s32 @!p0 $0xFFFFF086;
	s6 =	sadd.s32 @!p0 s3, s7;
	s7 =	simm.s32 @!p0 $0x108  }
0x21: {  	s3 =	sadd.s32 s3, s9;
	s6 =	sadd.s32 @!p0 $0x88, s6;
	s7 =	simm.s32 @p2 $0x1082  }
0x22: {  	[simem:s7], [sflag:s8] =	dma.local @!p0 [hbm:s6], $0xF7A  }
0x23: {  	s9 =	sor.u32 $0xD0000000, s2;
	s6 =	simm.s32 $0x108;
	_ =	swait.ge @!p0 [sflag:s8], $0x0  }
0x24: {  	s3 =	sadd.s32 $0x88, s3;
	s6 =	simm.s32 @!p1 $0x1082;
	[sflag:s4] =	ssyncset.s32 $0xFFFFF086  }
0x25: {  	[simem:s6], [sflag:s4] =	dma.local [hbm:s3], $0xF7A  }
0x26: {  	[smem:$0x3F95] =	sst s1;
	(tag) =	ssettag s2;
	_ =	strace s9  }
0x27: {  	s1 =	sld [smem:$0x3FA5]  }
0x28: {  	s2 =	sld [smem:$0x3FA6]  }
0x29: {  	s4 =	sld [smem:$0x3FA8]  }
0x2a: {  	p0 =	seq.s32 s5, $0x0;
	s5 =	sld [smem:$0x3FA9]  }
0x2b: {  	s6 =	sld [smem:$0x3FAA]  }
0x2c: {  	s7 =	sld [smem:$0x3FAB]  }
0x2d: {  	s3 =	simm.s32 $0x108;
	s8 =	sld [smem:$0x3FAC]  }
0x2e: {  	s3 =	simm.s32 @!p0 $0x1082;
	s9 =	sld [smem:$0x3FAD]  }
0x2f: {  	lr =	sadd.s32 s0, s3;
	s0 =	sld [smem:$0x3FA4]  }
0x30: {  	s3 =	sld [smem:$0x3FA7]  }
0x31: {  	[smem:$0x3FB0] =	sst s10  }
0x32: {  	s10 =	sld [smem:$0x3FAE];
	_ =	sdelay $0x3  }
0x33: {  	p0 =	seq.s32 s10, $0x1;
	s10 =	sld [smem:$0x3FB0];
	_ =	sdelay $0x3  }
0x34: {  	[smem:$0x3FB0] =	sst s10  }
0x35: {  	s10 =	sld [smem:$0x3FAF];
	_ =	sdelay $0x3  }
0x36: {  	p1 =	seq.s32 s10, $0x1;
	s10 =	sld [smem:$0x3FB0];
	_ =	sdelay $0x3  }
0x37: {  	[smem:$0x3FB0] =	sst s10  }
0x38: {  	s10 =	sld [smem:$0x3FB1]  }
0x39: {  	_ = 	snop;
	(pc) =	sbr.ind lr, $3  }
0x3a: {  	_ = 	snop  }
0x3b: {  	_ = 	snop  }
0x3c: {  	p2 =	seq.s32 s10, $0x1;
	s10 =	sld [smem:$0x3FB0]  }
0x3d: {  	_ =	shalt  }
0x3e: {  	_ =	shalt  }
0x3f: {  	_ =	shalt  }
0x40: {  	_ =	shalt  }
0x41: {  	_ =	shalt  }
0x42: {  	_ =	shalt  }
0x43: {  	_ =	shalt  }
0x44: {  	_ =	shalt  }
0x45: {  	_ =	shalt  }
0x46: {  	_ =	shalt  }
0x47: {  	_ =	shalt  }
0x48: {  	_ =	shalt  }
0x49: {  	_ =	shalt  }
0x4a: {  	_ =	shalt  }
0x4b: {  	_ =	shalt  }
0x4c: {  	_ =	shalt  }
0x4d: {  	_ =	shalt  }
0x4e: {  	_ =	shalt  }
0x4f: {  	_ =	shalt  }
0x50: {  	_ =	shalt  }
0x51: {  	_ =	shalt  }
0x52: {  	_ =	shalt  }
0x53: {  	_ =	shalt  }
0x54: {  	_ =	shalt  }
0x55: {  	_ =	shalt  }
0x56: {  	_ =	shalt  }
0x57: {  	_ =	shalt  }
0x58: {  	_ =	shalt  }
0x59: {  	_ =	shalt  }
0x5a: {  	_ =	shalt  }
0x5b: {  	_ =	shalt  }
0x5c: {  	_ =	shalt  }
0x5d: {  	_ =	shalt  }
0x5e: {  	_ =	shalt  }
0x5f: {  	_ =	shalt  }
0x60: {  	_ =	shalt  }
0x61: {  	_ =	shalt  }
0x62: {  	_ =	shalt  }
0x63: {  	_ =	shalt  }
0x64: {  	_ =	shalt  }
0x65: {  	_ =	shalt  }
0x66: {  	_ =	shalt  }
0x67: {  	_ =	shalt  }
0x68: {  	_ =	shalt  }
0x69: {  	_ =	shalt  }
0x6a: {  	_ =	shalt  }
0x6b: {  	_ =	shalt  }
0x6c: {  	_ =	shalt  }
0x6d: {  	_ =	shalt  }
0x6e: {  	_ =	shalt  }
0x6f: {  	_ =	shalt  }
0x70: {  	_ =	shalt  }
0x71: {  	_ =	shalt  }
0x72: {  	_ =	shalt  }
0x73: {  	_ =	shalt  }
0x74: {  	_ =	shalt  }
0x75: {  	_ =	shalt  }
0x76: {  	_ =	shalt  }
0x77: {  	_ =	shalt  }
0x78: {  	_ =	shalt  }
0x79: {  	_ =	shalt  }
0x7a: {  	_ =	shalt  }
0x7b: {  	_ =	shalt  }
0x7c: {  	_ =	shalt  }
0x7d: {  	_ =	shalt  }
0x7e: {  	_ =	shalt  }
0x7f: {  	_ =	shalt  }
0x80: {  	_ =	shalt  }
0x81: {  	_ =	shalt  }
0x82: {  	_ =	shalt  }
0x83: {  	_ =	shalt  }
0x84: {  	_ =	shalt  }
0x85: {  	_ =	shalt  }
0x86: {  	_ =	shalt  }
0x87: {  	_ =	shalt  }
.Lfunc_end0:
.L_simem_size_0:
called_computation.2_lowered:
.L_overlay_start_0:
0x88: {  	s2 =	sld [smem:$0x3FD9]  }
0x89: {  	s3 =	sld [smem:$0x3FFE];
	_ =	sdelay $0x1  }
0x8a: {  	s1 =	srdreg.scid  }
0x8b: {  	s0 =	sand.u32 $0x1, s1  }
0x8c: {  	s17 =	sshll.u32 s0, $0xA;
	s2 =	sadd.s32 s3, s2  }
0x8d: {  	s2 =	sadd.s32 s2, s17  }
0x8e: {  	[smem:$0x3FBC] =	sst s2  }
0x8f: {  	_ = 	snop  }
0x90: {  	s2 =	sld [smem:$0x3FD0];
	(tm) =	ssettm $0x1  }
0x91: {  	s18 =	sld [smem:$0x3FFB];
	_ =	sdelay $0x3  }
0x92: {  	_ =	strace s18  }
0x93: {  	s3 =	sld [smem:$0x3FFC];
	_ =	sdelay $0x3  }
0x94: {  	_ =	strace s3  }
0x95: {  	s3 =	sld [smem:$0x3FFD];
	_ =	sdelay $0x3  }
0x96: {  	_ =	strace s3  }
0x97: {  	_ =	strace $0x8FFFFFFF  }
0x98: {  	s19 =	sld [smem:$0x3FDB];
	_ =	sdelay $0x1  }
0x99: {  	s4 =	simm.s32 $_scs_section_size  }
0x9a: {  	s5 =	simm.s32 $_size__tile_overlayer_lowered;
	s6 =	simm.s32 $_tile_overlayer_lowered  }
0x9b: {  	s22 =	simm.s32 $0x1BFF;
	s21 =	sshll.u32 s6, $0x1;
	s3 =	sadd.s32 s4, s19  }
0x9c: {  	s7 =	simm.s32 $0x0;
	s20 =	sshll.u32 s5, $0x1;
	s5 =	sadd.s32 s21, s3  }
0x9d: {  	[timem:s7], [sflag:s22] =	dma.local [hbm:s5], s20  }
0x9e: {  	_ =	swait.ge [sflag:s22], s20  }
0x9f: {  	s4 =	ssub.s32 $0x0, s20;
	[sflag:s22] =	ssyncset.done $0x0  }
0xa0: {  	[sflag:s22] =	ssyncadd.s32 s4;
	_ =	sdelay $0x1  }
0xa1: {  	s23 =	simm.s32 $0x1B8B  }
0xa2: {  	_ =	swait.ge [sflag:s23], $0x1  }
0xa3: {  	[sflag:s23] =	ssyncset.done $0x0  }
0xa4: {  	s25 =	simm.s32 $0x1B8E;
	s24 =	sld [smem:$0x3FFE];
	[sflag:s23] =	ssyncadd.s32 $0xFFFFFFFF  }
0xa5: {  	s26 =	simm.s32 $execute0_lowered;
	[smem:$0x3FD2] =	sst s25  }
0xa6: {  	s5 =	sshll.u32 s26, $0x1;
	_ =	strace $0x8000004C;
	[dreg:$0x1] =	wrdreg $0xFFFFFFFF  }
0xa7: {  	s28 =	simm.s32 $_size_execute0_lowered;
	s3 =	sadd.s32 s3, s5;
	[dreg:$0x0] =	wrdreg $0x0  }
0xa8: {  	s5 =	sshll.u32 s28, $0x1;
	[dreg:$0x2] =	wrdreg s3  }
0xa9: {  	[dreg:$0x3] =	wrdreg s5  }
0xaa: {  	[dreg:$0x4] =	wrdreg $0xC0  }
0xab: {  	_ =	task [dreg:s7], $0x5FFFF  }
0xac: {  	[dreg:$0x1] =	wrdreg $0xFFFFFFFF  }
0xad: {  	[dreg:$0x0] =	wrdreg $0x60  }
0xae: {  	[dreg:$0x2] =	wrdreg s2  }
0xaf: {  	[dreg:$0x3] =	wrdreg s24  }
0xb0: {  	[dreg:$0x4] =	wrdreg $0x20000  }
0xb1: {  	[dreg:$0x5] =	wrdreg $0x158800  }
0xb2: {  	[dreg:$0x6] =	wrdreg $0x9  }
0xb3: {  	_ =	task.clear_ibuf [dreg:s7], $0x7FFFF;
	_ =	strace $0x9000004C  }
0xb4: {  	s29 =	simm.s32 $0x9;
	_ =	strace $0x8000004E  }
0xb5: {  	_ =	swait.ge [sflag:s29], $0x1  }
0xb6: {  	[sflag:s29] =	ssyncadd.s32 $0xFFFFFFFF  }
0xb7: {  	_ =	strace $0x9000004E  }
0xb8: {  	_ =	sfence  }
0xb9: {  	s30 =	sld [smem:$0x0];
	_ =	sdelay $0x2  }
0xba: {  	s31 =	sshll.u32 s1, $0xD;
	s1 =	sshrl.u32 s1, $0x2  }
0xbb: {  	s3 =	sand.u32 $0x4000, s31;
	s1 =	sadd.s32 s1, s30  }
0xbc: {  	s0 =	sor.u32 s3, s0;
	s1 =	sshll.u32 s1, $0x11  }
0xbd: {  	s0 =	sor.u32 s1, s0  }
0xbe: {  	s0 =	sadd.s32 $0x8F2B, s0  }
0xbf: {  	[sflag:s0] =	ssyncadd.remote.s32 $0x1  }
0xc0: {  	_ =	sfence.sel $0xFFFF  }
0xc1: {  	[dreg:$0x0] =	wrdreg $0xFFFFFFFF;
	(pc) =	sbr.abs _section_cstart, $3  }
0xc2: {  	[dreg:$0x1] =	wrdreg $0xFFFFFFFF  }
0xc3: {  	_ =	task.clear_ibuf [dreg:s7], $0x2FFFF;
	_ =	strace $0x9FFFFFFF  }
0xc4: {  	(tm) =	ssettm $0x7FFFFFFF  }
0xc5: {  	_ =	shalt  }
tec
execute0_lowered:
.L_overlay_start_1:
0x0: {  	(tag) =	ssettag $0x1  }
0x1: {  	s0 =	rddreg [dreg:$0x0]  }
0x2: {  	s3 =	rddreg [dreg:$0x1]  }
0x3: {  	s1 =	rddreg [dreg:$0x2]  }
0x4: {  	s2 =	rddreg [dreg:$0x3];
	s19 =	stileid.u32  }
0x5: {  	s4 =	simm.s32 $0x0;
	s20 =	srdreg.scid;
	s8 =	smul.u32 $0x28000, s19  }
0x6: {  	s28 =	simm.s32 $0xC00;
	s29 =	simm.s32 $0x1000;
	s10 =	smul.u32 $0x5000, s19  }
0x7: {  	s30 =	simm.s32 $0x1800;
	s31 =	simm.s32 $0x1;
	s11 =	smul.u32 $0x4F000, s19  }
0x8: {  	[smem:$0x7FF] =	sst s4;
	s5 =	sadd.s32 $0x55600, s3;
	s13 =	smul.u32 $0x2780, s19  }
0x9: {  	s6 =	sadd.s32 $0x5F600, s3;
	s4 =	sand.u32 $0x1, s20;
	s15 =	smul.u32 $0x27000, s19  }
0xa: {  	s7 =	sadd.s32 $0x4400, s3;
	s3 =	sadd.s32 $0x5800, s3;
	s17 =	smul.u32 $0x1380, s19  }
0xb: {  	s23 =	sshll.u32 s19, $0x6;
	s20 =	sadd.s32 $0x128400, s1;
	s14 =	smul.u32 $0x14, s19  }
0xc: {  	p0 =	seq.s32 s19, $0xF;
	s19 =	simm.s32 $0x4;
	_ =	strace $0x8000004D  }
0xd: {  	[dreg:$0x5] =	wrdreg s7;
	s21 =	ssub.s32 $0x2, s4;
	s16 =	smul.u32 $0x13880, s4  }
0xe: {  	s9 =	sshrl.u32 s21, $0x1;
	s22 =	sshrl.u32 s8, $0x2;
	s8 =	smul.u32 $0x50000, s4  }
0xf: {  	s12 =	sshrl.u32 s10, $0x3;
	s24 =	sshrl.u32 s11, $0x2;
	s4 =	smul.u32 $0x9C400, s4  }
0x10: {  	s25 =	sshrl.u32 s15, $0x2;
	s7 =	ssub.s32 s21, s9;
	s18 =	sadd.s32 s22, s2  }
0x11: {  	s9 =	sor.u32 $0x1C04, s23;
	s12 =	sadd.s32 s5, s12;
	s26 =	sadd.s32 s17, s16  }
0x12: {  	s21 =	sshrl.u32 @p0 s20, $0x3;
	s23 =	simm.s32 $0x3;
	[dreg:$0x6] =	wrdreg s12  }
0x13: {  	s10 =	sadd.s32 s10, s8;
	s12 =	sadd.s32 s0, s13;
	s13 =	sadd.s32 $0x25080, s0  }
0x14: {  	s0 =	sadd.s32 s25, s2;
	s4 =	sshrl.u32 s4, $0x3;
	s15 =	sadd.s32 s3, s26  }
0x15: {  	s17 =	smax.u32 s7, $0x1;
	s18 =	sshrl.u32 s18, $0x3;
	s26 =	simm.s32 $0x400  }
0x16: {  	s10 =	sshrl.u32 s10, $0x3;
	s3 =	sadd.s32 s3, s4;
	s25 =	sshrl.u32 @!p0 s0, $0x3  }
0x17: {  	s0 =	simm.s32 $0x2;
	s4 =	simm.s32 $0x0;
	s10 =	sadd.s32 s6, s10  }
0x18: {  	[dreg:$0x7] =	wrdreg s10;
	s10 =	sadd.s32 s24, s1;
	s24 =	sadd.s32 $0x92400, s2  }
0x19: {  	vm0 =	vmmov $0xffff;
	s16 =	sadd.s32 $0x12480, s3;
	s22 =	sshrl.u32 @!p0 s10, $0x3;
	s24 =	sshrl.u32 @p0 s24, $0x3  }
.LBB2_1:
0x1a: {  	s3 =	rddreg [dreg:$0x5]  }
0x1b: {  	[spmem:s18], [sflag:s9] =	dma.local [hbm:s3], $0x1400  }
0x1c: {  	_ =	swait.ge [sflag:s19], $0x1400  }
0x1d: {  	[sflag:s19] =	ssyncset.done $0x0  }
0x1e: {  	s11 =	simm.s32 $0x0;
	s7 =	rddreg [dreg:$0x6];
	[sflag:s19] =	ssyncadd.s32 $0xFFFFEC00  }
0x1f: {  	[tilespmem:s11], [sflag:$0x3] =	stream.linear.gather [hbm4b:s7+s11], $0x400, $0x38;
	[tilespmem:$0x1F880] =	vst v63  }
0x20: {  	s10 =	simm.s32 $0x800;
	s3 =	simm.s32 @p0 $0x4;
	s20 =	rddreg [dreg:$0x7]  }
0x21: {  	[tilespmem:s10], [sflag:$0x3] =	stream.linear.gather [hbm4b:s20+s11], $0x400, $0x38;
	[tilespmem:$0x1F880] =	vst v63  }
0x22: {  	[spmem:s21], [sflag:s9] =	dma.local @p0 [hbm:s13], $0x2080  }
0x23: {  	_ =	swait.ge @p0 [sflag:s3], $0x2080  }
0x24: {  	[sflag:s3] =	ssyncset.done @p0 $0x0  }
0x25: {  	[sflag:s3] =	ssyncadd.s32 @p0 $0xFFFFDF80;
	s3 =	simm.s32 @!p0 $0x4  }
0x26: {  	[spmem:s22], [sflag:s9] =	dma.local @!p0 [hbm:s12], $0x2780  }
0x27: {  	_ =	swait.ge @!p0 [sflag:s3], $0x2780  }
0x28: {  	[sflag:s3] =	ssyncset.done @!p0 $0x0  }
0x29: {  	[sflag:s3] =	ssyncadd.s32 @!p0 $0xFFFFD880  }
0x2a: {  	s20 =	simm.s32 $0x0;
	[bflag:$0x0] =	sbarrier.arrive $0xFFFF  }
.LBB2_2:
0x2b: {  	_ =	swait.ge [sflag:s23], $0x400  }
0x2c: {  	s3 =	sshll.u32 s20, $0x1;
	[sflag:s23] =	ssyncset.done $0x0  }
0x2d: {  	s7 =	sadd.s32 s14, s3;
	[sflag:s23] =	ssyncadd.s32 $0xFFFFFC00  }
0x2e: {  	s7 =	sshll.u32 s7, $0xA;
	_ =	swait.ge [sflag:s23], $0x400  }
0x2f: {  	s10 =	sor.u32 $0x400, s7;
	[sflag:s23] =	ssyncset.done $0x0  }
0x30: {  	s7 =	sshrl.u32 s10, $0x3;
	s10 =	sadd.s32 s8, s10;
	[sflag:s23] =	ssyncadd.s32 $0xFFFFFC00  }
0x31: {  	s11 =	sadd.s32 s5, s7;
	s7 =	simm.s32 $0x0;
	s10 =	sshrl.u32 s10, $0x3  }
0x32: {  	[tilespmem:s26], [sflag:$0x3] =	stream.linear.gather [hbm4b:s11+s7], $0x400, $0x38;
	[tilespmem:$0x1F880] =	vst v63  }
0x33: {  	s10 =	sadd.s32 s6, s10  }
0x34: {  	[tilespmem:s28], [sflag:$0x3] =	stream.linear.gather [hbm4b:s10+s7], $0x400, $0x38;
	[tilespmem:$0x1F880] =	vst v63  }
.LBB2_3:
0x35: {  	s10 =	sshra.s32 s7, $0x2  }
0x36: {  	v0 =	vld [tilespmem:s10+$0x0];
	_ =	sdelay $0x7  }
0x37: {  	[tilespmem:s29], [sflag:$0x1] =	stream.indirect_vreg.gather [spmem:s1], $0x80, v0, vm0, $0xb8;
	[tilespmem:$0x1F880] =	vst v63  }
0x38: {  	v0 =	vld [tilespmem:s10+$0x10];
	_ =	sdelay $0x7  }
0x39: {  	[tilespmem:s30], [sflag:$0x1] =	stream.indirect_vreg.gather [spmem:s1], $0x80, v0, vm0, $0xb8;
	[tilespmem:$0x1F880] =	vst v63  }
0x3a: {  	_ =	swait.ge [sflag:s31], $0x800  }
0x3b: {  	[sflag:s31] =	ssyncset.done $0x0  }
0x3c: {  	[sflag:s31] =	ssyncadd.s32 $0xFFFFF800  }
0x3d: {  	v50 =	vld [tilespmem:s10+$0x800];
	_ =	sdelay $0x7  }
0x3e: {  	[spmem:s2] =	stream.indirect_vreg.scatter.add.f32 [tilespmem:s29], [sflag:$0x2], $0x80, v50, vm0, $0xb8;
	[tilespmem:$0x1F880] =	vst v63  }
0x3f: {  	_ =	swait.ge [sflag:s0], $0x800  }
0x40: {  	[sflag:s0] =	ssyncset.done $0x0  }
0x41: {  	[sflag:s0] =	ssyncadd.s32 $0xFFFFF800  }
0x42: {  	v51 =	vld [tilespmem:s10+$0x20];
	_ =	sdelay $0x7  }
0x43: {  	[tilespmem:s29], [sflag:$0x1] =	stream.indirect_vreg.gather [spmem:s1], $0x80, v51, vm0, $0xb8;
	[tilespmem:$0x1F880] =	vst v63  }
0x44: {  	_ =	swait.ge [sflag:s31], $0x800  }
0x45: {  	[sflag:s31] =	ssyncset.done $0x0  }
0x46: {  	[sflag:s31] =	ssyncadd.s32 $0xFFFFF800  }
0x47: {  	v52 =	vld [tilespmem:s10+$0x810];
	_ =	sdelay $0x7  }
0x48: {  	[spmem:s2] =	stream.indirect_vreg.scatter.add.f32 [tilespmem:s30], [sflag:$0x2], $0x80, v52, vm0, $0xb8;
	[tilespmem:$0x1F880] =	vst v63  }
0x49: {  	_ =	swait.ge [sflag:s0], $0x800  }
0x4a: {  	[sflag:s0] =	ssyncset.done $0x0  }
0x4b: {  	[sflag:s0] =	ssyncadd.s32 $0xFFFFF800  }
0x4c: {  	v53 =	vld [tilespmem:s10+$0x30];
	_ =	sdelay $0x7  }
0x4d: {  	[tilespmem:s30], [sflag:$0x1] =	stream.indirect_vreg.gather [spmem:s1], $0x80, v53, vm0, $0xb8;
	[tilespmem:$0x1F880] =	vst v63  }
0x4e: {  	_ =	swait.ge [sflag:s31], $0x800  }
0x4f: {  	[sflag:s31] =	ssyncset.done $0x0  }
0x50: {  	[sflag:s31] =	ssyncadd.s32 $0xFFFFF800  }
0x51: {  	v54 =	vld [tilespmem:s10+$0x820];
	_ =	sdelay $0x7  }
0x52: {  	[spmem:s2] =	stream.indirect_vreg.scatter.add.f32 [tilespmem:s29], [sflag:$0x2], $0x80, v54, vm0, $0xb8;
	[tilespmem:$0x1F880] =	vst v63  }
0x53: {  	_ =	swait.ge [sflag:s0], $0x800  }
0x54: {  	[sflag:s0] =	ssyncset.done $0x0  }
0x55: {  	[sflag:s0] =	ssyncadd.s32 $0xFFFFF800  }
0x56: {  	v55 =	vld [tilespmem:s10+$0x40];
	_ =	sdelay $0x7  }
0x57: {  	[tilespmem:s29], [sflag:$0x1] =	stream.indirect_vreg.gather [spmem:s1], $0x80, v55, vm0, $0xb8;
	[tilespmem:$0x1F880] =	vst v63  }
0x58: {  	_ =	swait.ge [sflag:s31], $0x800  }
0x59: {  	[sflag:s31] =	ssyncset.done $0x0  }
0x5a: {  	[sflag:s31] =	ssyncadd.s32 $0xFFFFF800  }
0x5b: {  	v56 =	vld [tilespmem:s10+$0x830];
	_ =	sdelay $0x7  }
0x5c: {  	[spmem:s2] =	stream.indirect_vreg.scatter.add.f32 [tilespmem:s30], [sflag:$0x2], $0x80, v56, vm0, $0xb8;
	[tilespmem:$0x1F880] =	vst v63  }
0x5d: {  	_ =	swait.ge [sflag:s0], $0x800  }
0x5e: {  	[sflag:s0] =	ssyncset.done $0x0  }
0x5f: {  	[sflag:s0] =	ssyncadd.s32 $0xFFFFF800  }
0x60: {  	v57 =	vld [tilespmem:s10+$0x50];
	_ =	sdelay $0x7  }
0x61: {  	[tilespmem:s30], [sflag:$0x1] =	stream.indirect_vreg.gather [spmem:s1], $0x80, v57, vm0, $0xb8;
	[tilespmem:$0x1F880] =	vst v63  }
0x62: {  	_ =	swait.ge [sflag:s31], $0x800  }
0x63: {  	[sflag:s31] =	ssyncset.done $0x0  }
0x64: {  	[sflag:s31] =	ssyncadd.s32 $0xFFFFF800  }
0x65: {  	v58 =	vld [tilespmem:s10+$0x840];
	_ =	sdelay $0x7  }
0x66: {  	[spmem:s2] =	stream.indirect_vreg.scatter.add.f32 [tilespmem:s29], [sflag:$0x2], $0x80, v58, vm0, $0xb8;
	[tilespmem:$0x1F880] =	vst v63  }
0x67: {  	_ =	swait.ge [sflag:s0], $0x800  }
0x68: {  	[sflag:s0] =	ssyncset.done $0x0  }
0x69: {  	[sflag:s0] =	ssyncadd.s32 $0xFFFFF800  }
0x6a: {  	v59 =	vld [tilespmem:s10+$0x60];
	_ =	sdelay $0x7  }
0x6b: {  	[tilespmem:s29], [sflag:$0x1] =	stream.indirect_vreg.gather [spmem:s1], $0x80, v59, vm0, $0xb8;
	[tilespmem:$0x1F880] =	vst v63  }
0x6c: {  	_ =	swait.ge [sflag:s31], $0x800  }
0x6d: {  	[sflag:s31] =	ssyncset.done $0x0  }
0x6e: {  	[sflag:s31] =	ssyncadd.s32 $0xFFFFF800  }
0x6f: {  	v60 =	vld [tilespmem:s10+$0x850];
	_ =	sdelay $0x7  }
0x70: {  	[spmem:s2] =	stream.indirect_vreg.scatter.add.f32 [tilespmem:s30], [sflag:$0x2], $0x80, v60, vm0, $0xb8;
	[tilespmem:$0x1F880] =	vst v63  }
0x71: {  	_ =	swait.ge [sflag:s0], $0x800  }
0x72: {  	[sflag:s0] =	ssyncset.done $0x0  }
0x73: {  	[sflag:s0] =	ssyncadd.s32 $0xFFFFF800  }
0x74: {  	v61 =	vld [tilespmem:s10+$0x70];
	_ =	sdelay $0x7  }
0x75: {  	[tilespmem:s30], [sflag:$0x1] =	stream.indirect_vreg.gather [spmem:s1], $0x80, v61, vm0, $0xb8;
	[tilespmem:$0x1F880] =	vst v63  }
0x76: {  	_ =	swait.ge [sflag:s31], $0x800  }
0x77: {  	[sflag:s31] =	ssyncset.done $0x0  }
0x78: {  	[sflag:s31] =	ssyncadd.s32 $0xFFFFF800  }
0x79: {  	v62 =	vld [tilespmem:s10+$0x860];
	_ =	sdelay $0x7  }
0x7a: {  	[spmem:s2] =	stream.indirect_vreg.scatter.add.f32 [tilespmem:s29], [sflag:$0x2], $0x80, v62, vm0, $0xb8;
	[tilespmem:$0x1F880] =	vst v63  }
0x7b: {  	_ =	swait.ge [sflag:s31], $0x800  }
0x7c: {  	[sflag:s31] =	ssyncset.done $0x0  }
0x7d: {  	[sflag:s31] =	ssyncadd.s32 $0xFFFFF800  }
0x7e: {  	v63 =	vld [tilespmem:s10+$0x870];
	_ =	sdelay $0x7  }
0x7f: {  	[spmem:s2] =	stream.indirect_vreg.scatter.add.f32 [tilespmem:s30], [sflag:$0x2], $0x80, v63, vm0, $0xb8;
	[tilespmem:$0x1F880] =	vst v63  }
0x80: {  	p1 =	sne.s32 s7, $0xE00;
	_ =	swait.ge [sflag:s0], $0x800  }
.Ltmp0:
0x81: {  	[sflag:s0] =	ssyncset.done $0x0;
	(pc) =	sbr.rel @p1 .LBB2_3-.Ltmp0, $4  }
0x82: {  	[sflag:s0] =	ssyncadd.s32 $0xFFFFF800  }
0x83: {  	_ =	swait.ge [sflag:s0], $0x800  }
0x84: {  	[sflag:s0] =	ssyncset.done $0x0  }
0x85: {  	s7 =	sadd.s32 $0x200, s7;
	[sflag:s0] =	ssyncadd.s32 $0xFFFFF800  }
0x86: {  	s3 =	sor.u32 $0x1, s3  }
0x87: {  	_ =	swait.ge [sflag:s23], $0x400;
	p1 =	sgt.u32 s3, $0x12  }
0x88: {  	[sflag:s23] =	ssyncset.done $0x0;
	s3 =	sadd.s32 @!p1 s14, s3  }
0x89: {  	[sflag:s23] =	ssyncadd.s32 $0xFFFFFC00;
	s3 =	sshll.u32 @!p1 s3, $0xA  }
0x8a: {  	s10 =	simm.s32 @!p1 $0x0;
	_ =	swait.ge [sflag:s23], $0x400;
	s3 =	sadd.s32 @!p1 $0x400, s3  }
0x8b: {  	[sflag:s23] =	ssyncset.done $0x0;
	s7 =	sshrl.u32 @!p1 s3, $0x3;
	s3 =	sadd.s32 @!p1 s8, s3  }
0x8c: {  	[sflag:s23] =	ssyncadd.s32 $0xFFFFFC00;
	s7 =	sadd.s32 @!p1 s5, s7;
	s3 =	sshrl.u32 @!p1 s3, $0x3  }
0x8d: {  	[tilespmem:s10], [sflag:$0x3] =	stream.linear.gather @!p1 [hbm4b:s7+s10], $0x400, $0x38;
	[tilespmem:$0x1F880] =	vst v63  }
0x8e: {  	s3 =	sadd.s32 @!p1 s6, s3;
	s7 =	simm.s32 @!p1 $0x800  }
0x8f: {  	[tilespmem:s7], [sflag:$0x3] =	stream.linear.gather @!p1 [hbm4b:s3+s10], $0x400, $0x38;
	[tilespmem:$0x1F880] =	vst v63  }
0x90: {  	s3 =	simm.s32 $0x0  }
.LBB2_5:
0x91: {  	s7 =	sshra.s32 s3, $0x2  }
0x92: {  	v0 =	vld [tilespmem:s7+$0x400];
	_ =	sdelay $0x7  }
0x93: {  	[tilespmem:s29], [sflag:$0x1] =	stream.indirect_vreg.gather [spmem:s1], $0x80, v0, vm0, $0xb8;
	[tilespmem:$0x1F880] =	vst v63  }
0x94: {  	v0 =	vld [tilespmem:s7+$0x410];
	_ =	sdelay $0x7  }
0x95: {  	[tilespmem:s30], [sflag:$0x1] =	stream.indirect_vreg.gather [spmem:s1], $0x80, v0, vm0, $0xb8;
	[tilespmem:$0x1F880] =	vst v63  }
0x96: {  	_ =	swait.ge [sflag:s31], $0x800  }
0x97: {  	[sflag:s31] =	ssyncset.done $0x0  }
0x98: {  	[sflag:s31] =	ssyncadd.s32 $0xFFFFF800  }
0x99: {  	v50 =	vld [tilespmem:s7+$0xC00];
	_ =	sdelay $0x7  }
0x9a: {  	[spmem:s2] =	stream.indirect_vreg.scatter.add.f32 [tilespmem:s29], [sflag:$0x2], $0x80, v50, vm0, $0xb8;
	[tilespmem:$0x1F880] =	vst v63  }
0x9b: {  	_ =	swait.ge [sflag:s0], $0x800  }
0x9c: {  	[sflag:s0] =	ssyncset.done $0x0  }
0x9d: {  	[sflag:s0] =	ssyncadd.s32 $0xFFFFF800  }
0x9e: {  	v51 =	vld [tilespmem:s7+$0x420];
	_ =	sdelay $0x7  }
0x9f: {  	[tilespmem:s29], [sflag:$0x1] =	stream.indirect_vreg.gather [spmem:s1], $0x80, v51, vm0, $0xb8;
	[tilespmem:$0x1F880] =	vst v63  }
0xa0: {  	_ =	swait.ge [sflag:s31], $0x800  }
0xa1: {  	[sflag:s31] =	ssyncset.done $0x0  }
0xa2: {  	[sflag:s31] =	ssyncadd.s32 $0xFFFFF800  }
0xa3: {  	v52 =	vld [tilespmem:s7+$0xC10];
	_ =	sdelay $0x7  }
0xa4: {  	[spmem:s2] =	stream.indirect_vreg.scatter.add.f32 [tilespmem:s30], [sflag:$0x2], $0x80, v52, vm0, $0xb8;
	[tilespmem:$0x1F880] =	vst v63  }
0xa5: {  	_ =	swait.ge [sflag:s0], $0x800  }
0xa6: {  	[sflag:s0] =	ssyncset.done $0x0  }
0xa7: {  	[sflag:s0] =	ssyncadd.s32 $0xFFFFF800  }
0xa8: {  	v53 =	vld [tilespmem:s7+$0x430];
	_ =	sdelay $0x7  }
0xa9: {  	[tilespmem:s30], [sflag:$0x1] =	stream.indirect_vreg.gather [spmem:s1], $0x80, v53, vm0, $0xb8;
	[tilespmem:$0x1F880] =	vst v63  }
0xaa: {  	_ =	swait.ge [sflag:s31], $0x800  }
0xab: {  	[sflag:s31] =	ssyncset.done $0x0  }
0xac: {  	[sflag:s31] =	ssyncadd.s32 $0xFFFFF800  }
0xad: {  	v54 =	vld [tilespmem:s7+$0xC20];
	_ =	sdelay $0x7  }
0xae: {  	[spmem:s2] =	stream.indirect_vreg.scatter.add.f32 [tilespmem:s29], [sflag:$0x2], $0x80, v54, vm0, $0xb8;
	[tilespmem:$0x1F880] =	vst v63  }
0xaf: {  	_ =	swait.ge [sflag:s0], $0x800  }
0xb0: {  	[sflag:s0] =	ssyncset.done $0x0  }
0xb1: {  	[sflag:s0] =	ssyncadd.s32 $0xFFFFF800  }
0xb2: {  	v55 =	vld [tilespmem:s7+$0x440];
	_ =	sdelay $0x7  }
0xb3: {  	[tilespmem:s29], [sflag:$0x1] =	stream.indirect_vreg.gather [spmem:s1], $0x80, v55, vm0, $0xb8;
	[tilespmem:$0x1F880] =	vst v63  }
0xb4: {  	_ =	swait.ge [sflag:s31], $0x800  }
0xb5: {  	[sflag:s31] =	ssyncset.done $0x0  }
0xb6: {  	[sflag:s31] =	ssyncadd.s32 $0xFFFFF800  }
0xb7: {  	v56 =	vld [tilespmem:s7+$0xC30];
	_ =	sdelay $0x7  }
0xb8: {  	[spmem:s2] =	stream.indirect_vreg.scatter.add.f32 [tilespmem:s30], [sflag:$0x2], $0x80, v56, vm0, $0xb8;
	[tilespmem:$0x1F880] =	vst v63  }
0xb9: {  	_ =	swait.ge [sflag:s0], $0x800  }
0xba: {  	[sflag:s0] =	ssyncset.done $0x0  }
0xbb: {  	[sflag:s0] =	ssyncadd.s32 $0xFFFFF800  }
0xbc: {  	v57 =	vld [tilespmem:s7+$0x450];
	_ =	sdelay $0x7  }
0xbd: {  	[tilespmem:s30], [sflag:$0x1] =	stream.indirect_vreg.gather [spmem:s1], $0x80, v57, vm0, $0xb8;
	[tilespmem:$0x1F880] =	vst v63  }
0xbe: {  	_ =	swait.ge [sflag:s31], $0x800  }
0xbf: {  	[sflag:s31] =	ssyncset.done $0x0  }
0xc0: {  	[sflag:s31] =	ssyncadd.s32 $0xFFFFF800  }
0xc1: {  	v58 =	vld [tilespmem:s7+$0xC40];
	_ =	sdelay $0x7  }
0xc2: {  	[spmem:s2] =	stream.indirect_vreg.scatter.add.f32 [tilespmem:s29], [sflag:$0x2], $0x80, v58, vm0, $0xb8;
	[tilespmem:$0x1F880] =	vst v63  }
0xc3: {  	_ =	swait.ge [sflag:s0], $0x800  }
0xc4: {  	[sflag:s0] =	ssyncset.done $0x0  }
0xc5: {  	[sflag:s0] =	ssyncadd.s32 $0xFFFFF800  }
0xc6: {  	v59 =	vld [tilespmem:s7+$0x460];
	_ =	sdelay $0x7  }
0xc7: {  	[tilespmem:s29], [sflag:$0x1] =	stream.indirect_vreg.gather [spmem:s1], $0x80, v59, vm0, $0xb8;
	[tilespmem:$0x1F880] =	vst v63  }
0xc8: {  	_ =	swait.ge [sflag:s31], $0x800  }
0xc9: {  	[sflag:s31] =	ssyncset.done $0x0  }
0xca: {  	[sflag:s31] =	ssyncadd.s32 $0xFFFFF800  }
0xcb: {  	v60 =	vld [tilespmem:s7+$0xC50];
	_ =	sdelay $0x7  }
0xcc: {  	[spmem:s2] =	stream.indirect_vreg.scatter.add.f32 [tilespmem:s30], [sflag:$0x2], $0x80, v60, vm0, $0xb8;
	[tilespmem:$0x1F880] =	vst v63  }
0xcd: {  	_ =	swait.ge [sflag:s0], $0x800  }
0xce: {  	[sflag:s0] =	ssyncset.done $0x0  }
0xcf: {  	[sflag:s0] =	ssyncadd.s32 $0xFFFFF800  }
0xd0: {  	v61 =	vld [tilespmem:s7+$0x470];
	_ =	sdelay $0x7  }
0xd1: {  	[tilespmem:s30], [sflag:$0x1] =	stream.indirect_vreg.gather [spmem:s1], $0x80, v61, vm0, $0xb8;
	[tilespmem:$0x1F880] =	vst v63  }
0xd2: {  	_ =	swait.ge [sflag:s31], $0x800  }
0xd3: {  	[sflag:s31] =	ssyncset.done $0x0  }
0xd4: {  	[sflag:s31] =	ssyncadd.s32 $0xFFFFF800  }
0xd5: {  	v62 =	vld [tilespmem:s7+$0xC60];
	_ =	sdelay $0x7  }
0xd6: {  	[spmem:s2] =	stream.indirect_vreg.scatter.add.f32 [tilespmem:s29], [sflag:$0x2], $0x80, v62, vm0, $0xb8;
	[tilespmem:$0x1F880] =	vst v63  }
0xd7: {  	_ =	swait.ge [sflag:s31], $0x800  }
0xd8: {  	[sflag:s31] =	ssyncset.done $0x0  }
0xd9: {  	[sflag:s31] =	ssyncadd.s32 $0xFFFFF800  }
0xda: {  	v63 =	vld [tilespmem:s7+$0xC70];
	_ =	sdelay $0x7  }
0xdb: {  	[spmem:s2] =	stream.indirect_vreg.scatter.add.f32 [tilespmem:s30], [sflag:$0x2], $0x80, v63, vm0, $0xb8;
	[tilespmem:$0x1F880] =	vst v63  }
0xdc: {  	p1 =	sne.s32 s3, $0xE00;
	_ =	swait.ge [sflag:s0], $0x800  }
.Ltmp1:
0xdd: {  	[sflag:s0] =	ssyncset.done $0x0;
	(pc) =	sbr.rel @p1 .LBB2_5-.Ltmp1, $4  }
0xde: {  	[sflag:s0] =	ssyncadd.s32 $0xFFFFF800  }
0xdf: {  	_ =	swait.ge [sflag:s0], $0x800  }
0xe0: {  	[sflag:s0] =	ssyncset.done $0x0  }
0xe1: {  	s3 =	sadd.s32 $0x200, s3;
	[sflag:s0] =	ssyncadd.s32 $0xFFFFF800  }
0xe2: {  	s20 =	sadd.s32 $0x1, s20  }
0xe3: {  	p1 =	sne.s32 s20, $0xA  }
.Ltmp2:
0xe4: {  	_ = 	snop;
	(pc) =	sbr.rel @p1 .LBB2_2-.Ltmp2, $1  }
0xe5: {  	_ =	sdelay $0x3  }
0xe6: {  	[bflag:$0x0] =	sbarrier.arrive $0xFFFF;
	s3 =	simm.s32 @p0 $0x4  }
0xe7: {  	[hbm:s16], [sflag:s9] =	dma.local @p0 [spmem:s24], $0x1400  }
0xe8: {  	s4 =	sadd.s32 $0x1, s4;
	_ =	swait.ge @p0 [sflag:s3], $0x1400  }
0xe9: {  	p1 =	sne.s32 s4, s17;
	[sflag:s3] =	ssyncset.done @p0 $0x0  }
.Ltmp3:
0xea: {  	[sflag:s3] =	ssyncadd.s32 @p0 $0xFFFFEC00;
	s3 =	simm.s32 @!p0 $0x4;
	(pc) =	sbr.rel @p1 .LBB2_1-.Ltmp3, $4  }
0xeb: {  	[hbm:s15], [sflag:s9] =	dma.local @!p0 [spmem:s25], $0x1380  }
0xec: {  	_ =	swait.ge @!p0 [sflag:s3], $0x1380  }
0xed: {  	[sflag:s3] =	ssyncset.done @!p0 $0x0  }
0xee: {  	[sflag:s3] =	ssyncadd.s32 @!p0 $0xFFFFEC80  }
0xef: {  	_ =	sfence.sel $0x180000  }
0xf0: {  	[bflag:$0x0] =	sbarrier.arrive $0xFFFF  }
0xf1: {  	_ =	strace $0x9000004D  }
0xf2: {  	s0 =	stileid.u32;
	[bflag:$0x2] =	sbarrier.arrive $0xFFFF  }
0xf3: {  	p0 =	sne.s32 s0, $0x0;
	s0 =	rddreg [dreg:$0x4]  }
0xf4: {  	s0 =	sadd.s32 @!p0 $0x100000, s0  }
0xf5: {  	[sflag:s0] =	ssyncadd.tile.s32 @!p0 $0x1;
	_ =	shalt  }
.Lfunc_end2:
_tile_overlayer_lowered:
.L_overlay_start_2:
0xf6: {  	(tag) =	ssettag $0x2  }
0xf7: {  	s0 =	rddreg [dreg:$0x0];
	s2 =	stileid.u32  }
0xf8: {  	s1 =	rddreg [dreg:$0x1];
	p0 =	sne.s32 s2, $0x0  }
0xf9: {  	s3 =	rddreg [dreg:$0x2];
	[bflag:$0x3] =	sbarrier.arrive $0xFFFF;
	s2 =	simm.s32 @!p0 $0x1C04  }
0xfa: {  	[timem:s3], [sflag:s2] =	dma.local @!p0 [hbm:s0], s1  }
0xfb: {  	s0 =	simm.s32 @!p0 $0x4  }
0xfc: {  	_ =	swait.ge @!p0 [sflag:s0], s1  }
0xfd: {  	s1 =	ssub.s32 @!p0 $0x0, s1;
	[sflag:s0] =	ssyncset.done @!p0 $0x0  }
0xfe: {  	[sflag:s0] =	ssyncadd.s32 @!p0 s1  }
0xff: {  	[bflag:$0x3] =	sbarrier.arrive $0xFFFF  }
0x100: {  	_ =	shalt  }

// kernel: kernel.22.cloned.1.call-start
scs
__scs_entry_jumppad:
0x0: {  	(pc) =	sbr.rel $0x88, $3  }
0x1: {  	(tag) =	ssettag $0x0;
	lr =	simm.s32 $0x1  }
0x2: {  	[smem:$0x3F95] =	sst lr;
	_ =	strace $0xD0000000  }
0x3: {  	_ = 	snop  }
0x4: {  	_ = 	snop  }
0x5: {  	_ = 	snop  }
0x6: {  	_ = 	snop  }
0x7: {  	_ = 	snop  }
__scs_overlays_trampoline_lowered:
0x8: {  	[smem:$0x3FA4] =	sst s0  }
0x9: {  	[smem:$0x3FA5] =	sst s1  }
0xa: {  	[smem:$0x3FA6] =	sst s2  }
0xb: {  	[smem:$0x3FA7] =	sst s3  }
0xc: {  	[smem:$0x3FA8] =	sst s4  }
0xd: {  	[smem:$0x3FA9] =	sst s5  }
0xe: {  	[smem:$0x3FAA] =	sst s6  }
0xf: {  	[smem:$0x3FAB] =	sst s7  }
0x10: {  	[smem:$0x3FAC] =	sst s8  }
0x11: {  	[smem:$0x3FAD] =	sst s9;
	s0 =	simm.s32 @!p0 $0x0  }
0x12: {  	s1 =	sld [smem:$0x3F93];
	s0 =	simm.s32 @p0 $0x1  }
0x13: {  	[smem:$0x3FAE] =	sst s0;
	s0 =	simm.s32 @!p1 $0x0  }
0x14: {  	s2 =	sld [smem:$0x3F92];
	s0 =	simm.s32 @p1 $0x1  }
0x15: {  	[smem:$0x3FAF] =	sst s0;
	s0 =	simm.s32 @!p2 $0x0  }
0x16: {  	s3 =	sld [smem:$0x3FDB];
	s0 =	simm.s32 @p2 $0x1  }
0x17: {  	s4 =	simm.s32 $0x1BF5;
	[smem:$0x3FB1] =	sst s0  }
0x18: {  	s0 =	sld [smem:$0x3F94];
	_ =	swait.ge [sflag:s4], $0x0  }
0x19: {  	s7 =	sld [smem:$0x3F95]  }
0x1a: {  	s8 =	sadd.s32 $0xFFFFE003, lr  }
0x1b: {  	s9 =	sadd.s32 $0xFFFFFEF7, lr;
	s5 =	simm.s32 $0xFFFFFFFF;
	p2 =	slt.u32 s8, $0xFFFFF086  }
0x1c: {  	p1 =	slt.u32 s9, $0xF7A;
	s5 =	simm.s32 @!p2 $0x0  }
0x1d: {  	s5 =	simm.s32 @p1 $0x1;
	p0 =	seq.s32 s7, s2  }
0x1e: {  	s7 =	smul.u32 @!p0 $0xF7A, s2;
	p2 =	seq.s32 @!p0 s5, $0x0  }
0x1f: {  	s9 =	smul.u32 $0xF7A, s1;
	s8 =	simm.s32 @!p0 $0x1BF5;
	p2 =	por !p2, p0  }
0x20: {  	[sflag:s8] =	ssyncset.s32 @!p0 $0xFFFFF086;
	s6 =	sadd.s32 @!p0 s3, s7;
	s7 =	simm.s32 @!p0 $0x108  }
0x21: {  	s3 =	sadd.s32 s3, s9;
	s6 =	sadd.s32 @!p0 $0x88, s6;
	s7 =	simm.s32 @p2 $0x1082  }
0x22: {  	[simem:s7], [sflag:s8] =	dma.local @!p0 [hbm:s6], $0xF7A  }
0x23: {  	s9 =	sor.u32 $0xD0000000, s2;
	s6 =	simm.s32 $0x108;
	_ =	swait.ge @!p0 [sflag:s8], $0x0  }
0x24: {  	s3 =	sadd.s32 $0x88, s3;
	s6 =	simm.s32 @!p1 $0x1082;
	[sflag:s4] =	ssyncset.s32 $0xFFFFF086  }
0x25: {  	[simem:s6], [sflag:s4] =	dma.local [hbm:s3], $0xF7A  }
0x26: {  	[smem:$0x3F95] =	sst s1;
	(tag) =	ssettag s2;
	_ =	strace s9  }
0x27: {  	s1 =	sld [smem:$0x3FA5]  }
0x28: {  	s2 =	sld [smem:$0x3FA6]  }
0x29: {  	s4 =	sld [smem:$0x3FA8]  }
0x2a: {  	p0 =	seq.s32 s5, $0x0;
	s5 =	sld [smem:$0x3FA9]  }
0x2b: {  	s6 =	sld [smem:$0x3FAA]  }
0x2c: {  	s7 =	sld [smem:$0x3FAB]  }
0x2d: {  	s3 =	simm.s32 $0x108;
	s8 =	sld [smem:$0x3FAC]  }
0x2e: {  	s3 =	simm.s32 @!p0 $0x1082;
	s9 =	sld [smem:$0x3FAD]  }
0x2f: {  	lr =	sadd.s32 s0, s3;
	s0 =	sld [smem:$0x3FA4]  }
0x30: {  	s3 =	sld [smem:$0x3FA7]  }
0x31: {  	[smem:$0x3FB0] =	sst s10  }
0x32: {  	s10 =	sld [smem:$0x3FAE];
	_ =	sdelay $0x3  }
0x33: {  	p0 =	seq.s32 s10, $0x1;
	s10 =	sld [smem:$0x3FB0];
	_ =	sdelay $0x3  }
0x34: {  	[smem:$0x3FB0] =	sst s10  }
0x35: {  	s10 =	sld [smem:$0x3FAF];
	_ =	sdelay $0x3  }
0x36: {  	p1 =	seq.s32 s10, $0x1;
	s10 =	sld [smem:$0x3FB0];
	_ =	sdelay $0x3  }
0x37: {  	[smem:$0x3FB0] =	sst s10  }
0x38: {  	s10 =	sld [smem:$0x3FB1]  }
0x39: {  	_ = 	snop;
	(pc) =	sbr.ind lr, $3  }
0x3a: {  	_ = 	snop  }
0x3b: {  	_ = 	snop  }
0x3c: {  	p2 =	seq.s32 s10, $0x1;
	s10 =	sld [smem:$0x3FB0]  }
0x3d: {  	_ =	shalt  }
0x3e: {  	_ =	shalt  }
0x3f: {  	_ =	shalt  }
0x40: {  	_ =	shalt  }
0x41: {  	_ =	shalt  }
0x42: {  	_ =	shalt  }
0x43: {  	_ =	shalt  }
0x44: {  	_ =	shalt  }
0x45: {  	_ =	shalt  }
0x46: {  	_ =	shalt  }
0x47: {  	_ =	shalt  }
0x48: {  	_ =	shalt  }
0x49: {  	_ =	shalt  }
0x4a: {  	_ =	shalt  }
0x4b: {  	_ =	shalt  }
0x4c: {  	_ =	shalt  }
0x4d: {  	_ =	shalt  }
0x4e: {  	_ =	shalt  }
0x4f: {  	_ =	shalt  }
0x50: {  	_ =	shalt  }
0x51: {  	_ =	shalt  }
0x52: {  	_ =	shalt  }
0x53: {  	_ =	shalt  }
0x54: {  	_ =	shalt  }
0x55: {  	_ =	shalt  }
0x56: {  	_ =	shalt  }
0x57: {  	_ =	shalt  }
0x58: {  	_ =	shalt  }
0x59: {  	_ =	shalt  }
0x5a: {  	_ =	shalt  }
0x5b: {  	_ =	shalt  }
0x5c: {  	_ =	shalt  }
0x5d: {  	_ =	shalt  }
0x5e: {  	_ =	shalt  }
0x5f: {  	_ =	shalt  }
0x60: {  	_ =	shalt  }
0x61: {  	_ =	shalt  }
0x62: {  	_ =	shalt  }
0x63: {  	_ =	shalt  }
0x64: {  	_ =	shalt  }
0x65: {  	_ =	shalt  }
0x66: {  	_ =	shalt  }
0x67: {  	_ =	shalt  }
0x68: {  	_ =	shalt  }
0x69: {  	_ =	shalt  }
0x6a: {  	_ =	shalt  }
0x6b: {  	_ =	shalt  }
0x6c: {  	_ =	shalt  }
0x6d: {  	_ =	shalt  }
0x6e: {  	_ =	shalt  }
0x6f: {  	_ =	shalt  }
0x70: {  	_ =	shalt  }
0x71: {  	_ =	shalt  }
0x72: {  	_ =	shalt  }
0x73: {  	_ =	shalt  }
0x74: {  	_ =	shalt  }
0x75: {  	_ =	shalt  }
0x76: {  	_ =	shalt  }
0x77: {  	_ =	shalt  }
0x78: {  	_ =	shalt  }
0x79: {  	_ =	shalt  }
0x7a: {  	_ =	shalt  }
0x7b: {  	_ =	shalt  }
0x7c: {  	_ =	shalt  }
0x7d: {  	_ =	shalt  }
0x7e: {  	_ =	shalt  }
0x7f: {  	_ =	shalt  }
0x80: {  	_ =	shalt  }
0x81: {  	_ =	shalt  }
0x82: {  	_ =	shalt  }
0x83: {  	_ =	shalt  }
0x84: {  	_ =	shalt  }
0x85: {  	_ =	shalt  }
0x86: {  	_ =	shalt  }
0x87: {  	_ =	shalt  }
.Lfunc_end0:
.L_simem_size_0:
called_computation.3_lowered:
.L_overlay_start_0:
0x88: {  	s2 =	sld [smem:$0x3FD9]  }
0x89: {  	s3 =	sld [smem:$0x3FFE];
	_ =	sdelay $0x1  }
0x8a: {  	s1 =	srdreg.scid  }
0x8b: {  	s0 =	sand.u32 $0x1, s1  }
0x8c: {  	s17 =	sshll.u32 s0, $0xA;
	s2 =	sadd.s32 s3, s2  }
0x8d: {  	s2 =	sadd.s32 s2, s17  }
0x8e: {  	[smem:$0x3FBC] =	sst s2  }
0x8f: {  	_ = 	snop  }
0x90: {  	s2 =	sld [smem:$0x3FD0];
	(tm) =	ssettm $0x1  }
0x91: {  	s18 =	sld [smem:$0x3FFB];
	_ =	sdelay $0x3  }
0x92: {  	_ =	strace s18  }
0x93: {  	s3 =	sld [smem:$0x3FFC];
	_ =	sdelay $0x3  }
0x94: {  	_ =	strace s3  }
0x95: {  	s3 =	sld [smem:$0x3FFD];
	_ =	sdelay $0x3  }
0x96: {  	_ =	strace s3  }
0x97: {  	_ =	strace $0x8FFFFFFF  }
0x98: {  	s19 =	sld [smem:$0x3FDB];
	_ =	sdelay $0x1  }
0x99: {  	s4 =	simm.s32 $_scs_section_size  }
0x9a: {  	s5 =	simm.s32 $_size__tile_overlayer_lowered;
	s6 =	simm.s32 $_tile_overlayer_lowered  }
0x9b: {  	s22 =	simm.s32 $0x1BFF;
	s21 =	sshll.u32 s6, $0x1;
	s3 =	sadd.s32 s4, s19  }
0x9c: {  	s7 =	simm.s32 $0x0;
	s20 =	sshll.u32 s5, $0x1;
	s5 =	sadd.s32 s21, s3  }
0x9d: {  	[timem:s7], [sflag:s22] =	dma.local [hbm:s5], s20  }
0x9e: {  	_ =	swait.ge [sflag:s22], s20  }
0x9f: {  	s4 =	ssub.s32 $0x0, s20;
	[sflag:s22] =	ssyncset.done $0x0  }
0xa0: {  	[sflag:s22] =	ssyncadd.s32 s4;
	_ =	sdelay $0x1  }
0xa1: {  	s23 =	simm.s32 $0x1B8B  }
0xa2: {  	_ =	swait.ge [sflag:s23], $0x1  }
0xa3: {  	[sflag:s23] =	ssyncset.done $0x0  }
0xa4: {  	s25 =	simm.s32 $0x1B8E;
	s24 =	sld [smem:$0x3FFE];
	[sflag:s23] =	ssyncadd.s32 $0xFFFFFFFF  }
0xa5: {  	s26 =	simm.s32 $execute0_lowered;
	[smem:$0x3FD2] =	sst s25  }
0xa6: {  	s5 =	sshll.u32 s26, $0x1;
	_ =	strace $0x8000004F;
	[dreg:$0x1] =	wrdreg $0xFFFFFFFF  }
0xa7: {  	s28 =	simm.s32 $_size_execute0_lowered;
	s3 =	sadd.s32 s3, s5;
	[dreg:$0x0] =	wrdreg $0x0  }
0xa8: {  	s5 =	sshll.u32 s28, $0x1;
	[dreg:$0x2] =	wrdreg s3  }
0xa9: {  	[dreg:$0x3] =	wrdreg s5  }
0xaa: {  	[dreg:$0x4] =	wrdreg $0xC0  }
0xab: {  	_ =	task [dreg:s7], $0x5FFFF  }
0xac: {  	[dreg:$0x1] =	wrdreg $0xFFFFFFFF  }
0xad: {  	[dreg:$0x0] =	wrdreg $0x60  }
0xae: {  	[dreg:$0x2] =	wrdreg s2  }
0xaf: {  	[dreg:$0x3] =	wrdreg s24  }
0xb0: {  	[dreg:$0x4] =	wrdreg $0x20000  }
0xb1: {  	[dreg:$0x5] =	wrdreg $0x158800  }
0xb2: {  	[dreg:$0x6] =	wrdreg $0x9  }
0xb3: {  	_ =	task.clear_ibuf [dreg:s7], $0x7FFFF;
	_ =	strace $0x9000004F  }
0xb4: {  	s29 =	simm.s32 $0x9;
	_ =	strace $0x80000051  }
0xb5: {  	_ =	swait.ge [sflag:s29], $0x1  }
0xb6: {  	[sflag:s29] =	ssyncadd.s32 $0xFFFFFFFF  }
0xb7: {  	_ =	strace $0x90000051  }
0xb8: {  	_ =	sfence  }
0xb9: {  	s30 =	sld [smem:$0x0];
	_ =	sdelay $0x2  }
0xba: {  	s31 =	sshll.u32 s1, $0xD;
	s1 =	sshrl.u32 s1, $0x2  }
0xbb: {  	s3 =	sand.u32 $0x4000, s31;
	s1 =	sadd.s32 s1, s30  }
0xbc: {  	s0 =	sor.u32 s3, s0;
	s1 =	sshll.u32 s1, $0x11  }
0xbd: {  	s0 =	sor.u32 s1, s0  }
0xbe: {  	s0 =	sadd.s32 $0x8F2B, s0  }
0xbf: {  	[sflag:s0] =	ssyncadd.remote.s32 $0x1  }
0xc0: {  	_ =	sfence.sel $0xFFFF  }
0xc1: {  	[dreg:$0x0] =	wrdreg $0xFFFFFFFF;
	(pc) =	sbr.abs _section_cstart, $3  }
0xc2: {  	[dreg:$0x1] =	wrdreg $0xFFFFFFFF  }
0xc3: {  	_ =	task.clear_ibuf [dreg:s7], $0x2FFFF;
	_ =	strace $0x9FFFFFFF  }
0xc4: {  	(tm) =	ssettm $0x7FFFFFFF  }
0xc5: {  	_ =	shalt  }
tec
execute0_lowered:
.L_overlay_start_1:
0x0: {  	(tag) =	ssettag $0x1  }
0x1: {  	s0 =	rddreg [dreg:$0x0]  }
0x2: {  	s3 =	rddreg [dreg:$0x1]  }
0x3: {  	s1 =	rddreg [dreg:$0x2]  }
0x4: {  	s2 =	rddreg [dreg:$0x3];
	s19 =	stileid.u32  }
0x5: {  	s4 =	simm.s32 $0x0;
	s20 =	srdreg.scid;
	s8 =	smul.u32 $0x28000, s19  }
0x6: {  	s28 =	simm.s32 $0xC00;
	s29 =	simm.s32 $0x1000;
	s10 =	smul.u32 $0x5000, s19  }
0x7: {  	s30 =	simm.s32 $0x1800;
	s31 =	simm.s32 $0x1;
	s11 =	smul.u32 $0x4F000, s19  }
0x8: {  	[smem:$0x7FF] =	sst s4;
	s5 =	sadd.s32 $0x55600, s3;
	s13 =	smul.u32 $0x2780, s19  }
0x9: {  	s6 =	sadd.s32 $0x5F600, s3;
	s4 =	sand.u32 $0x1, s20;
	s15 =	smul.u32 $0x27000, s19  }
0xa: {  	s7 =	sadd.s32 $0x4400, s3;
	s3 =	sadd.s32 $0x5800, s3;
	s17 =	smul.u32 $0x1380, s19  }
0xb: {  	s23 =	sshll.u32 s19, $0x6;
	s20 =	sadd.s32 $0x128400, s1;
	s14 =	smul.u32 $0x14, s19  }
0xc: {  	p0 =	seq.s32 s19, $0xF;
	s19 =	simm.s32 $0x4;
	_ =	strace $0x80000050  }
0xd: {  	[dreg:$0x5] =	wrdreg s7;
	s21 =	ssub.s32 $0x2, s4;
	s16 =	smul.u32 $0x13880, s4  }
0xe: {  	s9 =	sshrl.u32 s21, $0x1;
	s22 =	sshrl.u32 s8, $0x2;
	s8 =	smul.u32 $0x50000, s4  }
0xf: {  	s12 =	sshrl.u32 s10, $0x3;
	s24 =	sshrl.u32 s11, $0x2;
	s4 =	smul.u32 $0x9C400, s4  }
0x10: {  	s25 =	sshrl.u32 s15, $0x2;
	s7 =	ssub.s32 s21, s9;
	s18 =	sadd.s32 s22, s2  }
0x11: {  	s9 =	sor.u32 $0x1C04, s23;
	s12 =	sadd.s32 s5, s12;
	s26 =	sadd.s32 s17, s16  }
0x12: {  	s21 =	sshrl.u32 @p0 s20, $0x3;
	s23 =	simm.s32 $0x3;
	[dreg:$0x6] =	wrdreg s12  }
0x13: {  	s10 =	sadd.s32 s10, s8;
	s12 =	sadd.s32 s0, s13;
	s13 =	sadd.s32 $0x25080, s0  }
0x14: {  	s0 =	sadd.s32 s25, s2;
	s4 =	sshrl.u32 s4, $0x3;
	s15 =	sadd.s32 s3, s26  }
0x15: {  	s17 =	smax.u32 s7, $0x1;
	s18 =	sshrl.u32 s18, $0x3;
	s26 =	simm.s32 $0x400  }
0x16: {  	s10 =	sshrl.u32 s10, $0x3;
	s3 =	sadd.s32 s3, s4;
	s25 =	sshrl.u32 @!p0 s0, $0x3  }
0x17: {  	s0 =	simm.s32 $0x2;
	s4 =	simm.s32 $0x0;
	s10 =	sadd.s32 s6, s10  }
0x18: {  	[dreg:$0x7] =	wrdreg s10;
	s10 =	sadd.s32 s24, s1;
	s24 =	sadd.s32 $0x92400, s2  }
0x19: {  	vm0 =	vmmov $0xffff;
	s16 =	sadd.s32 $0x12480, s3;
	s22 =	sshrl.u32 @!p0 s10, $0x3;
	s24 =	sshrl.u32 @p0 s24, $0x3  }
.LBB2_1:
0x1a: {  	s3 =	rddreg [dreg:$0x5]  }
0x1b: {  	[spmem:s18], [sflag:s9] =	dma.local [hbm:s3], $0x1400  }
0x1c: {  	_ =	swait.ge [sflag:s19], $0x1400  }
0x1d: {  	[sflag:s19] =	ssyncset.done $0x0  }
0x1e: {  	s11 =	simm.s32 $0x0;
	s7 =	rddreg [dreg:$0x6];
	[sflag:s19] =	ssyncadd.s32 $0xFFFFEC00  }
0x1f: {  	[tilespmem:s11], [sflag:$0x3] =	stream.linear.gather [hbm4b:s7+s11], $0x400, $0x38;
	[tilespmem:$0x1F880] =	vst v63  }
0x20: {  	s10 =	simm.s32 $0x800;
	s3 =	simm.s32 @p0 $0x4;
	s20 =	rddreg [dreg:$0x7]  }
0x21: {  	[tilespmem:s10], [sflag:$0x3] =	stream.linear.gather [hbm4b:s20+s11], $0x400, $0x38;
	[tilespmem:$0x1F880] =	vst v63  }
0x22: {  	[spmem:s21], [sflag:s9] =	dma.local @p0 [hbm:s13], $0x2080  }
0x23: {  	_ =	swait.ge @p0 [sflag:s3], $0x2080  }
0x24: {  	[sflag:s3] =	ssyncset.done @p0 $0x0  }
0x25: {  	[sflag:s3] =	ssyncadd.s32 @p0 $0xFFFFDF80;
	s3 =	simm.s32 @!p0 $0x4  }
0x26: {  	[spmem:s22], [sflag:s9] =	dma.local @!p0 [hbm:s12], $0x2780  }
0x27: {  	_ =	swait.ge @!p0 [sflag:s3], $0x2780  }
0x28: {  	[sflag:s3] =	ssyncset.done @!p0 $0x0  }
0x29: {  	[sflag:s3] =	ssyncadd.s32 @!p0 $0xFFFFD880  }
0x2a: {  	s20 =	simm.s32 $0x0;
	[bflag:$0x0] =	sbarrier.arrive $0xFFFF  }
.LBB2_2:
0x2b: {  	_ =	swait.ge [sflag:s23], $0x400  }
0x2c: {  	s3 =	sshll.u32 s20, $0x1;
	[sflag:s23] =	ssyncset.done $0x0  }
0x2d: {  	s7 =	sadd.s32 s14, s3;
	[sflag:s23] =	ssyncadd.s32 $0xFFFFFC00  }
0x2e: {  	s7 =	sshll.u32 s7, $0xA;
	_ =	swait.ge [sflag:s23], $0x400  }
0x2f: {  	s10 =	sor.u32 $0x400, s7;
	[sflag:s23] =	ssyncset.done $0x0  }
0x30: {  	s7 =	sshrl.u32 s10, $0x3;
	s10 =	sadd.s32 s8, s10;
	[sflag:s23] =	ssyncadd.s32 $0xFFFFFC00  }
0x31: {  	s11 =	sadd.s32 s5, s7;
	s7 =	simm.s32 $0x0;
	s10 =	sshrl.u32 s10, $0x3  }
0x32: {  	[tilespmem:s26], [sflag:$0x3] =	stream.linear.gather [hbm4b:s11+s7], $0x400, $0x38;
	[tilespmem:$0x1F880] =	vst v63  }
0x33: {  	s10 =	sadd.s32 s6, s10  }
0x34: {  	[tilespmem:s28], [sflag:$0x3] =	stream.linear.gather [hbm4b:s10+s7], $0x400, $0x38;
	[tilespmem:$0x1F880] =	vst v63  }
.LBB2_3:
0x35: {  	s10 =	sshra.s32 s7, $0x2  }
0x36: {  	v0 =	vld [tilespmem:s10+$0x0];
	_ =	sdelay $0x7  }
0x37: {  	[tilespmem:s29], [sflag:$0x1] =	stream.indirect_vreg.gather [spmem:s1], $0x80, v0, vm0, $0xb8;
	[tilespmem:$0x1F880] =	vst v63  }
0x38: {  	v0 =	vld [tilespmem:s10+$0x10];
	_ =	sdelay $0x7  }
0x39: {  	[tilespmem:s30], [sflag:$0x1] =	stream.indirect_vreg.gather [spmem:s1], $0x80, v0, vm0, $0xb8;
	[tilespmem:$0x1F880] =	vst v63  }
0x3a: {  	_ =	swait.ge [sflag:s31], $0x800  }
0x3b: {  	[sflag:s31] =	ssyncset.done $0x0  }
0x3c: {  	[sflag:s31] =	ssyncadd.s32 $0xFFFFF800  }
0x3d: {  	v50 =	vld [tilespmem:s10+$0x800];
	_ =	sdelay $0x7  }
0x3e: {  	[spmem:s2] =	stream.indirect_vreg.scatter.add.f32 [tilespmem:s29], [sflag:$0x2], $0x80, v50, vm0, $0xb8;
	[tilespmem:$0x1F880] =	vst v63  }
0x3f: {  	_ =	swait.ge [sflag:s0], $0x800  }
0x40: {  	[sflag:s0] =	ssyncset.done $0x0  }
0x41: {  	[sflag:s0] =	ssyncadd.s32 $0xFFFFF800  }
0x42: {  	v51 =	vld [tilespmem:s10+$0x20];
	_ =	sdelay $0x7  }
0x43: {  	[tilespmem:s29], [sflag:$0x1] =	stream.indirect_vreg.gather [spmem:s1], $0x80, v51, vm0, $0xb8;
	[tilespmem:$0x1F880] =	vst v63  }
0x44: {  	_ =	swait.ge [sflag:s31], $0x800  }
0x45: {  	[sflag:s31] =	ssyncset.done $0x0  }
0x46: {  	[sflag:s31] =	ssyncadd.s32 $0xFFFFF800  }
0x47: {  	v52 =	vld [tilespmem:s10+$0x810];
	_ =	sdelay $0x7  }
0x48: {  	[spmem:s2] =	stream.indirect_vreg.scatter.add.f32 [tilespmem:s30], [sflag:$0x2], $0x80, v52, vm0, $0xb8;
	[tilespmem:$0x1F880] =	vst v63  }
0x49: {  	_ =	swait.ge [sflag:s0], $0x800  }
0x4a: {  	[sflag:s0] =	ssyncset.done $0x0  }
0x4b: {  	[sflag:s0] =	ssyncadd.s32 $0xFFFFF800  }
0x4c: {  	v53 =	vld [tilespmem:s10+$0x30];
	_ =	sdelay $0x7  }
0x4d: {  	[tilespmem:s30], [sflag:$0x1] =	stream.indirect_vreg.gather [spmem:s1], $0x80, v53, vm0, $0xb8;
	[tilespmem:$0x1F880] =	vst v63  }
0x4e: {  	_ =	swait.ge [sflag:s31], $0x800  }
0x4f: {  	[sflag:s31] =	ssyncset.done $0x0  }
0x50: {  	[sflag:s31] =	ssyncadd.s32 $0xFFFFF800  }
0x51: {  	v54 =	vld [tilespmem:s10+$0x820];
	_ =	sdelay $0x7  }
0x52: {  	[spmem:s2] =	stream.indirect_vreg.scatter.add.f32 [tilespmem:s29], [sflag:$0x2], $0x80, v54, vm0, $0xb8;
	[tilespmem:$0x1F880] =	vst v63  }
0x53: {  	_ =	swait.ge [sflag:s0], $0x800  }
0x54: {  	[sflag:s0] =	ssyncset.done $0x0  }
0x55: {  	[sflag:s0] =	ssyncadd.s32 $0xFFFFF800  }
0x56: {  	v55 =	vld [tilespmem:s10+$0x40];
	_ =	sdelay $0x7  }
0x57: {  	[tilespmem:s29], [sflag:$0x1] =	stream.indirect_vreg.gather [spmem:s1], $0x80, v55, vm0, $0xb8;
	[tilespmem:$0x1F880] =	vst v63  }
0x58: {  	_ =	swait.ge [sflag:s31], $0x800  }
0x59: {  	[sflag:s31] =	ssyncset.done $0x0  }
0x5a: {  	[sflag:s31] =	ssyncadd.s32 $0xFFFFF800  }
0x5b: {  	v56 =	vld [tilespmem:s10+$0x830];
	_ =	sdelay $0x7  }
0x5c: {  	[spmem:s2] =	stream.indirect_vreg.scatter.add.f32 [tilespmem:s30], [sflag:$0x2], $0x80, v56, vm0, $0xb8;
	[tilespmem:$0x1F880] =	vst v63  }
0x5d: {  	_ =	swait.ge [sflag:s0], $0x800  }
0x5e: {  	[sflag:s0] =	ssyncset.done $0x0  }
0x5f: {  	[sflag:s0] =	ssyncadd.s32 $0xFFFFF800  }
0x60: {  	v57 =	vld [tilespmem:s10+$0x50];
	_ =	sdelay $0x7  }
0x61: {  	[tilespmem:s30], [sflag:$0x1] =	stream.indirect_vreg.gather [spmem:s1], $0x80, v57, vm0, $0xb8;
	[tilespmem:$0x1F880] =	vst v63  }
0x62: {  	_ =	swait.ge [sflag:s31], $0x800  }
0x63: {  	[sflag:s31] =	ssyncset.done $0x0  }
0x64: {  	[sflag:s31] =	ssyncadd.s32 $0xFFFFF800  }
0x65: {  	v58 =	vld [tilespmem:s10+$0x840];
	_ =	sdelay $0x7  }
0x66: {  	[spmem:s2] =	stream.indirect_vreg.scatter.add.f32 [tilespmem:s29], [sflag:$0x2], $0x80, v58, vm0, $0xb8;
	[tilespmem:$0x1F880] =	vst v63  }
0x67: {  	_ =	swait.ge [sflag:s0], $0x800  }
0x68: {  	[sflag:s0] =	ssyncset.done $0x0  }
0x69: {  	[sflag:s0] =	ssyncadd.s32 $0xFFFFF800  }
0x6a: {  	v59 =	vld [tilespmem:s10+$0x60];
	_ =	sdelay $0x7  }
0x6b: {  	[tilespmem:s29], [sflag:$0x1] =	stream.indirect_vreg.gather [spmem:s1], $0x80, v59, vm0, $0xb8;
	[tilespmem:$0x1F880] =	vst v63  }
0x6c: {  	_ =	swait.ge [sflag:s31], $0x800  }
0x6d: {  	[sflag:s31] =	ssyncset.done $0x0  }
0x6e: {  	[sflag:s31] =	ssyncadd.s32 $0xFFFFF800  }
0x6f: {  	v60 =	vld [tilespmem:s10+$0x850];
	_ =	sdelay $0x7  }
0x70: {  	[spmem:s2] =	stream.indirect_vreg.scatter.add.f32 [tilespmem:s30], [sflag:$0x2], $0x80, v60, vm0, $0xb8;
	[tilespmem:$0x1F880] =	vst v63  }
0x71: {  	_ =	swait.ge [sflag:s0], $0x800  }
0x72: {  	[sflag:s0] =	ssyncset.done $0x0  }
0x73: {  	[sflag:s0] =	ssyncadd.s32 $0xFFFFF800  }
0x74: {  	v61 =	vld [tilespmem:s10+$0x70];
	_ =	sdelay $0x7  }
0x75: {  	[tilespmem:s30], [sflag:$0x1] =	stream.indirect_vreg.gather [spmem:s1], $0x80, v61, vm0, $0xb8;
	[tilespmem:$0x1F880] =	vst v63  }
0x76: {  	_ =	swait.ge [sflag:s31], $0x800  }
0x77: {  	[sflag:s31] =	ssyncset.done $0x0  }
0x78: {  	[sflag:s31] =	ssyncadd.s32 $0xFFFFF800  }
0x79: {  	v62 =	vld [tilespmem:s10+$0x860];
	_ =	sdelay $0x7  }
0x7a: {  	[spmem:s2] =	stream.indirect_vreg.scatter.add.f32 [tilespmem:s29], [sflag:$0x2], $0x80, v62, vm0, $0xb8;
	[tilespmem:$0x1F880] =	vst v63  }
0x7b: {  	_ =	swait.ge [sflag:s31], $0x800  }
0x7c: {  	[sflag:s31] =	ssyncset.done $0x0  }
0x7d: {  	[sflag:s31] =	ssyncadd.s32 $0xFFFFF800  }
0x7e: {  	v63 =	vld [tilespmem:s10+$0x870];
	_ =	sdelay $0x7  }
0x7f: {  	[spmem:s2] =	stream.indirect_vreg.scatter.add.f32 [tilespmem:s30], [sflag:$0x2], $0x80, v63, vm0, $0xb8;
	[tilespmem:$0x1F880] =	vst v63  }
0x80: {  	p1 =	sne.s32 s7, $0xE00;
	_ =	swait.ge [sflag:s0], $0x800  }
.Ltmp0:
0x81: {  	[sflag:s0] =	ssyncset.done $0x0;
	(pc) =	sbr.rel @p1 .LBB2_3-.Ltmp0, $4  }
0x82: {  	[sflag:s0] =	ssyncadd.s32 $0xFFFFF800  }
0x83: {  	_ =	swait.ge [sflag:s0], $0x800  }
0x84: {  	[sflag:s0] =	ssyncset.done $0x0  }
0x85: {  	s7 =	sadd.s32 $0x200, s7;
	[sflag:s0] =	ssyncadd.s32 $0xFFFFF800  }
0x86: {  	s3 =	sor.u32 $0x1, s3  }
0x87: {  	_ =	swait.ge [sflag:s23], $0x400;
	p1 =	sgt.u32 s3, $0x12  }
0x88: {  	[sflag:s23] =	ssyncset.done $0x0;
	s3 =	sadd.s32 @!p1 s14, s3  }
0x89: {  	[sflag:s23] =	ssyncadd.s32 $0xFFFFFC00;
	s3 =	sshll.u32 @!p1 s3, $0xA  }
0x8a: {  	s10 =	simm.s32 @!p1 $0x0;
	_ =	swait.ge [sflag:s23], $0x400;
	s3 =	sadd.s32 @!p1 $0x400, s3  }
0x8b: {  	[sflag:s23] =	ssyncset.done $0x0;
	s7 =	sshrl.u32 @!p1 s3, $0x3;
	s3 =	sadd.s32 @!p1 s8, s3  }
0x8c: {  	[sflag:s23] =	ssyncadd.s32 $0xFFFFFC00;
	s7 =	sadd.s32 @!p1 s5, s7;
	s3 =	sshrl.u32 @!p1 s3, $0x3  }
0x8d: {  	[tilespmem:s10], [sflag:$0x3] =	stream.linear.gather @!p1 [hbm4b:s7+s10], $0x400, $0x38;
	[tilespmem:$0x1F880] =	vst v63  }
0x8e: {  	s3 =	sadd.s32 @!p1 s6, s3;
	s7 =	simm.s32 @!p1 $0x800  }
0x8f: {  	[tilespmem:s7], [sflag:$0x3] =	stream.linear.gather @!p1 [hbm4b:s3+s10], $0x400, $0x38;
	[tilespmem:$0x1F880] =	vst v63  }
0x90: {  	s3 =	simm.s32 $0x0  }
.LBB2_5:
0x91: {  	s7 =	sshra.s32 s3, $0x2  }
0x92: {  	v0 =	vld [tilespmem:s7+$0x400];
	_ =	sdelay $0x7  }
0x93: {  	[tilespmem:s29], [sflag:$0x1] =	stream.indirect_vreg.gather [spmem:s1], $0x80, v0, vm0, $0xb8;
	[tilespmem:$0x1F880] =	vst v63  }
0x94: {  	v0 =	vld [tilespmem:s7+$0x410];
	_ =	sdelay $0x7  }
0x95: {  	[tilespmem:s30], [sflag:$0x1] =	stream.indirect_vreg.gather [spmem:s1], $0x80, v0, vm0, $0xb8;
	[tilespmem:$0x1F880] =	vst v63  }
0x96: {  	_ =	swait.ge [sflag:s31], $0x800  }
0x97: {  	[sflag:s31] =	ssyncset.done $0x0  }
0x98: {  	[sflag:s31] =	ssyncadd.s32 $0xFFFFF800  }
0x99: {  	v50 =	vld [tilespmem:s7+$0xC00];
	_ =	sdelay $0x7  }
0x9a: {  	[spmem:s2] =	stream.indirect_vreg.scatter.add.f32 [tilespmem:s29], [sflag:$0x2], $0x80, v50, vm0, $0xb8;
	[tilespmem:$0x1F880] =	vst v63  }
0x9b: {  	_ =	swait.ge [sflag:s0], $0x800  }
0x9c: {  	[sflag:s0] =	ssyncset.done $0x0  }
0x9d: {  	[sflag:s0] =	ssyncadd.s32 $0xFFFFF800  }
0x9e: {  	v51 =	vld [tilespmem:s7+$0x420];
	_ =	sdelay $0x7  }
0x9f: {  	[tilespmem:s29], [sflag:$0x1] =	stream.indirect_vreg.gather [spmem:s1], $0x80, v51, vm0, $0xb8;
	[tilespmem:$0x1F880] =	vst v63  }
0xa0: {  	_ =	swait.ge [sflag:s31], $0x800  }
0xa1: {  	[sflag:s31] =	ssyncset.done $0x0  }
0xa2: {  	[sflag:s31] =	ssyncadd.s32 $0xFFFFF800  }
0xa3: {  	v52 =	vld [tilespmem:s7+$0xC10];
	_ =	sdelay $0x7  }
0xa4: {  	[spmem:s2] =	stream.indirect_vreg.scatter.add.f32 [tilespmem:s30], [sflag:$0x2], $0x80, v52, vm0, $0xb8;
	[tilespmem:$0x1F880] =	vst v63  }
0xa5: {  	_ =	swait.ge [sflag:s0], $0x800  }
0xa6: {  	[sflag:s0] =	ssyncset.done $0x0  }
0xa7: {  	[sflag:s0] =	ssyncadd.s32 $0xFFFFF800  }
0xa8: {  	v53 =	vld [tilespmem:s7+$0x430];
	_ =	sdelay $0x7  }
0xa9: {  	[tilespmem:s30], [sflag:$0x1] =	stream.indirect_vreg.gather [spmem:s1], $0x80, v53, vm0, $0xb8;
	[tilespmem:$0x1F880] =	vst v63  }
0xaa: {  	_ =	swait.ge [sflag:s31], $0x800  }
0xab: {  	[sflag:s31] =	ssyncset.done $0x0  }
0xac: {  	[sflag:s31] =	ssyncadd.s32 $0xFFFFF800  }
0xad: {  	v54 =	vld [tilespmem:s7+$0xC20];
	_ =	sdelay $0x7  }
0xae: {  	[spmem:s2] =	stream.indirect_vreg.scatter.add.f32 [tilespmem:s29], [sflag:$0x2], $0x80, v54, vm0, $0xb8;
	[tilespmem:$0x1F880] =	vst v63  }
0xaf: {  	_ =	swait.ge [sflag:s0], $0x800  }
0xb0: {  	[sflag:s0] =	ssyncset.done $0x0  }
0xb1: {  	[sflag:s0] =	ssyncadd.s32 $0xFFFFF800  }
0xb2: {  	v55 =	vld [tilespmem:s7+$0x440];
	_ =	sdelay $0x7  }
0xb3: {  	[tilespmem:s29], [sflag:$0x1] =	stream.indirect_vreg.gather [spmem:s1], $0x80, v55, vm0, $0xb8;
	[tilespmem:$0x1F880] =	vst v63  }
0xb4: {  	_ =	swait.ge [sflag:s31], $0x800  }
0xb5: {  	[sflag:s31] =	ssyncset.done $0x0  }
0xb6: {  	[sflag:s31] =	ssyncadd.s32 $0xFFFFF800  }
0xb7: {  	v56 =	vld [tilespmem:s7+$0xC30];
	_ =	sdelay $0x7  }
0xb8: {  	[spmem:s2] =	stream.indirect_vreg.scatter.add.f32 [tilespmem:s30], [sflag:$0x2], $0x80, v56, vm0, $0xb8;
	[tilespmem:$0x1F880] =	vst v63  }
0xb9: {  	_ =	swait.ge [sflag:s0], $0x800  }
0xba: {  	[sflag:s0] =	ssyncset.done $0x0  }
0xbb: {  	[sflag:s0] =	ssyncadd.s32 $0xFFFFF800  }
0xbc: {  	v57 =	vld [tilespmem:s7+$0x450];
	_ =	sdelay $0x7  }
0xbd: {  	[tilespmem:s30], [sflag:$0x1] =	stream.indirect_vreg.gather [spmem:s1], $0x80, v57, vm0, $0xb8;
	[tilespmem:$0x1F880] =	vst v63  }
0xbe: {  	_ =	swait.ge [sflag:s31], $0x800  }
0xbf: {  	[sflag:s31] =	ssyncset.done $0x0  }
0xc0: {  	[sflag:s31] =	ssyncadd.s32 $0xFFFFF800  }
0xc1: {  	v58 =	vld [tilespmem:s7+$0xC40];
	_ =	sdelay $0x7  }
0xc2: {  	[spmem:s2] =	stream.indirect_vreg.scatter.add.f32 [tilespmem:s29], [sflag:$0x2], $0x80, v58, vm0, $0xb8;
	[tilespmem:$0x1F880] =	vst v63  }
0xc3: {  	_ =	swait.ge [sflag:s0], $0x800  }
0xc4: {  	[sflag:s0] =	ssyncset.done $0x0  }
0xc5: {  	[sflag:s0] =	ssyncadd.s32 $0xFFFFF800  }
0xc6: {  	v59 =	vld [tilespmem:s7+$0x460];
	_ =	sdelay $0x7  }
0xc7: {  	[tilespmem:s29], [sflag:$0x1] =	stream.indirect_vreg.gather [spmem:s1], $0x80, v59, vm0, $0xb8;
	[tilespmem:$0x1F880] =	vst v63  }
0xc8: {  	_ =	swait.ge [sflag:s31], $0x800  }
0xc9: {  	[sflag:s31] =	ssyncset.done $0x0  }
0xca: {  	[sflag:s31] =	ssyncadd.s32 $0xFFFFF800  }
0xcb: {  	v60 =	vld [tilespmem:s7+$0xC50];
	_ =	sdelay $0x7  }
0xcc: {  	[spmem:s2] =	stream.indirect_vreg.scatter.add.f32 [tilespmem:s30], [sflag:$0x2], $0x80, v60, vm0, $0xb8;
	[tilespmem:$0x1F880] =	vst v63  }
0xcd: {  	_ =	swait.ge [sflag:s0], $0x800  }
0xce: {  	[sflag:s0] =	ssyncset.done $0x0  }
0xcf: {  	[sflag:s0] =	ssyncadd.s32 $0xFFFFF800  }
0xd0: {  	v61 =	vld [tilespmem:s7+$0x470];
	_ =	sdelay $0x7  }
0xd1: {  	[tilespmem:s30], [sflag:$0x1] =	stream.indirect_vreg.gather [spmem:s1], $0x80, v61, vm0, $0xb8;
	[tilespmem:$0x1F880] =	vst v63  }
0xd2: {  	_ =	swait.ge [sflag:s31], $0x800  }
0xd3: {  	[sflag:s31] =	ssyncset.done $0x0  }
0xd4: {  	[sflag:s31] =	ssyncadd.s32 $0xFFFFF800  }
0xd5: {  	v62 =	vld [tilespmem:s7+$0xC60];
	_ =	sdelay $0x7  }
0xd6: {  	[spmem:s2] =	stream.indirect_vreg.scatter.add.f32 [tilespmem:s29], [sflag:$0x2], $0x80, v62, vm0, $0xb8;
	[tilespmem:$0x1F880] =	vst v63  }
0xd7: {  	_ =	swait.ge [sflag:s31], $0x800  }
0xd8: {  	[sflag:s31] =	ssyncset.done $0x0  }
0xd9: {  	[sflag:s31] =	ssyncadd.s32 $0xFFFFF800  }
0xda: {  	v63 =	vld [tilespmem:s7+$0xC70];
	_ =	sdelay $0x7  }
0xdb: {  	[spmem:s2] =	stream.indirect_vreg.scatter.add.f32 [tilespmem:s30], [sflag:$0x2], $0x80, v63, vm0, $0xb8;
	[tilespmem:$0x1F880] =	vst v63  }
0xdc: {  	p1 =	sne.s32 s3, $0xE00;
	_ =	swait.ge [sflag:s0], $0x800  }
.Ltmp1:
0xdd: {  	[sflag:s0] =	ssyncset.done $0x0;
	(pc) =	sbr.rel @p1 .LBB2_5-.Ltmp1, $4  }
0xde: {  	[sflag:s0] =	ssyncadd.s32 $0xFFFFF800  }
0xdf: {  	_ =	swait.ge [sflag:s0], $0x800  }
0xe0: {  	[sflag:s0] =	ssyncset.done $0x0  }
0xe1: {  	s3 =	sadd.s32 $0x200, s3;
	[sflag:s0] =	ssyncadd.s32 $0xFFFFF800  }
0xe2: {  	s20 =	sadd.s32 $0x1, s20  }
0xe3: {  	p1 =	sne.s32 s20, $0xA  }
.Ltmp2:
0xe4: {  	_ = 	snop;
	(pc) =	sbr.rel @p1 .LBB2_2-.Ltmp2, $1  }
0xe5: {  	_ =	sdelay $0x3  }
0xe6: {  	[bflag:$0x0] =	sbarrier.arrive $0xFFFF;
	s3 =	simm.s32 @p0 $0x4  }
0xe7: {  	[hbm:s16], [sflag:s9] =	dma.local @p0 [spmem:s24], $0x1400  }
0xe8: {  	s4 =	sadd.s32 $0x1, s4;
	_ =	swait.ge @p0 [sflag:s3], $0x1400  }
0xe9: {  	p1 =	sne.s32 s4, s17;
	[sflag:s3] =	ssyncset.done @p0 $0x0  }
.Ltmp3:
0xea: {  	[sflag:s3] =	ssyncadd.s32 @p0 $0xFFFFEC00;
	s3 =	simm.s32 @!p0 $0x4;
	(pc) =	sbr.rel @p1 .LBB2_1-.Ltmp3, $4  }
0xeb: {  	[hbm:s15], [sflag:s9] =	dma.local @!p0 [spmem:s25], $0x1380  }
0xec: {  	_ =	swait.ge @!p0 [sflag:s3], $0x1380  }
0xed: {  	[sflag:s3] =	ssyncset.done @!p0 $0x0  }
0xee: {  	[sflag:s3] =	ssyncadd.s32 @!p0 $0xFFFFEC80  }
0xef: {  	_ =	sfence.sel $0x180000  }
0xf0: {  	[bflag:$0x0] =	sbarrier.arrive $0xFFFF  }
0xf1: {  	_ =	strace $0x90000050  }
0xf2: {  	s0 =	stileid.u32;
	[bflag:$0x2] =	sbarrier.arrive $0xFFFF  }
0xf3: {  	p0 =	sne.s32 s0, $0x0;
	s0 =	rddreg [dreg:$0x4]  }
0xf4: {  	s0 =	sadd.s32 @!p0 $0x100000, s0  }
0xf5: {  	[sflag:s0] =	ssyncadd.tile.s32 @!p0 $0x1;
	_ =	shalt  }
.Lfunc_end2:
_tile_overlayer_lowered:
.L_overlay_start_2:
0xf6: {  	(tag) =	ssettag $0x2  }
0xf7: {  	s0 =	rddreg [dreg:$0x0];
	s2 =	stileid.u32  }
0xf8: {  	s1 =	rddreg [dreg:$0x1];
	p0 =	sne.s32 s2, $0x0  }
0xf9: {  	s3 =	rddreg [dreg:$0x2];
	[bflag:$0x3] =	sbarrier.arrive $0xFFFF;
	s2 =	simm.s32 @!p0 $0x1C04  }
0xfa: {  	[timem:s3], [sflag:s2] =	dma.local @!p0 [hbm:s0], s1  }
0xfb: {  	s0 =	simm.s32 @!p0 $0x4  }
0xfc: {  	_ =	swait.ge @!p0 [sflag:s0], s1  }
0xfd: {  	s1 =	ssub.s32 @!p0 $0x0, s1;
	[sflag:s0] =	ssyncset.done @!p0 $0x0  }
0xfe: {  	[sflag:s0] =	ssyncadd.s32 @!p0 s1  }
0xff: {  	[bflag:$0x3] =	sbarrier.arrive $0xFFFF  }
0x100: {  	_ =	shalt  }

</sc_bundles>
